<compile_context>
chip_gen: v7x
topology: tpu7x:2x2x1
jax: 0.10.2.dev20260603
libtpu: 0.0.44.dev20260713+nightly
codegen_flags: <defaults>
</compile_context>

<pallas_src>
import functools

import jax
import jax.numpy as jnp
from jax import lax
from jax.experimental import pallas as pl
from jax.experimental.pallas import tpu as pltpu
from jax.experimental.pallas import tpu_sc as plsc

N = 10000
E = 320000
D = 128
H = 64
B = 64

NC = 2
NS = 16
NW = NC * NS
C = 128
NCHUNK = 80
E_PAD = NW * NCHUNK * C
TOT_CHUNKS = E_PAD // C
K0 = NCHUNK
K1 = 2 * NCHUNK - K0
N_PAD = 10240
RPT = N_PAD // NS


def _sc_deg_body(dst2, ones_hbm, zero16_hbm, out, didx, onesv, acc, sem):
    cid = lax.axis_index("c")
    sid = lax.axis_index("s")
    wid = cid * NS + sid
    lo = sid * RPT
    pltpu.sync_copy(zero16_hbm, acc.at[pl.ds(lo, RPT)])
    pltpu.sync_copy(ones_hbm, onesv)
    pltpu.sync_copy(dst2.at[pl.ds(wid * NCHUNK, NCHUNK)], didx)
    plsc.subcore_barrier()

    def body(bi, carry):
        descs = [
            pltpu.async_copy(onesv, acc.at[didx.at[8 * bi + i]], sem, add=True)
            for i in range(8)
        ]
        for d in descs:
            d.wait()
        return carry

    lax.fori_loop(0, NCHUNK // 8, body, 0)
    plsc.subcore_barrier()
    pltpu.sync_copy(acc.at[pl.ds(lo, RPT)], out.at[cid].at[pl.ds(lo, RPT)])


def _sc_gs_body(g, src2, dst2, zrows_hbm, out,
                sidx, didx, r0, r1, r2, r3,
                acc, g0, g1, g2, g3, s0, s1, s2, s3):
    cid = lax.axis_index("c")
    sid = lax.axis_index("s")
    lo = sid * RPT
    rows = (r0, r1, r2, r3)
    gsem = (g0, g1, g2, g3)
    ssem = (s0, s1, s2, s3)
    nch = jnp.where(cid == 0, K0, K1)
    pltpu.async_copy(zrows_hbm, acc.at[pl.ds(lo, RPT)], s0)

    @pl.when(cid == 0)
    def _():
        pltpu.async_copy(src2.at[pl.ds(sid * K0, K0)],
                         sidx.at[pl.ds(0, K0)], s1)
        pltpu.async_copy(dst2.at[pl.ds(sid * K0, K0)],
                         didx.at[pl.ds(0, K0)], s2)

    @pl.when(cid != 0)
    def _():
        base = NS * K0 + sid * K1
        pltpu.async_copy(src2.at[pl.ds(base, K1)],
                         sidx.at[pl.ds(0, K1)], s1)
        pltpu.async_copy(dst2.at[pl.ds(base, K1)],
                         didx.at[pl.ds(0, K1)], s2)

    pltpu.make_async_copy(zrows_hbm, acc.at[pl.ds(lo, RPT)], s0).wait()
    pltpu.make_async_copy(src2.at[pl.ds(0, K0)],
                          sidx.at[pl.ds(0, K0)], s1).wait()
    pltpu.make_async_copy(dst2.at[pl.ds(0, K0)],
                          didx.at[pl.ds(0, K0)], s2).wait()
    plsc.subcore_barrier()

    def start_gather(i, chunk):
        pltpu.async_copy(g.at[sidx.at[chunk]], rows[i], gsem[i])

    def wait_gather(i):
        pltpu.make_async_copy(g.at[sidx.at[0]], rows[i], gsem[i]).wait()

    def start_scatter(i, chunk):
        pltpu.async_copy(rows[i], acc.at[didx.at[chunk]], ssem[i], add=True)

    def wait_scatter(i):
        pltpu.make_async_copy(rows[i], acc.at[didx.at[0]], ssem[i]).wait()

    for i in range(4):
        start_gather(i, i)

    def body(j, carry):
        base = 4 * j
        for i in range(4):
            wait_gather(i)
            start_scatter(i, base + i)
        for i in range(4):
            wait_scatter(i)
            start_gather(i, base + 4 + i)
        return carry

    lax.fori_loop(0, nch // 4 - 1, body, 0)
    base = nch - 4
    for i in range(4):
        wait_gather(i)
        start_scatter(i, base + i)
    for i in range(4):
        wait_scatter(i)
    plsc.subcore_barrier()
    pltpu.sync_copy(acc.at[pl.ds(lo, RPT)],
                    out.at[cid].at[pl.ds(lo, RPT)])


@functools.lru_cache(maxsize=None)
def _build_sc():
    mesh = plsc.VectorSubcoreMesh(core_axis_name="c", subcore_axis_name="s")
    params = pltpu.CompilerParams(use_tc_tiling_on_sc=False)
    sc_deg = pl.kernel(
        _sc_deg_body,
        out_type=jax.ShapeDtypeStruct((NC, N_PAD, 16), jnp.float32),
        mesh=mesh,
        compiler_params=params,
        scratch_types=[
            pltpu.VMEM((NCHUNK, C), jnp.int32),
            pltpu.VMEM((C, 16), jnp.float32),
            pltpu.VMEM_SHARED((N_PAD, 16), jnp.float32),
            pltpu.SemaphoreType.DMA,
        ],
    )
    sc_gs = pl.kernel(
        _sc_gs_body,
        out_type=jax.ShapeDtypeStruct((NC, N_PAD, H), jnp.float32),
        mesh=mesh,
        compiler_params=params,
        scratch_types=[
            pltpu.VMEM((K0, C), jnp.int32),
            pltpu.VMEM((K0, C), jnp.int32),
            pltpu.VMEM((C, H), jnp.float32),
            pltpu.VMEM((C, H), jnp.float32),
            pltpu.VMEM((C, H), jnp.float32),
            pltpu.VMEM((C, H), jnp.float32),
            pltpu.VMEM_SHARED((N_PAD, H), jnp.float32),
        ] + [pltpu.SemaphoreType.DMA] * 8,
    )
    return sc_deg, sc_gs



NP2 = N_PAD // 2


def _dinv2(de, do):
    return jnp.concatenate(
        [jnp.broadcast_to(de, (NP2, H)), jnp.broadcast_to(do, (NP2, H))],
        axis=1)


def _blockdiag(w):
    k = w.shape[0]
    z = jnp.zeros((k, H), jnp.float32)
    return jnp.concatenate(
        [jnp.concatenate([w, z], axis=1), jnp.concatenate([z, w], axis=1)],
        axis=0)


def _tc_mm_body(x2_ref, w_ref, h_ref):
    w2 = _blockdiag(w_ref[...])
    h_ref[...] = jnp.dot(x2_ref[...], w2,
                         preferred_element_type=jnp.float32)


def _tc_prep_body(degp2_ref, h_ref, de_ref, do_ref, g_ref):
    d = degp2_ref[...]
    de = lax.rsqrt(d[0, :, 0:1] + d[1, :, 0:1] + 1.0)
    do = lax.rsqrt(d[0, :, 16:17] + d[1, :, 16:17] + 1.0)
    dinv2 = _dinv2(de, do)
    g_ref[...] = h_ref[...] * dinv2
    de_ref[...] = de
    do_ref[...] = do


def _tc_mid_body(p2_ref, g_ref, de_ref, do_ref, b2_ref, w_ref, gout_ref):
    p = p2_ref[...]
    accum = p[0] + p[1] + g_ref[...]
    dinv2 = _dinv2(de_ref[...], do_ref[...])
    xn = jnp.maximum(accum * dinv2 + b2_ref[...], 0.0)
    w2 = _blockdiag(w_ref[...])
    gout_ref[...] = jnp.dot(xn, w2,
                            preferred_element_type=jnp.float32) * dinv2


def _tc_final_body(p2_ref, g_ref, de_ref, do_ref, b2_ref, be_ref, bo_ref,
                   out_ref):
    p = p2_ref[...]
    accum = p[0] + p[1] + g_ref[...]
    dinv2 = _dinv2(de_ref[...], do_ref[...])
    h = jnp.maximum(accum * dinv2 + b2_ref[...], 0.0)
    ids = lax.broadcasted_iota(jnp.int32, (B, NP2), 0)
    ohe = (ids == be_ref[...]).astype(jnp.float32)
    oho = (ids == bo_ref[...]).astype(jnp.float32)
    sums = (jnp.dot(ohe, h[:, :H], preferred_element_type=jnp.float32)
            + jnp.dot(oho, h[:, H:], preferred_element_type=jnp.float32))
    cnt = (jnp.sum(ohe, axis=1, keepdims=True)
           + jnp.sum(oho, axis=1, keepdims=True))
    out_ref[...] = sums / jnp.maximum(cnt, 1.0)


_tc_mm = pl.pallas_call(
    _tc_mm_body,
    out_shape=jax.ShapeDtypeStruct((NP2, 2 * H), jnp.float32),
)

_tc_prep = pl.pallas_call(
    _tc_prep_body,
    out_shape=[
        jax.ShapeDtypeStruct((NP2, 1), jnp.float32),
        jax.ShapeDtypeStruct((NP2, 1), jnp.float32),
        jax.ShapeDtypeStruct((NP2, 2 * H), jnp.float32),
    ],
)

_tc_mid = pl.pallas_call(
    _tc_mid_body,
    out_shape=jax.ShapeDtypeStruct((NP2, 2 * H), jnp.float32),
)

_tc_final = pl.pallas_call(
    _tc_final_body,
    out_shape=jax.ShapeDtypeStruct((B, H), jnp.float32),
)


def kernel(x, edge_index, batch, W1, b1, W2, b2, W3, b3, W4, b4):
    src = edge_index[0]
    dst = edge_index[1]
    ppw = (E_PAD - E) // NW
    rpw = E // NW
    pad_src = jnp.broadcast_to(jnp.arange(ppw, dtype=jnp.int32), (NW, ppw))
    pad_dst = pad_src + N
    src2 = jnp.concatenate(
        [src.reshape(NW, rpw), pad_src], axis=1).reshape(TOT_CHUNKS, C)
    dst2 = jnp.concatenate(
        [dst.reshape(NW, rpw), pad_dst], axis=1).reshape(TOT_CHUNKS, C)
    x2 = jnp.pad(x, ((0, N_PAD - N), (0, 0))).reshape(NP2, 2 * D)
    batch_pad = jnp.pad(batch, (0, N_PAD - N), constant_values=B)
    be = batch_pad[0::2].reshape(1, NP2)
    bo = batch_pad[1::2].reshape(1, NP2)
    ones16 = jnp.ones((C, 16), jnp.float32)
    zeros16 = jnp.zeros((RPT, 16), jnp.float32)
    zrows = jnp.zeros((RPT, H), jnp.float32)
    b1r, b2r, b3r, b4r = (
        jnp.concatenate([b, b]).reshape(1, 2 * H) for b in (b1, b2, b3, b4))

    sc_deg, sc_gs = _build_sc()
    degp = sc_deg(dst2, ones16, zeros16)
    h1 = _tc_mm(x2, W1)
    de, do, g = _tc_prep(degp.reshape(NC, NP2, 32), h1)
    p = sc_gs(g.reshape(N_PAD, H), src2, dst2, zrows)
    g = _tc_mid(p.reshape(NC, NP2, 2 * H), g, de, do, b1r, W2)
    p = sc_gs(g.reshape(N_PAD, H), src2, dst2, zrows)
    g = _tc_mid(p.reshape(NC, NP2, 2 * H), g, de, do, b2r, W3)
    p = sc_gs(g.reshape(N_PAD, H), src2, dst2, zrows)
    g = _tc_mid(p.reshape(NC, NP2, 2 * H), g, de, do, b3r, W4)
    p = sc_gs(g.reshape(N_PAD, H), src2, dst2, zrows)
    return _tc_final(p.reshape(NC, NP2, 2 * H), g, de, do, b4r, be, bo)

# --- scband reference (transcript-rebuilt; emitter-appended) ---
"""Pipeline reference for scband-gcnfor-graph-encoder-72576357367869 (READ-ONLY COPY).

The authoritative reference and input builder live on the scoring server;
editing this copy changes nothing except your own understanding.
"""

import jax, jax.numpy as jnp
import numpy as np

N = 10000
E = 320000
D = 128
H = 64
B = 64


def gcn_layer(x, src, dst, W, b, num_nodes):
    # x @ W then symmetric-normalized aggregation with self-loops (PyG GCNConv default)
    h = x @ W
    loop = jnp.arange(num_nodes, dtype=src.dtype)
    s = jnp.concatenate([src, loop])
    d = jnp.concatenate([dst, loop])
    deg = jnp.zeros((num_nodes,), h.dtype).at[d].add(1.0)
    dinv = jax.lax.rsqrt(jnp.maximum(deg, 1.0))
    norm = dinv[s] * dinv[d]
    msg = h[s] * norm[:, None]
    out = jnp.zeros((num_nodes, h.shape[1]), h.dtype).at[d].add(msg)
    return out + b


def setup_inputs(seed: int = 0) -> dict:
    key = jax.random.key(seed)
    ks = jax.random.split(key, 12)
    x = jax.random.normal(ks[0], (N, D), dtype=jnp.float32)
    edge_index = jax.random.randint(ks[1], (2, E), 0, N, dtype=jnp.int32)
    batch = jnp.sort(jax.random.randint(ks[2], (N,), 0, B, dtype=jnp.int32))
    W1 = jax.random.normal(ks[3], (D, H), dtype=jnp.float32) * (1.0 / np.sqrt(D))
    b1 = jnp.zeros((H,), jnp.float32)
    W2 = jax.random.normal(ks[4], (H, H), dtype=jnp.float32) * (1.0 / np.sqrt(H))
    b2 = jnp.zeros((H,), jnp.float32)
    W3 = jax.random.normal(ks[5], (H, H), dtype=jnp.float32) * (1.0 / np.sqrt(H))
    b3 = jnp.zeros((H,), jnp.float32)
    W4 = jax.random.normal(ks[6], (H, H), dtype=jnp.float32) * (1.0 / np.sqrt(H))
    b4 = jnp.zeros((H,), jnp.float32)
    return {"x": x, "edge_index": edge_index, "batch": batch,
            "W1": W1, "b1": b1, "W2": W2, "b2": b2,
            "W3": W3, "b3": b3, "W4": W4, "b4": b4}


def reference(x, edge_index, batch, W1, b1, W2, b2, W3, b3, W4, b4):
    src, dst = edge_index[0], edge_index[1]
    h = jax.nn.relu(gcn_layer(x, src, dst, W1, b1, N))
    h = jax.nn.relu(gcn_layer(h, src, dst, W2, b2, N))
    h = jax.nn.relu(gcn_layer(h, src, dst, W3, b3, N))
    h = jax.nn.relu(gcn_layer(h, src, dst, W4, b4, N))
    # global_mean_pool over batch assignment
    sums = jax.ops.segment_sum(h, batch, num_segments=B)
    cnt = jax.ops.segment_sum(jnp.ones((N, 1), h.dtype), batch, num_segments=B)
    return sums / jnp.maximum(cnt, 1.0)

if __name__ == "__main__":
    import jax
    _d = setup_inputs()
    print(jax.jit(kernel)(*tuple(_d.values())))

</pallas_src>

<mosaic_0001>
#map = affine_map<(d0, d1) -> (0, 0)>
#map1 = affine_map<(d0, d1) -> (0, 0, 0)>
module attributes {stable_mosaic.version = 14 : i64} {
  func.func @_sc_gs_body(%arg0: i32, %arg1: i32, %arg2: memref<10240x64xf32, #tpu.memory_space<hbm>>, %arg3: memref<2560x128xi32, #tpu.memory_space<hbm>>, %arg4: memref<2560x128xi32, #tpu.memory_space<hbm>>, %arg5: memref<640x64xf32, #tpu.memory_space<hbm>>, %arg6: memref<2x10240x64xf32, #tpu.memory_space<hbm>>, %arg7: memref<80x128xi32, #tpu.memory_space<vmem>>, %arg8: memref<80x128xi32, #tpu.memory_space<vmem>>, %arg9: memref<128x64xf32, #tpu.memory_space<vmem>>, %arg10: memref<128x64xf32, #tpu.memory_space<vmem>>, %arg11: memref<128x64xf32, #tpu.memory_space<vmem>>, %arg12: memref<128x64xf32, #tpu.memory_space<vmem>>, %arg13: memref<10240x64xf32, #tpu.memory_space<vmem_shared>>, %arg14: memref<!tpu.dma_semaphore, #tpu.memory_space<semaphore_mem>>, %arg15: memref<!tpu.dma_semaphore, #tpu.memory_space<semaphore_mem>>, %arg16: memref<!tpu.dma_semaphore, #tpu.memory_space<semaphore_mem>>, %arg17: memref<!tpu.dma_semaphore, #tpu.memory_space<semaphore_mem>>, %arg18: memref<!tpu.dma_semaphore, #tpu.memory_space<semaphore_mem>>, %arg19: memref<!tpu.dma_semaphore, #tpu.memory_space<semaphore_mem>>, %arg20: memref<!tpu.dma_semaphore, #tpu.memory_space<semaphore_mem>>, %arg21: memref<!tpu.dma_semaphore, #tpu.memory_space<semaphore_mem>>) attributes {dimension_semantics = [#tpu.dimension_semantics<core_parallel>, #tpu.dimension_semantics<subcore_parallel>], iteration_bounds = array<i64: 2, 16>, scalar_prefetch = 0 : i64, scratch_operands = 15 : i64, tpu.core_type = #tpu.core_type<sc_vector_subcore>, window_params = [{transform_indices = #map}, {transform_indices = #map}, {transform_indices = #map}, {transform_indices = #map}, {transform_indices = #map1}]} {
    %mul3A = arith.constant 640 : i32
    %mul3A_0 = arith.muli %arg1, %mul3A : i32
    %eq3A = arith.constant 0 : i32
    %eq3A_1 = arith.cmpi eq, %arg0, %eq3A : i32
    %jit3A = arith.constant 80 : i32
    %jit3A_2 = arith.constant 80 : i32
    %select_n3A = arith.select %eq3A_1, %jit3A, %jit3A_2 : i32
    %dma_start3A = arith.constant 0 : i32
    %dma_start3A_3 = tpu.memref_slice %arg13[%mul3A_0, %dma_start3A] : memref<10240x64xf32, #tpu.memory_space<vmem_shared>> -> memref<640x64xf32, #tpu.memory_space<vmem_shared>>
    tpu.enqueue_dma source(%arg5 : memref<640x64xf32, #tpu.memory_space<hbm>>) target(%dma_start3A_3 : memref<640x64xf32, #tpu.memory_space<vmem_shared>>) target_semaphore(%arg18 : memref<!tpu.dma_semaphore, #tpu.memory_space<semaphore_mem>>)
    %eq3A_4 = arith.constant 0 : i32
    %eq3A_5 = arith.cmpi eq, %arg0, %eq3A_4 : i32
    %convert_element_type3A = arith.extui %eq3A_5 : i1 to i32
    %cond3A = arith.constant 0 : i32
    %cond3A_6 = arith.cmpi ne, %convert_element_type3A, %cond3A : i32
    scf.if %cond3A_6 {
      %mul3A_184 = arith.constant 80 : i32
      %mul3A_185 = arith.muli %arg1, %mul3A_184 : i32
      %dma_start3A_186 = arith.constant 0 : i32
      %dma_start3A_187 = arith.constant 0 : i32
      %dma_start3A_188 = tpu.memref_slice %arg7[%dma_start3A_186, %dma_start3A_187] : memref<80x128xi32, #tpu.memory_space<vmem>> -> memref<80x128xi32, #tpu.memory_space<vmem>>
      %dma_start3A_189 = arith.constant 0 : i32
      %dma_start3A_190 = tpu.memref_slice %arg3[%mul3A_185, %dma_start3A_189] : memref<2560x128xi32, #tpu.memory_space<hbm>> -> memref<80x128xi32, #tpu.memory_space<hbm>>
      %dma_start3A_191 = arith.constant 0 : i32
      %dma_start3A_192 = arith.constant 0 : i32
      %dma_start3A_193 = tpu.memref_slice %arg7[%dma_start3A_191, %dma_start3A_192] : memref<80x128xi32, #tpu.memory_space<vmem>> -> memref<80x128xi32, #tpu.memory_space<vmem>>
      %dma_start3A_194 = arith.constant 0 : i32
      %dma_start3A_195 = tpu.memref_slice %arg3[%mul3A_185, %dma_start3A_194] : memref<2560x128xi32, #tpu.memory_space<hbm>> -> memref<80x128xi32, #tpu.memory_space<hbm>>
      tpu.enqueue_dma source(%dma_start3A_195 : memref<80x128xi32, #tpu.memory_space<hbm>>) target(%dma_start3A_193 : memref<80x128xi32, #tpu.memory_space<vmem>>) target_semaphore(%arg19 : memref<!tpu.dma_semaphore, #tpu.memory_space<semaphore_mem>>)
      %mul3A_196 = arith.constant 80 : i32
      %mul3A_197 = arith.muli %arg1, %mul3A_196 : i32
      %dma_start3A_198 = arith.constant 0 : i32
      %dma_start3A_199 = arith.constant 0 : i32
      %dma_start3A_200 = tpu.memref_slice %arg8[%dma_start3A_198, %dma_start3A_199] : memref<80x128xi32, #tpu.memory_space<vmem>> -> memref<80x128xi32, #tpu.memory_space<vmem>>
      %dma_start3A_201 = arith.constant 0 : i32
      %dma_start3A_202 = tpu.memref_slice %arg4[%mul3A_197, %dma_start3A_201] : memref<2560x128xi32, #tpu.memory_space<hbm>> -> memref<80x128xi32, #tpu.memory_space<hbm>>
      %dma_start3A_203 = arith.constant 0 : i32
      %dma_start3A_204 = arith.constant 0 : i32
      %dma_start3A_205 = tpu.memref_slice %arg8[%dma_start3A_203, %dma_start3A_204] : memref<80x128xi32, #tpu.memory_space<vmem>> -> memref<80x128xi32, #tpu.memory_space<vmem>>
      %dma_start3A_206 = arith.constant 0 : i32
      %dma_start3A_207 = tpu.memref_slice %arg4[%mul3A_197, %dma_start3A_206] : memref<2560x128xi32, #tpu.memory_space<hbm>> -> memref<80x128xi32, #tpu.memory_space<hbm>>
      tpu.enqueue_dma source(%dma_start3A_207 : memref<80x128xi32, #tpu.memory_space<hbm>>) target(%dma_start3A_205 : memref<80x128xi32, #tpu.memory_space<vmem>>) target_semaphore(%arg20 : memref<!tpu.dma_semaphore, #tpu.memory_space<semaphore_mem>>)
    } else {
    }
    %ne3A = arith.constant 0 : i32
    %ne3A_7 = arith.cmpi ne, %arg0, %ne3A : i32
    %convert_element_type3A_8 = arith.extui %ne3A_7 : i1 to i32
    %cond3A_9 = arith.constant 0 : i32
    %cond3A_10 = arith.cmpi ne, %convert_element_type3A_8, %cond3A_9 : i32
    scf.if %cond3A_10 {
      %mul3A_184 = arith.constant 80 : i32
      %mul3A_185 = arith.muli %arg1, %mul3A_184 : i32
      %add3A_186 = arith.constant 1280 : i32
      %add3A_187 = arith.addi %add3A_186, %mul3A_185 : i32
      %dma_start3A_188 = arith.constant 0 : i32
      %dma_start3A_189 = arith.constant 0 : i32
      %dma_start3A_190 = tpu.memref_slice %arg7[%dma_start3A_188, %dma_start3A_189] : memref<80x128xi32, #tpu.memory_space<vmem>> -> memref<80x128xi32, #tpu.memory_space<vmem>>
      %dma_start3A_191 = arith.constant 0 : i32
      %dma_start3A_192 = tpu.memref_slice %arg3[%add3A_187, %dma_start3A_191] : memref<2560x128xi32, #tpu.memory_space<hbm>> -> memref<80x128xi32, #tpu.memory_space<hbm>>
      %dma_start3A_193 = arith.constant 0 : i32
      %dma_start3A_194 = arith.constant 0 : i32
      %dma_start3A_195 = tpu.memref_slice %arg7[%dma_start3A_193, %dma_start3A_194] : memref<80x128xi32, #tpu.memory_space<vmem>> -> memref<80x128xi32, #tpu.memory_space<vmem>>
      %dma_start3A_196 = arith.constant 0 : i32
      %dma_start3A_197 = tpu.memref_slice %arg3[%add3A_187, %dma_start3A_196] : memref<2560x128xi32, #tpu.memory_space<hbm>> -> memref<80x128xi32, #tpu.memory_space<hbm>>
      tpu.enqueue_dma source(%dma_start3A_197 : memref<80x128xi32, #tpu.memory_space<hbm>>) target(%dma_start3A_195 : memref<80x128xi32, #tpu.memory_space<vmem>>) target_semaphore(%arg19 : memref<!tpu.dma_semaphore, #tpu.memory_space<semaphore_mem>>)
      %dma_start3A_198 = arith.constant 0 : i32
      %dma_start3A_199 = arith.constant 0 : i32
      %dma_start3A_200 = tpu.memref_slice %arg8[%dma_start3A_198, %dma_start3A_199] : memref<80x128xi32, #tpu.memory_space<vmem>> -> memref<80x128xi32, #tpu.memory_space<vmem>>
      %dma_start3A_201 = arith.constant 0 : i32
      %dma_start3A_202 = tpu.memref_slice %arg4[%add3A_187, %dma_start3A_201] : memref<2560x128xi32, #tpu.memory_space<hbm>> -> memref<80x128xi32, #tpu.memory_space<hbm>>
      %dma_start3A_203 = arith.constant 0 : i32
      %dma_start3A_204 = arith.constant 0 : i32
      %dma_start3A_205 = tpu.memref_slice %arg8[%dma_start3A_203, %dma_start3A_204] : memref<80x128xi32, #tpu.memory_space<vmem>> -> memref<80x128xi32, #tpu.memory_space<vmem>>
      %dma_start3A_206 = arith.constant 0 : i32
      %dma_start3A_207 = tpu.memref_slice %arg4[%add3A_187, %dma_start3A_206] : memref<2560x128xi32, #tpu.memory_space<hbm>> -> memref<80x128xi32, #tpu.memory_space<hbm>>
      tpu.enqueue_dma source(%dma_start3A_207 : memref<80x128xi32, #tpu.memory_space<hbm>>) target(%dma_start3A_205 : memref<80x128xi32, #tpu.memory_space<vmem>>) target_semaphore(%arg20 : memref<!tpu.dma_semaphore, #tpu.memory_space<semaphore_mem>>)
    } else {
    }
    %dma_wait3A = arith.constant 0 : i32
    %dma_wait3A_11 = tpu.memref_slice %arg13[%mul3A_0, %dma_wait3A] : memref<10240x64xf32, #tpu.memory_space<vmem_shared>> -> memref<640x64xf32, #tpu.memory_space<vmem_shared>>
    tpu.wait_dma2 semaphore(%arg18 : memref<!tpu.dma_semaphore, #tpu.memory_space<semaphore_mem>>) src(%arg5 : memref<640x64xf32, #tpu.memory_space<hbm>>) dst(%dma_wait3A_11 : memref<640x64xf32, #tpu.memory_space<vmem_shared>>)
    %dma_wait3A_12 = arith.constant 0 : i32
    %dma_wait3A_13 = arith.constant 0 : i32
    %dma_wait3A_14 = tpu.memref_slice %arg7[%dma_wait3A_12, %dma_wait3A_13] : memref<80x128xi32, #tpu.memory_space<vmem>> -> memref<80x128xi32, #tpu.memory_space<vmem>>
    %dma_wait3A_15 = arith.constant 0 : i32
    %dma_wait3A_16 = arith.constant 0 : i32
    %dma_wait3A_17 = tpu.memref_slice %arg3[%dma_wait3A_15, %dma_wait3A_16] : memref<2560x128xi32, #tpu.memory_space<hbm>> -> memref<80x128xi32, #tpu.memory_space<hbm>>
    %dma_wait3A_18 = arith.constant 0 : i32
    %dma_wait3A_19 = arith.constant 0 : i32
    %dma_wait3A_20 = tpu.memref_slice %arg7[%dma_wait3A_18, %dma_wait3A_19] : memref<80x128xi32, #tpu.memory_space<vmem>> -> memref<80x128xi32, #tpu.memory_space<vmem>>
    %dma_wait3A_21 = arith.constant 0 : i32
    %dma_wait3A_22 = arith.constant 0 : i32
    %dma_wait3A_23 = tpu.memref_slice %arg3[%dma_wait3A_21, %dma_wait3A_22] : memref<2560x128xi32, #tpu.memory_space<hbm>> -> memref<80x128xi32, #tpu.memory_space<hbm>>
    tpu.wait_dma2 semaphore(%arg19 : memref<!tpu.dma_semaphore, #tpu.memory_space<semaphore_mem>>) src(%dma_wait3A_23 : memref<80x128xi32, #tpu.memory_space<hbm>>) dst(%dma_wait3A_20 : memref<80x128xi32, #tpu.memory_space<vmem>>)
    %dma_wait3A_24 = arith.constant 0 : i32
    %dma_wait3A_25 = arith.constant 0 : i32
    %dma_wait3A_26 = tpu.memref_slice %arg8[%dma_wait3A_24, %dma_wait3A_25] : memref<80x128xi32, #tpu.memory_space<vmem>> -> memref<80x128xi32, #tpu.memory_space<vmem>>
    %dma_wait3A_27 = arith.constant 0 : i32
    %dma_wait3A_28 = arith.constant 0 : i32
    %dma_wait3A_29 = tpu.memref_slice %arg4[%dma_wait3A_27, %dma_wait3A_28] : memref<2560x128xi32, #tpu.memory_space<hbm>> -> memref<80x128xi32, #tpu.memory_space<hbm>>
    %dma_wait3A_30 = arith.constant 0 : i32
    %dma_wait3A_31 = arith.constant 0 : i32
    %dma_wait3A_32 = tpu.memref_slice %arg8[%dma_wait3A_30, %dma_wait3A_31] : memref<80x128xi32, #tpu.memory_space<vmem>> -> memref<80x128xi32, #tpu.memory_space<vmem>>
    %dma_wait3A_33 = arith.constant 0 : i32
    %dma_wait3A_34 = arith.constant 0 : i32
    %dma_wait3A_35 = tpu.memref_slice %arg4[%dma_wait3A_33, %dma_wait3A_34] : memref<2560x128xi32, #tpu.memory_space<hbm>> -> memref<80x128xi32, #tpu.memory_space<hbm>>
    tpu.wait_dma2 semaphore(%arg20 : memref<!tpu.dma_semaphore, #tpu.memory_space<semaphore_mem>>) src(%dma_wait3A_35 : memref<80x128xi32, #tpu.memory_space<hbm>>) dst(%dma_wait3A_32 : memref<80x128xi32, #tpu.memory_space<vmem>>)
    %barrier3A = arith.constant 0 : index
    tpu.barrier barrier_id(%barrier3A)
    %dma_start3A_36 = arith.constant 0 : i32
    %dma_start3A_37 = arith.constant 0 : i32
    %dma_start3A_38 = tpu.memref_slice %arg7[%dma_start3A_36, %dma_start3A_37] : memref<80x128xi32, #tpu.memory_space<vmem>> -> memref<1x128xi32, #tpu.memory_space<vmem>>
    %dma_start3A_39 = tpu.memref_squeeze %dma_start3A_38 : memref<1x128xi32, #tpu.memory_space<vmem>> -> memref<128xi32, #tpu.memory_space<vmem>>
    %dma_start3A_40 = arith.constant 0 : i32
    %dma_start3A_41 = arith.constant 0 : i32
    %dma_start3A_42 = tpu.memref_slice %arg2[%dma_start3A_40, %dma_start3A_41] : memref<10240x64xf32, #tpu.memory_space<hbm>> -> memref<10240x64xf32, #tpu.memory_space<hbm>>
    tpu.enqueue_indirect_dma source(%dma_start3A_42 : memref<10240x64xf32, #tpu.memory_space<hbm>>) target(%arg9 : memref<128x64xf32, #tpu.memory_space<vmem>>) offsets(%dma_start3A_39 : memref<128xi32, #tpu.memory_space<vmem>>) semaphore(%arg14 : memref<!tpu.dma_semaphore, #tpu.memory_space<semaphore_mem>>)
    %dma_start3A_43 = arith.constant 1 : i32
    %dma_start3A_44 = arith.constant 0 : i32
    %dma_start3A_45 = tpu.memref_slice %arg7[%dma_start3A_43, %dma_start3A_44] : memref<80x128xi32, #tpu.memory_space<vmem>> -> memref<1x128xi32, #tpu.memory_space<vmem>>
    %dma_start3A_46 = tpu.memref_squeeze %dma_start3A_45 : memref<1x128xi32, #tpu.memory_space<vmem>> -> memref<128xi32, #tpu.memory_space<vmem>>
    %dma_start3A_47 = arith.constant 0 : i32
    %dma_start3A_48 = arith.constant 0 : i32
    %dma_start3A_49 = tpu.memref_slice %arg2[%dma_start3A_47, %dma_start3A_48] : memref<10240x64xf32, #tpu.memory_space<hbm>> -> memref<10240x64xf32, #tpu.memory_space<hbm>>
    tpu.enqueue_indirect_dma source(%dma_start3A_49 : memref<10240x64xf32, #tpu.memory_space<hbm>>) target(%arg10 : memref<128x64xf32, #tpu.memory_space<vmem>>) offsets(%dma_start3A_46 : memref<128xi32, #tpu.memory_space<vmem>>) semaphore(%arg15 : memref<!tpu.dma_semaphore, #tpu.memory_space<semaphore_mem>>)
    %dma_start3A_50 = arith.constant 2 : i32
    %dma_start3A_51 = arith.constant 0 : i32
    %dma_start3A_52 = tpu.memref_slice %arg7[%dma_start3A_50, %dma_start3A_51] : memref<80x128xi32, #tpu.memory_space<vmem>> -> memref<1x128xi32, #tpu.memory_space<vmem>>
    %dma_start3A_53 = tpu.memref_squeeze %dma_start3A_52 : memref<1x128xi32, #tpu.memory_space<vmem>> -> memref<128xi32, #tpu.memory_space<vmem>>
    %dma_start3A_54 = arith.constant 0 : i32
    %dma_start3A_55 = arith.constant 0 : i32
    %dma_start3A_56 = tpu.memref_slice %arg2[%dma_start3A_54, %dma_start3A_55] : memref<10240x64xf32, #tpu.memory_space<hbm>> -> memref<10240x64xf32, #tpu.memory_space<hbm>>
    tpu.enqueue_indirect_dma source(%dma_start3A_56 : memref<10240x64xf32, #tpu.memory_space<hbm>>) target(%arg11 : memref<128x64xf32, #tpu.memory_space<vmem>>) offsets(%dma_start3A_53 : memref<128xi32, #tpu.memory_space<vmem>>) semaphore(%arg16 : memref<!tpu.dma_semaphore, #tpu.memory_space<semaphore_mem>>)
    %dma_start3A_57 = arith.constant 3 : i32
    %dma_start3A_58 = arith.constant 0 : i32
    %dma_start3A_59 = tpu.memref_slice %arg7[%dma_start3A_57, %dma_start3A_58] : memref<80x128xi32, #tpu.memory_space<vmem>> -> memref<1x128xi32, #tpu.memory_space<vmem>>
    %dma_start3A_60 = tpu.memref_squeeze %dma_start3A_59 : memref<1x128xi32, #tpu.memory_space<vmem>> -> memref<128xi32, #tpu.memory_space<vmem>>
    %dma_start3A_61 = arith.constant 0 : i32
    %dma_start3A_62 = arith.constant 0 : i32
    %dma_start3A_63 = tpu.memref_slice %arg2[%dma_start3A_61, %dma_start3A_62] : memref<10240x64xf32, #tpu.memory_space<hbm>> -> memref<10240x64xf32, #tpu.memory_space<hbm>>
    tpu.enqueue_indirect_dma source(%dma_start3A_63 : memref<10240x64xf32, #tpu.memory_space<hbm>>) target(%arg12 : memref<128x64xf32, #tpu.memory_space<vmem>>) offsets(%dma_start3A_60 : memref<128xi32, #tpu.memory_space<vmem>>) semaphore(%arg17 : memref<!tpu.dma_semaphore, #tpu.memory_space<semaphore_mem>>)
    %jit3A_64 = arith.constant 4 : i32
    %div3A = arith.divsi %select_n3A, %jit3A_64 : i32
    %sign3A = arith.constant 0 : i32
    %sign3A_65 = arith.cmpi sgt, %select_n3A, %sign3A : i32
    %sign3A_66 = arith.extui %sign3A_65 : i1 to i32
    %sign3A_67 = arith.constant 0 : i32
    %sign3A_68 = arith.cmpi slt, %select_n3A, %sign3A_67 : i32
    %sign3A_69 = arith.extui %sign3A_68 : i1 to i32
    %sign3A_70 = arith.subi %sign3A_66, %sign3A_69 : i32
    %sign3A_71 = arith.constant 0 : i32
    %sign3A_72 = arith.cmpi sgt, %jit3A_64, %sign3A_71 : i32
    %sign3A_73 = arith.extui %sign3A_72 : i1 to i32
    %sign3A_74 = arith.constant 0 : i32
    %sign3A_75 = arith.cmpi slt, %jit3A_64, %sign3A_74 : i32
    %sign3A_76 = arith.extui %sign3A_75 : i1 to i32
    %sign3A_77 = arith.subi %sign3A_73, %sign3A_76 : i32
    %ne3A_78 = arith.cmpi ne, %sign3A_70, %sign3A_77 : i32
    %rem3A = arith.remsi %select_n3A, %jit3A_64 : i32
    %ne3A_79 = arith.constant 0 : i32
    %ne3A_80 = arith.cmpi ne, %rem3A, %ne3A_79 : i32
    %and3A = arith.andi %ne3A_78, %ne3A_80 : i1
    %sub3A = arith.constant 1 : i32
    %sub3A_81 = arith.subi %div3A, %sub3A : i32
    %select_n3A_82 = arith.select %and3A, %sub3A_81, %div3A : i32
    %sub3A_83 = arith.constant 1 : i32
    %sub3A_84 = arith.subi %select_n3A_82, %sub3A_83 : i32
    %while3A = arith.constant 0 : i32
    %while3A_85 = arith.constant 0 : i32
    %while3A_86 = arith.subi %sub3A_84, %while3A_85 : i32
    %while3A_87 = arith.addi %while3A_85, %while3A_86 : i32
    %while3A_88 = arith.constant 1 : i32
    %while3A_89 = arith.divsi %while3A_86, %while3A_88 : i32
    %while3A_90 = arith.muli %while3A_89, %while3A_88 : i32
    %while3A_91 = arith.addi %while3A_85, %while3A_90 : i32
    %while3A_92 = arith.constant 1 : i32
    scf.for %while3A_184 = %while3A_85 to %while3A_91 step %while3A_92  : i32 {
      %mul3A_185 = arith.constant 4 : i32
      %mul3A_186 = arith.muli %mul3A_185, %while3A_184 : i32
      %dma_wait3A_187 = arith.constant 0 : i32
      %dma_wait3A_188 = arith.constant 0 : i32
      %dma_wait3A_189 = tpu.memref_slice %arg7[%dma_wait3A_187, %dma_wait3A_188] : memref<80x128xi32, #tpu.memory_space<vmem>> -> memref<1x128xi32, #tpu.memory_space<vmem>>
      %dma_wait3A_190 = tpu.memref_squeeze %dma_wait3A_189 : memref<1x128xi32, #tpu.memory_space<vmem>> -> memref<128xi32, #tpu.memory_space<vmem>>
      %dma_wait3A_191 = arith.constant 0 : i32
      %dma_wait3A_192 = arith.constant 0 : i32
      %dma_wait3A_193 = tpu.memref_slice %arg2[%dma_wait3A_191, %dma_wait3A_192] : memref<10240x64xf32, #tpu.memory_space<hbm>> -> memref<10240x64xf32, #tpu.memory_space<hbm>>
      tpu.wait_indirect_dma semaphore(%arg14 : memref<!tpu.dma_semaphore, #tpu.memory_space<semaphore_mem>>) src(%dma_wait3A_193 : memref<10240x64xf32, #tpu.memory_space<hbm>>) dst(%arg9 : memref<128x64xf32, #tpu.memory_space<vmem>>)
      %add3A_194 = arith.constant 0 : i32
      %add3A_195 = arith.addi %mul3A_186, %add3A_194 : i32
      %dma_start3A_196 = arith.constant 0 : i32
      %dma_start3A_197 = tpu.memref_slice %arg8[%add3A_195, %dma_start3A_196] : memref<80x128xi32, #tpu.memory_space<vmem>> -> memref<1x128xi32, #tpu.memory_space<vmem>>
      %dma_start3A_198 = tpu.memref_squeeze %dma_start3A_197 : memref<1x128xi32, #tpu.memory_space<vmem>> -> memref<128xi32, #tpu.memory_space<vmem>>
      %dma_start3A_199 = arith.constant 0 : i32
      %dma_start3A_200 = arith.constant 0 : i32
      %dma_start3A_201 = tpu.memref_slice %arg13[%dma_start3A_199, %dma_start3A_200] : memref<10240x64xf32, #tpu.memory_space<vmem_shared>> -> memref<10240x64xf32, #tpu.memory_space<vmem_shared>>
      tpu.enqueue_indirect_dma source(%arg9 : memref<128x64xf32, #tpu.memory_space<vmem>>) target(%dma_start3A_201 : memref<10240x64xf32, #tpu.memory_space<vmem_shared>>) offsets(%dma_start3A_198 : memref<128xi32, #tpu.memory_space<vmem>>) semaphore(%arg18 : memref<!tpu.dma_semaphore, #tpu.memory_space<semaphore_mem>>) {add = true}
      %dma_wait3A_202 = arith.constant 0 : i32
      %dma_wait3A_203 = arith.constant 0 : i32
      %dma_wait3A_204 = tpu.memref_slice %arg7[%dma_wait3A_202, %dma_wait3A_203] : memref<80x128xi32, #tpu.memory_space<vmem>> -> memref<1x128xi32, #tpu.memory_space<vmem>>
      %dma_wait3A_205 = tpu.memref_squeeze %dma_wait3A_204 : memref<1x128xi32, #tpu.memory_space<vmem>> -> memref<128xi32, #tpu.memory_space<vmem>>
      %dma_wait3A_206 = arith.constant 0 : i32
      %dma_wait3A_207 = arith.constant 0 : i32
      %dma_wait3A_208 = tpu.memref_slice %arg2[%dma_wait3A_206, %dma_wait3A_207] : memref<10240x64xf32, #tpu.memory_space<hbm>> -> memref<10240x64xf32, #tpu.memory_space<hbm>>
      tpu.wait_indirect_dma semaphore(%arg15 : memref<!tpu.dma_semaphore, #tpu.memory_space<semaphore_mem>>) src(%dma_wait3A_208 : memref<10240x64xf32, #tpu.memory_space<hbm>>) dst(%arg10 : memref<128x64xf32, #tpu.memory_space<vmem>>)
      %add3A_209 = arith.constant 1 : i32
      %add3A_210 = arith.addi %mul3A_186, %add3A_209 : i32
      %dma_start3A_211 = arith.constant 0 : i32
      %dma_start3A_212 = tpu.memref_slice %arg8[%add3A_210, %dma_start3A_211] : memref<80x128xi32, #tpu.memory_space<vmem>> -> memref<1x128xi32, #tpu.memory_space<vmem>>
      %dma_start3A_213 = tpu.memref_squeeze %dma_start3A_212 : memref<1x128xi32, #tpu.memory_space<vmem>> -> memref<128xi32, #tpu.memory_space<vmem>>
      %dma_start3A_214 = arith.constant 0 : i32
      %dma_start3A_215 = arith.constant 0 : i32
      %dma_start3A_216 = tpu.memref_slice %arg13[%dma_start3A_214, %dma_start3A_215] : memref<10240x64xf32, #tpu.memory_space<vmem_shared>> -> memref<10240x64xf32, #tpu.memory_space<vmem_shared>>
      tpu.enqueue_indirect_dma source(%arg10 : memref<128x64xf32, #tpu.memory_space<vmem>>) target(%dma_start3A_216 : memref<10240x64xf32, #tpu.memory_space<vmem_shared>>) offsets(%dma_start3A_213 : memref<128xi32, #tpu.memory_space<vmem>>) semaphore(%arg19 : memref<!tpu.dma_semaphore, #tpu.memory_space<semaphore_mem>>) {add = true}
      %dma_wait3A_217 = arith.constant 0 : i32
      %dma_wait3A_218 = arith.constant 0 : i32
      %dma_wait3A_219 = tpu.memref_slice %arg7[%dma_wait3A_217, %dma_wait3A_218] : memref<80x128xi32, #tpu.memory_space<vmem>> -> memref<1x128xi32, #tpu.memory_space<vmem>>
      %dma_wait3A_220 = tpu.memref_squeeze %dma_wait3A_219 : memref<1x128xi32, #tpu.memory_space<vmem>> -> memref<128xi32, #tpu.memory_space<vmem>>
      %dma_wait3A_221 = arith.constant 0 : i32
      %dma_wait3A_222 = arith.constant 0 : i32
      %dma_wait3A_223 = tpu.memref_slice %arg2[%dma_wait3A_221, %dma_wait3A_222] : memref<10240x64xf32, #tpu.memory_space<hbm>> -> memref<10240x64xf32, #tpu.memory_space<hbm>>
      tpu.wait_indirect_dma semaphore(%arg16 : memref<!tpu.dma_semaphore, #tpu.memory_space<semaphore_mem>>) src(%dma_wait3A_223 : memref<10240x64xf32, #tpu.memory_space<hbm>>) dst(%arg11 : memref<128x64xf32, #tpu.memory_space<vmem>>)
      %add3A_224 = arith.constant 2 : i32
      %add3A_225 = arith.addi %mul3A_186, %add3A_224 : i32
      %dma_start3A_226 = arith.constant 0 : i32
      %dma_start3A_227 = tpu.memref_slice %arg8[%add3A_225, %dma_start3A_226] : memref<80x128xi32, #tpu.memory_space<vmem>> -> memref<1x128xi32, #tpu.memory_space<vmem>>
      %dma_start3A_228 = tpu.memref_squeeze %dma_start3A_227 : memref<1x128xi32, #tpu.memory_space<vmem>> -> memref<128xi32, #tpu.memory_space<vmem>>
      %dma_start3A_229 = arith.constant 0 : i32
      %dma_start3A_230 = arith.constant 0 : i32
      %dma_start3A_231 = tpu.memref_slice %arg13[%dma_start3A_229, %dma_start3A_230] : memref<10240x64xf32, #tpu.memory_space<vmem_shared>> -> memref<10240x64xf32, #tpu.memory_space<vmem_shared>>
      tpu.enqueue_indirect_dma source(%arg11 : memref<128x64xf32, #tpu.memory_space<vmem>>) target(%dma_start3A_231 : memref<10240x64xf32, #tpu.memory_space<vmem_shared>>) offsets(%dma_start3A_228 : memref<128xi32, #tpu.memory_space<vmem>>) semaphore(%arg20 : memref<!tpu.dma_semaphore, #tpu.memory_space<semaphore_mem>>) {add = true}
      %dma_wait3A_232 = arith.constant 0 : i32
      %dma_wait3A_233 = arith.constant 0 : i32
      %dma_wait3A_234 = tpu.memref_slice %arg7[%dma_wait3A_232, %dma_wait3A_233] : memref<80x128xi32, #tpu.memory_space<vmem>> -> memref<1x128xi32, #tpu.memory_space<vmem>>
      %dma_wait3A_235 = tpu.memref_squeeze %dma_wait3A_234 : memref<1x128xi32, #tpu.memory_space<vmem>> -> memref<128xi32, #tpu.memory_space<vmem>>
      %dma_wait3A_236 = arith.constant 0 : i32
      %dma_wait3A_237 = arith.constant 0 : i32
      %dma_wait3A_238 = tpu.memref_slice %arg2[%dma_wait3A_236, %dma_wait3A_237] : memref<10240x64xf32, #tpu.memory_space<hbm>> -> memref<10240x64xf32, #tpu.memory_space<hbm>>
      tpu.wait_indirect_dma semaphore(%arg17 : memref<!tpu.dma_semaphore, #tpu.memory_space<semaphore_mem>>) src(%dma_wait3A_238 : memref<10240x64xf32, #tpu.memory_space<hbm>>) dst(%arg12 : memref<128x64xf32, #tpu.memory_space<vmem>>)
      %add3A_239 = arith.constant 3 : i32
      %add3A_240 = arith.addi %mul3A_186, %add3A_239 : i32
      %dma_start3A_241 = arith.constant 0 : i32
      %dma_start3A_242 = tpu.memref_slice %arg8[%add3A_240, %dma_start3A_241] : memref<80x128xi32, #tpu.memory_space<vmem>> -> memref<1x128xi32, #tpu.memory_space<vmem>>
      %dma_start3A_243 = tpu.memref_squeeze %dma_start3A_242 : memref<1x128xi32, #tpu.memory_space<vmem>> -> memref<128xi32, #tpu.memory_space<vmem>>
      %dma_start3A_244 = arith.constant 0 : i32
      %dma_start3A_245 = arith.constant 0 : i32
      %dma_start3A_246 = tpu.memref_slice %arg13[%dma_start3A_244, %dma_start3A_245] : memref<10240x64xf32, #tpu.memory_space<vmem_shared>> -> memref<10240x64xf32, #tpu.memory_space<vmem_shared>>
      tpu.enqueue_indirect_dma source(%arg12 : memref<128x64xf32, #tpu.memory_space<vmem>>) target(%dma_start3A_246 : memref<10240x64xf32, #tpu.memory_space<vmem_shared>>) offsets(%dma_start3A_243 : memref<128xi32, #tpu.memory_space<vmem>>) semaphore(%arg21 : memref<!tpu.dma_semaphore, #tpu.memory_space<semaphore_mem>>) {add = true}
      %dma_wait3A_247 = arith.constant 0 : i32
      %dma_wait3A_248 = arith.constant 0 : i32
      %dma_wait3A_249 = tpu.memref_slice %arg8[%dma_wait3A_247, %dma_wait3A_248] : memref<80x128xi32, #tpu.memory_space<vmem>> -> memref<1x128xi32, #tpu.memory_space<vmem>>
      %dma_wait3A_250 = tpu.memref_squeeze %dma_wait3A_249 : memref<1x128xi32, #tpu.memory_space<vmem>> -> memref<128xi32, #tpu.memory_space<vmem>>
      %dma_wait3A_251 = arith.constant 0 : i32
      %dma_wait3A_252 = arith.constant 0 : i32
      %dma_wait3A_253 = tpu.memref_slice %arg13[%dma_wait3A_251, %dma_wait3A_252] : memref<10240x64xf32, #tpu.memory_space<vmem_shared>> -> memref<10240x64xf32, #tpu.memory_space<vmem_shared>>
      tpu.wait_indirect_dma semaphore(%arg18 : memref<!tpu.dma_semaphore, #tpu.memory_space<semaphore_mem>>) src(%arg9 : memref<128x64xf32, #tpu.memory_space<vmem>>) dst(%dma_wait3A_253 : memref<10240x64xf32, #tpu.memory_space<vmem_shared>>)
      %add3A_254 = arith.constant 4 : i32
      %add3A_255 = arith.addi %mul3A_186, %add3A_254 : i32
      %add3A_256 = arith.constant 0 : i32
      %add3A_257 = arith.addi %add3A_255, %add3A_256 : i32
      %dma_start3A_258 = arith.constant 0 : i32
      %dma_start3A_259 = tpu.memref_slice %arg7[%add3A_257, %dma_start3A_258] : memref<80x128xi32, #tpu.memory_space<vmem>> -> memref<1x128xi32, #tpu.memory_space<vmem>>
      %dma_start3A_260 = tpu.memref_squeeze %dma_start3A_259 : memref<1x128xi32, #tpu.memory_space<vmem>> -> memref<128xi32, #tpu.memory_space<vmem>>
      %dma_start3A_261 = arith.constant 0 : i32
      %dma_start3A_262 = arith.constant 0 : i32
      %dma_start3A_263 = tpu.memref_slice %arg2[%dma_start3A_261, %dma_start3A_262] : memref<10240x64xf32, #tpu.memory_space<hbm>> -> memref<10240x64xf32, #tpu.memory_space<hbm>>
      tpu.enqueue_indirect_dma source(%dma_start3A_263 : memref<10240x64xf32, #tpu.memory_space<hbm>>) target(%arg9 : memref<128x64xf32, #tpu.memory_space<vmem>>) offsets(%dma_start3A_260 : memref<128xi32, #tpu.memory_space<vmem>>) semaphore(%arg14 : memref<!tpu.dma_semaphore, #tpu.memory_space<semaphore_mem>>)
      %dma_wait3A_264 = arith.constant 0 : i32
      %dma_wait3A_265 = arith.constant 0 : i32
      %dma_wait3A_266 = tpu.memref_slice %arg8[%dma_wait3A_264, %dma_wait3A_265] : memref<80x128xi32, #tpu.memory_space<vmem>> -> memref<1x128xi32, #tpu.memory_space<vmem>>
      %dma_wait3A_267 = tpu.memref_squeeze %dma_wait3A_266 : memref<1x128xi32, #tpu.memory_space<vmem>> -> memref<128xi32, #tpu.memory_space<vmem>>
      %dma_wait3A_268 = arith.constant 0 : i32
      %dma_wait3A_269 = arith.constant 0 : i32
      %dma_wait3A_270 = tpu.memref_slice %arg13[%dma_wait3A_268, %dma_wait3A_269] : memref<10240x64xf32, #tpu.memory_space<vmem_shared>> -> memref<10240x64xf32, #tpu.memory_space<vmem_shared>>
      tpu.wait_indirect_dma semaphore(%arg19 : memref<!tpu.dma_semaphore, #tpu.memory_space<semaphore_mem>>) src(%arg10 : memref<128x64xf32, #tpu.memory_space<vmem>>) dst(%dma_wait3A_270 : memref<10240x64xf32, #tpu.memory_space<vmem_shared>>)
      %add3A_271 = arith.constant 4 : i32
      %add3A_272 = arith.addi %mul3A_186, %add3A_271 : i32
      %add3A_273 = arith.constant 1 : i32
      %add3A_274 = arith.addi %add3A_272, %add3A_273 : i32
      %dma_start3A_275 = arith.constant 0 : i32
      %dma_start3A_276 = tpu.memref_slice %arg7[%add3A_274, %dma_start3A_275] : memref<80x128xi32, #tpu.memory_space<vmem>> -> memref<1x128xi32, #tpu.memory_space<vmem>>
      %dma_start3A_277 = tpu.memref_squeeze %dma_start3A_276 : memref<1x128xi32, #tpu.memory_space<vmem>> -> memref<128xi32, #tpu.memory_space<vmem>>
      %dma_start3A_278 = arith.constant 0 : i32
      %dma_start3A_279 = arith.constant 0 : i32
      %dma_start3A_280 = tpu.memref_slice %arg2[%dma_start3A_278, %dma_start3A_279] : memref<10240x64xf32, #tpu.memory_space<hbm>> -> memref<10240x64xf32, #tpu.memory_space<hbm>>
      tpu.enqueue_indirect_dma source(%dma_start3A_280 : memref<10240x64xf32, #tpu.memory_space<hbm>>) target(%arg10 : memref<128x64xf32, #tpu.memory_space<vmem>>) offsets(%dma_start3A_277 : memref<128xi32, #tpu.memory_space<vmem>>) semaphore(%arg15 : memref<!tpu.dma_semaphore, #tpu.memory_space<semaphore_mem>>)
      %dma_wait3A_281 = arith.constant 0 : i32
      %dma_wait3A_282 = arith.constant 0 : i32
      %dma_wait3A_283 = tpu.memref_slice %arg8[%dma_wait3A_281, %dma_wait3A_282] : memref<80x128xi32, #tpu.memory_space<vmem>> -> memref<1x128xi32, #tpu.memory_space<vmem>>
      %dma_wait3A_284 = tpu.memref_squeeze %dma_wait3A_283 : memref<1x128xi32, #tpu.memory_space<vmem>> -> memref<128xi32, #tpu.memory_space<vmem>>
      %dma_wait3A_285 = arith.constant 0 : i32
      %dma_wait3A_286 = arith.constant 0 : i32
      %dma_wait3A_287 = tpu.memref_slice %arg13[%dma_wait3A_285, %dma_wait3A_286] : memref<10240x64xf32, #tpu.memory_space<vmem_shared>> -> memref<10240x64xf32, #tpu.memory_space<vmem_shared>>
      tpu.wait_indirect_dma semaphore(%arg20 : memref<!tpu.dma_semaphore, #tpu.memory_space<semaphore_mem>>) src(%arg11 : memref<128x64xf32, #tpu.memory_space<vmem>>) dst(%dma_wait3A_287 : memref<10240x64xf32, #tpu.memory_space<vmem_shared>>)
      %add3A_288 = arith.constant 4 : i32
      %add3A_289 = arith.addi %mul3A_186, %add3A_288 : i32
      %add3A_290 = arith.constant 2 : i32
      %add3A_291 = arith.addi %add3A_289, %add3A_290 : i32
      %dma_start3A_292 = arith.constant 0 : i32
      %dma_start3A_293 = tpu.memref_slice %arg7[%add3A_291, %dma_start3A_292] : memref<80x128xi32, #tpu.memory_space<vmem>> -> memref<1x128xi32, #tpu.memory_space<vmem>>
      %dma_start3A_294 = tpu.memref_squeeze %dma_start3A_293 : memref<1x128xi32, #tpu.memory_space<vmem>> -> memref<128xi32, #tpu.memory_space<vmem>>
      %dma_start3A_295 = arith.constant 0 : i32
      %dma_start3A_296 = arith.constant 0 : i32
      %dma_start3A_297 = tpu.memref_slice %arg2[%dma_start3A_295, %dma_start3A_296] : memref<10240x64xf32, #tpu.memory_space<hbm>> -> memref<10240x64xf32, #tpu.memory_space<hbm>>
      tpu.enqueue_indirect_dma source(%dma_start3A_297 : memref<10240x64xf32, #tpu.memory_space<hbm>>) target(%arg11 : memref<128x64xf32, #tpu.memory_space<vmem>>) offsets(%dma_start3A_294 : memref<128xi32, #tpu.memory_space<vmem>>) semaphore(%arg16 : memref<!tpu.dma_semaphore, #tpu.memory_space<semaphore_mem>>)
      %dma_wait3A_298 = arith.constant 0 : i32
      %dma_wait3A_299 = arith.constant 0 : i32
      %dma_wait3A_300 = tpu.memref_slice %arg8[%dma_wait3A_298, %dma_wait3A_299] : memref<80x128xi32, #tpu.memory_space<vmem>> -> memref<1x128xi32, #tpu.memory_space<vmem>>
      %dma_wait3A_301 = tpu.memref_squeeze %dma_wait3A_300 : memref<1x128xi32, #tpu.memory_space<vmem>> -> memref<128xi32, #tpu.memory_space<vmem>>
      %dma_wait3A_302 = arith.constant 0 : i32
      %dma_wait3A_303 = arith.constant 0 : i32
      %dma_wait3A_304 = tpu.memref_slice %arg13[%dma_wait3A_302, %dma_wait3A_303] : memref<10240x64xf32, #tpu.memory_space<vmem_shared>> -> memref<10240x64xf32, #tpu.memory_space<vmem_shared>>
      tpu.wait_indirect_dma semaphore(%arg21 : memref<!tpu.dma_semaphore, #tpu.memory_space<semaphore_mem>>) src(%arg12 : memref<128x64xf32, #tpu.memory_space<vmem>>) dst(%dma_wait3A_304 : memref<10240x64xf32, #tpu.memory_space<vmem_shared>>)
      %add3A_305 = arith.constant 4 : i32
      %add3A_306 = arith.addi %mul3A_186, %add3A_305 : i32
      %add3A_307 = arith.constant 3 : i32
      %add3A_308 = arith.addi %add3A_306, %add3A_307 : i32
      %dma_start3A_309 = arith.constant 0 : i32
      %dma_start3A_310 = tpu.memref_slice %arg7[%add3A_308, %dma_start3A_309] : memref<80x128xi32, #tpu.memory_space<vmem>> -> memref<1x128xi32, #tpu.memory_space<vmem>>
      %dma_start3A_311 = tpu.memref_squeeze %dma_start3A_310 : memref<1x128xi32, #tpu.memory_space<vmem>> -> memref<128xi32, #tpu.memory_space<vmem>>
      %dma_start3A_312 = arith.constant 0 : i32
      %dma_start3A_313 = arith.constant 0 : i32
      %dma_start3A_314 = tpu.memref_slice %arg2[%dma_start3A_312, %dma_start3A_313] : memref<10240x64xf32, #tpu.memory_space<hbm>> -> memref<10240x64xf32, #tpu.memory_space<hbm>>
      tpu.enqueue_indirect_dma source(%dma_start3A_314 : memref<10240x64xf32, #tpu.memory_space<hbm>>) target(%arg12 : memref<128x64xf32, #tpu.memory_space<vmem>>) offsets(%dma_start3A_311 : memref<128xi32, #tpu.memory_space<vmem>>) semaphore(%arg17 : memref<!tpu.dma_semaphore, #tpu.memory_space<semaphore_mem>>)
    }
    %while3A_93 = arith.constant 1 : i32
    scf.for %while3A_184 = %while3A_91 to %while3A_87 step %while3A_93  : i32 {
      %mul3A_185 = arith.constant 4 : i32
      %mul3A_186 = arith.muli %mul3A_185, %while3A_184 : i32
      %dma_wait3A_187 = arith.constant 0 : i32
      %dma_wait3A_188 = arith.constant 0 : i32
      %dma_wait3A_189 = tpu.memref_slice %arg7[%dma_wait3A_187, %dma_wait3A_188] : memref<80x128xi32, #tpu.memory_space<vmem>> -> memref<1x128xi32, #tpu.memory_space<vmem>>
      %dma_wait3A_190 = tpu.memref_squeeze %dma_wait3A_189 : memref<1x128xi32, #tpu.memory_space<vmem>> -> memref<128xi32, #tpu.memory_space<vmem>>
      %dma_wait3A_191 = arith.constant 0 : i32
      %dma_wait3A_192 = arith.constant 0 : i32
      %dma_wait3A_193 = tpu.memref_slice %arg2[%dma_wait3A_191, %dma_wait3A_192] : memref<10240x64xf32, #tpu.memory_space<hbm>> -> memref<10240x64xf32, #tpu.memory_space<hbm>>
      tpu.wait_indirect_dma semaphore(%arg14 : memref<!tpu.dma_semaphore, #tpu.memory_space<semaphore_mem>>) src(%dma_wait3A_193 : memref<10240x64xf32, #tpu.memory_space<hbm>>) dst(%arg9 : memref<128x64xf32, #tpu.memory_space<vmem>>)
      %add3A_194 = arith.constant 0 : i32
      %add3A_195 = arith.addi %mul3A_186, %add3A_194 : i32
      %dma_start3A_196 = arith.constant 0 : i32
      %dma_start3A_197 = tpu.memref_slice %arg8[%add3A_195, %dma_start3A_196] : memref<80x128xi32, #tpu.memory_space<vmem>> -> memref<1x128xi32, #tpu.memory_space<vmem>>
      %dma_start3A_198 = tpu.memref_squeeze %dma_start3A_197 : memref<1x128xi32, #tpu.memory_space<vmem>> -> memref<128xi32, #tpu.memory_space<vmem>>
      %dma_start3A_199 = arith.constant 0 : i32
      %dma_start3A_200 = arith.constant 0 : i32
      %dma_start3A_201 = tpu.memref_slice %arg13[%dma_start3A_199, %dma_start3A_200] : memref<10240x64xf32, #tpu.memory_space<vmem_shared>> -> memref<10240x64xf32, #tpu.memory_space<vmem_shared>>
      tpu.enqueue_indirect_dma source(%arg9 : memref<128x64xf32, #tpu.memory_space<vmem>>) target(%dma_start3A_201 : memref<10240x64xf32, #tpu.memory_space<vmem_shared>>) offsets(%dma_start3A_198 : memref<128xi32, #tpu.memory_space<vmem>>) semaphore(%arg18 : memref<!tpu.dma_semaphore, #tpu.memory_space<semaphore_mem>>) {add = true}
      %dma_wait3A_202 = arith.constant 0 : i32
      %dma_wait3A_203 = arith.constant 0 : i32
      %dma_wait3A_204 = tpu.memref_slice %arg7[%dma_wait3A_202, %dma_wait3A_203] : memref<80x128xi32, #tpu.memory_space<vmem>> -> memref<1x128xi32, #tpu.memory_space<vmem>>
      %dma_wait3A_205 = tpu.memref_squeeze %dma_wait3A_204 : memref<1x128xi32, #tpu.memory_space<vmem>> -> memref<128xi32, #tpu.memory_space<vmem>>
      %dma_wait3A_206 = arith.constant 0 : i32
      %dma_wait3A_207 = arith.constant 0 : i32
      %dma_wait3A_208 = tpu.memref_slice %arg2[%dma_wait3A_206, %dma_wait3A_207] : memref<10240x64xf32, #tpu.memory_space<hbm>> -> memref<10240x64xf32, #tpu.memory_space<hbm>>
      tpu.wait_indirect_dma semaphore(%arg15 : memref<!tpu.dma_semaphore, #tpu.memory_space<semaphore_mem>>) src(%dma_wait3A_208 : memref<10240x64xf32, #tpu.memory_space<hbm>>) dst(%arg10 : memref<128x64xf32, #tpu.memory_space<vmem>>)
      %add3A_209 = arith.constant 1 : i32
      %add3A_210 = arith.addi %mul3A_186, %add3A_209 : i32
      %dma_start3A_211 = arith.constant 0 : i32
      %dma_start3A_212 = tpu.memref_slice %arg8[%add3A_210, %dma_start3A_211] : memref<80x128xi32, #tpu.memory_space<vmem>> -> memref<1x128xi32, #tpu.memory_space<vmem>>
      %dma_start3A_213 = tpu.memref_squeeze %dma_start3A_212 : memref<1x128xi32, #tpu.memory_space<vmem>> -> memref<128xi32, #tpu.memory_space<vmem>>
      %dma_start3A_214 = arith.constant 0 : i32
      %dma_start3A_215 = arith.constant 0 : i32
      %dma_start3A_216 = tpu.memref_slice %arg13[%dma_start3A_214, %dma_start3A_215] : memref<10240x64xf32, #tpu.memory_space<vmem_shared>> -> memref<10240x64xf32, #tpu.memory_space<vmem_shared>>
      tpu.enqueue_indirect_dma source(%arg10 : memref<128x64xf32, #tpu.memory_space<vmem>>) target(%dma_start3A_216 : memref<10240x64xf32, #tpu.memory_space<vmem_shared>>) offsets(%dma_start3A_213 : memref<128xi32, #tpu.memory_space<vmem>>) semaphore(%arg19 : memref<!tpu.dma_semaphore, #tpu.memory_space<semaphore_mem>>) {add = true}
      %dma_wait3A_217 = arith.constant 0 : i32
      %dma_wait3A_218 = arith.constant 0 : i32
      %dma_wait3A_219 = tpu.memref_slice %arg7[%dma_wait3A_217, %dma_wait3A_218] : memref<80x128xi32, #tpu.memory_space<vmem>> -> memref<1x128xi32, #tpu.memory_space<vmem>>
      %dma_wait3A_220 = tpu.memref_squeeze %dma_wait3A_219 : memref<1x128xi32, #tpu.memory_space<vmem>> -> memref<128xi32, #tpu.memory_space<vmem>>
      %dma_wait3A_221 = arith.constant 0 : i32
      %dma_wait3A_222 = arith.constant 0 : i32
      %dma_wait3A_223 = tpu.memref_slice %arg2[%dma_wait3A_221, %dma_wait3A_222] : memref<10240x64xf32, #tpu.memory_space<hbm>> -> memref<10240x64xf32, #tpu.memory_space<hbm>>
      tpu.wait_indirect_dma semaphore(%arg16 : memref<!tpu.dma_semaphore, #tpu.memory_space<semaphore_mem>>) src(%dma_wait3A_223 : memref<10240x64xf32, #tpu.memory_space<hbm>>) dst(%arg11 : memref<128x64xf32, #tpu.memory_space<vmem>>)
      %add3A_224 = arith.constant 2 : i32
      %add3A_225 = arith.addi %mul3A_186, %add3A_224 : i32
      %dma_start3A_226 = arith.constant 0 : i32
      %dma_start3A_227 = tpu.memref_slice %arg8[%add3A_225, %dma_start3A_226] : memref<80x128xi32, #tpu.memory_space<vmem>> -> memref<1x128xi32, #tpu.memory_space<vmem>>
      %dma_start3A_228 = tpu.memref_squeeze %dma_start3A_227 : memref<1x128xi32, #tpu.memory_space<vmem>> -> memref<128xi32, #tpu.memory_space<vmem>>
      %dma_start3A_229 = arith.constant 0 : i32
      %dma_start3A_230 = arith.constant 0 : i32
      %dma_start3A_231 = tpu.memref_slice %arg13[%dma_start3A_229, %dma_start3A_230] : memref<10240x64xf32, #tpu.memory_space<vmem_shared>> -> memref<10240x64xf32, #tpu.memory_space<vmem_shared>>
      tpu.enqueue_indirect_dma source(%arg11 : memref<128x64xf32, #tpu.memory_space<vmem>>) target(%dma_start3A_231 : memref<10240x64xf32, #tpu.memory_space<vmem_shared>>) offsets(%dma_start3A_228 : memref<128xi32, #tpu.memory_space<vmem>>) semaphore(%arg20 : memref<!tpu.dma_semaphore, #tpu.memory_space<semaphore_mem>>) {add = true}
      %dma_wait3A_232 = arith.constant 0 : i32
      %dma_wait3A_233 = arith.constant 0 : i32
      %dma_wait3A_234 = tpu.memref_slice %arg7[%dma_wait3A_232, %dma_wait3A_233] : memref<80x128xi32, #tpu.memory_space<vmem>> -> memref<1x128xi32, #tpu.memory_space<vmem>>
      %dma_wait3A_235 = tpu.memref_squeeze %dma_wait3A_234 : memref<1x128xi32, #tpu.memory_space<vmem>> -> memref<128xi32, #tpu.memory_space<vmem>>
      %dma_wait3A_236 = arith.constant 0 : i32
      %dma_wait3A_237 = arith.constant 0 : i32
      %dma_wait3A_238 = tpu.memref_slice %arg2[%dma_wait3A_236, %dma_wait3A_237] : memref<10240x64xf32, #tpu.memory_space<hbm>> -> memref<10240x64xf32, #tpu.memory_space<hbm>>
      tpu.wait_indirect_dma semaphore(%arg17 : memref<!tpu.dma_semaphore, #tpu.memory_space<semaphore_mem>>) src(%dma_wait3A_238 : memref<10240x64xf32, #tpu.memory_space<hbm>>) dst(%arg12 : memref<128x64xf32, #tpu.memory_space<vmem>>)
      %add3A_239 = arith.constant 3 : i32
      %add3A_240 = arith.addi %mul3A_186, %add3A_239 : i32
      %dma_start3A_241 = arith.constant 0 : i32
      %dma_start3A_242 = tpu.memref_slice %arg8[%add3A_240, %dma_start3A_241] : memref<80x128xi32, #tpu.memory_space<vmem>> -> memref<1x128xi32, #tpu.memory_space<vmem>>
      %dma_start3A_243 = tpu.memref_squeeze %dma_start3A_242 : memref<1x128xi32, #tpu.memory_space<vmem>> -> memref<128xi32, #tpu.memory_space<vmem>>
      %dma_start3A_244 = arith.constant 0 : i32
      %dma_start3A_245 = arith.constant 0 : i32
      %dma_start3A_246 = tpu.memref_slice %arg13[%dma_start3A_244, %dma_start3A_245] : memref<10240x64xf32, #tpu.memory_space<vmem_shared>> -> memref<10240x64xf32, #tpu.memory_space<vmem_shared>>
      tpu.enqueue_indirect_dma source(%arg12 : memref<128x64xf32, #tpu.memory_space<vmem>>) target(%dma_start3A_246 : memref<10240x64xf32, #tpu.memory_space<vmem_shared>>) offsets(%dma_start3A_243 : memref<128xi32, #tpu.memory_space<vmem>>) semaphore(%arg21 : memref<!tpu.dma_semaphore, #tpu.memory_space<semaphore_mem>>) {add = true}
      %dma_wait3A_247 = arith.constant 0 : i32
      %dma_wait3A_248 = arith.constant 0 : i32
      %dma_wait3A_249 = tpu.memref_slice %arg8[%dma_wait3A_247, %dma_wait3A_248] : memref<80x128xi32, #tpu.memory_space<vmem>> -> memref<1x128xi32, #tpu.memory_space<vmem>>
      %dma_wait3A_250 = tpu.memref_squeeze %dma_wait3A_249 : memref<1x128xi32, #tpu.memory_space<vmem>> -> memref<128xi32, #tpu.memory_space<vmem>>
      %dma_wait3A_251 = arith.constant 0 : i32
      %dma_wait3A_252 = arith.constant 0 : i32
      %dma_wait3A_253 = tpu.memref_slice %arg13[%dma_wait3A_251, %dma_wait3A_252] : memref<10240x64xf32, #tpu.memory_space<vmem_shared>> -> memref<10240x64xf32, #tpu.memory_space<vmem_shared>>
      tpu.wait_indirect_dma semaphore(%arg18 : memref<!tpu.dma_semaphore, #tpu.memory_space<semaphore_mem>>) src(%arg9 : memref<128x64xf32, #tpu.memory_space<vmem>>) dst(%dma_wait3A_253 : memref<10240x64xf32, #tpu.memory_space<vmem_shared>>)
      %add3A_254 = arith.constant 4 : i32
      %add3A_255 = arith.addi %mul3A_186, %add3A_254 : i32
      %add3A_256 = arith.constant 0 : i32
      %add3A_257 = arith.addi %add3A_255, %add3A_256 : i32
      %dma_start3A_258 = arith.constant 0 : i32
      %dma_start3A_259 = tpu.memref_slice %arg7[%add3A_257, %dma_start3A_258] : memref<80x128xi32, #tpu.memory_space<vmem>> -> memref<1x128xi32, #tpu.memory_space<vmem>>
      %dma_start3A_260 = tpu.memref_squeeze %dma_start3A_259 : memref<1x128xi32, #tpu.memory_space<vmem>> -> memref<128xi32, #tpu.memory_space<vmem>>
      %dma_start3A_261 = arith.constant 0 : i32
      %dma_start3A_262 = arith.constant 0 : i32
      %dma_start3A_263 = tpu.memref_slice %arg2[%dma_start3A_261, %dma_start3A_262] : memref<10240x64xf32, #tpu.memory_space<hbm>> -> memref<10240x64xf32, #tpu.memory_space<hbm>>
      tpu.enqueue_indirect_dma source(%dma_start3A_263 : memref<10240x64xf32, #tpu.memory_space<hbm>>) target(%arg9 : memref<128x64xf32, #tpu.memory_space<vmem>>) offsets(%dma_start3A_260 : memref<128xi32, #tpu.memory_space<vmem>>) semaphore(%arg14 : memref<!tpu.dma_semaphore, #tpu.memory_space<semaphore_mem>>)
      %dma_wait3A_264 = arith.constant 0 : i32
      %dma_wait3A_265 = arith.constant 0 : i32
      %dma_wait3A_266 = tpu.memref_slice %arg8[%dma_wait3A_264, %dma_wait3A_265] : memref<80x128xi32, #tpu.memory_space<vmem>> -> memref<1x128xi32, #tpu.memory_space<vmem>>
      %dma_wait3A_267 = tpu.memref_squeeze %dma_wait3A_266 : memref<1x128xi32, #tpu.memory_space<vmem>> -> memref<128xi32, #tpu.memory_space<vmem>>
      %dma_wait3A_268 = arith.constant 0 : i32
      %dma_wait3A_269 = arith.constant 0 : i32
      %dma_wait3A_270 = tpu.memref_slice %arg13[%dma_wait3A_268, %dma_wait3A_269] : memref<10240x64xf32, #tpu.memory_space<vmem_shared>> -> memref<10240x64xf32, #tpu.memory_space<vmem_shared>>
      tpu.wait_indirect_dma semaphore(%arg19 : memref<!tpu.dma_semaphore, #tpu.memory_space<semaphore_mem>>) src(%arg10 : memref<128x64xf32, #tpu.memory_space<vmem>>) dst(%dma_wait3A_270 : memref<10240x64xf32, #tpu.memory_space<vmem_shared>>)
      %add3A_271 = arith.constant 4 : i32
      %add3A_272 = arith.addi %mul3A_186, %add3A_271 : i32
      %add3A_273 = arith.constant 1 : i32
      %add3A_274 = arith.addi %add3A_272, %add3A_273 : i32
      %dma_start3A_275 = arith.constant 0 : i32
      %dma_start3A_276 = tpu.memref_slice %arg7[%add3A_274, %dma_start3A_275] : memref<80x128xi32, #tpu.memory_space<vmem>> -> memref<1x128xi32, #tpu.memory_space<vmem>>
      %dma_start3A_277 = tpu.memref_squeeze %dma_start3A_276 : memref<1x128xi32, #tpu.memory_space<vmem>> -> memref<128xi32, #tpu.memory_space<vmem>>
      %dma_start3A_278 = arith.constant 0 : i32
      %dma_start3A_279 = arith.constant 0 : i32
      %dma_start3A_280 = tpu.memref_slice %arg2[%dma_start3A_278, %dma_start3A_279] : memref<10240x64xf32, #tpu.memory_space<hbm>> -> memref<10240x64xf32, #tpu.memory_space<hbm>>
      tpu.enqueue_indirect_dma source(%dma_start3A_280 : memref<10240x64xf32, #tpu.memory_space<hbm>>) target(%arg10 : memref<128x64xf32, #tpu.memory_space<vmem>>) offsets(%dma_start3A_277 : memref<128xi32, #tpu.memory_space<vmem>>) semaphore(%arg15 : memref<!tpu.dma_semaphore, #tpu.memory_space<semaphore_mem>>)
      %dma_wait3A_281 = arith.constant 0 : i32
      %dma_wait3A_282 = arith.constant 0 : i32
      %dma_wait3A_283 = tpu.memref_slice %arg8[%dma_wait3A_281, %dma_wait3A_282] : memref<80x128xi32, #tpu.memory_space<vmem>> -> memref<1x128xi32, #tpu.memory_space<vmem>>
      %dma_wait3A_284 = tpu.memref_squeeze %dma_wait3A_283 : memref<1x128xi32, #tpu.memory_space<vmem>> -> memref<128xi32, #tpu.memory_space<vmem>>
      %dma_wait3A_285 = arith.constant 0 : i32
      %dma_wait3A_286 = arith.constant 0 : i32
      %dma_wait3A_287 = tpu.memref_slice %arg13[%dma_wait3A_285, %dma_wait3A_286] : memref<10240x64xf32, #tpu.memory_space<vmem_shared>> -> memref<10240x64xf32, #tpu.memory_space<vmem_shared>>
      tpu.wait_indirect_dma semaphore(%arg20 : memref<!tpu.dma_semaphore, #tpu.memory_space<semaphore_mem>>) src(%arg11 : memref<128x64xf32, #tpu.memory_space<vmem>>) dst(%dma_wait3A_287 : memref<10240x64xf32, #tpu.memory_space<vmem_shared>>)
      %add3A_288 = arith.constant 4 : i32
      %add3A_289 = arith.addi %mul3A_186, %add3A_288 : i32
      %add3A_290 = arith.constant 2 : i32
      %add3A_291 = arith.addi %add3A_289, %add3A_290 : i32
      %dma_start3A_292 = arith.constant 0 : i32
      %dma_start3A_293 = tpu.memref_slice %arg7[%add3A_291, %dma_start3A_292] : memref<80x128xi32, #tpu.memory_space<vmem>> -> memref<1x128xi32, #tpu.memory_space<vmem>>
      %dma_start3A_294 = tpu.memref_squeeze %dma_start3A_293 : memref<1x128xi32, #tpu.memory_space<vmem>> -> memref<128xi32, #tpu.memory_space<vmem>>
      %dma_start3A_295 = arith.constant 0 : i32
      %dma_start3A_296 = arith.constant 0 : i32
      %dma_start3A_297 = tpu.memref_slice %arg2[%dma_start3A_295, %dma_start3A_296] : memref<10240x64xf32, #tpu.memory_space<hbm>> -> memref<10240x64xf32, #tpu.memory_space<hbm>>
      tpu.enqueue_indirect_dma source(%dma_start3A_297 : memref<10240x64xf32, #tpu.memory_space<hbm>>) target(%arg11 : memref<128x64xf32, #tpu.memory_space<vmem>>) offsets(%dma_start3A_294 : memref<128xi32, #tpu.memory_space<vmem>>) semaphore(%arg16 : memref<!tpu.dma_semaphore, #tpu.memory_space<semaphore_mem>>)
      %dma_wait3A_298 = arith.constant 0 : i32
      %dma_wait3A_299 = arith.constant 0 : i32
      %dma_wait3A_300 = tpu.memref_slice %arg8[%dma_wait3A_298, %dma_wait3A_299] : memref<80x128xi32, #tpu.memory_space<vmem>> -> memref<1x128xi32, #tpu.memory_space<vmem>>
      %dma_wait3A_301 = tpu.memref_squeeze %dma_wait3A_300 : memref<1x128xi32, #tpu.memory_space<vmem>> -> memref<128xi32, #tpu.memory_space<vmem>>
      %dma_wait3A_302 = arith.constant 0 : i32
      %dma_wait3A_303 = arith.constant 0 : i32
      %dma_wait3A_304 = tpu.memref_slice %arg13[%dma_wait3A_302, %dma_wait3A_303] : memref<10240x64xf32, #tpu.memory_space<vmem_shared>> -> memref<10240x64xf32, #tpu.memory_space<vmem_shared>>
      tpu.wait_indirect_dma semaphore(%arg21 : memref<!tpu.dma_semaphore, #tpu.memory_space<semaphore_mem>>) src(%arg12 : memref<128x64xf32, #tpu.memory_space<vmem>>) dst(%dma_wait3A_304 : memref<10240x64xf32, #tpu.memory_space<vmem_shared>>)
      %add3A_305 = arith.constant 4 : i32
      %add3A_306 = arith.addi %mul3A_186, %add3A_305 : i32
      %add3A_307 = arith.constant 3 : i32
      %add3A_308 = arith.addi %add3A_306, %add3A_307 : i32
      %dma_start3A_309 = arith.constant 0 : i32
      %dma_start3A_310 = tpu.memref_slice %arg7[%add3A_308, %dma_start3A_309] : memref<80x128xi32, #tpu.memory_space<vmem>> -> memref<1x128xi32, #tpu.memory_space<vmem>>
      %dma_start3A_311 = tpu.memref_squeeze %dma_start3A_310 : memref<1x128xi32, #tpu.memory_space<vmem>> -> memref<128xi32, #tpu.memory_space<vmem>>
      %dma_start3A_312 = arith.constant 0 : i32
      %dma_start3A_313 = arith.constant 0 : i32
      %dma_start3A_314 = tpu.memref_slice %arg2[%dma_start3A_312, %dma_start3A_313] : memref<10240x64xf32, #tpu.memory_space<hbm>> -> memref<10240x64xf32, #tpu.memory_space<hbm>>
      tpu.enqueue_indirect_dma source(%dma_start3A_314 : memref<10240x64xf32, #tpu.memory_space<hbm>>) target(%arg12 : memref<128x64xf32, #tpu.memory_space<vmem>>) offsets(%dma_start3A_311 : memref<128xi32, #tpu.memory_space<vmem>>) semaphore(%arg17 : memref<!tpu.dma_semaphore, #tpu.memory_space<semaphore_mem>>)
    }
    %sub3A_94 = arith.constant 4 : i32
    %sub3A_95 = arith.subi %select_n3A, %sub3A_94 : i32
    %dma_wait3A_96 = arith.constant 0 : i32
    %dma_wait3A_97 = arith.constant 0 : i32
    %dma_wait3A_98 = tpu.memref_slice %arg7[%dma_wait3A_96, %dma_wait3A_97] : memref<80x128xi32, #tpu.memory_space<vmem>> -> memref<1x128xi32, #tpu.memory_space<vmem>>
    %dma_wait3A_99 = tpu.memref_squeeze %dma_wait3A_98 : memref<1x128xi32, #tpu.memory_space<vmem>> -> memref<128xi32, #tpu.memory_space<vmem>>
    %dma_wait3A_100 = arith.constant 0 : i32
    %dma_wait3A_101 = arith.constant 0 : i32
    %dma_wait3A_102 = tpu.memref_slice %arg2[%dma_wait3A_100, %dma_wait3A_101] : memref<10240x64xf32, #tpu.memory_space<hbm>> -> memref<10240x64xf32, #tpu.memory_space<hbm>>
    tpu.wait_indirect_dma semaphore(%arg14 : memref<!tpu.dma_semaphore, #tpu.memory_space<semaphore_mem>>) src(%dma_wait3A_102 : memref<10240x64xf32, #tpu.memory_space<hbm>>) dst(%arg9 : memref<128x64xf32, #tpu.memory_space<vmem>>)
    %add3A = arith.constant 0 : i32
    %add3A_103 = arith.addi %sub3A_95, %add3A : i32
    %dma_start3A_104 = arith.constant 0 : i32
    %dma_start3A_105 = tpu.memref_slice %arg8[%add3A_103, %dma_start3A_104] : memref<80x128xi32, #tpu.memory_space<vmem>> -> memref<1x128xi32, #tpu.memory_space<vmem>>
    %dma_start3A_106 = tpu.memref_squeeze %dma_start3A_105 : memref<1x128xi32, #tpu.memory_space<vmem>> -> memref<128xi32, #tpu.memory_space<vmem>>
    %dma_start3A_107 = arith.constant 0 : i32
    %dma_start3A_108 = arith.constant 0 : i32
    %dma_start3A_109 = tpu.memref_slice %arg13[%dma_start3A_107, %dma_start3A_108] : memref<10240x64xf32, #tpu.memory_space<vmem_shared>> -> memref<10240x64xf32, #tpu.memory_space<vmem_shared>>
    tpu.enqueue_indirect_dma source(%arg9 : memref<128x64xf32, #tpu.memory_space<vmem>>) target(%dma_start3A_109 : memref<10240x64xf32, #tpu.memory_space<vmem_shared>>) offsets(%dma_start3A_106 : memref<128xi32, #tpu.memory_space<vmem>>) semaphore(%arg18 : memref<!tpu.dma_semaphore, #tpu.memory_space<semaphore_mem>>) {add = true}
    %dma_wait3A_110 = arith.constant 0 : i32
    %dma_wait3A_111 = arith.constant 0 : i32
    %dma_wait3A_112 = tpu.memref_slice %arg7[%dma_wait3A_110, %dma_wait3A_111] : memref<80x128xi32, #tpu.memory_space<vmem>> -> memref<1x128xi32, #tpu.memory_space<vmem>>
    %dma_wait3A_113 = tpu.memref_squeeze %dma_wait3A_112 : memref<1x128xi32, #tpu.memory_space<vmem>> -> memref<128xi32, #tpu.memory_space<vmem>>
    %dma_wait3A_114 = arith.constant 0 : i32
    %dma_wait3A_115 = arith.constant 0 : i32
    %dma_wait3A_116 = tpu.memref_slice %arg2[%dma_wait3A_114, %dma_wait3A_115] : memref<10240x64xf32, #tpu.memory_space<hbm>> -> memref<10240x64xf32, #tpu.memory_space<hbm>>
    tpu.wait_indirect_dma semaphore(%arg15 : memref<!tpu.dma_semaphore, #tpu.memory_space<semaphore_mem>>) src(%dma_wait3A_116 : memref<10240x64xf32, #tpu.memory_space<hbm>>) dst(%arg10 : memref<128x64xf32, #tpu.memory_space<vmem>>)
    %add3A_117 = arith.constant 1 : i32
    %add3A_118 = arith.addi %sub3A_95, %add3A_117 : i32
    %dma_start3A_119 = arith.constant 0 : i32
    %dma_start3A_120 = tpu.memref_slice %arg8[%add3A_118, %dma_start3A_119] : memref<80x128xi32, #tpu.memory_space<vmem>> -> memref<1x128xi32, #tpu.memory_space<vmem>>
    %dma_start3A_121 = tpu.memref_squeeze %dma_start3A_120 : memref<1x128xi32, #tpu.memory_space<vmem>> -> memref<128xi32, #tpu.memory_space<vmem>>
    %dma_start3A_122 = arith.constant 0 : i32
    %dma_start3A_123 = arith.constant 0 : i32
    %dma_start3A_124 = tpu.memref_slice %arg13[%dma_start3A_122, %dma_start3A_123] : memref<10240x64xf32, #tpu.memory_space<vmem_shared>> -> memref<10240x64xf32, #tpu.memory_space<vmem_shared>>
    tpu.enqueue_indirect_dma source(%arg10 : memref<128x64xf32, #tpu.memory_space<vmem>>) target(%dma_start3A_124 : memref<10240x64xf32, #tpu.memory_space<vmem_shared>>) offsets(%dma_start3A_121 : memref<128xi32, #tpu.memory_space<vmem>>) semaphore(%arg19 : memref<!tpu.dma_semaphore, #tpu.memory_space<semaphore_mem>>) {add = true}
    %dma_wait3A_125 = arith.constant 0 : i32
    %dma_wait3A_126 = arith.constant 0 : i32
    %dma_wait3A_127 = tpu.memref_slice %arg7[%dma_wait3A_125, %dma_wait3A_126] : memref<80x128xi32, #tpu.memory_space<vmem>> -> memref<1x128xi32, #tpu.memory_space<vmem>>
    %dma_wait3A_128 = tpu.memref_squeeze %dma_wait3A_127 : memref<1x128xi32, #tpu.memory_space<vmem>> -> memref<128xi32, #tpu.memory_space<vmem>>
    %dma_wait3A_129 = arith.constant 0 : i32
    %dma_wait3A_130 = arith.constant 0 : i32
    %dma_wait3A_131 = tpu.memref_slice %arg2[%dma_wait3A_129, %dma_wait3A_130] : memref<10240x64xf32, #tpu.memory_space<hbm>> -> memref<10240x64xf32, #tpu.memory_space<hbm>>
    tpu.wait_indirect_dma semaphore(%arg16 : memref<!tpu.dma_semaphore, #tpu.memory_space<semaphore_mem>>) src(%dma_wait3A_131 : memref<10240x64xf32, #tpu.memory_space<hbm>>) dst(%arg11 : memref<128x64xf32, #tpu.memory_space<vmem>>)
    %add3A_132 = arith.constant 2 : i32
    %add3A_133 = arith.addi %sub3A_95, %add3A_132 : i32
    %dma_start3A_134 = arith.constant 0 : i32
    %dma_start3A_135 = tpu.memref_slice %arg8[%add3A_133, %dma_start3A_134] : memref<80x128xi32, #tpu.memory_space<vmem>> -> memref<1x128xi32, #tpu.memory_space<vmem>>
    %dma_start3A_136 = tpu.memref_squeeze %dma_start3A_135 : memref<1x128xi32, #tpu.memory_space<vmem>> -> memref<128xi32, #tpu.memory_space<vmem>>
    %dma_start3A_137 = arith.constant 0 : i32
    %dma_start3A_138 = arith.constant 0 : i32
    %dma_start3A_139 = tpu.memref_slice %arg13[%dma_start3A_137, %dma_start3A_138] : memref<10240x64xf32, #tpu.memory_space<vmem_shared>> -> memref<10240x64xf32, #tpu.memory_space<vmem_shared>>
    tpu.enqueue_indirect_dma source(%arg11 : memref<128x64xf32, #tpu.memory_space<vmem>>) target(%dma_start3A_139 : memref<10240x64xf32, #tpu.memory_space<vmem_shared>>) offsets(%dma_start3A_136 : memref<128xi32, #tpu.memory_space<vmem>>) semaphore(%arg20 : memref<!tpu.dma_semaphore, #tpu.memory_space<semaphore_mem>>) {add = true}
    %dma_wait3A_140 = arith.constant 0 : i32
    %dma_wait3A_141 = arith.constant 0 : i32
    %dma_wait3A_142 = tpu.memref_slice %arg7[%dma_wait3A_140, %dma_wait3A_141] : memref<80x128xi32, #tpu.memory_space<vmem>> -> memref<1x128xi32, #tpu.memory_space<vmem>>
    %dma_wait3A_143 = tpu.memref_squeeze %dma_wait3A_142 : memref<1x128xi32, #tpu.memory_space<vmem>> -> memref<128xi32, #tpu.memory_space<vmem>>
    %dma_wait3A_144 = arith.constant 0 : i32
    %dma_wait3A_145 = arith.constant 0 : i32
    %dma_wait3A_146 = tpu.memref_slice %arg2[%dma_wait3A_144, %dma_wait3A_145] : memref<10240x64xf32, #tpu.memory_space<hbm>> -> memref<10240x64xf32, #tpu.memory_space<hbm>>
    tpu.wait_indirect_dma semaphore(%arg17 : memref<!tpu.dma_semaphore, #tpu.memory_space<semaphore_mem>>) src(%dma_wait3A_146 : memref<10240x64xf32, #tpu.memory_space<hbm>>) dst(%arg12 : memref<128x64xf32, #tpu.memory_space<vmem>>)
    %add3A_147 = arith.constant 3 : i32
    %add3A_148 = arith.addi %sub3A_95, %add3A_147 : i32
    %dma_start3A_149 = arith.constant 0 : i32
    %dma_start3A_150 = tpu.memref_slice %arg8[%add3A_148, %dma_start3A_149] : memref<80x128xi32, #tpu.memory_space<vmem>> -> memref<1x128xi32, #tpu.memory_space<vmem>>
    %dma_start3A_151 = tpu.memref_squeeze %dma_start3A_150 : memref<1x128xi32, #tpu.memory_space<vmem>> -> memref<128xi32, #tpu.memory_space<vmem>>
    %dma_start3A_152 = arith.constant 0 : i32
    %dma_start3A_153 = arith.constant 0 : i32
    %dma_start3A_154 = tpu.memref_slice %arg13[%dma_start3A_152, %dma_start3A_153] : memref<10240x64xf32, #tpu.memory_space<vmem_shared>> -> memref<10240x64xf32, #tpu.memory_space<vmem_shared>>
    tpu.enqueue_indirect_dma source(%arg12 : memref<128x64xf32, #tpu.memory_space<vmem>>) target(%dma_start3A_154 : memref<10240x64xf32, #tpu.memory_space<vmem_shared>>) offsets(%dma_start3A_151 : memref<128xi32, #tpu.memory_space<vmem>>) semaphore(%arg21 : memref<!tpu.dma_semaphore, #tpu.memory_space<semaphore_mem>>) {add = true}
    %dma_wait3A_155 = arith.constant 0 : i32
    %dma_wait3A_156 = arith.constant 0 : i32
    %dma_wait3A_157 = tpu.memref_slice %arg8[%dma_wait3A_155, %dma_wait3A_156] : memref<80x128xi32, #tpu.memory_space<vmem>> -> memref<1x128xi32, #tpu.memory_space<vmem>>
    %dma_wait3A_158 = tpu.memref_squeeze %dma_wait3A_157 : memref<1x128xi32, #tpu.memory_space<vmem>> -> memref<128xi32, #tpu.memory_space<vmem>>
    %dma_wait3A_159 = arith.constant 0 : i32
    %dma_wait3A_160 = arith.constant 0 : i32
    %dma_wait3A_161 = tpu.memref_slice %arg13[%dma_wait3A_159, %dma_wait3A_160] : memref<10240x64xf32, #tpu.memory_space<vmem_shared>> -> memref<10240x64xf32, #tpu.memory_space<vmem_shared>>
    tpu.wait_indirect_dma semaphore(%arg18 : memref<!tpu.dma_semaphore, #tpu.memory_space<semaphore_mem>>) src(%arg9 : memref<128x64xf32, #tpu.memory_space<vmem>>) dst(%dma_wait3A_161 : memref<10240x64xf32, #tpu.memory_space<vmem_shared>>)
    %dma_wait3A_162 = arith.constant 0 : i32
    %dma_wait3A_163 = arith.constant 0 : i32
    %dma_wait3A_164 = tpu.memref_slice %arg8[%dma_wait3A_162, %dma_wait3A_163] : memref<80x128xi32, #tpu.memory_space<vmem>> -> memref<1x128xi32, #tpu.memory_space<vmem>>
    %dma_wait3A_165 = tpu.memref_squeeze %dma_wait3A_164 : memref<1x128xi32, #tpu.memory_space<vmem>> -> memref<128xi32, #tpu.memory_space<vmem>>
    %dma_wait3A_166 = arith.constant 0 : i32
    %dma_wait3A_167 = arith.constant 0 : i32
    %dma_wait3A_168 = tpu.memref_slice %arg13[%dma_wait3A_166, %dma_wait3A_167] : memref<10240x64xf32, #tpu.memory_space<vmem_shared>> -> memref<10240x64xf32, #tpu.memory_space<vmem_shared>>
    tpu.wait_indirect_dma semaphore(%arg19 : memref<!tpu.dma_semaphore, #tpu.memory_space<semaphore_mem>>) src(%arg10 : memref<128x64xf32, #tpu.memory_space<vmem>>) dst(%dma_wait3A_168 : memref<10240x64xf32, #tpu.memory_space<vmem_shared>>)
    %dma_wait3A_169 = arith.constant 0 : i32
    %dma_wait3A_170 = arith.constant 0 : i32
    %dma_wait3A_171 = tpu.memref_slice %arg8[%dma_wait3A_169, %dma_wait3A_170] : memref<80x128xi32, #tpu.memory_space<vmem>> -> memref<1x128xi32, #tpu.memory_space<vmem>>
    %dma_wait3A_172 = tpu.memref_squeeze %dma_wait3A_171 : memref<1x128xi32, #tpu.memory_space<vmem>> -> memref<128xi32, #tpu.memory_space<vmem>>
    %dma_wait3A_173 = arith.constant 0 : i32
    %dma_wait3A_174 = arith.constant 0 : i32
    %dma_wait3A_175 = tpu.memref_slice %arg13[%dma_wait3A_173, %dma_wait3A_174] : memref<10240x64xf32, #tpu.memory_space<vmem_shared>> -> memref<10240x64xf32, #tpu.memory_space<vmem_shared>>
    tpu.wait_indirect_dma semaphore(%arg20 : memref<!tpu.dma_semaphore, #tpu.memory_space<semaphore_mem>>) src(%arg11 : memref<128x64xf32, #tpu.memory_space<vmem>>) dst(%dma_wait3A_175 : memref<10240x64xf32, #tpu.memory_space<vmem_shared>>)
    %dma_wait3A_176 = arith.constant 0 : i32
    %dma_wait3A_177 = arith.constant 0 : i32
    %dma_wait3A_178 = tpu.memref_slice %arg8[%dma_wait3A_176, %dma_wait3A_177] : memref<80x128xi32, #tpu.memory_space<vmem>> -> memref<1x128xi32, #tpu.memory_space<vmem>>
    %dma_wait3A_179 = tpu.memref_squeeze %dma_wait3A_178 : memref<1x128xi32, #tpu.memory_space<vmem>> -> memref<128xi32, #tpu.memory_space<vmem>>
    %dma_wait3A_180 = arith.constant 0 : i32
    %dma_wait3A_181 = arith.constant 0 : i32
    %dma_wait3A_182 = tpu.memref_slice %arg13[%dma_wait3A_180, %dma_wait3A_181] : memref<10240x64xf32, #tpu.memory_space<vmem_shared>> -> memref<10240x64xf32, #tpu.memory_space<vmem_shared>>
    tpu.wait_indirect_dma semaphore(%arg21 : memref<!tpu.dma_semaphore, #tpu.memory_space<semaphore_mem>>) src(%arg12 : memref<128x64xf32, #tpu.memory_space<vmem>>) dst(%dma_wait3A_182 : memref<10240x64xf32, #tpu.memory_space<vmem_shared>>)
    %barrier3A_183 = arith.constant 0 : index
    tpu.barrier barrier_id(%barrier3A_183)
    "tpu.region"() ({
      %run_scoped3A = tpu.sem_alloc : memref<!tpu.dma_semaphore, #tpu.memory_space<semaphore_mem>>
      %dma_start3A_184 = arith.constant 0 : i32
      %dma_start3A_185 = arith.constant 0 : i32
      %dma_start3A_186 = tpu.memref_slice %arg6[%arg0, %dma_start3A_184, %dma_start3A_185] : memref<2x10240x64xf32, #tpu.memory_space<hbm>> -> memref<1x10240x64xf32, #tpu.memory_space<hbm>>
      %dma_start3A_187 = tpu.memref_squeeze %dma_start3A_186 : memref<1x10240x64xf32, #tpu.memory_space<hbm>> -> memref<10240x64xf32, #tpu.memory_space<hbm>>
      %dma_start3A_188 = arith.constant 0 : i32
      %dma_start3A_189 = tpu.memref_slice %dma_start3A_187[%mul3A_0, %dma_start3A_188] : memref<10240x64xf32, #tpu.memory_space<hbm>> -> memref<640x64xf32, #tpu.memory_space<hbm>>
      %dma_start3A_190 = arith.constant 0 : i32
      %dma_start3A_191 = tpu.memref_slice %arg13[%mul3A_0, %dma_start3A_190] : memref<10240x64xf32, #tpu.memory_space<vmem_shared>> -> memref<640x64xf32, #tpu.memory_space<vmem_shared>>
      tpu.enqueue_dma source(%dma_start3A_191 : memref<640x64xf32, #tpu.memory_space<vmem_shared>>) target(%dma_start3A_189 : memref<640x64xf32, #tpu.memory_space<hbm>>) target_semaphore(%run_scoped3A : memref<!tpu.dma_semaphore, #tpu.memory_space<semaphore_mem>>)
      %dma_wait3A_192 = arith.constant 0 : i32
      %dma_wait3A_193 = arith.constant 0 : i32
      %dma_wait3A_194 = tpu.memref_slice %arg6[%arg0, %dma_wait3A_192, %dma_wait3A_193] : memref<2x10240x64xf32, #tpu.memory_space<hbm>> -> memref<1x10240x64xf32, #tpu.memory_space<hbm>>
      %dma_wait3A_195 = tpu.memref_squeeze %dma_wait3A_194 : memref<1x10240x64xf32, #tpu.memory_space<hbm>> -> memref<10240x64xf32, #tpu.memory_space<hbm>>
      %dma_wait3A_196 = arith.constant 0 : i32
      %dma_wait3A_197 = tpu.memref_slice %dma_wait3A_195[%mul3A_0, %dma_wait3A_196] : memref<10240x64xf32, #tpu.memory_space<hbm>> -> memref<640x64xf32, #tpu.memory_space<hbm>>
      %dma_wait3A_198 = arith.constant 0 : i32
      %dma_wait3A_199 = tpu.memref_slice %arg13[%mul3A_0, %dma_wait3A_198] : memref<10240x64xf32, #tpu.memory_space<vmem_shared>> -> memref<640x64xf32, #tpu.memory_space<vmem_shared>>
      tpu.wait_dma2 semaphore(%run_scoped3A : memref<!tpu.dma_semaphore, #tpu.memory_space<semaphore_mem>>) src(%dma_wait3A_199 : memref<640x64xf32, #tpu.memory_space<vmem_shared>>) dst(%dma_wait3A_197 : memref<640x64xf32, #tpu.memory_space<hbm>>)
      tpu.yield
    }) : () -> ()
    return
  }
}

#map = affine_map<(d0, d1) -> (0, 0)>
#map1 = affine_map<(d0, d1) -> (0, 0, 0)>
module attributes {stable_mosaic.version = 14 : i64} {
  func.func @_sc_deg_body(%arg0: i32, %arg1: i32, %arg2: memref<2560x128xi32, #tpu.memory_space<hbm>>, %arg3: memref<128x16xf32, #tpu.memory_space<hbm>>, %arg4: memref<640x16xf32, #tpu.memory_space<hbm>>, %arg5: memref<2x10240x16xf32, #tpu.memory_space<hbm>>, %arg6: memref<80x128xi32, #tpu.memory_space<vmem>>, %arg7: memref<128x16xf32, #tpu.memory_space<vmem>>, %arg8: memref<10240x16xf32, #tpu.memory_space<vmem_shared>>, %arg9: memref<!tpu.dma_semaphore, #tpu.memory_space<semaphore_mem>>) attributes {dimension_semantics = [#tpu.dimension_semantics<core_parallel>, #tpu.dimension_semantics<subcore_parallel>], iteration_bounds = array<i64: 2, 16>, scalar_prefetch = 0 : i64, scratch_operands = 4 : i64, tpu.core_type = #tpu.core_type<sc_vector_subcore>, window_params = [{transform_indices = #map}, {transform_indices = #map}, {transform_indices = #map}, {transform_indices = #map1}]} {
    %mul3A = arith.constant 16 : i32
    %mul3A_0 = arith.muli %arg0, %mul3A : i32
    %add3A = arith.addi %mul3A_0, %arg1 : i32
    %mul3A_1 = arith.constant 640 : i32
    %mul3A_2 = arith.muli %arg1, %mul3A_1 : i32
    "tpu.region"() ({
      %run_scoped3A = tpu.sem_alloc : memref<!tpu.dma_semaphore, #tpu.memory_space<semaphore_mem>>
      %dma_start3A = arith.constant 0 : i32
      %dma_start3A_11 = tpu.memref_slice %arg8[%mul3A_2, %dma_start3A] : memref<10240x16xf32, #tpu.memory_space<vmem_shared>> -> memref<640x16xf32, #tpu.memory_space<vmem_shared>>
      tpu.enqueue_dma source(%arg4 : memref<640x16xf32, #tpu.memory_space<hbm>>) target(%dma_start3A_11 : memref<640x16xf32, #tpu.memory_space<vmem_shared>>) target_semaphore(%run_scoped3A : memref<!tpu.dma_semaphore, #tpu.memory_space<semaphore_mem>>)
      %dma_wait3A = arith.constant 0 : i32
      %dma_wait3A_12 = tpu.memref_slice %arg8[%mul3A_2, %dma_wait3A] : memref<10240x16xf32, #tpu.memory_space<vmem_shared>> -> memref<640x16xf32, #tpu.memory_space<vmem_shared>>
      tpu.wait_dma2 semaphore(%run_scoped3A : memref<!tpu.dma_semaphore, #tpu.memory_space<semaphore_mem>>) src(%arg4 : memref<640x16xf32, #tpu.memory_space<hbm>>) dst(%dma_wait3A_12 : memref<640x16xf32, #tpu.memory_space<vmem_shared>>)
      tpu.yield
    }) : () -> ()
    "tpu.region"() ({
      %run_scoped3A = tpu.sem_alloc : memref<!tpu.dma_semaphore, #tpu.memory_space<semaphore_mem>>
      tpu.enqueue_dma source(%arg3 : memref<128x16xf32, #tpu.memory_space<hbm>>) target(%arg7 : memref<128x16xf32, #tpu.memory_space<vmem>>) target_semaphore(%run_scoped3A : memref<!tpu.dma_semaphore, #tpu.memory_space<semaphore_mem>>)
      tpu.wait_dma2 semaphore(%run_scoped3A : memref<!tpu.dma_semaphore, #tpu.memory_space<semaphore_mem>>) src(%arg3 : memref<128x16xf32, #tpu.memory_space<hbm>>) dst(%arg7 : memref<128x16xf32, #tpu.memory_space<vmem>>)
      tpu.yield
    }) : () -> ()
    %mul3A_3 = arith.constant 80 : i32
    %mul3A_4 = arith.muli %add3A, %mul3A_3 : i32
    "tpu.region"() ({
      %run_scoped3A = tpu.sem_alloc : memref<!tpu.dma_semaphore, #tpu.memory_space<semaphore_mem>>
      %dma_start3A = arith.constant 0 : i32
      %dma_start3A_11 = tpu.memref_slice %arg2[%mul3A_4, %dma_start3A] : memref<2560x128xi32, #tpu.memory_space<hbm>> -> memref<80x128xi32, #tpu.memory_space<hbm>>
      %dma_start3A_12 = arith.constant 0 : i32
      %dma_start3A_13 = tpu.memref_slice %arg2[%mul3A_4, %dma_start3A_12] : memref<2560x128xi32, #tpu.memory_space<hbm>> -> memref<80x128xi32, #tpu.memory_space<hbm>>
      tpu.enqueue_dma source(%dma_start3A_13 : memref<80x128xi32, #tpu.memory_space<hbm>>) target(%arg6 : memref<80x128xi32, #tpu.memory_space<vmem>>) target_semaphore(%run_scoped3A : memref<!tpu.dma_semaphore, #tpu.memory_space<semaphore_mem>>)
      %dma_wait3A = arith.constant 0 : i32
      %dma_wait3A_14 = tpu.memref_slice %arg2[%mul3A_4, %dma_wait3A] : memref<2560x128xi32, #tpu.memory_space<hbm>> -> memref<80x128xi32, #tpu.memory_space<hbm>>
      %dma_wait3A_15 = arith.constant 0 : i32
      %dma_wait3A_16 = tpu.memref_slice %arg2[%mul3A_4, %dma_wait3A_15] : memref<2560x128xi32, #tpu.memory_space<hbm>> -> memref<80x128xi32, #tpu.memory_space<hbm>>
      tpu.wait_dma2 semaphore(%run_scoped3A : memref<!tpu.dma_semaphore, #tpu.memory_space<semaphore_mem>>) src(%dma_wait3A_16 : memref<80x128xi32, #tpu.memory_space<hbm>>) dst(%arg6 : memref<80x128xi32, #tpu.memory_space<vmem>>)
      tpu.yield
    }) : () -> ()
    %barrier3A = arith.constant 0 : index
    tpu.barrier barrier_id(%barrier3A)
    %scan3A = arith.constant 0 : i32
    %scan3A_5 = arith.constant 0 : i32
    %scan3A_6 = arith.constant 10 : i32
    %scan3A_7 = arith.addi %scan3A_5, %scan3A_6 : i32
    %scan3A_8 = arith.constant 1 : i32
    scf.for %scan3A_11 = %scan3A_5 to %scan3A_7 step %scan3A_8  : i32 {
      %mul3A_12 = arith.constant 8 : i32
      %mul3A_13 = arith.muli %mul3A_12, %scan3A_11 : i32
      %add3A_14 = arith.constant 0 : i32
      %add3A_15 = arith.addi %mul3A_13, %add3A_14 : i32
      %dma_start3A = arith.constant 0 : i32
      %dma_start3A_16 = tpu.memref_slice %arg6[%add3A_15, %dma_start3A] : memref<80x128xi32, #tpu.memory_space<vmem>> -> memref<1x128xi32, #tpu.memory_space<vmem>>
      %dma_start3A_17 = tpu.memref_squeeze %dma_start3A_16 : memref<1x128xi32, #tpu.memory_space<vmem>> -> memref<128xi32, #tpu.memory_space<vmem>>
      %dma_start3A_18 = arith.constant 0 : i32
      %dma_start3A_19 = arith.constant 0 : i32
      %dma_start3A_20 = tpu.memref_slice %arg8[%dma_start3A_18, %dma_start3A_19] : memref<10240x16xf32, #tpu.memory_space<vmem_shared>> -> memref<10240x16xf32, #tpu.memory_space<vmem_shared>>
      tpu.enqueue_indirect_dma source(%arg7 : memref<128x16xf32, #tpu.memory_space<vmem>>) target(%dma_start3A_20 : memref<10240x16xf32, #tpu.memory_space<vmem_shared>>) offsets(%dma_start3A_17 : memref<128xi32, #tpu.memory_space<vmem>>) semaphore(%arg9 : memref<!tpu.dma_semaphore, #tpu.memory_space<semaphore_mem>>) {add = true}
      %mul3A_21 = arith.constant 8 : i32
      %mul3A_22 = arith.muli %mul3A_21, %scan3A_11 : i32
      %add3A_23 = arith.constant 1 : i32
      %add3A_24 = arith.addi %mul3A_22, %add3A_23 : i32
      %dma_start3A_25 = arith.constant 0 : i32
      %dma_start3A_26 = tpu.memref_slice %arg6[%add3A_24, %dma_start3A_25] : memref<80x128xi32, #tpu.memory_space<vmem>> -> memref<1x128xi32, #tpu.memory_space<vmem>>
      %dma_start3A_27 = tpu.memref_squeeze %dma_start3A_26 : memref<1x128xi32, #tpu.memory_space<vmem>> -> memref<128xi32, #tpu.memory_space<vmem>>
      %dma_start3A_28 = arith.constant 0 : i32
      %dma_start3A_29 = arith.constant 0 : i32
      %dma_start3A_30 = tpu.memref_slice %arg8[%dma_start3A_28, %dma_start3A_29] : memref<10240x16xf32, #tpu.memory_space<vmem_shared>> -> memref<10240x16xf32, #tpu.memory_space<vmem_shared>>
      tpu.enqueue_indirect_dma source(%arg7 : memref<128x16xf32, #tpu.memory_space<vmem>>) target(%dma_start3A_30 : memref<10240x16xf32, #tpu.memory_space<vmem_shared>>) offsets(%dma_start3A_27 : memref<128xi32, #tpu.memory_space<vmem>>) semaphore(%arg9 : memref<!tpu.dma_semaphore, #tpu.memory_space<semaphore_mem>>) {add = true}
      %mul3A_31 = arith.constant 8 : i32
      %mul3A_32 = arith.muli %mul3A_31, %scan3A_11 : i32
      %add3A_33 = arith.constant 2 : i32
      %add3A_34 = arith.addi %mul3A_32, %add3A_33 : i32
      %dma_start3A_35 = arith.constant 0 : i32
      %dma_start3A_36 = tpu.memref_slice %arg6[%add3A_34, %dma_start3A_35] : memref<80x128xi32, #tpu.memory_space<vmem>> -> memref<1x128xi32, #tpu.memory_space<vmem>>
      %dma_start3A_37 = tpu.memref_squeeze %dma_start3A_36 : memref<1x128xi32, #tpu.memory_space<vmem>> -> memref<128xi32, #tpu.memory_space<vmem>>
      %dma_start3A_38 = arith.constant 0 : i32
      %dma_start3A_39 = arith.constant 0 : i32
      %dma_start3A_40 = tpu.memref_slice %arg8[%dma_start3A_38, %dma_start3A_39] : memref<10240x16xf32, #tpu.memory_space<vmem_shared>> -> memref<10240x16xf32, #tpu.memory_space<vmem_shared>>
      tpu.enqueue_indirect_dma source(%arg7 : memref<128x16xf32, #tpu.memory_space<vmem>>) target(%dma_start3A_40 : memref<10240x16xf32, #tpu.memory_space<vmem_shared>>) offsets(%dma_start3A_37 : memref<128xi32, #tpu.memory_space<vmem>>) semaphore(%arg9 : memref<!tpu.dma_semaphore, #tpu.memory_space<semaphore_mem>>) {add = true}
      %mul3A_41 = arith.constant 8 : i32
      %mul3A_42 = arith.muli %mul3A_41, %scan3A_11 : i32
      %add3A_43 = arith.constant 3 : i32
      %add3A_44 = arith.addi %mul3A_42, %add3A_43 : i32
      %dma_start3A_45 = arith.constant 0 : i32
      %dma_start3A_46 = tpu.memref_slice %arg6[%add3A_44, %dma_start3A_45] : memref<80x128xi32, #tpu.memory_space<vmem>> -> memref<1x128xi32, #tpu.memory_space<vmem>>
      %dma_start3A_47 = tpu.memref_squeeze %dma_start3A_46 : memref<1x128xi32, #tpu.memory_space<vmem>> -> memref<128xi32, #tpu.memory_space<vmem>>
      %dma_start3A_48 = arith.constant 0 : i32
      %dma_start3A_49 = arith.constant 0 : i32
      %dma_start3A_50 = tpu.memref_slice %arg8[%dma_start3A_48, %dma_start3A_49] : memref<10240x16xf32, #tpu.memory_space<vmem_shared>> -> memref<10240x16xf32, #tpu.memory_space<vmem_shared>>
      tpu.enqueue_indirect_dma source(%arg7 : memref<128x16xf32, #tpu.memory_space<vmem>>) target(%dma_start3A_50 : memref<10240x16xf32, #tpu.memory_space<vmem_shared>>) offsets(%dma_start3A_47 : memref<128xi32, #tpu.memory_space<vmem>>) semaphore(%arg9 : memref<!tpu.dma_semaphore, #tpu.memory_space<semaphore_mem>>) {add = true}
      %mul3A_51 = arith.constant 8 : i32
      %mul3A_52 = arith.muli %mul3A_51, %scan3A_11 : i32
      %add3A_53 = arith.constant 4 : i32
      %add3A_54 = arith.addi %mul3A_52, %add3A_53 : i32
      %dma_start3A_55 = arith.constant 0 : i32
      %dma_start3A_56 = tpu.memref_slice %arg6[%add3A_54, %dma_start3A_55] : memref<80x128xi32, #tpu.memory_space<vmem>> -> memref<1x128xi32, #tpu.memory_space<vmem>>
      %dma_start3A_57 = tpu.memref_squeeze %dma_start3A_56 : memref<1x128xi32, #tpu.memory_space<vmem>> -> memref<128xi32, #tpu.memory_space<vmem>>
      %dma_start3A_58 = arith.constant 0 : i32
      %dma_start3A_59 = arith.constant 0 : i32
      %dma_start3A_60 = tpu.memref_slice %arg8[%dma_start3A_58, %dma_start3A_59] : memref<10240x16xf32, #tpu.memory_space<vmem_shared>> -> memref<10240x16xf32, #tpu.memory_space<vmem_shared>>
      tpu.enqueue_indirect_dma source(%arg7 : memref<128x16xf32, #tpu.memory_space<vmem>>) target(%dma_start3A_60 : memref<10240x16xf32, #tpu.memory_space<vmem_shared>>) offsets(%dma_start3A_57 : memref<128xi32, #tpu.memory_space<vmem>>) semaphore(%arg9 : memref<!tpu.dma_semaphore, #tpu.memory_space<semaphore_mem>>) {add = true}
      %mul3A_61 = arith.constant 8 : i32
      %mul3A_62 = arith.muli %mul3A_61, %scan3A_11 : i32
      %add3A_63 = arith.constant 5 : i32
      %add3A_64 = arith.addi %mul3A_62, %add3A_63 : i32
      %dma_start3A_65 = arith.constant 0 : i32
      %dma_start3A_66 = tpu.memref_slice %arg6[%add3A_64, %dma_start3A_65] : memref<80x128xi32, #tpu.memory_space<vmem>> -> memref<1x128xi32, #tpu.memory_space<vmem>>
      %dma_start3A_67 = tpu.memref_squeeze %dma_start3A_66 : memref<1x128xi32, #tpu.memory_space<vmem>> -> memref<128xi32, #tpu.memory_space<vmem>>
      %dma_start3A_68 = arith.constant 0 : i32
      %dma_start3A_69 = arith.constant 0 : i32
      %dma_start3A_70 = tpu.memref_slice %arg8[%dma_start3A_68, %dma_start3A_69] : memref<10240x16xf32, #tpu.memory_space<vmem_shared>> -> memref<10240x16xf32, #tpu.memory_space<vmem_shared>>
      tpu.enqueue_indirect_dma source(%arg7 : memref<128x16xf32, #tpu.memory_space<vmem>>) target(%dma_start3A_70 : memref<10240x16xf32, #tpu.memory_space<vmem_shared>>) offsets(%dma_start3A_67 : memref<128xi32, #tpu.memory_space<vmem>>) semaphore(%arg9 : memref<!tpu.dma_semaphore, #tpu.memory_space<semaphore_mem>>) {add = true}
      %mul3A_71 = arith.constant 8 : i32
      %mul3A_72 = arith.muli %mul3A_71, %scan3A_11 : i32
      %add3A_73 = arith.constant 6 : i32
      %add3A_74 = arith.addi %mul3A_72, %add3A_73 : i32
      %dma_start3A_75 = arith.constant 0 : i32
      %dma_start3A_76 = tpu.memref_slice %arg6[%add3A_74, %dma_start3A_75] : memref<80x128xi32, #tpu.memory_space<vmem>> -> memref<1x128xi32, #tpu.memory_space<vmem>>
      %dma_start3A_77 = tpu.memref_squeeze %dma_start3A_76 : memref<1x128xi32, #tpu.memory_space<vmem>> -> memref<128xi32, #tpu.memory_space<vmem>>
      %dma_start3A_78 = arith.constant 0 : i32
      %dma_start3A_79 = arith.constant 0 : i32
      %dma_start3A_80 = tpu.memref_slice %arg8[%dma_start3A_78, %dma_start3A_79] : memref<10240x16xf32, #tpu.memory_space<vmem_shared>> -> memref<10240x16xf32, #tpu.memory_space<vmem_shared>>
      tpu.enqueue_indirect_dma source(%arg7 : memref<128x16xf32, #tpu.memory_space<vmem>>) target(%dma_start3A_80 : memref<10240x16xf32, #tpu.memory_space<vmem_shared>>) offsets(%dma_start3A_77 : memref<128xi32, #tpu.memory_space<vmem>>) semaphore(%arg9 : memref<!tpu.dma_semaphore, #tpu.memory_space<semaphore_mem>>) {add = true}
      %mul3A_81 = arith.constant 8 : i32
      %mul3A_82 = arith.muli %mul3A_81, %scan3A_11 : i32
      %add3A_83 = arith.constant 7 : i32
      %add3A_84 = arith.addi %mul3A_82, %add3A_83 : i32
      %dma_start3A_85 = arith.constant 0 : i32
      %dma_start3A_86 = tpu.memref_slice %arg6[%add3A_84, %dma_start3A_85] : memref<80x128xi32, #tpu.memory_space<vmem>> -> memref<1x128xi32, #tpu.memory_space<vmem>>
      %dma_start3A_87 = tpu.memref_squeeze %dma_start3A_86 : memref<1x128xi32, #tpu.memory_space<vmem>> -> memref<128xi32, #tpu.memory_space<vmem>>
      %dma_start3A_88 = arith.constant 0 : i32
      %dma_start3A_89 = arith.constant 0 : i32
      %dma_start3A_90 = tpu.memref_slice %arg8[%dma_start3A_88, %dma_start3A_89] : memref<10240x16xf32, #tpu.memory_space<vmem_shared>> -> memref<10240x16xf32, #tpu.memory_space<vmem_shared>>
      tpu.enqueue_indirect_dma source(%arg7 : memref<128x16xf32, #tpu.memory_space<vmem>>) target(%dma_start3A_90 : memref<10240x16xf32, #tpu.memory_space<vmem_shared>>) offsets(%dma_start3A_87 : memref<128xi32, #tpu.memory_space<vmem>>) semaphore(%arg9 : memref<!tpu.dma_semaphore, #tpu.memory_space<semaphore_mem>>) {add = true}
      %dma_wait3A = arith.constant 0 : i32
      %dma_wait3A_91 = tpu.memref_slice %arg6[%add3A_15, %dma_wait3A] : memref<80x128xi32, #tpu.memory_space<vmem>> -> memref<1x128xi32, #tpu.memory_space<vmem>>
      %dma_wait3A_92 = tpu.memref_squeeze %dma_wait3A_91 : memref<1x128xi32, #tpu.memory_space<vmem>> -> memref<128xi32, #tpu.memory_space<vmem>>
      %dma_wait3A_93 = arith.constant 0 : i32
      %dma_wait3A_94 = arith.constant 0 : i32
      %dma_wait3A_95 = tpu.memref_slice %arg8[%dma_wait3A_93, %dma_wait3A_94] : memref<10240x16xf32, #tpu.memory_space<vmem_shared>> -> memref<10240x16xf32, #tpu.memory_space<vmem_shared>>
      tpu.wait_indirect_dma semaphore(%arg9 : memref<!tpu.dma_semaphore, #tpu.memory_space<semaphore_mem>>) src(%arg7 : memref<128x16xf32, #tpu.memory_space<vmem>>) dst(%dma_wait3A_95 : memref<10240x16xf32, #tpu.memory_space<vmem_shared>>)
      %dma_wait3A_96 = arith.constant 0 : i32
      %dma_wait3A_97 = tpu.memref_slice %arg6[%add3A_24, %dma_wait3A_96] : memref<80x128xi32, #tpu.memory_space<vmem>> -> memref<1x128xi32, #tpu.memory_space<vmem>>
      %dma_wait3A_98 = tpu.memref_squeeze %dma_wait3A_97 : memref<1x128xi32, #tpu.memory_space<vmem>> -> memref<128xi32, #tpu.memory_space<vmem>>
      %dma_wait3A_99 = arith.constant 0 : i32
      %dma_wait3A_100 = arith.constant 0 : i32
      %dma_wait3A_101 = tpu.memref_slice %arg8[%dma_wait3A_99, %dma_wait3A_100] : memref<10240x16xf32, #tpu.memory_space<vmem_shared>> -> memref<10240x16xf32, #tpu.memory_space<vmem_shared>>
      tpu.wait_indirect_dma semaphore(%arg9 : memref<!tpu.dma_semaphore, #tpu.memory_space<semaphore_mem>>) src(%arg7 : memref<128x16xf32, #tpu.memory_space<vmem>>) dst(%dma_wait3A_101 : memref<10240x16xf32, #tpu.memory_space<vmem_shared>>)
      %dma_wait3A_102 = arith.constant 0 : i32
      %dma_wait3A_103 = tpu.memref_slice %arg6[%add3A_34, %dma_wait3A_102] : memref<80x128xi32, #tpu.memory_space<vmem>> -> memref<1x128xi32, #tpu.memory_space<vmem>>
      %dma_wait3A_104 = tpu.memref_squeeze %dma_wait3A_103 : memref<1x128xi32, #tpu.memory_space<vmem>> -> memref<128xi32, #tpu.memory_space<vmem>>
      %dma_wait3A_105 = arith.constant 0 : i32
      %dma_wait3A_106 = arith.constant 0 : i32
      %dma_wait3A_107 = tpu.memref_slice %arg8[%dma_wait3A_105, %dma_wait3A_106] : memref<10240x16xf32, #tpu.memory_space<vmem_shared>> -> memref<10240x16xf32, #tpu.memory_space<vmem_shared>>
      tpu.wait_indirect_dma semaphore(%arg9 : memref<!tpu.dma_semaphore, #tpu.memory_space<semaphore_mem>>) src(%arg7 : memref<128x16xf32, #tpu.memory_space<vmem>>) dst(%dma_wait3A_107 : memref<10240x16xf32, #tpu.memory_space<vmem_shared>>)
      %dma_wait3A_108 = arith.constant 0 : i32
      %dma_wait3A_109 = tpu.memref_slice %arg6[%add3A_44, %dma_wait3A_108] : memref<80x128xi32, #tpu.memory_space<vmem>> -> memref<1x128xi32, #tpu.memory_space<vmem>>
      %dma_wait3A_110 = tpu.memref_squeeze %dma_wait3A_109 : memref<1x128xi32, #tpu.memory_space<vmem>> -> memref<128xi32, #tpu.memory_space<vmem>>
      %dma_wait3A_111 = arith.constant 0 : i32
      %dma_wait3A_112 = arith.constant 0 : i32
      %dma_wait3A_113 = tpu.memref_slice %arg8[%dma_wait3A_111, %dma_wait3A_112] : memref<10240x16xf32, #tpu.memory_space<vmem_shared>> -> memref<10240x16xf32, #tpu.memory_space<vmem_shared>>
      tpu.wait_indirect_dma semaphore(%arg9 : memref<!tpu.dma_semaphore, #tpu.memory_space<semaphore_mem>>) src(%arg7 : memref<128x16xf32, #tpu.memory_space<vmem>>) dst(%dma_wait3A_113 : memref<10240x16xf32, #tpu.memory_space<vmem_shared>>)
      %dma_wait3A_114 = arith.constant 0 : i32
      %dma_wait3A_115 = tpu.memref_slice %arg6[%add3A_54, %dma_wait3A_114] : memref<80x128xi32, #tpu.memory_space<vmem>> -> memref<1x128xi32, #tpu.memory_space<vmem>>
      %dma_wait3A_116 = tpu.memref_squeeze %dma_wait3A_115 : memref<1x128xi32, #tpu.memory_space<vmem>> -> memref<128xi32, #tpu.memory_space<vmem>>
      %dma_wait3A_117 = arith.constant 0 : i32
      %dma_wait3A_118 = arith.constant 0 : i32
      %dma_wait3A_119 = tpu.memref_slice %arg8[%dma_wait3A_117, %dma_wait3A_118] : memref<10240x16xf32, #tpu.memory_space<vmem_shared>> -> memref<10240x16xf32, #tpu.memory_space<vmem_shared>>
      tpu.wait_indirect_dma semaphore(%arg9 : memref<!tpu.dma_semaphore, #tpu.memory_space<semaphore_mem>>) src(%arg7 : memref<128x16xf32, #tpu.memory_space<vmem>>) dst(%dma_wait3A_119 : memref<10240x16xf32, #tpu.memory_space<vmem_shared>>)
      %dma_wait3A_120 = arith.constant 0 : i32
      %dma_wait3A_121 = tpu.memref_slice %arg6[%add3A_64, %dma_wait3A_120] : memref<80x128xi32, #tpu.memory_space<vmem>> -> memref<1x128xi32, #tpu.memory_space<vmem>>
      %dma_wait3A_122 = tpu.memref_squeeze %dma_wait3A_121 : memref<1x128xi32, #tpu.memory_space<vmem>> -> memref<128xi32, #tpu.memory_space<vmem>>
      %dma_wait3A_123 = arith.constant 0 : i32
      %dma_wait3A_124 = arith.constant 0 : i32
      %dma_wait3A_125 = tpu.memref_slice %arg8[%dma_wait3A_123, %dma_wait3A_124] : memref<10240x16xf32, #tpu.memory_space<vmem_shared>> -> memref<10240x16xf32, #tpu.memory_space<vmem_shared>>
      tpu.wait_indirect_dma semaphore(%arg9 : memref<!tpu.dma_semaphore, #tpu.memory_space<semaphore_mem>>) src(%arg7 : memref<128x16xf32, #tpu.memory_space<vmem>>) dst(%dma_wait3A_125 : memref<10240x16xf32, #tpu.memory_space<vmem_shared>>)
      %dma_wait3A_126 = arith.constant 0 : i32
      %dma_wait3A_127 = tpu.memref_slice %arg6[%add3A_74, %dma_wait3A_126] : memref<80x128xi32, #tpu.memory_space<vmem>> -> memref<1x128xi32, #tpu.memory_space<vmem>>
      %dma_wait3A_128 = tpu.memref_squeeze %dma_wait3A_127 : memref<1x128xi32, #tpu.memory_space<vmem>> -> memref<128xi32, #tpu.memory_space<vmem>>
      %dma_wait3A_129 = arith.constant 0 : i32
      %dma_wait3A_130 = arith.constant 0 : i32
      %dma_wait3A_131 = tpu.memref_slice %arg8[%dma_wait3A_129, %dma_wait3A_130] : memref<10240x16xf32, #tpu.memory_space<vmem_shared>> -> memref<10240x16xf32, #tpu.memory_space<vmem_shared>>
      tpu.wait_indirect_dma semaphore(%arg9 : memref<!tpu.dma_semaphore, #tpu.memory_space<semaphore_mem>>) src(%arg7 : memref<128x16xf32, #tpu.memory_space<vmem>>) dst(%dma_wait3A_131 : memref<10240x16xf32, #tpu.memory_space<vmem_shared>>)
      %dma_wait3A_132 = arith.constant 0 : i32
      %dma_wait3A_133 = tpu.memref_slice %arg6[%add3A_84, %dma_wait3A_132] : memref<80x128xi32, #tpu.memory_space<vmem>> -> memref<1x128xi32, #tpu.memory_space<vmem>>
      %dma_wait3A_134 = tpu.memref_squeeze %dma_wait3A_133 : memref<1x128xi32, #tpu.memory_space<vmem>> -> memref<128xi32, #tpu.memory_space<vmem>>
      %dma_wait3A_135 = arith.constant 0 : i32
      %dma_wait3A_136 = arith.constant 0 : i32
      %dma_wait3A_137 = tpu.memref_slice %arg8[%dma_wait3A_135, %dma_wait3A_136] : memref<10240x16xf32, #tpu.memory_space<vmem_shared>> -> memref<10240x16xf32, #tpu.memory_space<vmem_shared>>
      tpu.wait_indirect_dma semaphore(%arg9 : memref<!tpu.dma_semaphore, #tpu.memory_space<semaphore_mem>>) src(%arg7 : memref<128x16xf32, #tpu.memory_space<vmem>>) dst(%dma_wait3A_137 : memref<10240x16xf32, #tpu.memory_space<vmem_shared>>)
    }
    %scan3A_9 = arith.constant 10 : i32
    %barrier3A_10 = arith.constant 0 : index
    tpu.barrier barrier_id(%barrier3A_10)
    "tpu.region"() ({
      %run_scoped3A = tpu.sem_alloc : memref<!tpu.dma_semaphore, #tpu.memory_space<semaphore_mem>>
      %dma_start3A = arith.constant 0 : i32
      %dma_start3A_11 = arith.constant 0 : i32
      %dma_start3A_12 = tpu.memref_slice %arg5[%arg0, %dma_start3A, %dma_start3A_11] : memref<2x10240x16xf32, #tpu.memory_space<hbm>> -> memref<1x10240x16xf32, #tpu.memory_space<hbm>>
      %dma_start3A_13 = tpu.memref_squeeze %dma_start3A_12 : memref<1x10240x16xf32, #tpu.memory_space<hbm>> -> memref<10240x16xf32, #tpu.memory_space<hbm>>
      %dma_start3A_14 = arith.constant 0 : i32
      %dma_start3A_15 = tpu.memref_slice %dma_start3A_13[%mul3A_2, %dma_start3A_14] : memref<10240x16xf32, #tpu.memory_space<hbm>> -> memref<640x16xf32, #tpu.memory_space<hbm>>
      %dma_start3A_16 = arith.constant 0 : i32
      %dma_start3A_17 = tpu.memref_slice %arg8[%mul3A_2, %dma_start3A_16] : memref<10240x16xf32, #tpu.memory_space<vmem_shared>> -> memref<640x16xf32, #tpu.memory_space<vmem_shared>>
      tpu.enqueue_dma source(%dma_start3A_17 : memref<640x16xf32, #tpu.memory_space<vmem_shared>>) target(%dma_start3A_15 : memref<640x16xf32, #tpu.memory_space<hbm>>) target_semaphore(%run_scoped3A : memref<!tpu.dma_semaphore, #tpu.memory_space<semaphore_mem>>)
      %dma_wait3A = arith.constant 0 : i32
      %dma_wait3A_18 = arith.constant 0 : i32
      %dma_wait3A_19 = tpu.memref_slice %arg5[%arg0, %dma_wait3A, %dma_wait3A_18] : memref<2x10240x16xf32, #tpu.memory_space<hbm>> -> memref<1x10240x16xf32, #tpu.memory_space<hbm>>
      %dma_wait3A_20 = tpu.memref_squeeze %dma_wait3A_19 : memref<1x10240x16xf32, #tpu.memory_space<hbm>> -> memref<10240x16xf32, #tpu.memory_space<hbm>>
      %dma_wait3A_21 = arith.constant 0 : i32
      %dma_wait3A_22 = tpu.memref_slice %dma_wait3A_20[%mul3A_2, %dma_wait3A_21] : memref<10240x16xf32, #tpu.memory_space<hbm>> -> memref<640x16xf32, #tpu.memory_space<hbm>>
      %dma_wait3A_23 = arith.constant 0 : i32
      %dma_wait3A_24 = tpu.memref_slice %arg8[%mul3A_2, %dma_wait3A_23] : memref<10240x16xf32, #tpu.memory_space<vmem_shared>> -> memref<640x16xf32, #tpu.memory_space<vmem_shared>>
      tpu.wait_dma2 semaphore(%run_scoped3A : memref<!tpu.dma_semaphore, #tpu.memory_space<semaphore_mem>>) src(%dma_wait3A_24 : memref<640x16xf32, #tpu.memory_space<vmem_shared>>) dst(%dma_wait3A_22 : memref<640x16xf32, #tpu.memory_space<hbm>>)
      tpu.yield
    }) : () -> ()
    return
  }
}

#map = affine_map<(d0, d1) -> (0, 0)>
#map1 = affine_map<(d0, d1) -> (0, 0, 0)>
module attributes {stable_mosaic.version = 14 : i64} {
  func.func @_sc_gs_body(%arg0: i32, %arg1: i32, %arg2: memref<10240x64xf32, #tpu.memory_space<hbm>>, %arg3: memref<2560x128xi32, #tpu.memory_space<hbm>>, %arg4: memref<2560x128xi32, #tpu.memory_space<hbm>>, %arg5: memref<640x64xf32, #tpu.memory_space<hbm>>, %arg6: memref<2x10240x64xf32, #tpu.memory_space<hbm>>, %arg7: memref<80x128xi32, #tpu.memory_space<vmem>>, %arg8: memref<80x128xi32, #tpu.memory_space<vmem>>, %arg9: memref<128x64xf32, #tpu.memory_space<vmem>>, %arg10: memref<128x64xf32, #tpu.memory_space<vmem>>, %arg11: memref<128x64xf32, #tpu.memory_space<vmem>>, %arg12: memref<128x64xf32, #tpu.memory_space<vmem>>, %arg13: memref<10240x64xf32, #tpu.memory_space<vmem_shared>>, %arg14: memref<!tpu.dma_semaphore, #tpu.memory_space<semaphore_mem>>, %arg15: memref<!tpu.dma_semaphore, #tpu.memory_space<semaphore_mem>>, %arg16: memref<!tpu.dma_semaphore, #tpu.memory_space<semaphore_mem>>, %arg17: memref<!tpu.dma_semaphore, #tpu.memory_space<semaphore_mem>>, %arg18: memref<!tpu.dma_semaphore, #tpu.memory_space<semaphore_mem>>, %arg19: memref<!tpu.dma_semaphore, #tpu.memory_space<semaphore_mem>>, %arg20: memref<!tpu.dma_semaphore, #tpu.memory_space<semaphore_mem>>, %arg21: memref<!tpu.dma_semaphore, #tpu.memory_space<semaphore_mem>>) attributes {dimension_semantics = [#tpu.dimension_semantics<core_parallel>, #tpu.dimension_semantics<subcore_parallel>], iteration_bounds = array<i64: 2, 16>, scalar_prefetch = 0 : i64, scratch_operands = 15 : i64, tpu.core_type = #tpu.core_type<sc_vector_subcore>, window_params = [{transform_indices = #map}, {transform_indices = #map}, {transform_indices = #map}, {transform_indices = #map}, {transform_indices = #map1}]} {
    %mul3A = arith.constant 640 : i32
    %mul3A_0 = arith.muli %arg1, %mul3A : i32
    %eq3A = arith.constant 0 : i32
    %eq3A_1 = arith.cmpi eq, %arg0, %eq3A : i32
    %jit3A = arith.constant 80 : i32
    %jit3A_2 = arith.constant 80 : i32
    %select_n3A = arith.select %eq3A_1, %jit3A, %jit3A_2 : i32
    %dma_start3A = arith.constant 0 : i32
    %dma_start3A_3 = tpu.memref_slice %arg13[%mul3A_0, %dma_start3A] : memref<10240x64xf32, #tpu.memory_space<vmem_shared>> -> memref<640x64xf32, #tpu.memory_space<vmem_shared>>
    tpu.enqueue_dma source(%arg5 : memref<640x64xf32, #tpu.memory_space<hbm>>) target(%dma_start3A_3 : memref<640x64xf32, #tpu.memory_space<vmem_shared>>) target_semaphore(%arg18 : memref<!tpu.dma_semaphore, #tpu.memory_space<semaphore_mem>>)
    %eq3A_4 = arith.constant 0 : i32
    %eq3A_5 = arith.cmpi eq, %arg0, %eq3A_4 : i32
    %convert_element_type3A = arith.extui %eq3A_5 : i1 to i32
    %cond3A = arith.constant 0 : i32
    %cond3A_6 = arith.cmpi ne, %convert_element_type3A, %cond3A : i32
    scf.if %cond3A_6 {
      %mul3A_184 = arith.constant 80 : i32
      %mul3A_185 = arith.muli %arg1, %mul3A_184 : i32
      %dma_start3A_186 = arith.constant 0 : i32
      %dma_start3A_187 = arith.constant 0 : i32
      %dma_start3A_188 = tpu.memref_slice %arg7[%dma_start3A_186, %dma_start3A_187] : memref<80x128xi32, #tpu.memory_space<vmem>> -> memref<80x128xi32, #tpu.memory_space<vmem>>
      %dma_start3A_189 = arith.constant 0 : i32
      %dma_start3A_190 = tpu.memref_slice %arg3[%mul3A_185, %dma_start3A_189] : memref<2560x128xi32, #tpu.memory_space<hbm>> -> memref<80x128xi32, #tpu.memory_space<hbm>>
      %dma_start3A_191 = arith.constant 0 : i32
      %dma_start3A_192 = arith.constant 0 : i32
      %dma_start3A_193 = tpu.memref_slice %arg7[%dma_start3A_191, %dma_start3A_192] : memref<80x128xi32, #tpu.memory_space<vmem>> -> memref<80x128xi32, #tpu.memory_space<vmem>>
      %dma_start3A_194 = arith.constant 0 : i32
      %dma_start3A_195 = tpu.memref_slice %arg3[%mul3A_185, %dma_start3A_194] : memref<2560x128xi32, #tpu.memory_space<hbm>> -> memref<80x128xi32, #tpu.memory_space<hbm>>
      tpu.enqueue_dma source(%dma_start3A_195 : memref<80x128xi32, #tpu.memory_space<hbm>>) target(%dma_start3A_193 : memref<80x128xi32, #tpu.memory_space<vmem>>) target_semaphore(%arg19 : memref<!tpu.dma_semaphore, #tpu.memory_space<semaphore_mem>>)
      %mul3A_196 = arith.constant 80 : i32
      %mul3A_197 = arith.muli %arg1, %mul3A_196 : i32
      %dma_start3A_198 = arith.constant 0 : i32
      %dma_start3A_199 = arith.constant 0 : i32
      %dma_start3A_200 = tpu.memref_slice %arg8[%dma_start3A_198, %dma_start3A_199] : memref<80x128xi32, #tpu.memory_space<vmem>> -> memref<80x128xi32, #tpu.memory_space<vmem>>
      %dma_start3A_201 = arith.constant 0 : i32
      %dma_start3A_202 = tpu.memref_slice %arg4[%mul3A_197, %dma_start3A_201] : memref<2560x128xi32, #tpu.memory_space<hbm>> -> memref<80x128xi32, #tpu.memory_space<hbm>>
      %dma_start3A_203 = arith.constant 0 : i32
      %dma_start3A_204 = arith.constant 0 : i32
      %dma_start3A_205 = tpu.memref_slice %arg8[%dma_start3A_203, %dma_start3A_204] : memref<80x128xi32, #tpu.memory_space<vmem>> -> memref<80x128xi32, #tpu.memory_space<vmem>>
      %dma_start3A_206 = arith.constant 0 : i32
      %dma_start3A_207 = tpu.memref_slice %arg4[%mul3A_197, %dma_start3A_206] : memref<2560x128xi32, #tpu.memory_space<hbm>> -> memref<80x128xi32, #tpu.memory_space<hbm>>
      tpu.enqueue_dma source(%dma_start3A_207 : memref<80x128xi32, #tpu.memory_space<hbm>>) target(%dma_start3A_205 : memref<80x128xi32, #tpu.memory_space<vmem>>) target_semaphore(%arg20 : memref<!tpu.dma_semaphore, #tpu.memory_space<semaphore_mem>>)
    } else {
    }
    %ne3A = arith.constant 0 : i32
    %ne3A_7 = arith.cmpi ne, %arg0, %ne3A : i32
    %convert_element_type3A_8 = arith.extui %ne3A_7 : i1 to i32
    %cond3A_9 = arith.constant 0 : i32
    %cond3A_10 = arith.cmpi ne, %convert_element_type3A_8, %cond3A_9 : i32
    scf.if %cond3A_10 {
      %mul3A_184 = arith.constant 80 : i32
      %mul3A_185 = arith.muli %arg1, %mul3A_184 : i32
      %add3A_186 = arith.constant 1280 : i32
      %add3A_187 = arith.addi %add3A_186, %mul3A_185 : i32
      %dma_start3A_188 = arith.constant 0 : i32
      %dma_start3A_189 = arith.constant 0 : i32
      %dma_start3A_190 = tpu.memref_slice %arg7[%dma_start3A_188, %dma_start3A_189] : memref<80x128xi32, #tpu.memory_space<vmem>> -> memref<80x128xi32, #tpu.memory_space<vmem>>
      %dma_start3A_191 = arith.constant 0 : i32
      %dma_start3A_192 = tpu.memref_slice %arg3[%add3A_187, %dma_start3A_191] : memref<2560x128xi32, #tpu.memory_space<hbm>> -> memref<80x128xi32, #tpu.memory_space<hbm>>
      %dma_start3A_193 = arith.constant 0 : i32
      %dma_start3A_194 = arith.constant 0 : i32
      %dma_start3A_195 = tpu.memref_slice %arg7[%dma_start3A_193, %dma_start3A_194] : memref<80x128xi32, #tpu.memory_space<vmem>> -> memref<80x128xi32, #tpu.memory_space<vmem>>
      %dma_start3A_196 = arith.constant 0 : i32
      %dma_start3A_197 = tpu.memref_slice %arg3[%add3A_187, %dma_start3A_196] : memref<2560x128xi32, #tpu.memory_space<hbm>> -> memref<80x128xi32, #tpu.memory_space<hbm>>
      tpu.enqueue_dma source(%dma_start3A_197 : memref<80x128xi32, #tpu.memory_space<hbm>>) target(%dma_start3A_195 : memref<80x128xi32, #tpu.memory_space<vmem>>) target_semaphore(%arg19 : memref<!tpu.dma_semaphore, #tpu.memory_space<semaphore_mem>>)
      %dma_start3A_198 = arith.constant 0 : i32
      %dma_start3A_199 = arith.constant 0 : i32
      %dma_start3A_200 = tpu.memref_slice %arg8[%dma_start3A_198, %dma_start3A_199] : memref<80x128xi32, #tpu.memory_space<vmem>> -> memref<80x128xi32, #tpu.memory_space<vmem>>
      %dma_start3A_201 = arith.constant 0 : i32
      %dma_start3A_202 = tpu.memref_slice %arg4[%add3A_187, %dma_start3A_201] : memref<2560x128xi32, #tpu.memory_space<hbm>> -> memref<80x128xi32, #tpu.memory_space<hbm>>
      %dma_start3A_203 = arith.constant 0 : i32
      %dma_start3A_204 = arith.constant 0 : i32
      %dma_start3A_205 = tpu.memref_slice %arg8[%dma_start3A_203, %dma_start3A_204] : memref<80x128xi32, #tpu.memory_space<vmem>> -> memref<80x128xi32, #tpu.memory_space<vmem>>
      %dma_start3A_206 = arith.constant 0 : i32
      %dma_start3A_207 = tpu.memref_slice %arg4[%add3A_187, %dma_start3A_206] : memref<2560x128xi32, #tpu.memory_space<hbm>> -> memref<80x128xi32, #tpu.memory_space<hbm>>
      tpu.enqueue_dma source(%dma_start3A_207 : memref<80x128xi32, #tpu.memory_space<hbm>>) target(%dma_start3A_205 : memref<80x128xi32, #tpu.memory_space<vmem>>) target_semaphore(%arg20 : memref<!tpu.dma_semaphore, #tpu.memory_space<semaphore_mem>>)
    } else {
    }
    %dma_wait3A = arith.constant 0 : i32
    %dma_wait3A_11 = tpu.memref_slice %arg13[%mul3A_0, %dma_wait3A] : memref<10240x64xf32, #tpu.memory_space<vmem_shared>> -> memref<640x64xf32, #tpu.memory_space<vmem_shared>>
    tpu.wait_dma2 semaphore(%arg18 : memref<!tpu.dma_semaphore, #tpu.memory_space<semaphore_mem>>) src(%arg5 : memref<640x64xf32, #tpu.memory_space<hbm>>) dst(%dma_wait3A_11 : memref<640x64xf32, #tpu.memory_space<vmem_shared>>)
    %dma_wait3A_12 = arith.constant 0 : i32
    %dma_wait3A_13 = arith.constant 0 : i32
    %dma_wait3A_14 = tpu.memref_slice %arg7[%dma_wait3A_12, %dma_wait3A_13] : memref<80x128xi32, #tpu.memory_space<vmem>> -> memref<80x128xi32, #tpu.memory_space<vmem>>
    %dma_wait3A_15 = arith.constant 0 : i32
    %dma_wait3A_16 = arith.constant 0 : i32
    %dma_wait3A_17 = tpu.memref_slice %arg3[%dma_wait3A_15, %dma_wait3A_16] : memref<2560x128xi32, #tpu.memory_space<hbm>> -> memref<80x128xi32, #tpu.memory_space<hbm>>
    %dma_wait3A_18 = arith.constant 0 : i32
    %dma_wait3A_19 = arith.constant 0 : i32
    %dma_wait3A_20 = tpu.memref_slice %arg7[%dma_wait3A_18, %dma_wait3A_19] : memref<80x128xi32, #tpu.memory_space<vmem>> -> memref<80x128xi32, #tpu.memory_space<vmem>>
    %dma_wait3A_21 = arith.constant 0 : i32
    %dma_wait3A_22 = arith.constant 0 : i32
    %dma_wait3A_23 = tpu.memref_slice %arg3[%dma_wait3A_21, %dma_wait3A_22] : memref<2560x128xi32, #tpu.memory_space<hbm>> -> memref<80x128xi32, #tpu.memory_space<hbm>>
    tpu.wait_dma2 semaphore(%arg19 : memref<!tpu.dma_semaphore, #tpu.memory_space<semaphore_mem>>) src(%dma_wait3A_23 : memref<80x128xi32, #tpu.memory_space<hbm>>) dst(%dma_wait3A_20 : memref<80x128xi32, #tpu.memory_space<vmem>>)
    %dma_wait3A_24 = arith.constant 0 : i32
    %dma_wait3A_25 = arith.constant 0 : i32
    %dma_wait3A_26 = tpu.memref_slice %arg8[%dma_wait3A_24, %dma_wait3A_25] : memref<80x128xi32, #tpu.memory_space<vmem>> -> memref<80x128xi32, #tpu.memory_space<vmem>>
    %dma_wait3A_27 = arith.constant 0 : i32
    %dma_wait3A_28 = arith.constant 0 : i32
    %dma_wait3A_29 = tpu.memref_slice %arg4[%dma_wait3A_27, %dma_wait3A_28] : memref<2560x128xi32, #tpu.memory_space<hbm>> -> memref<80x128xi32, #tpu.memory_space<hbm>>
    %dma_wait3A_30 = arith.constant 0 : i32
    %dma_wait3A_31 = arith.constant 0 : i32
    %dma_wait3A_32 = tpu.memref_slice %arg8[%dma_wait3A_30, %dma_wait3A_31] : memref<80x128xi32, #tpu.memory_space<vmem>> -> memref<80x128xi32, #tpu.memory_space<vmem>>
    %dma_wait3A_33 = arith.constant 0 : i32
    %dma_wait3A_34 = arith.constant 0 : i32
    %dma_wait3A_35 = tpu.memref_slice %arg4[%dma_wait3A_33, %dma_wait3A_34] : memref<2560x128xi32, #tpu.memory_space<hbm>> -> memref<80x128xi32, #tpu.memory_space<hbm>>
    tpu.wait_dma2 semaphore(%arg20 : memref<!tpu.dma_semaphore, #tpu.memory_space<semaphore_mem>>) src(%dma_wait3A_35 : memref<80x128xi32, #tpu.memory_space<hbm>>) dst(%dma_wait3A_32 : memref<80x128xi32, #tpu.memory_space<vmem>>)
    %barrier3A = arith.constant 0 : index
    tpu.barrier barrier_id(%barrier3A)
    %dma_start3A_36 = arith.constant 0 : i32
    %dma_start3A_37 = arith.constant 0 : i32
    %dma_start3A_38 = tpu.memref_slice %arg7[%dma_start3A_36, %dma_start3A_37] : memref<80x128xi32, #tpu.memory_space<vmem>> -> memref<1x128xi32, #tpu.memory_space<vmem>>
    %dma_start3A_39 = tpu.memref_squeeze %dma_start3A_38 : memref<1x128xi32, #tpu.memory_space<vmem>> -> memref<128xi32, #tpu.memory_space<vmem>>
    %dma_start3A_40 = arith.constant 0 : i32
    %dma_start3A_41 = arith.constant 0 : i32
    %dma_start3A_42 = tpu.memref_slice %arg2[%dma_start3A_40, %dma_start3A_41] : memref<10240x64xf32, #tpu.memory_space<hbm>> -> memref<10240x64xf32, #tpu.memory_space<hbm>>
    tpu.enqueue_indirect_dma source(%dma_start3A_42 : memref<10240x64xf32, #tpu.memory_space<hbm>>) target(%arg9 : memref<128x64xf32, #tpu.memory_space<vmem>>) offsets(%dma_start3A_39 : memref<128xi32, #tpu.memory_space<vmem>>) semaphore(%arg14 : memref<!tpu.dma_semaphore, #tpu.memory_space<semaphore_mem>>)
    %dma_start3A_43 = arith.constant 1 : i32
    %dma_start3A_44 = arith.constant 0 : i32
    %dma_start3A_45 = tpu.memref_slice %arg7[%dma_start3A_43, %dma_start3A_44] : memref<80x128xi32, #tpu.memory_space<vmem>> -> memref<1x128xi32, #tpu.memory_space<vmem>>
    %dma_start3A_46 = tpu.memref_squeeze %dma_start3A_45 : memref<1x128xi32, #tpu.memory_space<vmem>> -> memref<128xi32, #tpu.memory_space<vmem>>
    %dma_start3A_47 = arith.constant 0 : i32
    %dma_start3A_48 = arith.constant 0 : i32
    %dma_start3A_49 = tpu.memref_slice %arg2[%dma_start3A_47, %dma_start3A_48] : memref<10240x64xf32, #tpu.memory_space<hbm>> -> memref<10240x64xf32, #tpu.memory_space<hbm>>
    tpu.enqueue_indirect_dma source(%dma_start3A_49 : memref<10240x64xf32, #tpu.memory_space<hbm>>) target(%arg10 : memref<128x64xf32, #tpu.memory_space<vmem>>) offsets(%dma_start3A_46 : memref<128xi32, #tpu.memory_space<vmem>>) semaphore(%arg15 : memref<!tpu.dma_semaphore, #tpu.memory_space<semaphore_mem>>)
    %dma_start3A_50 = arith.constant 2 : i32
    %dma_start3A_51 = arith.constant 0 : i32
    %dma_start3A_52 = tpu.memref_slice %arg7[%dma_start3A_50, %dma_start3A_51] : memref<80x128xi32, #tpu.memory_space<vmem>> -> memref<1x128xi32, #tpu.memory_space<vmem>>
    %dma_start3A_53 = tpu.memref_squeeze %dma_start3A_52 : memref<1x128xi32, #tpu.memory_space<vmem>> -> memref<128xi32, #tpu.memory_space<vmem>>
    %dma_start3A_54 = arith.constant 0 : i32
    %dma_start3A_55 = arith.constant 0 : i32
    %dma_start3A_56 = tpu.memref_slice %arg2[%dma_start3A_54, %dma_start3A_55] : memref<10240x64xf32, #tpu.memory_space<hbm>> -> memref<10240x64xf32, #tpu.memory_space<hbm>>
    tpu.enqueue_indirect_dma source(%dma_start3A_56 : memref<10240x64xf32, #tpu.memory_space<hbm>>) target(%arg11 : memref<128x64xf32, #tpu.memory_space<vmem>>) offsets(%dma_start3A_53 : memref<128xi32, #tpu.memory_space<vmem>>) semaphore(%arg16 : memref<!tpu.dma_semaphore, #tpu.memory_space<semaphore_mem>>)
    %dma_start3A_57 = arith.constant 3 : i32
    %dma_start3A_58 = arith.constant 0 : i32
    %dma_start3A_59 = tpu.memref_slice %arg7[%dma_start3A_57, %dma_start3A_58] : memref<80x128xi32, #tpu.memory_space<vmem>> -> memref<1x128xi32, #tpu.memory_space<vmem>>
    %dma_start3A_60 = tpu.memref_squeeze %dma_start3A_59 : memref<1x128xi32, #tpu.memory_space<vmem>> -> memref<128xi32, #tpu.memory_space<vmem>>
    %dma_start3A_61 = arith.constant 0 : i32
    %dma_start3A_62 = arith.constant 0 : i32
    %dma_start3A_63 = tpu.memref_slice %arg2[%dma_start3A_61, %dma_start3A_62] : memref<10240x64xf32, #tpu.memory_space<hbm>> -> memref<10240x64xf32, #tpu.memory_space<hbm>>
    tpu.enqueue_indirect_dma source(%dma_start3A_63 : memref<10240x64xf32, #tpu.memory_space<hbm>>) target(%arg12 : memref<128x64xf32, #tpu.memory_space<vmem>>) offsets(%dma_start3A_60 : memref<128xi32, #tpu.memory_space<vmem>>) semaphore(%arg17 : memref<!tpu.dma_semaphore, #tpu.memory_space<semaphore_mem>>)
    %jit3A_64 = arith.constant 4 : i32
    %div3A = arith.divsi %select_n3A, %jit3A_64 : i32
    %sign3A = arith.constant 0 : i32
    %sign3A_65 = arith.cmpi sgt, %select_n3A, %sign3A : i32
    %sign3A_66 = arith.extui %sign3A_65 : i1 to i32
    %sign3A_67 = arith.constant 0 : i32
    %sign3A_68 = arith.cmpi slt, %select_n3A, %sign3A_67 : i32
    %sign3A_69 = arith.extui %sign3A_68 : i1 to i32
    %sign3A_70 = arith.subi %sign3A_66, %sign3A_69 : i32
    %sign3A_71 = arith.constant 0 : i32
    %sign3A_72 = arith.cmpi sgt, %jit3A_64, %sign3A_71 : i32
    %sign3A_73 = arith.extui %sign3A_72 : i1 to i32
    %sign3A_74 = arith.constant 0 : i32
    %sign3A_75 = arith.cmpi slt, %jit3A_64, %sign3A_74 : i32
    %sign3A_76 = arith.extui %sign3A_75 : i1 to i32
    %sign3A_77 = arith.subi %sign3A_73, %sign3A_76 : i32
    %ne3A_78 = arith.cmpi ne, %sign3A_70, %sign3A_77 : i32
    %rem3A = arith.remsi %select_n3A, %jit3A_64 : i32
    %ne3A_79 = arith.constant 0 : i32
    %ne3A_80 = arith.cmpi ne, %rem3A, %ne3A_79 : i32
    %and3A = arith.andi %ne3A_78, %ne3A_80 : i1
    %sub3A = arith.constant 1 : i32
    %sub3A_81 = arith.subi %div3A, %sub3A : i32
    %select_n3A_82 = arith.select %and3A, %sub3A_81, %div3A : i32
    %sub3A_83 = arith.constant 1 : i32
    %sub3A_84 = arith.subi %select_n3A_82, %sub3A_83 : i32
    %while3A = arith.constant 0 : i32
    %while3A_85 = arith.constant 0 : i32
    %while3A_86 = arith.subi %sub3A_84, %while3A_85 : i32
    %while3A_87 = arith.addi %while3A_85, %while3A_86 : i32
    %while3A_88 = arith.constant 1 : i32
    %while3A_89 = arith.divsi %while3A_86, %while3A_88 : i32
    %while3A_90 = arith.muli %while3A_89, %while3A_88 : i32
    %while3A_91 = arith.addi %while3A_85, %while3A_90 : i32
    %while3A_92 = arith.constant 1 : i32
    scf.for %while3A_184 = %while3A_85 to %while3A_91 step %while3A_92  : i32 {
      %mul3A_185 = arith.constant 4 : i32
      %mul3A_186 = arith.muli %mul3A_185, %while3A_184 : i32
      %dma_wait3A_187 = arith.constant 0 : i32
      %dma_wait3A_188 = arith.constant 0 : i32
      %dma_wait3A_189 = tpu.memref_slice %arg7[%dma_wait3A_187, %dma_wait3A_188] : memref<80x128xi32, #tpu.memory_space<vmem>> -> memref<1x128xi32, #tpu.memory_space<vmem>>
      %dma_wait3A_190 = tpu.memref_squeeze %dma_wait3A_189 : memref<1x128xi32, #tpu.memory_space<vmem>> -> memref<128xi32, #tpu.memory_space<vmem>>
      %dma_wait3A_191 = arith.constant 0 : i32
      %dma_wait3A_192 = arith.constant 0 : i32
      %dma_wait3A_193 = tpu.memref_slice %arg2[%dma_wait3A_191, %dma_wait3A_192] : memref<10240x64xf32, #tpu.memory_space<hbm>> -> memref<10240x64xf32, #tpu.memory_space<hbm>>
      tpu.wait_indirect_dma semaphore(%arg14 : memref<!tpu.dma_semaphore, #tpu.memory_space<semaphore_mem>>) src(%dma_wait3A_193 : memref<10240x64xf32, #tpu.memory_space<hbm>>) dst(%arg9 : memref<128x64xf32, #tpu.memory_space<vmem>>)
      %add3A_194 = arith.constant 0 : i32
      %add3A_195 = arith.addi %mul3A_186, %add3A_194 : i32
      %dma_start3A_196 = arith.constant 0 : i32
      %dma_start3A_197 = tpu.memref_slice %arg8[%add3A_195, %dma_start3A_196] : memref<80x128xi32, #tpu.memory_space<vmem>> -> memref<1x128xi32, #tpu.memory_space<vmem>>
      %dma_start3A_198 = tpu.memref_squeeze %dma_start3A_197 : memref<1x128xi32, #tpu.memory_space<vmem>> -> memref<128xi32, #tpu.memory_space<vmem>>
      %dma_start3A_199 = arith.constant 0 : i32
      %dma_start3A_200 = arith.constant 0 : i32
      %dma_start3A_201 = tpu.memref_slice %arg13[%dma_start3A_199, %dma_start3A_200] : memref<10240x64xf32, #tpu.memory_space<vmem_shared>> -> memref<10240x64xf32, #tpu.memory_space<vmem_shared>>
      tpu.enqueue_indirect_dma source(%arg9 : memref<128x64xf32, #tpu.memory_space<vmem>>) target(%dma_start3A_201 : memref<10240x64xf32, #tpu.memory_space<vmem_shared>>) offsets(%dma_start3A_198 : memref<128xi32, #tpu.memory_space<vmem>>) semaphore(%arg18 : memref<!tpu.dma_semaphore, #tpu.memory_space<semaphore_mem>>) {add = true}
      %dma_wait3A_202 = arith.constant 0 : i32
      %dma_wait3A_203 = arith.constant 0 : i32
      %dma_wait3A_204 = tpu.memref_slice %arg7[%dma_wait3A_202, %dma_wait3A_203] : memref<80x128xi32, #tpu.memory_space<vmem>> -> memref<1x128xi32, #tpu.memory_space<vmem>>
      %dma_wait3A_205 = tpu.memref_squeeze %dma_wait3A_204 : memref<1x128xi32, #tpu.memory_space<vmem>> -> memref<128xi32, #tpu.memory_space<vmem>>
      %dma_wait3A_206 = arith.constant 0 : i32
      %dma_wait3A_207 = arith.constant 0 : i32
      %dma_wait3A_208 = tpu.memref_slice %arg2[%dma_wait3A_206, %dma_wait3A_207] : memref<10240x64xf32, #tpu.memory_space<hbm>> -> memref<10240x64xf32, #tpu.memory_space<hbm>>
      tpu.wait_indirect_dma semaphore(%arg15 : memref<!tpu.dma_semaphore, #tpu.memory_space<semaphore_mem>>) src(%dma_wait3A_208 : memref<10240x64xf32, #tpu.memory_space<hbm>>) dst(%arg10 : memref<128x64xf32, #tpu.memory_space<vmem>>)
      %add3A_209 = arith.constant 1 : i32
      %add3A_210 = arith.addi %mul3A_186, %add3A_209 : i32
      %dma_start3A_211 = arith.constant 0 : i32
      %dma_start3A_212 = tpu.memref_slice %arg8[%add3A_210, %dma_start3A_211] : memref<80x128xi32, #tpu.memory_space<vmem>> -> memref<1x128xi32, #tpu.memory_space<vmem>>
      %dma_start3A_213 = tpu.memref_squeeze %dma_start3A_212 : memref<1x128xi32, #tpu.memory_space<vmem>> -> memref<128xi32, #tpu.memory_space<vmem>>
      %dma_start3A_214 = arith.constant 0 : i32
      %dma_start3A_215 = arith.constant 0 : i32
      %dma_start3A_216 = tpu.memref_slice %arg13[%dma_start3A_214, %dma_start3A_215] : memref<10240x64xf32, #tpu.memory_space<vmem_shared>> -> memref<10240x64xf32, #tpu.memory_space<vmem_shared>>
      tpu.enqueue_indirect_dma source(%arg10 : memref<128x64xf32, #tpu.memory_space<vmem>>) target(%dma_start3A_216 : memref<10240x64xf32, #tpu.memory_space<vmem_shared>>) offsets(%dma_start3A_213 : memref<128xi32, #tpu.memory_space<vmem>>) semaphore(%arg19 : memref<!tpu.dma_semaphore, #tpu.memory_space<semaphore_mem>>) {add = true}
      %dma_wait3A_217 = arith.constant 0 : i32
      %dma_wait3A_218 = arith.constant 0 : i32
      %dma_wait3A_219 = tpu.memref_slice %arg7[%dma_wait3A_217, %dma_wait3A_218] : memref<80x128xi32, #tpu.memory_space<vmem>> -> memref<1x128xi32, #tpu.memory_space<vmem>>
      %dma_wait3A_220 = tpu.memref_squeeze %dma_wait3A_219 : memref<1x128xi32, #tpu.memory_space<vmem>> -> memref<128xi32, #tpu.memory_space<vmem>>
      %dma_wait3A_221 = arith.constant 0 : i32
      %dma_wait3A_222 = arith.constant 0 : i32
      %dma_wait3A_223 = tpu.memref_slice %arg2[%dma_wait3A_221, %dma_wait3A_222] : memref<10240x64xf32, #tpu.memory_space<hbm>> -> memref<10240x64xf32, #tpu.memory_space<hbm>>
      tpu.wait_indirect_dma semaphore(%arg16 : memref<!tpu.dma_semaphore, #tpu.memory_space<semaphore_mem>>) src(%dma_wait3A_223 : memref<10240x64xf32, #tpu.memory_space<hbm>>) dst(%arg11 : memref<128x64xf32, #tpu.memory_space<vmem>>)
      %add3A_224 = arith.constant 2 : i32
      %add3A_225 = arith.addi %mul3A_186, %add3A_224 : i32
      %dma_start3A_226 = arith.constant 0 : i32
      %dma_start3A_227 = tpu.memref_slice %arg8[%add3A_225, %dma_start3A_226] : memref<80x128xi32, #tpu.memory_space<vmem>> -> memref<1x128xi32, #tpu.memory_space<vmem>>
      %dma_start3A_228 = tpu.memref_squeeze %dma_start3A_227 : memref<1x128xi32, #tpu.memory_space<vmem>> -> memref<128xi32, #tpu.memory_space<vmem>>
      %dma_start3A_229 = arith.constant 0 : i32
      %dma_start3A_230 = arith.constant 0 : i32
      %dma_start3A_231 = tpu.memref_slice %arg13[%dma_start3A_229, %dma_start3A_230] : memref<10240x64xf32, #tpu.memory_space<vmem_shared>> -> memref<10240x64xf32, #tpu.memory_space<vmem_shared>>
      tpu.enqueue_indirect_dma source(%arg11 : memref<128x64xf32, #tpu.memory_space<vmem>>) target(%dma_start3A_231 : memref<10240x64xf32, #tpu.memory_space<vmem_shared>>) offsets(%dma_start3A_228 : memref<128xi32, #tpu.memory_space<vmem>>) semaphore(%arg20 : memref<!tpu.dma_semaphore, #tpu.memory_space<semaphore_mem>>) {add = true}
      %dma_wait3A_232 = arith.constant 0 : i32
      %dma_wait3A_233 = arith.constant 0 : i32
      %dma_wait3A_234 = tpu.memref_slice %arg7[%dma_wait3A_232, %dma_wait3A_233] : memref<80x128xi32, #tpu.memory_space<vmem>> -> memref<1x128xi32, #tpu.memory_space<vmem>>
      %dma_wait3A_235 = tpu.memref_squeeze %dma_wait3A_234 : memref<1x128xi32, #tpu.memory_space<vmem>> -> memref<128xi32, #tpu.memory_space<vmem>>
      %dma_wait3A_236 = arith.constant 0 : i32
      %dma_wait3A_237 = arith.constant 0 : i32
      %dma_wait3A_238 = tpu.memref_slice %arg2[%dma_wait3A_236, %dma_wait3A_237] : memref<10240x64xf32, #tpu.memory_space<hbm>> -> memref<10240x64xf32, #tpu.memory_space<hbm>>
      tpu.wait_indirect_dma semaphore(%arg17 : memref<!tpu.dma_semaphore, #tpu.memory_space<semaphore_mem>>) src(%dma_wait3A_238 : memref<10240x64xf32, #tpu.memory_space<hbm>>) dst(%arg12 : memref<128x64xf32, #tpu.memory_space<vmem>>)
      %add3A_239 = arith.constant 3 : i32
      %add3A_240 = arith.addi %mul3A_186, %add3A_239 : i32
      %dma_start3A_241 = arith.constant 0 : i32
      %dma_start3A_242 = tpu.memref_slice %arg8[%add3A_240, %dma_start3A_241] : memref<80x128xi32, #tpu.memory_space<vmem>> -> memref<1x128xi32, #tpu.memory_space<vmem>>
      %dma_start3A_243 = tpu.memref_squeeze %dma_start3A_242 : memref<1x128xi32, #tpu.memory_space<vmem>> -> memref<128xi32, #tpu.memory_space<vmem>>
      %dma_start3A_244 = arith.constant 0 : i32
      %dma_start3A_245 = arith.constant 0 : i32
      %dma_start3A_246 = tpu.memref_slice %arg13[%dma_start3A_244, %dma_start3A_245] : memref<10240x64xf32, #tpu.memory_space<vmem_shared>> -> memref<10240x64xf32, #tpu.memory_space<vmem_shared>>
      tpu.enqueue_indirect_dma source(%arg12 : memref<128x64xf32, #tpu.memory_space<vmem>>) target(%dma_start3A_246 : memref<10240x64xf32, #tpu.memory_space<vmem_shared>>) offsets(%dma_start3A_243 : memref<128xi32, #tpu.memory_space<vmem>>) semaphore(%arg21 : memref<!tpu.dma_semaphore, #tpu.memory_space<semaphore_mem>>) {add = true}
      %dma_wait3A_247 = arith.constant 0 : i32
      %dma_wait3A_248 = arith.constant 0 : i32
      %dma_wait3A_249 = tpu.memref_slice %arg8[%dma_wait3A_247, %dma_wait3A_248] : memref<80x128xi32, #tpu.memory_space<vmem>> -> memref<1x128xi32, #tpu.memory_space<vmem>>
      %dma_wait3A_250 = tpu.memref_squeeze %dma_wait3A_249 : memref<1x128xi32, #tpu.memory_space<vmem>> -> memref<128xi32, #tpu.memory_space<vmem>>
      %dma_wait3A_251 = arith.constant 0 : i32
      %dma_wait3A_252 = arith.constant 0 : i32
      %dma_wait3A_253 = tpu.memref_slice %arg13[%dma_wait3A_251, %dma_wait3A_252] : memref<10240x64xf32, #tpu.memory_space<vmem_shared>> -> memref<10240x64xf32, #tpu.memory_space<vmem_shared>>
      tpu.wait_indirect_dma semaphore(%arg18 : memref<!tpu.dma_semaphore, #tpu.memory_space<semaphore_mem>>) src(%arg9 : memref<128x64xf32, #tpu.memory_space<vmem>>) dst(%dma_wait3A_253 : memref<10240x64xf32, #tpu.memory_space<vmem_shared>>)
      %add3A_254 = arith.constant 4 : i32
      %add3A_255 = arith.addi %mul3A_186, %add3A_254 : i32
      %add3A_256 = arith.constant 0 : i32
      %add3A_257 = arith.addi %add3A_255, %add3A_256 : i32
      %dma_start3A_258 = arith.constant 0 : i32
      %dma_start3A_259 = tpu.memref_slice %arg7[%add3A_257, %dma_start3A_258] : memref<80x128xi32, #tpu.memory_space<vmem>> -> memref<1x128xi32, #tpu.memory_space<vmem>>
      %dma_start3A_260 = tpu.memref_squeeze %dma_start3A_259 : memref<1x128xi32, #tpu.memory_space<vmem>> -> memref<128xi32, #tpu.memory_space<vmem>>
      %dma_start3A_261 = arith.constant 0 : i32
      %dma_start3A_262 = arith.constant 0 : i32
      %dma_start3A_263 = tpu.memref_slice %arg2[%dma_start3A_261, %dma_start3A_262] : memref<10240x64xf32, #tpu.memory_space<hbm>> -> memref<10240x64xf32, #tpu.memory_space<hbm>>
      tpu.enqueue_indirect_dma source(%dma_start3A_263 : memref<10240x64xf32, #tpu.memory_space<hbm>>) target(%arg9 : memref<128x64xf32, #tpu.memory_space<vmem>>) offsets(%dma_start3A_260 : memref<128xi32, #tpu.memory_space<vmem>>) semaphore(%arg14 : memref<!tpu.dma_semaphore, #tpu.memory_space<semaphore_mem>>)
      %dma_wait3A_264 = arith.constant 0 : i32
      %dma_wait3A_265 = arith.constant 0 : i32
      %dma_wait3A_266 = tpu.memref_slice %arg8[%dma_wait3A_264, %dma_wait3A_265] : memref<80x128xi32, #tpu.memory_space<vmem>> -> memref<1x128xi32, #tpu.memory_space<vmem>>
      %dma_wait3A_267 = tpu.memref_squeeze %dma_wait3A_266 : memref<1x128xi32, #tpu.memory_space<vmem>> -> memref<128xi32, #tpu.memory_space<vmem>>
      %dma_wait3A_268 = arith.constant 0 : i32
      %dma_wait3A_269 = arith.constant 0 : i32
      %dma_wait3A_270 = tpu.memref_slice %arg13[%dma_wait3A_268, %dma_wait3A_269] : memref<10240x64xf32, #tpu.memory_space<vmem_shared>> -> memref<10240x64xf32, #tpu.memory_space<vmem_shared>>
      tpu.wait_indirect_dma semaphore(%arg19 : memref<!tpu.dma_semaphore, #tpu.memory_space<semaphore_mem>>) src(%arg10 : memref<128x64xf32, #tpu.memory_space<vmem>>) dst(%dma_wait3A_270 : memref<10240x64xf32, #tpu.memory_space<vmem_shared>>)
      %add3A_271 = arith.constant 4 : i32
      %add3A_272 = arith.addi %mul3A_186, %add3A_271 : i32
      %add3A_273 = arith.constant 1 : i32
      %add3A_274 = arith.addi %add3A_272, %add3A_273 : i32
      %dma_start3A_275 = arith.constant 0 : i32
      %dma_start3A_276 = tpu.memref_slice %arg7[%add3A_274, %dma_start3A_275] : memref<80x128xi32, #tpu.memory_space<vmem>> -> memref<1x128xi32, #tpu.memory_space<vmem>>
      %dma_start3A_277 = tpu.memref_squeeze %dma_start3A_276 : memref<1x128xi32, #tpu.memory_space<vmem>> -> memref<128xi32, #tpu.memory_space<vmem>>
      %dma_start3A_278 = arith.constant 0 : i32
      %dma_start3A_279 = arith.constant 0 : i32
      %dma_start3A_280 = tpu.memref_slice %arg2[%dma_start3A_278, %dma_start3A_279] : memref<10240x64xf32, #tpu.memory_space<hbm>> -> memref<10240x64xf32, #tpu.memory_space<hbm>>
      tpu.enqueue_indirect_dma source(%dma_start3A_280 : memref<10240x64xf32, #tpu.memory_space<hbm>>) target(%arg10 : memref<128x64xf32, #tpu.memory_space<vmem>>) offsets(%dma_start3A_277 : memref<128xi32, #tpu.memory_space<vmem>>) semaphore(%arg15 : memref<!tpu.dma_semaphore, #tpu.memory_space<semaphore_mem>>)
      %dma_wait3A_281 = arith.constant 0 : i32
      %dma_wait3A_282 = arith.constant 0 : i32
      %dma_wait3A_283 = tpu.memref_slice %arg8[%dma_wait3A_281, %dma_wait3A_282] : memref<80x128xi32, #tpu.memory_space<vmem>> -> memref<1x128xi32, #tpu.memory_space<vmem>>
      %dma_wait3A_284 = tpu.memref_squeeze %dma_wait3A_283 : memref<1x128xi32, #tpu.memory_space<vmem>> -> memref<128xi32, #tpu.memory_space<vmem>>
      %dma_wait3A_285 = arith.constant 0 : i32
      %dma_wait3A_286 = arith.constant 0 : i32
      %dma_wait3A_287 = tpu.memref_slice %arg13[%dma_wait3A_285, %dma_wait3A_286] : memref<10240x64xf32, #tpu.memory_space<vmem_shared>> -> memref<10240x64xf32, #tpu.memory_space<vmem_shared>>
      tpu.wait_indirect_dma semaphore(%arg20 : memref<!tpu.dma_semaphore, #tpu.memory_space<semaphore_mem>>) src(%arg11 : memref<128x64xf32, #tpu.memory_space<vmem>>) dst(%dma_wait3A_287 : memref<10240x64xf32, #tpu.memory_space<vmem_shared>>)
      %add3A_288 = arith.constant 4 : i32
      %add3A_289 = arith.addi %mul3A_186, %add3A_288 : i32
      %add3A_290 = arith.constant 2 : i32
      %add3A_291 = arith.addi %add3A_289, %add3A_290 : i32
      %dma_start3A_292 = arith.constant 0 : i32
      %dma_start3A_293 = tpu.memref_slice %arg7[%add3A_291, %dma_start3A_292] : memref<80x128xi32, #tpu.memory_space<vmem>> -> memref<1x128xi32, #tpu.memory_space<vmem>>
      %dma_start3A_294 = tpu.memref_squeeze %dma_start3A_293 : memref<1x128xi32, #tpu.memory_space<vmem>> -> memref<128xi32, #tpu.memory_space<vmem>>
      %dma_start3A_295 = arith.constant 0 : i32
      %dma_start3A_296 = arith.constant 0 : i32
      %dma_start3A_297 = tpu.memref_slice %arg2[%dma_start3A_295, %dma_start3A_296] : memref<10240x64xf32, #tpu.memory_space<hbm>> -> memref<10240x64xf32, #tpu.memory_space<hbm>>
      tpu.enqueue_indirect_dma source(%dma_start3A_297 : memref<10240x64xf32, #tpu.memory_space<hbm>>) target(%arg11 : memref<128x64xf32, #tpu.memory_space<vmem>>) offsets(%dma_start3A_294 : memref<128xi32, #tpu.memory_space<vmem>>) semaphore(%arg16 : memref<!tpu.dma_semaphore, #tpu.memory_space<semaphore_mem>>)
      %dma_wait3A_298 = arith.constant 0 : i32
      %dma_wait3A_299 = arith.constant 0 : i32
      %dma_wait3A_300 = tpu.memref_slice %arg8[%dma_wait3A_298, %dma_wait3A_299] : memref<80x128xi32, #tpu.memory_space<vmem>> -> memref<1x128xi32, #tpu.memory_space<vmem>>
      %dma_wait3A_301 = tpu.memref_squeeze %dma_wait3A_300 : memref<1x128xi32, #tpu.memory_space<vmem>> -> memref<128xi32, #tpu.memory_space<vmem>>
      %dma_wait3A_302 = arith.constant 0 : i32
      %dma_wait3A_303 = arith.constant 0 : i32
      %dma_wait3A_304 = tpu.memref_slice %arg13[%dma_wait3A_302, %dma_wait3A_303] : memref<10240x64xf32, #tpu.memory_space<vmem_shared>> -> memref<10240x64xf32, #tpu.memory_space<vmem_shared>>
      tpu.wait_indirect_dma semaphore(%arg21 : memref<!tpu.dma_semaphore, #tpu.memory_space<semaphore_mem>>) src(%arg12 : memref<128x64xf32, #tpu.memory_space<vmem>>) dst(%dma_wait3A_304 : memref<10240x64xf32, #tpu.memory_space<vmem_shared>>)
      %add3A_305 = arith.constant 4 : i32
      %add3A_306 = arith.addi %mul3A_186, %add3A_305 : i32
      %add3A_307 = arith.constant 3 : i32
      %add3A_308 = arith.addi %add3A_306, %add3A_307 : i32
      %dma_start3A_309 = arith.constant 0 : i32
      %dma_start3A_310 = tpu.memref_slice %arg7[%add3A_308, %dma_start3A_309] : memref<80x128xi32, #tpu.memory_space<vmem>> -> memref<1x128xi32, #tpu.memory_space<vmem>>
      %dma_start3A_311 = tpu.memref_squeeze %dma_start3A_310 : memref<1x128xi32, #tpu.memory_space<vmem>> -> memref<128xi32, #tpu.memory_space<vmem>>
      %dma_start3A_312 = arith.constant 0 : i32
      %dma_start3A_313 = arith.constant 0 : i32
      %dma_start3A_314 = tpu.memref_slice %arg2[%dma_start3A_312, %dma_start3A_313] : memref<10240x64xf32, #tpu.memory_space<hbm>> -> memref<10240x64xf32, #tpu.memory_space<hbm>>
      tpu.enqueue_indirect_dma source(%dma_start3A_314 : memref<10240x64xf32, #tpu.memory_space<hbm>>) target(%arg12 : memref<128x64xf32, #tpu.memory_space<vmem>>) offsets(%dma_start3A_311 : memref<128xi32, #tpu.memory_space<vmem>>) semaphore(%arg17 : memref<!tpu.dma_semaphore, #tpu.memory_space<semaphore_mem>>)
    }
    %while3A_93 = arith.constant 1 : i32
    scf.for %while3A_184 = %while3A_91 to %while3A_87 step %while3A_93  : i32 {
      %mul3A_185 = arith.constant 4 : i32
      %mul3A_186 = arith.muli %mul3A_185, %while3A_184 : i32
      %dma_wait3A_187 = arith.constant 0 : i32
      %dma_wait3A_188 = arith.constant 0 : i32
      %dma_wait3A_189 = tpu.memref_slice %arg7[%dma_wait3A_187, %dma_wait3A_188] : memref<80x128xi32, #tpu.memory_space<vmem>> -> memref<1x128xi32, #tpu.memory_space<vmem>>
      %dma_wait3A_190 = tpu.memref_squeeze %dma_wait3A_189 : memref<1x128xi32, #tpu.memory_space<vmem>> -> memref<128xi32, #tpu.memory_space<vmem>>
      %dma_wait3A_191 = arith.constant 0 : i32
      %dma_wait3A_192 = arith.constant 0 : i32
      %dma_wait3A_193 = tpu.memref_slice %arg2[%dma_wait3A_191, %dma_wait3A_192] : memref<10240x64xf32, #tpu.memory_space<hbm>> -> memref<10240x64xf32, #tpu.memory_space<hbm>>
      tpu.wait_indirect_dma semaphore(%arg14 : memref<!tpu.dma_semaphore, #tpu.memory_space<semaphore_mem>>) src(%dma_wait3A_193 : memref<10240x64xf32, #tpu.memory_space<hbm>>) dst(%arg9 : memref<128x64xf32, #tpu.memory_space<vmem>>)
      %add3A_194 = arith.constant 0 : i32
      %add3A_195 = arith.addi %mul3A_186, %add3A_194 : i32
      %dma_start3A_196 = arith.constant 0 : i32
      %dma_start3A_197 = tpu.memref_slice %arg8[%add3A_195, %dma_start3A_196] : memref<80x128xi32, #tpu.memory_space<vmem>> -> memref<1x128xi32, #tpu.memory_space<vmem>>
      %dma_start3A_198 = tpu.memref_squeeze %dma_start3A_197 : memref<1x128xi32, #tpu.memory_space<vmem>> -> memref<128xi32, #tpu.memory_space<vmem>>
      %dma_start3A_199 = arith.constant 0 : i32
      %dma_start3A_200 = arith.constant 0 : i32
      %dma_start3A_201 = tpu.memref_slice %arg13[%dma_start3A_199, %dma_start3A_200] : memref<10240x64xf32, #tpu.memory_space<vmem_shared>> -> memref<10240x64xf32, #tpu.memory_space<vmem_shared>>
      tpu.enqueue_indirect_dma source(%arg9 : memref<128x64xf32, #tpu.memory_space<vmem>>) target(%dma_start3A_201 : memref<10240x64xf32, #tpu.memory_space<vmem_shared>>) offsets(%dma_start3A_198 : memref<128xi32, #tpu.memory_space<vmem>>) semaphore(%arg18 : memref<!tpu.dma_semaphore, #tpu.memory_space<semaphore_mem>>) {add = true}
      %dma_wait3A_202 = arith.constant 0 : i32
      %dma_wait3A_203 = arith.constant 0 : i32
      %dma_wait3A_204 = tpu.memref_slice %arg7[%dma_wait3A_202, %dma_wait3A_203] : memref<80x128xi32, #tpu.memory_space<vmem>> -> memref<1x128xi32, #tpu.memory_space<vmem>>
      %dma_wait3A_205 = tpu.memref_squeeze %dma_wait3A_204 : memref<1x128xi32, #tpu.memory_space<vmem>> -> memref<128xi32, #tpu.memory_space<vmem>>
      %dma_wait3A_206 = arith.constant 0 : i32
      %dma_wait3A_207 = arith.constant 0 : i32
      %dma_wait3A_208 = tpu.memref_slice %arg2[%dma_wait3A_206, %dma_wait3A_207] : memref<10240x64xf32, #tpu.memory_space<hbm>> -> memref<10240x64xf32, #tpu.memory_space<hbm>>
      tpu.wait_indirect_dma semaphore(%arg15 : memref<!tpu.dma_semaphore, #tpu.memory_space<semaphore_mem>>) src(%dma_wait3A_208 : memref<10240x64xf32, #tpu.memory_space<hbm>>) dst(%arg10 : memref<128x64xf32, #tpu.memory_space<vmem>>)
      %add3A_209 = arith.constant 1 : i32
      %add3A_210 = arith.addi %mul3A_186, %add3A_209 : i32
      %dma_start3A_211 = arith.constant 0 : i32
      %dma_start3A_212 = tpu.memref_slice %arg8[%add3A_210, %dma_start3A_211] : memref<80x128xi32, #tpu.memory_space<vmem>> -> memref<1x128xi32, #tpu.memory_space<vmem>>
      %dma_start3A_213 = tpu.memref_squeeze %dma_start3A_212 : memref<1x128xi32, #tpu.memory_space<vmem>> -> memref<128xi32, #tpu.memory_space<vmem>>
      %dma_start3A_214 = arith.constant 0 : i32
      %dma_start3A_215 = arith.constant 0 : i32
      %dma_start3A_216 = tpu.memref_slice %arg13[%dma_start3A_214, %dma_start3A_215] : memref<10240x64xf32, #tpu.memory_space<vmem_shared>> -> memref<10240x64xf32, #tpu.memory_space<vmem_shared>>
      tpu.enqueue_indirect_dma source(%arg10 : memref<128x64xf32, #tpu.memory_space<vmem>>) target(%dma_start3A_216 : memref<10240x64xf32, #tpu.memory_space<vmem_shared>>) offsets(%dma_start3A_213 : memref<128xi32, #tpu.memory_space<vmem>>) semaphore(%arg19 : memref<!tpu.dma_semaphore, #tpu.memory_space<semaphore_mem>>) {add = true}
      %dma_wait3A_217 = arith.constant 0 : i32
      %dma_wait3A_218 = arith.constant 0 : i32
      %dma_wait3A_219 = tpu.memref_slice %arg7[%dma_wait3A_217, %dma_wait3A_218] : memref<80x128xi32, #tpu.memory_space<vmem>> -> memref<1x128xi32, #tpu.memory_space<vmem>>
      %dma_wait3A_220 = tpu.memref_squeeze %dma_wait3A_219 : memref<1x128xi32, #tpu.memory_space<vmem>> -> memref<128xi32, #tpu.memory_space<vmem>>
      %dma_wait3A_221 = arith.constant 0 : i32
      %dma_wait3A_222 = arith.constant 0 : i32
      %dma_wait3A_223 = tpu.memref_slice %arg2[%dma_wait3A_221, %dma_wait3A_222] : memref<10240x64xf32, #tpu.memory_space<hbm>> -> memref<10240x64xf32, #tpu.memory_space<hbm>>
      tpu.wait_indirect_dma semaphore(%arg16 : memref<!tpu.dma_semaphore, #tpu.memory_space<semaphore_mem>>) src(%dma_wait3A_223 : memref<10240x64xf32, #tpu.memory_space<hbm>>) dst(%arg11 : memref<128x64xf32, #tpu.memory_space<vmem>>)
      %add3A_224 = arith.constant 2 : i32
      %add3A_225 = arith.addi %mul3A_186, %add3A_224 : i32
      %dma_start3A_226 = arith.constant 0 : i32
      %dma_start3A_227 = tpu.memref_slice %arg8[%add3A_225, %dma_start3A_226] : memref<80x128xi32, #tpu.memory_space<vmem>> -> memref<1x128xi32, #tpu.memory_space<vmem>>
      %dma_start3A_228 = tpu.memref_squeeze %dma_start3A_227 : memref<1x128xi32, #tpu.memory_space<vmem>> -> memref<128xi32, #tpu.memory_space<vmem>>
      %dma_start3A_229 = arith.constant 0 : i32
      %dma_start3A_230 = arith.constant 0 : i32
      %dma_start3A_231 = tpu.memref_slice %arg13[%dma_start3A_229, %dma_start3A_230] : memref<10240x64xf32, #tpu.memory_space<vmem_shared>> -> memref<10240x64xf32, #tpu.memory_space<vmem_shared>>
      tpu.enqueue_indirect_dma source(%arg11 : memref<128x64xf32, #tpu.memory_space<vmem>>) target(%dma_start3A_231 : memref<10240x64xf32, #tpu.memory_space<vmem_shared>>) offsets(%dma_start3A_228 : memref<128xi32, #tpu.memory_space<vmem>>) semaphore(%arg20 : memref<!tpu.dma_semaphore, #tpu.memory_space<semaphore_mem>>) {add = true}
      %dma_wait3A_232 = arith.constant 0 : i32
      %dma_wait3A_233 = arith.constant 0 : i32
      %dma_wait3A_234 = tpu.memref_slice %arg7[%dma_wait3A_232, %dma_wait3A_233] : memref<80x128xi32, #tpu.memory_space<vmem>> -> memref<1x128xi32, #tpu.memory_space<vmem>>
      %dma_wait3A_235 = tpu.memref_squeeze %dma_wait3A_234 : memref<1x128xi32, #tpu.memory_space<vmem>> -> memref<128xi32, #tpu.memory_space<vmem>>
      %dma_wait3A_236 = arith.constant 0 : i32
      %dma_wait3A_237 = arith.constant 0 : i32
      %dma_wait3A_238 = tpu.memref_slice %arg2[%dma_wait3A_236, %dma_wait3A_237] : memref<10240x64xf32, #tpu.memory_space<hbm>> -> memref<10240x64xf32, #tpu.memory_space<hbm>>
      tpu.wait_indirect_dma semaphore(%arg17 : memref<!tpu.dma_semaphore, #tpu.memory_space<semaphore_mem>>) src(%dma_wait3A_238 : memref<10240x64xf32, #tpu.memory_space<hbm>>) dst(%arg12 : memref<128x64xf32, #tpu.memory_space<vmem>>)
      %add3A_239 = arith.constant 3 : i32
      %add3A_240 = arith.addi %mul3A_186, %add3A_239 : i32
      %dma_start3A_241 = arith.constant 0 : i32
      %dma_start3A_242 = tpu.memref_slice %arg8[%add3A_240, %dma_start3A_241] : memref<80x128xi32, #tpu.memory_space<vmem>> -> memref<1x128xi32, #tpu.memory_space<vmem>>
      %dma_start3A_243 = tpu.memref_squeeze %dma_start3A_242 : memref<1x128xi32, #tpu.memory_space<vmem>> -> memref<128xi32, #tpu.memory_space<vmem>>
      %dma_start3A_244 = arith.constant 0 : i32
      %dma_start3A_245 = arith.constant 0 : i32
      %dma_start3A_246 = tpu.memref_slice %arg13[%dma_start3A_244, %dma_start3A_245] : memref<10240x64xf32, #tpu.memory_space<vmem_shared>> -> memref<10240x64xf32, #tpu.memory_space<vmem_shared>>
      tpu.enqueue_indirect_dma source(%arg12 : memref<128x64xf32, #tpu.memory_space<vmem>>) target(%dma_start3A_246 : memref<10240x64xf32, #tpu.memory_space<vmem_shared>>) offsets(%dma_start3A_243 : memref<128xi32, #tpu.memory_space<vmem>>) semaphore(%arg21 : memref<!tpu.dma_semaphore, #tpu.memory_space<semaphore_mem>>) {add = true}
      %dma_wait3A_247 = arith.constant 0 : i32
      %dma_wait3A_248 = arith.constant 0 : i32
      %dma_wait3A_249 = tpu.memref_slice %arg8[%dma_wait3A_247, %dma_wait3A_248] : memref<80x128xi32, #tpu.memory_space<vmem>> -> memref<1x128xi32, #tpu.memory_space<vmem>>
      %dma_wait3A_250 = tpu.memref_squeeze %dma_wait3A_249 : memref<1x128xi32, #tpu.memory_space<vmem>> -> memref<128xi32, #tpu.memory_space<vmem>>
      %dma_wait3A_251 = arith.constant 0 : i32
      %dma_wait3A_252 = arith.constant 0 : i32
      %dma_wait3A_253 = tpu.memref_slice %arg13[%dma_wait3A_251, %dma_wait3A_252] : memref<10240x64xf32, #tpu.memory_space<vmem_shared>> -> memref<10240x64xf32, #tpu.memory_space<vmem_shared>>
      tpu.wait_indirect_dma semaphore(%arg18 : memref<!tpu.dma_semaphore, #tpu.memory_space<semaphore_mem>>) src(%arg9 : memref<128x64xf32, #tpu.memory_space<vmem>>) dst(%dma_wait3A_253 : memref<10240x64xf32, #tpu.memory_space<vmem_shared>>)
      %add3A_254 = arith.constant 4 : i32
      %add3A_255 = arith.addi %mul3A_186, %add3A_254 : i32
      %add3A_256 = arith.constant 0 : i32
      %add3A_257 = arith.addi %add3A_255, %add3A_256 : i32
      %dma_start3A_258 = arith.constant 0 : i32
      %dma_start3A_259 = tpu.memref_slice %arg7[%add3A_257, %dma_start3A_258] : memref<80x128xi32, #tpu.memory_space<vmem>> -> memref<1x128xi32, #tpu.memory_space<vmem>>
      %dma_start3A_260 = tpu.memref_squeeze %dma_start3A_259 : memref<1x128xi32, #tpu.memory_space<vmem>> -> memref<128xi32, #tpu.memory_space<vmem>>
      %dma_start3A_261 = arith.constant 0 : i32
      %dma_start3A_262 = arith.constant 0 : i32
      %dma_start3A_263 = tpu.memref_slice %arg2[%dma_start3A_261, %dma_start3A_262] : memref<10240x64xf32, #tpu.memory_space<hbm>> -> memref<10240x64xf32, #tpu.memory_space<hbm>>
      tpu.enqueue_indirect_dma source(%dma_start3A_263 : memref<10240x64xf32, #tpu.memory_space<hbm>>) target(%arg9 : memref<128x64xf32, #tpu.memory_space<vmem>>) offsets(%dma_start3A_260 : memref<128xi32, #tpu.memory_space<vmem>>) semaphore(%arg14 : memref<!tpu.dma_semaphore, #tpu.memory_space<semaphore_mem>>)
      %dma_wait3A_264 = arith.constant 0 : i32
      %dma_wait3A_265 = arith.constant 0 : i32
      %dma_wait3A_266 = tpu.memref_slice %arg8[%dma_wait3A_264, %dma_wait3A_265] : memref<80x128xi32, #tpu.memory_space<vmem>> -> memref<1x128xi32, #tpu.memory_space<vmem>>
      %dma_wait3A_267 = tpu.memref_squeeze %dma_wait3A_266 : memref<1x128xi32, #tpu.memory_space<vmem>> -> memref<128xi32, #tpu.memory_space<vmem>>
      %dma_wait3A_268 = arith.constant 0 : i32
      %dma_wait3A_269 = arith.constant 0 : i32
      %dma_wait3A_270 = tpu.memref_slice %arg13[%dma_wait3A_268, %dma_wait3A_269] : memref<10240x64xf32, #tpu.memory_space<vmem_shared>> -> memref<10240x64xf32, #tpu.memory_space<vmem_shared>>
      tpu.wait_indirect_dma semaphore(%arg19 : memref<!tpu.dma_semaphore, #tpu.memory_space<semaphore_mem>>) src(%arg10 : memref<128x64xf32, #tpu.memory_space<vmem>>) dst(%dma_wait3A_270 : memref<10240x64xf32, #tpu.memory_space<vmem_shared>>)
      %add3A_271 = arith.constant 4 : i32
      %add3A_272 = arith.addi %mul3A_186, %add3A_271 : i32
      %add3A_273 = arith.constant 1 : i32
      %add3A_274 = arith.addi %add3A_272, %add3A_273 : i32
      %dma_start3A_275 = arith.constant 0 : i32
      %dma_start3A_276 = tpu.memref_slice %arg7[%add3A_274, %dma_start3A_275] : memref<80x128xi32, #tpu.memory_space<vmem>> -> memref<1x128xi32, #tpu.memory_space<vmem>>
      %dma_start3A_277 = tpu.memref_squeeze %dma_start3A_276 : memref<1x128xi32, #tpu.memory_space<vmem>> -> memref<128xi32, #tpu.memory_space<vmem>>
      %dma_start3A_278 = arith.constant 0 : i32
      %dma_start3A_279 = arith.constant 0 : i32
      %dma_start3A_280 = tpu.memref_slice %arg2[%dma_start3A_278, %dma_start3A_279] : memref<10240x64xf32, #tpu.memory_space<hbm>> -> memref<10240x64xf32, #tpu.memory_space<hbm>>
      tpu.enqueue_indirect_dma source(%dma_start3A_280 : memref<10240x64xf32, #tpu.memory_space<hbm>>) target(%arg10 : memref<128x64xf32, #tpu.memory_space<vmem>>) offsets(%dma_start3A_277 : memref<128xi32, #tpu.memory_space<vmem>>) semaphore(%arg15 : memref<!tpu.dma_semaphore, #tpu.memory_space<semaphore_mem>>)
      %dma_wait3A_281 = arith.constant 0 : i32
      %dma_wait3A_282 = arith.constant 0 : i32
      %dma_wait3A_283 = tpu.memref_slice %arg8[%dma_wait3A_281, %dma_wait3A_282] : memref<80x128xi32, #tpu.memory_space<vmem>> -> memref<1x128xi32, #tpu.memory_space<vmem>>
      %dma_wait3A_284 = tpu.memref_squeeze %dma_wait3A_283 : memref<1x128xi32, #tpu.memory_space<vmem>> -> memref<128xi32, #tpu.memory_space<vmem>>
      %dma_wait3A_285 = arith.constant 0 : i32
      %dma_wait3A_286 = arith.constant 0 : i32
      %dma_wait3A_287 = tpu.memref_slice %arg13[%dma_wait3A_285, %dma_wait3A_286] : memref<10240x64xf32, #tpu.memory_space<vmem_shared>> -> memref<10240x64xf32, #tpu.memory_space<vmem_shared>>
      tpu.wait_indirect_dma semaphore(%arg20 : memref<!tpu.dma_semaphore, #tpu.memory_space<semaphore_mem>>) src(%arg11 : memref<128x64xf32, #tpu.memory_space<vmem>>) dst(%dma_wait3A_287 : memref<10240x64xf32, #tpu.memory_space<vmem_shared>>)
      %add3A_288 = arith.constant 4 : i32
      %add3A_289 = arith.addi %mul3A_186, %add3A_288 : i32
      %add3A_290 = arith.constant 2 : i32
      %add3A_291 = arith.addi %add3A_289, %add3A_290 : i32
      %dma_start3A_292 = arith.constant 0 : i32
      %dma_start3A_293 = tpu.memref_slice %arg7[%add3A_291, %dma_start3A_292] : memref<80x128xi32, #tpu.memory_space<vmem>> -> memref<1x128xi32, #tpu.memory_space<vmem>>
      %dma_start3A_294 = tpu.memref_squeeze %dma_start3A_293 : memref<1x128xi32, #tpu.memory_space<vmem>> -> memref<128xi32, #tpu.memory_space<vmem>>
      %dma_start3A_295 = arith.constant 0 : i32
      %dma_start3A_296 = arith.constant 0 : i32
      %dma_start3A_297 = tpu.memref_slice %arg2[%dma_start3A_295, %dma_start3A_296] : memref<10240x64xf32, #tpu.memory_space<hbm>> -> memref<10240x64xf32, #tpu.memory_space<hbm>>
      tpu.enqueue_indirect_dma source(%dma_start3A_297 : memref<10240x64xf32, #tpu.memory_space<hbm>>) target(%arg11 : memref<128x64xf32, #tpu.memory_space<vmem>>) offsets(%dma_start3A_294 : memref<128xi32, #tpu.memory_space<vmem>>) semaphore(%arg16 : memref<!tpu.dma_semaphore, #tpu.memory_space<semaphore_mem>>)
      %dma_wait3A_298 = arith.constant 0 : i32
      %dma_wait3A_299 = arith.constant 0 : i32
      %dma_wait3A_300 = tpu.memref_slice %arg8[%dma_wait3A_298, %dma_wait3A_299] : memref<80x128xi32, #tpu.memory_space<vmem>> -> memref<1x128xi32, #tpu.memory_space<vmem>>
      %dma_wait3A_301 = tpu.memref_squeeze %dma_wait3A_300 : memref<1x128xi32, #tpu.memory_space<vmem>> -> memref<128xi32, #tpu.memory_space<vmem>>
      %dma_wait3A_302 = arith.constant 0 : i32
      %dma_wait3A_303 = arith.constant 0 : i32
      %dma_wait3A_304 = tpu.memref_slice %arg13[%dma_wait3A_302, %dma_wait3A_303] : memref<10240x64xf32, #tpu.memory_space<vmem_shared>> -> memref<10240x64xf32, #tpu.memory_space<vmem_shared>>
      tpu.wait_indirect_dma semaphore(%arg21 : memref<!tpu.dma_semaphore, #tpu.memory_space<semaphore_mem>>) src(%arg12 : memref<128x64xf32, #tpu.memory_space<vmem>>) dst(%dma_wait3A_304 : memref<10240x64xf32, #tpu.memory_space<vmem_shared>>)
      %add3A_305 = arith.constant 4 : i32
      %add3A_306 = arith.addi %mul3A_186, %add3A_305 : i32
      %add3A_307 = arith.constant 3 : i32
      %add3A_308 = arith.addi %add3A_306, %add3A_307 : i32
      %dma_start3A_309 = arith.constant 0 : i32
      %dma_start3A_310 = tpu.memref_slice %arg7[%add3A_308, %dma_start3A_309] : memref<80x128xi32, #tpu.memory_space<vmem>> -> memref<1x128xi32, #tpu.memory_space<vmem>>
      %dma_start3A_311 = tpu.memref_squeeze %dma_start3A_310 : memref<1x128xi32, #tpu.memory_space<vmem>> -> memref<128xi32, #tpu.memory_space<vmem>>
      %dma_start3A_312 = arith.constant 0 : i32
      %dma_start3A_313 = arith.constant 0 : i32
      %dma_start3A_314 = tpu.memref_slice %arg2[%dma_start3A_312, %dma_start3A_313] : memref<10240x64xf32, #tpu.memory_space<hbm>> -> memref<10240x64xf32, #tpu.memory_space<hbm>>
      tpu.enqueue_indirect_dma source(%dma_start3A_314 : memref<10240x64xf32, #tpu.memory_space<hbm>>) target(%arg12 : memref<128x64xf32, #tpu.memory_space<vmem>>) offsets(%dma_start3A_311 : memref<128xi32, #tpu.memory_space<vmem>>) semaphore(%arg17 : memref<!tpu.dma_semaphore, #tpu.memory_space<semaphore_mem>>)
    }
    %sub3A_94 = arith.constant 4 : i32
    %sub3A_95 = arith.subi %select_n3A, %sub3A_94 : i32
    %dma_wait3A_96 = arith.constant 0 : i32
    %dma_wait3A_97 = arith.constant 0 : i32
    %dma_wait3A_98 = tpu.memref_slice %arg7[%dma_wait3A_96, %dma_wait3A_97] : memref<80x128xi32, #tpu.memory_space<vmem>> -> memref<1x128xi32, #tpu.memory_space<vmem>>
    %dma_wait3A_99 = tpu.memref_squeeze %dma_wait3A_98 : memref<1x128xi32, #tpu.memory_space<vmem>> -> memref<128xi32, #tpu.memory_space<vmem>>
    %dma_wait3A_100 = arith.constant 0 : i32
    %dma_wait3A_101 = arith.constant 0 : i32
    %dma_wait3A_102 = tpu.memref_slice %arg2[%dma_wait3A_100, %dma_wait3A_101] : memref<10240x64xf32, #tpu.memory_space<hbm>> -> memref<10240x64xf32, #tpu.memory_space<hbm>>
    tpu.wait_indirect_dma semaphore(%arg14 : memref<!tpu.dma_semaphore, #tpu.memory_space<semaphore_mem>>) src(%dma_wait3A_102 : memref<10240x64xf32, #tpu.memory_space<hbm>>) dst(%arg9 : memref<128x64xf32, #tpu.memory_space<vmem>>)
    %add3A = arith.constant 0 : i32
    %add3A_103 = arith.addi %sub3A_95, %add3A : i32
    %dma_start3A_104 = arith.constant 0 : i32
    %dma_start3A_105 = tpu.memref_slice %arg8[%add3A_103, %dma_start3A_104] : memref<80x128xi32, #tpu.memory_space<vmem>> -> memref<1x128xi32, #tpu.memory_space<vmem>>
    %dma_start3A_106 = tpu.memref_squeeze %dma_start3A_105 : memref<1x128xi32, #tpu.memory_space<vmem>> -> memref<128xi32, #tpu.memory_space<vmem>>
    %dma_start3A_107 = arith.constant 0 : i32
    %dma_start3A_108 = arith.constant 0 : i32
    %dma_start3A_109 = tpu.memref_slice %arg13[%dma_start3A_107, %dma_start3A_108] : memref<10240x64xf32, #tpu.memory_space<vmem_shared>> -> memref<10240x64xf32, #tpu.memory_space<vmem_shared>>
    tpu.enqueue_indirect_dma source(%arg9 : memref<128x64xf32, #tpu.memory_space<vmem>>) target(%dma_start3A_109 : memref<10240x64xf32, #tpu.memory_space<vmem_shared>>) offsets(%dma_start3A_106 : memref<128xi32, #tpu.memory_space<vmem>>) semaphore(%arg18 : memref<!tpu.dma_semaphore, #tpu.memory_space<semaphore_mem>>) {add = true}
    %dma_wait3A_110 = arith.constant 0 : i32
    %dma_wait3A_111 = arith.constant 0 : i32
    %dma_wait3A_112 = tpu.memref_slice %arg7[%dma_wait3A_110, %dma_wait3A_111] : memref<80x128xi32, #tpu.memory_space<vmem>> -> memref<1x128xi32, #tpu.memory_space<vmem>>
    %dma_wait3A_113 = tpu.memref_squeeze %dma_wait3A_112 : memref<1x128xi32, #tpu.memory_space<vmem>> -> memref<128xi32, #tpu.memory_space<vmem>>
    %dma_wait3A_114 = arith.constant 0 : i32
    %dma_wait3A_115 = arith.constant 0 : i32
    %dma_wait3A_116 = tpu.memref_slice %arg2[%dma_wait3A_114, %dma_wait3A_115] : memref<10240x64xf32, #tpu.memory_space<hbm>> -> memref<10240x64xf32, #tpu.memory_space<hbm>>
    tpu.wait_indirect_dma semaphore(%arg15 : memref<!tpu.dma_semaphore, #tpu.memory_space<semaphore_mem>>) src(%dma_wait3A_116 : memref<10240x64xf32, #tpu.memory_space<hbm>>) dst(%arg10 : memref<128x64xf32, #tpu.memory_space<vmem>>)
    %add3A_117 = arith.constant 1 : i32
    %add3A_118 = arith.addi %sub3A_95, %add3A_117 : i32
    %dma_start3A_119 = arith.constant 0 : i32
    %dma_start3A_120 = tpu.memref_slice %arg8[%add3A_118, %dma_start3A_119] : memref<80x128xi32, #tpu.memory_space<vmem>> -> memref<1x128xi32, #tpu.memory_space<vmem>>
    %dma_start3A_121 = tpu.memref_squeeze %dma_start3A_120 : memref<1x128xi32, #tpu.memory_space<vmem>> -> memref<128xi32, #tpu.memory_space<vmem>>
    %dma_start3A_122 = arith.constant 0 : i32
    %dma_start3A_123 = arith.constant 0 : i32
    %dma_start3A_124 = tpu.memref_slice %arg13[%dma_start3A_122, %dma_start3A_123] : memref<10240x64xf32, #tpu.memory_space<vmem_shared>> -> memref<10240x64xf32, #tpu.memory_space<vmem_shared>>
    tpu.enqueue_indirect_dma source(%arg10 : memref<128x64xf32, #tpu.memory_space<vmem>>) target(%dma_start3A_124 : memref<10240x64xf32, #tpu.memory_space<vmem_shared>>) offsets(%dma_start3A_121 : memref<128xi32, #tpu.memory_space<vmem>>) semaphore(%arg19 : memref<!tpu.dma_semaphore, #tpu.memory_space<semaphore_mem>>) {add = true}
    %dma_wait3A_125 = arith.constant 0 : i32
    %dma_wait3A_126 = arith.constant 0 : i32
    %dma_wait3A_127 = tpu.memref_slice %arg7[%dma_wait3A_125, %dma_wait3A_126] : memref<80x128xi32, #tpu.memory_space<vmem>> -> memref<1x128xi32, #tpu.memory_space<vmem>>
    %dma_wait3A_128 = tpu.memref_squeeze %dma_wait3A_127 : memref<1x128xi32, #tpu.memory_space<vmem>> -> memref<128xi32, #tpu.memory_space<vmem>>
    %dma_wait3A_129 = arith.constant 0 : i32
    %dma_wait3A_130 = arith.constant 0 : i32
    %dma_wait3A_131 = tpu.memref_slice %arg2[%dma_wait3A_129, %dma_wait3A_130] : memref<10240x64xf32, #tpu.memory_space<hbm>> -> memref<10240x64xf32, #tpu.memory_space<hbm>>
    tpu.wait_indirect_dma semaphore(%arg16 : memref<!tpu.dma_semaphore, #tpu.memory_space<semaphore_mem>>) src(%dma_wait3A_131 : memref<10240x64xf32, #tpu.memory_space<hbm>>) dst(%arg11 : memref<128x64xf32, #tpu.memory_space<vmem>>)
    %add3A_132 = arith.constant 2 : i32
    %add3A_133 = arith.addi %sub3A_95, %add3A_132 : i32
    %dma_start3A_134 = arith.constant 0 : i32
    %dma_start3A_135 = tpu.memref_slice %arg8[%add3A_133, %dma_start3A_134] : memref<80x128xi32, #tpu.memory_space<vmem>> -> memref<1x128xi32, #tpu.memory_space<vmem>>
    %dma_start3A_136 = tpu.memref_squeeze %dma_start3A_135 : memref<1x128xi32, #tpu.memory_space<vmem>> -> memref<128xi32, #tpu.memory_space<vmem>>
    %dma_start3A_137 = arith.constant 0 : i32
    %dma_start3A_138 = arith.constant 0 : i32
    %dma_start3A_139 = tpu.memref_slice %arg13[%dma_start3A_137, %dma_start3A_138] : memref<10240x64xf32, #tpu.memory_space<vmem_shared>> -> memref<10240x64xf32, #tpu.memory_space<vmem_shared>>
    tpu.enqueue_indirect_dma source(%arg11 : memref<128x64xf32, #tpu.memory_space<vmem>>) target(%dma_start3A_139 : memref<10240x64xf32, #tpu.memory_space<vmem_shared>>) offsets(%dma_start3A_136 : memref<128xi32, #tpu.memory_space<vmem>>) semaphore(%arg20 : memref<!tpu.dma_semaphore, #tpu.memory_space<semaphore_mem>>) {add = true}
    %dma_wait3A_140 = arith.constant 0 : i32
    %dma_wait3A_141 = arith.constant 0 : i32
    %dma_wait3A_142 = tpu.memref_slice %arg7[%dma_wait3A_140, %dma_wait3A_141] : memref<80x128xi32, #tpu.memory_space<vmem>> -> memref<1x128xi32, #tpu.memory_space<vmem>>
    %dma_wait3A_143 = tpu.memref_squeeze %dma_wait3A_142 : memref<1x128xi32, #tpu.memory_space<vmem>> -> memref<128xi32, #tpu.memory_space<vmem>>
    %dma_wait3A_144 = arith.constant 0 : i32
    %dma_wait3A_145 = arith.constant 0 : i32
    %dma_wait3A_146 = tpu.memref_slice %arg2[%dma_wait3A_144, %dma_wait3A_145] : memref<10240x64xf32, #tpu.memory_space<hbm>> -> memref<10240x64xf32, #tpu.memory_space<hbm>>
    tpu.wait_indirect_dma semaphore(%arg17 : memref<!tpu.dma_semaphore, #tpu.memory_space<semaphore_mem>>) src(%dma_wait3A_146 : memref<10240x64xf32, #tpu.memory_space<hbm>>) dst(%arg12 : memref<128x64xf32, #tpu.memory_space<vmem>>)
    %add3A_147 = arith.constant 3 : i32
    %add3A_148 = arith.addi %sub3A_95, %add3A_147 : i32
    %dma_start3A_149 = arith.constant 0 : i32
    %dma_start3A_150 = tpu.memref_slice %arg8[%add3A_148, %dma_start3A_149] : memref<80x128xi32, #tpu.memory_space<vmem>> -> memref<1x128xi32, #tpu.memory_space<vmem>>
    %dma_start3A_151 = tpu.memref_squeeze %dma_start3A_150 : memref<1x128xi32, #tpu.memory_space<vmem>> -> memref<128xi32, #tpu.memory_space<vmem>>
    %dma_start3A_152 = arith.constant 0 : i32
    %dma_start3A_153 = arith.constant 0 : i32
    %dma_start3A_154 = tpu.memref_slice %arg13[%dma_start3A_152, %dma_start3A_153] : memref<10240x64xf32, #tpu.memory_space<vmem_shared>> -> memref<10240x64xf32, #tpu.memory_space<vmem_shared>>
    tpu.enqueue_indirect_dma source(%arg12 : memref<128x64xf32, #tpu.memory_space<vmem>>) target(%dma_start3A_154 : memref<10240x64xf32, #tpu.memory_space<vmem_shared>>) offsets(%dma_start3A_151 : memref<128xi32, #tpu.memory_space<vmem>>) semaphore(%arg21 : memref<!tpu.dma_semaphore, #tpu.memory_space<semaphore_mem>>) {add = true}
    %dma_wait3A_155 = arith.constant 0 : i32
    %dma_wait3A_156 = arith.constant 0 : i32
    %dma_wait3A_157 = tpu.memref_slice %arg8[%dma_wait3A_155, %dma_wait3A_156] : memref<80x128xi32, #tpu.memory_space<vmem>> -> memref<1x128xi32, #tpu.memory_space<vmem>>
    %dma_wait3A_158 = tpu.memref_squeeze %dma_wait3A_157 : memref<1x128xi32, #tpu.memory_space<vmem>> -> memref<128xi32, #tpu.memory_space<vmem>>
    %dma_wait3A_159 = arith.constant 0 : i32
    %dma_wait3A_160 = arith.constant 0 : i32
    %dma_wait3A_161 = tpu.memref_slice %arg13[%dma_wait3A_159, %dma_wait3A_160] : memref<10240x64xf32, #tpu.memory_space<vmem_shared>> -> memref<10240x64xf32, #tpu.memory_space<vmem_shared>>
    tpu.wait_indirect_dma semaphore(%arg18 : memref<!tpu.dma_semaphore, #tpu.memory_space<semaphore_mem>>) src(%arg9 : memref<128x64xf32, #tpu.memory_space<vmem>>) dst(%dma_wait3A_161 : memref<10240x64xf32, #tpu.memory_space<vmem_shared>>)
    %dma_wait3A_162 = arith.constant 0 : i32
    %dma_wait3A_163 = arith.constant 0 : i32
    %dma_wait3A_164 = tpu.memref_slice %arg8[%dma_wait3A_162, %dma_wait3A_163] : memref<80x128xi32, #tpu.memory_space<vmem>> -> memref<1x128xi32, #tpu.memory_space<vmem>>
    %dma_wait3A_165 = tpu.memref_squeeze %dma_wait3A_164 : memref<1x128xi32, #tpu.memory_space<vmem>> -> memref<128xi32, #tpu.memory_space<vmem>>
    %dma_wait3A_166 = arith.constant 0 : i32
    %dma_wait3A_167 = arith.constant 0 : i32
    %dma_wait3A_168 = tpu.memref_slice %arg13[%dma_wait3A_166, %dma_wait3A_167] : memref<10240x64xf32, #tpu.memory_space<vmem_shared>> -> memref<10240x64xf32, #tpu.memory_space<vmem_shared>>
    tpu.wait_indirect_dma semaphore(%arg19 : memref<!tpu.dma_semaphore, #tpu.memory_space<semaphore_mem>>) src(%arg10 : memref<128x64xf32, #tpu.memory_space<vmem>>) dst(%dma_wait3A_168 : memref<10240x64xf32, #tpu.memory_space<vmem_shared>>)
    %dma_wait3A_169 = arith.constant 0 : i32
    %dma_wait3A_170 = arith.constant 0 : i32
    %dma_wait3A_171 = tpu.memref_slice %arg8[%dma_wait3A_169, %dma_wait3A_170] : memref<80x128xi32, #tpu.memory_space<vmem>> -> memref<1x128xi32, #tpu.memory_space<vmem>>
    %dma_wait3A_172 = tpu.memref_squeeze %dma_wait3A_171 : memref<1x128xi32, #tpu.memory_space<vmem>> -> memref<128xi32, #tpu.memory_space<vmem>>
    %dma_wait3A_173 = arith.constant 0 : i32
    %dma_wait3A_174 = arith.constant 0 : i32
    %dma_wait3A_175 = tpu.memref_slice %arg13[%dma_wait3A_173, %dma_wait3A_174] : memref<10240x64xf32, #tpu.memory_space<vmem_shared>> -> memref<10240x64xf32, #tpu.memory_space<vmem_shared>>
    tpu.wait_indirect_dma semaphore(%arg20 : memref<!tpu.dma_semaphore, #tpu.memory_space<semaphore_mem>>) src(%arg11 : memref<128x64xf32, #tpu.memory_space<vmem>>) dst(%dma_wait3A_175 : memref<10240x64xf32, #tpu.memory_space<vmem_shared>>)
    %dma_wait3A_176 = arith.constant 0 : i32
    %dma_wait3A_177 = arith.constant 0 : i32
    %dma_wait3A_178 = tpu.memref_slice %arg8[%dma_wait3A_176, %dma_wait3A_177] : memref<80x128xi32, #tpu.memory_space<vmem>> -> memref<1x128xi32, #tpu.memory_space<vmem>>
    %dma_wait3A_179 = tpu.memref_squeeze %dma_wait3A_178 : memref<1x128xi32, #tpu.memory_space<vmem>> -> memref<128xi32, #tpu.memory_space<vmem>>
    %dma_wait3A_180 = arith.constant 0 : i32
    %dma_wait3A_181 = arith.constant 0 : i32
    %dma_wait3A_182 = tpu.memref_slice %arg13[%dma_wait3A_180, %dma_wait3A_181] : memref<10240x64xf32, #tpu.memory_space<vmem_shared>> -> memref<10240x64xf32, #tpu.memory_space<vmem_shared>>
    tpu.wait_indirect_dma semaphore(%arg21 : memref<!tpu.dma_semaphore, #tpu.memory_space<semaphore_mem>>) src(%arg12 : memref<128x64xf32, #tpu.memory_space<vmem>>) dst(%dma_wait3A_182 : memref<10240x64xf32, #tpu.memory_space<vmem_shared>>)
    %barrier3A_183 = arith.constant 0 : index
    tpu.barrier barrier_id(%barrier3A_183)
    "tpu.region"() ({
      %run_scoped3A = tpu.sem_alloc : memref<!tpu.dma_semaphore, #tpu.memory_space<semaphore_mem>>
      %dma_start3A_184 = arith.constant 0 : i32
      %dma_start3A_185 = arith.constant 0 : i32
      %dma_start3A_186 = tpu.memref_slice %arg6[%arg0, %dma_start3A_184, %dma_start3A_185] : memref<2x10240x64xf32, #tpu.memory_space<hbm>> -> memref<1x10240x64xf32, #tpu.memory_space<hbm>>
      %dma_start3A_187 = tpu.memref_squeeze %dma_start3A_186 : memref<1x10240x64xf32, #tpu.memory_space<hbm>> -> memref<10240x64xf32, #tpu.memory_space<hbm>>
      %dma_start3A_188 = arith.constant 0 : i32
      %dma_start3A_189 = tpu.memref_slice %dma_start3A_187[%mul3A_0, %dma_start3A_188] : memref<10240x64xf32, #tpu.memory_space<hbm>> -> memref<640x64xf32, #tpu.memory_space<hbm>>
      %dma_start3A_190 = arith.constant 0 : i32
      %dma_start3A_191 = tpu.memref_slice %arg13[%mul3A_0, %dma_start3A_190] : memref<10240x64xf32, #tpu.memory_space<vmem_shared>> -> memref<640x64xf32, #tpu.memory_space<vmem_shared>>
      tpu.enqueue_dma source(%dma_start3A_191 : memref<640x64xf32, #tpu.memory_space<vmem_shared>>) target(%dma_start3A_189 : memref<640x64xf32, #tpu.memory_space<hbm>>) target_semaphore(%run_scoped3A : memref<!tpu.dma_semaphore, #tpu.memory_space<semaphore_mem>>)
      %dma_wait3A_192 = arith.constant 0 : i32
      %dma_wait3A_193 = arith.constant 0 : i32
      %dma_wait3A_194 = tpu.memref_slice %arg6[%arg0, %dma_wait3A_192, %dma_wait3A_193] : memref<2x10240x64xf32, #tpu.memory_space<hbm>> -> memref<1x10240x64xf32, #tpu.memory_space<hbm>>
      %dma_wait3A_195 = tpu.memref_squeeze %dma_wait3A_194 : memref<1x10240x64xf32, #tpu.memory_space<hbm>> -> memref<10240x64xf32, #tpu.memory_space<hbm>>
      %dma_wait3A_196 = arith.constant 0 : i32
      %dma_wait3A_197 = tpu.memref_slice %dma_wait3A_195[%mul3A_0, %dma_wait3A_196] : memref<10240x64xf32, #tpu.memory_space<hbm>> -> memref<640x64xf32, #tpu.memory_space<hbm>>
      %dma_wait3A_198 = arith.constant 0 : i32
      %dma_wait3A_199 = tpu.memref_slice %arg13[%mul3A_0, %dma_wait3A_198] : memref<10240x64xf32, #tpu.memory_space<vmem_shared>> -> memref<640x64xf32, #tpu.memory_space<vmem_shared>>
      tpu.wait_dma2 semaphore(%run_scoped3A : memref<!tpu.dma_semaphore, #tpu.memory_space<semaphore_mem>>) src(%dma_wait3A_199 : memref<640x64xf32, #tpu.memory_space<vmem_shared>>) dst(%dma_wait3A_197 : memref<640x64xf32, #tpu.memory_space<hbm>>)
      tpu.yield
    }) : () -> ()
    return
  }
}

#map = affine_map<(d0, d1) -> (0, 0)>
#map1 = affine_map<(d0, d1) -> (0, 0, 0)>
module attributes {stable_mosaic.version = 14 : i64} {
  func.func @_sc_gs_body(%arg0: i32, %arg1: i32, %arg2: memref<10240x64xf32, #tpu.memory_space<hbm>>, %arg3: memref<2560x128xi32, #tpu.memory_space<hbm>>, %arg4: memref<2560x128xi32, #tpu.memory_space<hbm>>, %arg5: memref<640x64xf32, #tpu.memory_space<hbm>>, %arg6: memref<2x10240x64xf32, #tpu.memory_space<hbm>>, %arg7: memref<80x128xi32, #tpu.memory_space<vmem>>, %arg8: memref<80x128xi32, #tpu.memory_space<vmem>>, %arg9: memref<128x64xf32, #tpu.memory_space<vmem>>, %arg10: memref<128x64xf32, #tpu.memory_space<vmem>>, %arg11: memref<128x64xf32, #tpu.memory_space<vmem>>, %arg12: memref<128x64xf32, #tpu.memory_space<vmem>>, %arg13: memref<10240x64xf32, #tpu.memory_space<vmem_shared>>, %arg14: memref<!tpu.dma_semaphore, #tpu.memory_space<semaphore_mem>>, %arg15: memref<!tpu.dma_semaphore, #tpu.memory_space<semaphore_mem>>, %arg16: memref<!tpu.dma_semaphore, #tpu.memory_space<semaphore_mem>>, %arg17: memref<!tpu.dma_semaphore, #tpu.memory_space<semaphore_mem>>, %arg18: memref<!tpu.dma_semaphore, #tpu.memory_space<semaphore_mem>>, %arg19: memref<!tpu.dma_semaphore, #tpu.memory_space<semaphore_mem>>, %arg20: memref<!tpu.dma_semaphore, #tpu.memory_space<semaphore_mem>>, %arg21: memref<!tpu.dma_semaphore, #tpu.memory_space<semaphore_mem>>) attributes {dimension_semantics = [#tpu.dimension_semantics<core_parallel>, #tpu.dimension_semantics<subcore_parallel>], iteration_bounds = array<i64: 2, 16>, scalar_prefetch = 0 : i64, scratch_operands = 15 : i64, tpu.core_type = #tpu.core_type<sc_vector_subcore>, window_params = [{transform_indices = #map}, {transform_indices = #map}, {transform_indices = #map}, {transform_indices = #map}, {transform_indices = #map1}]} {
    %mul3A = arith.constant 640 : i32
    %mul3A_0 = arith.muli %arg1, %mul3A : i32
    %eq3A = arith.constant 0 : i32
    %eq3A_1 = arith.cmpi eq, %arg0, %eq3A : i32
    %jit3A = arith.constant 80 : i32
    %jit3A_2 = arith.constant 80 : i32
    %select_n3A = arith.select %eq3A_1, %jit3A, %jit3A_2 : i32
    %dma_start3A = arith.constant 0 : i32
    %dma_start3A_3 = tpu.memref_slice %arg13[%mul3A_0, %dma_start3A] : memref<10240x64xf32, #tpu.memory_space<vmem_shared>> -> memref<640x64xf32, #tpu.memory_space<vmem_shared>>
    tpu.enqueue_dma source(%arg5 : memref<640x64xf32, #tpu.memory_space<hbm>>) target(%dma_start3A_3 : memref<640x64xf32, #tpu.memory_space<vmem_shared>>) target_semaphore(%arg18 : memref<!tpu.dma_semaphore, #tpu.memory_space<semaphore_mem>>)
    %eq3A_4 = arith.constant 0 : i32
    %eq3A_5 = arith.cmpi eq, %arg0, %eq3A_4 : i32
    %convert_element_type3A = arith.extui %eq3A_5 : i1 to i32
    %cond3A = arith.constant 0 : i32
    %cond3A_6 = arith.cmpi ne, %convert_element_type3A, %cond3A : i32
    scf.if %cond3A_6 {
      %mul3A_184 = arith.constant 80 : i32
      %mul3A_185 = arith.muli %arg1, %mul3A_184 : i32
      %dma_start3A_186 = arith.constant 0 : i32
      %dma_start3A_187 = arith.constant 0 : i32
      %dma_start3A_188 = tpu.memref_slice %arg7[%dma_start3A_186, %dma_start3A_187] : memref<80x128xi32, #tpu.memory_space<vmem>> -> memref<80x128xi32, #tpu.memory_space<vmem>>
      %dma_start3A_189 = arith.constant 0 : i32
      %dma_start3A_190 = tpu.memref_slice %arg3[%mul3A_185, %dma_start3A_189] : memref<2560x128xi32, #tpu.memory_space<hbm>> -> memref<80x128xi32, #tpu.memory_space<hbm>>
      %dma_start3A_191 = arith.constant 0 : i32
      %dma_start3A_192 = arith.constant 0 : i32
      %dma_start3A_193 = tpu.memref_slice %arg7[%dma_start3A_191, %dma_start3A_192] : memref<80x128xi32, #tpu.memory_space<vmem>> -> memref<80x128xi32, #tpu.memory_space<vmem>>
      %dma_start3A_194 = arith.constant 0 : i32
      %dma_start3A_195 = tpu.memref_slice %arg3[%mul3A_185, %dma_start3A_194] : memref<2560x128xi32, #tpu.memory_space<hbm>> -> memref<80x128xi32, #tpu.memory_space<hbm>>
      tpu.enqueue_dma source(%dma_start3A_195 : memref<80x128xi32, #tpu.memory_space<hbm>>) target(%dma_start3A_193 : memref<80x128xi32, #tpu.memory_space<vmem>>) target_semaphore(%arg19 : memref<!tpu.dma_semaphore, #tpu.memory_space<semaphore_mem>>)
      %mul3A_196 = arith.constant 80 : i32
      %mul3A_197 = arith.muli %arg1, %mul3A_196 : i32
      %dma_start3A_198 = arith.constant 0 : i32
      %dma_start3A_199 = arith.constant 0 : i32
      %dma_start3A_200 = tpu.memref_slice %arg8[%dma_start3A_198, %dma_start3A_199] : memref<80x128xi32, #tpu.memory_space<vmem>> -> memref<80x128xi32, #tpu.memory_space<vmem>>
      %dma_start3A_201 = arith.constant 0 : i32
      %dma_start3A_202 = tpu.memref_slice %arg4[%mul3A_197, %dma_start3A_201] : memref<2560x128xi32, #tpu.memory_space<hbm>> -> memref<80x128xi32, #tpu.memory_space<hbm>>
      %dma_start3A_203 = arith.constant 0 : i32
      %dma_start3A_204 = arith.constant 0 : i32
      %dma_start3A_205 = tpu.memref_slice %arg8[%dma_start3A_203, %dma_start3A_204] : memref<80x128xi32, #tpu.memory_space<vmem>> -> memref<80x128xi32, #tpu.memory_space<vmem>>
      %dma_start3A_206 = arith.constant 0 : i32
      %dma_start3A_207 = tpu.memref_slice %arg4[%mul3A_197, %dma_start3A_206] : memref<2560x128xi32, #tpu.memory_space<hbm>> -> memref<80x128xi32, #tpu.memory_space<hbm>>
      tpu.enqueue_dma source(%dma_start3A_207 : memref<80x128xi32, #tpu.memory_space<hbm>>) target(%dma_start3A_205 : memref<80x128xi32, #tpu.memory_space<vmem>>) target_semaphore(%arg20 : memref<!tpu.dma_semaphore, #tpu.memory_space<semaphore_mem>>)
    } else {
    }
    %ne3A = arith.constant 0 : i32
    %ne3A_7 = arith.cmpi ne, %arg0, %ne3A : i32
    %convert_element_type3A_8 = arith.extui %ne3A_7 : i1 to i32
    %cond3A_9 = arith.constant 0 : i32
    %cond3A_10 = arith.cmpi ne, %convert_element_type3A_8, %cond3A_9 : i32
    scf.if %cond3A_10 {
      %mul3A_184 = arith.constant 80 : i32
      %mul3A_185 = arith.muli %arg1, %mul3A_184 : i32
      %add3A_186 = arith.constant 1280 : i32
      %add3A_187 = arith.addi %add3A_186, %mul3A_185 : i32
      %dma_start3A_188 = arith.constant 0 : i32
      %dma_start3A_189 = arith.constant 0 : i32
      %dma_start3A_190 = tpu.memref_slice %arg7[%dma_start3A_188, %dma_start3A_189] : memref<80x128xi32, #tpu.memory_space<vmem>> -> memref<80x128xi32, #tpu.memory_space<vmem>>
      %dma_start3A_191 = arith.constant 0 : i32
      %dma_start3A_192 = tpu.memref_slice %arg3[%add3A_187, %dma_start3A_191] : memref<2560x128xi32, #tpu.memory_space<hbm>> -> memref<80x128xi32, #tpu.memory_space<hbm>>
      %dma_start3A_193 = arith.constant 0 : i32
      %dma_start3A_194 = arith.constant 0 : i32
      %dma_start3A_195 = tpu.memref_slice %arg7[%dma_start3A_193, %dma_start3A_194] : memref<80x128xi32, #tpu.memory_space<vmem>> -> memref<80x128xi32, #tpu.memory_space<vmem>>
      %dma_start3A_196 = arith.constant 0 : i32
      %dma_start3A_197 = tpu.memref_slice %arg3[%add3A_187, %dma_start3A_196] : memref<2560x128xi32, #tpu.memory_space<hbm>> -> memref<80x128xi32, #tpu.memory_space<hbm>>
      tpu.enqueue_dma source(%dma_start3A_197 : memref<80x128xi32, #tpu.memory_space<hbm>>) target(%dma_start3A_195 : memref<80x128xi32, #tpu.memory_space<vmem>>) target_semaphore(%arg19 : memref<!tpu.dma_semaphore, #tpu.memory_space<semaphore_mem>>)
      %dma_start3A_198 = arith.constant 0 : i32
      %dma_start3A_199 = arith.constant 0 : i32
      %dma_start3A_200 = tpu.memref_slice %arg8[%dma_start3A_198, %dma_start3A_199] : memref<80x128xi32, #tpu.memory_space<vmem>> -> memref<80x128xi32, #tpu.memory_space<vmem>>
      %dma_start3A_201 = arith.constant 0 : i32
      %dma_start3A_202 = tpu.memref_slice %arg4[%add3A_187, %dma_start3A_201] : memref<2560x128xi32, #tpu.memory_space<hbm>> -> memref<80x128xi32, #tpu.memory_space<hbm>>
      %dma_start3A_203 = arith.constant 0 : i32
      %dma_start3A_204 = arith.constant 0 : i32
      %dma_start3A_205 = tpu.memref_slice %arg8[%dma_start3A_203, %dma_start3A_204] : memref<80x128xi32, #tpu.memory_space<vmem>> -> memref<80x128xi32, #tpu.memory_space<vmem>>
      %dma_start3A_206 = arith.constant 0 : i32
      %dma_start3A_207 = tpu.memref_slice %arg4[%add3A_187, %dma_start3A_206] : memref<2560x128xi32, #tpu.memory_space<hbm>> -> memref<80x128xi32, #tpu.memory_space<hbm>>
      tpu.enqueue_dma source(%dma_start3A_207 : memref<80x128xi32, #tpu.memory_space<hbm>>) target(%dma_start3A_205 : memref<80x128xi32, #tpu.memory_space<vmem>>) target_semaphore(%arg20 : memref<!tpu.dma_semaphore, #tpu.memory_space<semaphore_mem>>)
    } else {
    }
    %dma_wait3A = arith.constant 0 : i32
    %dma_wait3A_11 = tpu.memref_slice %arg13[%mul3A_0, %dma_wait3A] : memref<10240x64xf32, #tpu.memory_space<vmem_shared>> -> memref<640x64xf32, #tpu.memory_space<vmem_shared>>
    tpu.wait_dma2 semaphore(%arg18 : memref<!tpu.dma_semaphore, #tpu.memory_space<semaphore_mem>>) src(%arg5 : memref<640x64xf32, #tpu.memory_space<hbm>>) dst(%dma_wait3A_11 : memref<640x64xf32, #tpu.memory_space<vmem_shared>>)
    %dma_wait3A_12 = arith.constant 0 : i32
    %dma_wait3A_13 = arith.constant 0 : i32
    %dma_wait3A_14 = tpu.memref_slice %arg7[%dma_wait3A_12, %dma_wait3A_13] : memref<80x128xi32, #tpu.memory_space<vmem>> -> memref<80x128xi32, #tpu.memory_space<vmem>>
    %dma_wait3A_15 = arith.constant 0 : i32
    %dma_wait3A_16 = arith.constant 0 : i32
    %dma_wait3A_17 = tpu.memref_slice %arg3[%dma_wait3A_15, %dma_wait3A_16] : memref<2560x128xi32, #tpu.memory_space<hbm>> -> memref<80x128xi32, #tpu.memory_space<hbm>>
    %dma_wait3A_18 = arith.constant 0 : i32
    %dma_wait3A_19 = arith.constant 0 : i32
    %dma_wait3A_20 = tpu.memref_slice %arg7[%dma_wait3A_18, %dma_wait3A_19] : memref<80x128xi32, #tpu.memory_space<vmem>> -> memref<80x128xi32, #tpu.memory_space<vmem>>
    %dma_wait3A_21 = arith.constant 0 : i32
    %dma_wait3A_22 = arith.constant 0 : i32
    %dma_wait3A_23 = tpu.memref_slice %arg3[%dma_wait3A_21, %dma_wait3A_22] : memref<2560x128xi32, #tpu.memory_space<hbm>> -> memref<80x128xi32, #tpu.memory_space<hbm>>
    tpu.wait_dma2 semaphore(%arg19 : memref<!tpu.dma_semaphore, #tpu.memory_space<semaphore_mem>>) src(%dma_wait3A_23 : memref<80x128xi32, #tpu.memory_space<hbm>>) dst(%dma_wait3A_20 : memref<80x128xi32, #tpu.memory_space<vmem>>)
    %dma_wait3A_24 = arith.constant 0 : i32
    %dma_wait3A_25 = arith.constant 0 : i32
    %dma_wait3A_26 = tpu.memref_slice %arg8[%dma_wait3A_24, %dma_wait3A_25] : memref<80x128xi32, #tpu.memory_space<vmem>> -> memref<80x128xi32, #tpu.memory_space<vmem>>
    %dma_wait3A_27 = arith.constant 0 : i32
    %dma_wait3A_28 = arith.constant 0 : i32
    %dma_wait3A_29 = tpu.memref_slice %arg4[%dma_wait3A_27, %dma_wait3A_28] : memref<2560x128xi32, #tpu.memory_space<hbm>> -> memref<80x128xi32, #tpu.memory_space<hbm>>
    %dma_wait3A_30 = arith.constant 0 : i32
    %dma_wait3A_31 = arith.constant 0 : i32
    %dma_wait3A_32 = tpu.memref_slice %arg8[%dma_wait3A_30, %dma_wait3A_31] : memref<80x128xi32, #tpu.memory_space<vmem>> -> memref<80x128xi32, #tpu.memory_space<vmem>>
    %dma_wait3A_33 = arith.constant 0 : i32
    %dma_wait3A_34 = arith.constant 0 : i32
    %dma_wait3A_35 = tpu.memref_slice %arg4[%dma_wait3A_33, %dma_wait3A_34] : memref<2560x128xi32, #tpu.memory_space<hbm>> -> memref<80x128xi32, #tpu.memory_space<hbm>>
    tpu.wait_dma2 semaphore(%arg20 : memref<!tpu.dma_semaphore, #tpu.memory_space<semaphore_mem>>) src(%dma_wait3A_35 : memref<80x128xi32, #tpu.memory_space<hbm>>) dst(%dma_wait3A_32 : memref<80x128xi32, #tpu.memory_space<vmem>>)
    %barrier3A = arith.constant 0 : index
    tpu.barrier barrier_id(%barrier3A)
    %dma_start3A_36 = arith.constant 0 : i32
    %dma_start3A_37 = arith.constant 0 : i32
    %dma_start3A_38 = tpu.memref_slice %arg7[%dma_start3A_36, %dma_start3A_37] : memref<80x128xi32, #tpu.memory_space<vmem>> -> memref<1x128xi32, #tpu.memory_space<vmem>>
    %dma_start3A_39 = tpu.memref_squeeze %dma_start3A_38 : memref<1x128xi32, #tpu.memory_space<vmem>> -> memref<128xi32, #tpu.memory_space<vmem>>
    %dma_start3A_40 = arith.constant 0 : i32
    %dma_start3A_41 = arith.constant 0 : i32
    %dma_start3A_42 = tpu.memref_slice %arg2[%dma_start3A_40, %dma_start3A_41] : memref<10240x64xf32, #tpu.memory_space<hbm>> -> memref<10240x64xf32, #tpu.memory_space<hbm>>
    tpu.enqueue_indirect_dma source(%dma_start3A_42 : memref<10240x64xf32, #tpu.memory_space<hbm>>) target(%arg9 : memref<128x64xf32, #tpu.memory_space<vmem>>) offsets(%dma_start3A_39 : memref<128xi32, #tpu.memory_space<vmem>>) semaphore(%arg14 : memref<!tpu.dma_semaphore, #tpu.memory_space<semaphore_mem>>)
    %dma_start3A_43 = arith.constant 1 : i32
    %dma_start3A_44 = arith.constant 0 : i32
    %dma_start3A_45 = tpu.memref_slice %arg7[%dma_start3A_43, %dma_start3A_44] : memref<80x128xi32, #tpu.memory_space<vmem>> -> memref<1x128xi32, #tpu.memory_space<vmem>>
    %dma_start3A_46 = tpu.memref_squeeze %dma_start3A_45 : memref<1x128xi32, #tpu.memory_space<vmem>> -> memref<128xi32, #tpu.memory_space<vmem>>
    %dma_start3A_47 = arith.constant 0 : i32
    %dma_start3A_48 = arith.constant 0 : i32
    %dma_start3A_49 = tpu.memref_slice %arg2[%dma_start3A_47, %dma_start3A_48] : memref<10240x64xf32, #tpu.memory_space<hbm>> -> memref<10240x64xf32, #tpu.memory_space<hbm>>
    tpu.enqueue_indirect_dma source(%dma_start3A_49 : memref<10240x64xf32, #tpu.memory_space<hbm>>) target(%arg10 : memref<128x64xf32, #tpu.memory_space<vmem>>) offsets(%dma_start3A_46 : memref<128xi32, #tpu.memory_space<vmem>>) semaphore(%arg15 : memref<!tpu.dma_semaphore, #tpu.memory_space<semaphore_mem>>)
    %dma_start3A_50 = arith.constant 2 : i32
    %dma_start3A_51 = arith.constant 0 : i32
    %dma_start3A_52 = tpu.memref_slice %arg7[%dma_start3A_50, %dma_start3A_51] : memref<80x128xi32, #tpu.memory_space<vmem>> -> memref<1x128xi32, #tpu.memory_space<vmem>>
    %dma_start3A_53 = tpu.memref_squeeze %dma_start3A_52 : memref<1x128xi32, #tpu.memory_space<vmem>> -> memref<128xi32, #tpu.memory_space<vmem>>
    %dma_start3A_54 = arith.constant 0 : i32
    %dma_start3A_55 = arith.constant 0 : i32
    %dma_start3A_56 = tpu.memref_slice %arg2[%dma_start3A_54, %dma_start3A_55] : memref<10240x64xf32, #tpu.memory_space<hbm>> -> memref<10240x64xf32, #tpu.memory_space<hbm>>
    tpu.enqueue_indirect_dma source(%dma_start3A_56 : memref<10240x64xf32, #tpu.memory_space<hbm>>) target(%arg11 : memref<128x64xf32, #tpu.memory_space<vmem>>) offsets(%dma_start3A_53 : memref<128xi32, #tpu.memory_space<vmem>>) semaphore(%arg16 : memref<!tpu.dma_semaphore, #tpu.memory_space<semaphore_mem>>)
    %dma_start3A_57 = arith.constant 3 : i32
    %dma_start3A_58 = arith.constant 0 : i32
    %dma_start3A_59 = tpu.memref_slice %arg7[%dma_start3A_57, %dma_start3A_58] : memref<80x128xi32, #tpu.memory_space<vmem>> -> memref<1x128xi32, #tpu.memory_space<vmem>>
    %dma_start3A_60 = tpu.memref_squeeze %dma_start3A_59 : memref<1x128xi32, #tpu.memory_space<vmem>> -> memref<128xi32, #tpu.memory_space<vmem>>
    %dma_start3A_61 = arith.constant 0 : i32
    %dma_start3A_62 = arith.constant 0 : i32
    %dma_start3A_63 = tpu.memref_slice %arg2[%dma_start3A_61, %dma_start3A_62] : memref<10240x64xf32, #tpu.memory_space<hbm>> -> memref<10240x64xf32, #tpu.memory_space<hbm>>
    tpu.enqueue_indirect_dma source(%dma_start3A_63 : memref<10240x64xf32, #tpu.memory_space<hbm>>) target(%arg12 : memref<128x64xf32, #tpu.memory_space<vmem>>) offsets(%dma_start3A_60 : memref<128xi32, #tpu.memory_space<vmem>>) semaphore(%arg17 : memref<!tpu.dma_semaphore, #tpu.memory_space<semaphore_mem>>)
    %jit3A_64 = arith.constant 4 : i32
    %div3A = arith.divsi %select_n3A, %jit3A_64 : i32
    %sign3A = arith.constant 0 : i32
    %sign3A_65 = arith.cmpi sgt, %select_n3A, %sign3A : i32
    %sign3A_66 = arith.extui %sign3A_65 : i1 to i32
    %sign3A_67 = arith.constant 0 : i32
    %sign3A_68 = arith.cmpi slt, %select_n3A, %sign3A_67 : i32
    %sign3A_69 = arith.extui %sign3A_68 : i1 to i32
    %sign3A_70 = arith.subi %sign3A_66, %sign3A_69 : i32
    %sign3A_71 = arith.constant 0 : i32
    %sign3A_72 = arith.cmpi sgt, %jit3A_64, %sign3A_71 : i32
    %sign3A_73 = arith.extui %sign3A_72 : i1 to i32
    %sign3A_74 = arith.constant 0 : i32
    %sign3A_75 = arith.cmpi slt, %jit3A_64, %sign3A_74 : i32
    %sign3A_76 = arith.extui %sign3A_75 : i1 to i32
    %sign3A_77 = arith.subi %sign3A_73, %sign3A_76 : i32
    %ne3A_78 = arith.cmpi ne, %sign3A_70, %sign3A_77 : i32
    %rem3A = arith.remsi %select_n3A, %jit3A_64 : i32
    %ne3A_79 = arith.constant 0 : i32
    %ne3A_80 = arith.cmpi ne, %rem3A, %ne3A_79 : i32
    %and3A = arith.andi %ne3A_78, %ne3A_80 : i1
    %sub3A = arith.constant 1 : i32
    %sub3A_81 = arith.subi %div3A, %sub3A : i32
    %select_n3A_82 = arith.select %and3A, %sub3A_81, %div3A : i32
    %sub3A_83 = arith.constant 1 : i32
    %sub3A_84 = arith.subi %select_n3A_82, %sub3A_83 : i32
    %while3A = arith.constant 0 : i32
    %while3A_85 = arith.constant 0 : i32
    %while3A_86 = arith.subi %sub3A_84, %while3A_85 : i32
    %while3A_87 = arith.addi %while3A_85, %while3A_86 : i32
    %while3A_88 = arith.constant 1 : i32
    %while3A_89 = arith.divsi %while3A_86, %while3A_88 : i32
    %while3A_90 = arith.muli %while3A_89, %while3A_88 : i32
    %while3A_91 = arith.addi %while3A_85, %while3A_90 : i32
    %while3A_92 = arith.constant 1 : i32
    scf.for %while3A_184 = %while3A_85 to %while3A_91 step %while3A_92  : i32 {
      %mul3A_185 = arith.constant 4 : i32
      %mul3A_186 = arith.muli %mul3A_185, %while3A_184 : i32
      %dma_wait3A_187 = arith.constant 0 : i32
      %dma_wait3A_188 = arith.constant 0 : i32
      %dma_wait3A_189 = tpu.memref_slice %arg7[%dma_wait3A_187, %dma_wait3A_188] : memref<80x128xi32, #tpu.memory_space<vmem>> -> memref<1x128xi32, #tpu.memory_space<vmem>>
      %dma_wait3A_190 = tpu.memref_squeeze %dma_wait3A_189 : memref<1x128xi32, #tpu.memory_space<vmem>> -> memref<128xi32, #tpu.memory_space<vmem>>
      %dma_wait3A_191 = arith.constant 0 : i32
      %dma_wait3A_192 = arith.constant 0 : i32
      %dma_wait3A_193 = tpu.memref_slice %arg2[%dma_wait3A_191, %dma_wait3A_192] : memref<10240x64xf32, #tpu.memory_space<hbm>> -> memref<10240x64xf32, #tpu.memory_space<hbm>>
      tpu.wait_indirect_dma semaphore(%arg14 : memref<!tpu.dma_semaphore, #tpu.memory_space<semaphore_mem>>) src(%dma_wait3A_193 : memref<10240x64xf32, #tpu.memory_space<hbm>>) dst(%arg9 : memref<128x64xf32, #tpu.memory_space<vmem>>)
      %add3A_194 = arith.constant 0 : i32
      %add3A_195 = arith.addi %mul3A_186, %add3A_194 : i32
      %dma_start3A_196 = arith.constant 0 : i32
      %dma_start3A_197 = tpu.memref_slice %arg8[%add3A_195, %dma_start3A_196] : memref<80x128xi32, #tpu.memory_space<vmem>> -> memref<1x128xi32, #tpu.memory_space<vmem>>
      %dma_start3A_198 = tpu.memref_squeeze %dma_start3A_197 : memref<1x128xi32, #tpu.memory_space<vmem>> -> memref<128xi32, #tpu.memory_space<vmem>>
      %dma_start3A_199 = arith.constant 0 : i32
      %dma_start3A_200 = arith.constant 0 : i32
      %dma_start3A_201 = tpu.memref_slice %arg13[%dma_start3A_199, %dma_start3A_200] : memref<10240x64xf32, #tpu.memory_space<vmem_shared>> -> memref<10240x64xf32, #tpu.memory_space<vmem_shared>>
      tpu.enqueue_indirect_dma source(%arg9 : memref<128x64xf32, #tpu.memory_space<vmem>>) target(%dma_start3A_201 : memref<10240x64xf32, #tpu.memory_space<vmem_shared>>) offsets(%dma_start3A_198 : memref<128xi32, #tpu.memory_space<vmem>>) semaphore(%arg18 : memref<!tpu.dma_semaphore, #tpu.memory_space<semaphore_mem>>) {add = true}
      %dma_wait3A_202 = arith.constant 0 : i32
      %dma_wait3A_203 = arith.constant 0 : i32
      %dma_wait3A_204 = tpu.memref_slice %arg7[%dma_wait3A_202, %dma_wait3A_203] : memref<80x128xi32, #tpu.memory_space<vmem>> -> memref<1x128xi32, #tpu.memory_space<vmem>>
      %dma_wait3A_205 = tpu.memref_squeeze %dma_wait3A_204 : memref<1x128xi32, #tpu.memory_space<vmem>> -> memref<128xi32, #tpu.memory_space<vmem>>
      %dma_wait3A_206 = arith.constant 0 : i32
      %dma_wait3A_207 = arith.constant 0 : i32
      %dma_wait3A_208 = tpu.memref_slice %arg2[%dma_wait3A_206, %dma_wait3A_207] : memref<10240x64xf32, #tpu.memory_space<hbm>> -> memref<10240x64xf32, #tpu.memory_space<hbm>>
      tpu.wait_indirect_dma semaphore(%arg15 : memref<!tpu.dma_semaphore, #tpu.memory_space<semaphore_mem>>) src(%dma_wait3A_208 : memref<10240x64xf32, #tpu.memory_space<hbm>>) dst(%arg10 : memref<128x64xf32, #tpu.memory_space<vmem>>)
      %add3A_209 = arith.constant 1 : i32
      %add3A_210 = arith.addi %mul3A_186, %add3A_209 : i32
      %dma_start3A_211 = arith.constant 0 : i32
      %dma_start3A_212 = tpu.memref_slice %arg8[%add3A_210, %dma_start3A_211] : memref<80x128xi32, #tpu.memory_space<vmem>> -> memref<1x128xi32, #tpu.memory_space<vmem>>
      %dma_start3A_213 = tpu.memref_squeeze %dma_start3A_212 : memref<1x128xi32, #tpu.memory_space<vmem>> -> memref<128xi32, #tpu.memory_space<vmem>>
      %dma_start3A_214 = arith.constant 0 : i32
      %dma_start3A_215 = arith.constant 0 : i32
      %dma_start3A_216 = tpu.memref_slice %arg13[%dma_start3A_214, %dma_start3A_215] : memref<10240x64xf32, #tpu.memory_space<vmem_shared>> -> memref<10240x64xf32, #tpu.memory_space<vmem_shared>>
      tpu.enqueue_indirect_dma source(%arg10 : memref<128x64xf32, #tpu.memory_space<vmem>>) target(%dma_start3A_216 : memref<10240x64xf32, #tpu.memory_space<vmem_shared>>) offsets(%dma_start3A_213 : memref<128xi32, #tpu.memory_space<vmem>>) semaphore(%arg19 : memref<!tpu.dma_semaphore, #tpu.memory_space<semaphore_mem>>) {add = true}
      %dma_wait3A_217 = arith.constant 0 : i32
      %dma_wait3A_218 = arith.constant 0 : i32
      %dma_wait3A_219 = tpu.memref_slice %arg7[%dma_wait3A_217, %dma_wait3A_218] : memref<80x128xi32, #tpu.memory_space<vmem>> -> memref<1x128xi32, #tpu.memory_space<vmem>>
      %dma_wait3A_220 = tpu.memref_squeeze %dma_wait3A_219 : memref<1x128xi32, #tpu.memory_space<vmem>> -> memref<128xi32, #tpu.memory_space<vmem>>
      %dma_wait3A_221 = arith.constant 0 : i32
      %dma_wait3A_222 = arith.constant 0 : i32
      %dma_wait3A_223 = tpu.memref_slice %arg2[%dma_wait3A_221, %dma_wait3A_222] : memref<10240x64xf32, #tpu.memory_space<hbm>> -> memref<10240x64xf32, #tpu.memory_space<hbm>>
      tpu.wait_indirect_dma semaphore(%arg16 : memref<!tpu.dma_semaphore, #tpu.memory_space<semaphore_mem>>) src(%dma_wait3A_223 : memref<10240x64xf32, #tpu.memory_space<hbm>>) dst(%arg11 : memref<128x64xf32, #tpu.memory_space<vmem>>)
      %add3A_224 = arith.constant 2 : i32
      %add3A_225 = arith.addi %mul3A_186, %add3A_224 : i32
      %dma_start3A_226 = arith.constant 0 : i32
      %dma_start3A_227 = tpu.memref_slice %arg8[%add3A_225, %dma_start3A_226] : memref<80x128xi32, #tpu.memory_space<vmem>> -> memref<1x128xi32, #tpu.memory_space<vmem>>
      %dma_start3A_228 = tpu.memref_squeeze %dma_start3A_227 : memref<1x128xi32, #tpu.memory_space<vmem>> -> memref<128xi32, #tpu.memory_space<vmem>>
      %dma_start3A_229 = arith.constant 0 : i32
      %dma_start3A_230 = arith.constant 0 : i32
      %dma_start3A_231 = tpu.memref_slice %arg13[%dma_start3A_229, %dma_start3A_230] : memref<10240x64xf32, #tpu.memory_space<vmem_shared>> -> memref<10240x64xf32, #tpu.memory_space<vmem_shared>>
      tpu.enqueue_indirect_dma source(%arg11 : memref<128x64xf32, #tpu.memory_space<vmem>>) target(%dma_start3A_231 : memref<10240x64xf32, #tpu.memory_space<vmem_shared>>) offsets(%dma_start3A_228 : memref<128xi32, #tpu.memory_space<vmem>>) semaphore(%arg20 : memref<!tpu.dma_semaphore, #tpu.memory_space<semaphore_mem>>) {add = true}
      %dma_wait3A_232 = arith.constant 0 : i32
      %dma_wait3A_233 = arith.constant 0 : i32
      %dma_wait3A_234 = tpu.memref_slice %arg7[%dma_wait3A_232, %dma_wait3A_233] : memref<80x128xi32, #tpu.memory_space<vmem>> -> memref<1x128xi32, #tpu.memory_space<vmem>>
      %dma_wait3A_235 = tpu.memref_squeeze %dma_wait3A_234 : memref<1x128xi32, #tpu.memory_space<vmem>> -> memref<128xi32, #tpu.memory_space<vmem>>
      %dma_wait3A_236 = arith.constant 0 : i32
      %dma_wait3A_237 = arith.constant 0 : i32
      %dma_wait3A_238 = tpu.memref_slice %arg2[%dma_wait3A_236, %dma_wait3A_237] : memref<10240x64xf32, #tpu.memory_space<hbm>> -> memref<10240x64xf32, #tpu.memory_space<hbm>>
      tpu.wait_indirect_dma semaphore(%arg17 : memref<!tpu.dma_semaphore, #tpu.memory_space<semaphore_mem>>) src(%dma_wait3A_238 : memref<10240x64xf32, #tpu.memory_space<hbm>>) dst(%arg12 : memref<128x64xf32, #tpu.memory_space<vmem>>)
      %add3A_239 = arith.constant 3 : i32
      %add3A_240 = arith.addi %mul3A_186, %add3A_239 : i32
      %dma_start3A_241 = arith.constant 0 : i32
      %dma_start3A_242 = tpu.memref_slice %arg8[%add3A_240, %dma_start3A_241] : memref<80x128xi32, #tpu.memory_space<vmem>> -> memref<1x128xi32, #tpu.memory_space<vmem>>
      %dma_start3A_243 = tpu.memref_squeeze %dma_start3A_242 : memref<1x128xi32, #tpu.memory_space<vmem>> -> memref<128xi32, #tpu.memory_space<vmem>>
      %dma_start3A_244 = arith.constant 0 : i32
      %dma_start3A_245 = arith.constant 0 : i32
      %dma_start3A_246 = tpu.memref_slice %arg13[%dma_start3A_244, %dma_start3A_245] : memref<10240x64xf32, #tpu.memory_space<vmem_shared>> -> memref<10240x64xf32, #tpu.memory_space<vmem_shared>>
      tpu.enqueue_indirect_dma source(%arg12 : memref<128x64xf32, #tpu.memory_space<vmem>>) target(%dma_start3A_246 : memref<10240x64xf32, #tpu.memory_space<vmem_shared>>) offsets(%dma_start3A_243 : memref<128xi32, #tpu.memory_space<vmem>>) semaphore(%arg21 : memref<!tpu.dma_semaphore, #tpu.memory_space<semaphore_mem>>) {add = true}
      %dma_wait3A_247 = arith.constant 0 : i32
      %dma_wait3A_248 = arith.constant 0 : i32
      %dma_wait3A_249 = tpu.memref_slice %arg8[%dma_wait3A_247, %dma_wait3A_248] : memref<80x128xi32, #tpu.memory_space<vmem>> -> memref<1x128xi32, #tpu.memory_space<vmem>>
      %dma_wait3A_250 = tpu.memref_squeeze %dma_wait3A_249 : memref<1x128xi32, #tpu.memory_space<vmem>> -> memref<128xi32, #tpu.memory_space<vmem>>
      %dma_wait3A_251 = arith.constant 0 : i32
      %dma_wait3A_252 = arith.constant 0 : i32
      %dma_wait3A_253 = tpu.memref_slice %arg13[%dma_wait3A_251, %dma_wait3A_252] : memref<10240x64xf32, #tpu.memory_space<vmem_shared>> -> memref<10240x64xf32, #tpu.memory_space<vmem_shared>>
      tpu.wait_indirect_dma semaphore(%arg18 : memref<!tpu.dma_semaphore, #tpu.memory_space<semaphore_mem>>) src(%arg9 : memref<128x64xf32, #tpu.memory_space<vmem>>) dst(%dma_wait3A_253 : memref<10240x64xf32, #tpu.memory_space<vmem_shared>>)
      %add3A_254 = arith.constant 4 : i32
      %add3A_255 = arith.addi %mul3A_186, %add3A_254 : i32
      %add3A_256 = arith.constant 0 : i32
      %add3A_257 = arith.addi %add3A_255, %add3A_256 : i32
      %dma_start3A_258 = arith.constant 0 : i32
      %dma_start3A_259 = tpu.memref_slice %arg7[%add3A_257, %dma_start3A_258] : memref<80x128xi32, #tpu.memory_space<vmem>> -> memref<1x128xi32, #tpu.memory_space<vmem>>
      %dma_start3A_260 = tpu.memref_squeeze %dma_start3A_259 : memref<1x128xi32, #tpu.memory_space<vmem>> -> memref<128xi32, #tpu.memory_space<vmem>>
      %dma_start3A_261 = arith.constant 0 : i32
      %dma_start3A_262 = arith.constant 0 : i32
      %dma_start3A_263 = tpu.memref_slice %arg2[%dma_start3A_261, %dma_start3A_262] : memref<10240x64xf32, #tpu.memory_space<hbm>> -> memref<10240x64xf32, #tpu.memory_space<hbm>>
      tpu.enqueue_indirect_dma source(%dma_start3A_263 : memref<10240x64xf32, #tpu.memory_space<hbm>>) target(%arg9 : memref<128x64xf32, #tpu.memory_space<vmem>>) offsets(%dma_start3A_260 : memref<128xi32, #tpu.memory_space<vmem>>) semaphore(%arg14 : memref<!tpu.dma_semaphore, #tpu.memory_space<semaphore_mem>>)
      %dma_wait3A_264 = arith.constant 0 : i32
      %dma_wait3A_265 = arith.constant 0 : i32
      %dma_wait3A_266 = tpu.memref_slice %arg8[%dma_wait3A_264, %dma_wait3A_265] : memref<80x128xi32, #tpu.memory_space<vmem>> -> memref<1x128xi32, #tpu.memory_space<vmem>>
      %dma_wait3A_267 = tpu.memref_squeeze %dma_wait3A_266 : memref<1x128xi32, #tpu.memory_space<vmem>> -> memref<128xi32, #tpu.memory_space<vmem>>
      %dma_wait3A_268 = arith.constant 0 : i32
      %dma_wait3A_269 = arith.constant 0 : i32
      %dma_wait3A_270 = tpu.memref_slice %arg13[%dma_wait3A_268, %dma_wait3A_269] : memref<10240x64xf32, #tpu.memory_space<vmem_shared>> -> memref<10240x64xf32, #tpu.memory_space<vmem_shared>>
      tpu.wait_indirect_dma semaphore(%arg19 : memref<!tpu.dma_semaphore, #tpu.memory_space<semaphore_mem>>) src(%arg10 : memref<128x64xf32, #tpu.memory_space<vmem>>) dst(%dma_wait3A_270 : memref<10240x64xf32, #tpu.memory_space<vmem_shared>>)
      %add3A_271 = arith.constant 4 : i32
      %add3A_272 = arith.addi %mul3A_186, %add3A_271 : i32
      %add3A_273 = arith.constant 1 : i32
      %add3A_274 = arith.addi %add3A_272, %add3A_273 : i32
      %dma_start3A_275 = arith.constant 0 : i32
      %dma_start3A_276 = tpu.memref_slice %arg7[%add3A_274, %dma_start3A_275] : memref<80x128xi32, #tpu.memory_space<vmem>> -> memref<1x128xi32, #tpu.memory_space<vmem>>
      %dma_start3A_277 = tpu.memref_squeeze %dma_start3A_276 : memref<1x128xi32, #tpu.memory_space<vmem>> -> memref<128xi32, #tpu.memory_space<vmem>>
      %dma_start3A_278 = arith.constant 0 : i32
      %dma_start3A_279 = arith.constant 0 : i32
      %dma_start3A_280 = tpu.memref_slice %arg2[%dma_start3A_278, %dma_start3A_279] : memref<10240x64xf32, #tpu.memory_space<hbm>> -> memref<10240x64xf32, #tpu.memory_space<hbm>>
      tpu.enqueue_indirect_dma source(%dma_start3A_280 : memref<10240x64xf32, #tpu.memory_space<hbm>>) target(%arg10 : memref<128x64xf32, #tpu.memory_space<vmem>>) offsets(%dma_start3A_277 : memref<128xi32, #tpu.memory_space<vmem>>) semaphore(%arg15 : memref<!tpu.dma_semaphore, #tpu.memory_space<semaphore_mem>>)
      %dma_wait3A_281 = arith.constant 0 : i32
      %dma_wait3A_282 = arith.constant 0 : i32
      %dma_wait3A_283 = tpu.memref_slice %arg8[%dma_wait3A_281, %dma_wait3A_282] : memref<80x128xi32, #tpu.memory_space<vmem>> -> memref<1x128xi32, #tpu.memory_space<vmem>>
      %dma_wait3A_284 = tpu.memref_squeeze %dma_wait3A_283 : memref<1x128xi32, #tpu.memory_space<vmem>> -> memref<128xi32, #tpu.memory_space<vmem>>
      %dma_wait3A_285 = arith.constant 0 : i32
      %dma_wait3A_286 = arith.constant 0 : i32
      %dma_wait3A_287 = tpu.memref_slice %arg13[%dma_wait3A_285, %dma_wait3A_286] : memref<10240x64xf32, #tpu.memory_space<vmem_shared>> -> memref<10240x64xf32, #tpu.memory_space<vmem_shared>>
      tpu.wait_indirect_dma semaphore(%arg20 : memref<!tpu.dma_semaphore, #tpu.memory_space<semaphore_mem>>) src(%arg11 : memref<128x64xf32, #tpu.memory_space<vmem>>) dst(%dma_wait3A_287 : memref<10240x64xf32, #tpu.memory_space<vmem_shared>>)
      %add3A_288 = arith.constant 4 : i32
      %add3A_289 = arith.addi %mul3A_186, %add3A_288 : i32
      %add3A_290 = arith.constant 2 : i32
      %add3A_291 = arith.addi %add3A_289, %add3A_290 : i32
      %dma_start3A_292 = arith.constant 0 : i32
      %dma_start3A_293 = tpu.memref_slice %arg7[%add3A_291, %dma_start3A_292] : memref<80x128xi32, #tpu.memory_space<vmem>> -> memref<1x128xi32, #tpu.memory_space<vmem>>
      %dma_start3A_294 = tpu.memref_squeeze %dma_start3A_293 : memref<1x128xi32, #tpu.memory_space<vmem>> -> memref<128xi32, #tpu.memory_space<vmem>>
      %dma_start3A_295 = arith.constant 0 : i32
      %dma_start3A_296 = arith.constant 0 : i32
      %dma_start3A_297 = tpu.memref_slice %arg2[%dma_start3A_295, %dma_start3A_296] : memref<10240x64xf32, #tpu.memory_space<hbm>> -> memref<10240x64xf32, #tpu.memory_space<hbm>>
      tpu.enqueue_indirect_dma source(%dma_start3A_297 : memref<10240x64xf32, #tpu.memory_space<hbm>>) target(%arg11 : memref<128x64xf32, #tpu.memory_space<vmem>>) offsets(%dma_start3A_294 : memref<128xi32, #tpu.memory_space<vmem>>) semaphore(%arg16 : memref<!tpu.dma_semaphore, #tpu.memory_space<semaphore_mem>>)
      %dma_wait3A_298 = arith.constant 0 : i32
      %dma_wait3A_299 = arith.constant 0 : i32
      %dma_wait3A_300 = tpu.memref_slice %arg8[%dma_wait3A_298, %dma_wait3A_299] : memref<80x128xi32, #tpu.memory_space<vmem>> -> memref<1x128xi32, #tpu.memory_space<vmem>>
      %dma_wait3A_301 = tpu.memref_squeeze %dma_wait3A_300 : memref<1x128xi32, #tpu.memory_space<vmem>> -> memref<128xi32, #tpu.memory_space<vmem>>
      %dma_wait3A_302 = arith.constant 0 : i32
      %dma_wait3A_303 = arith.constant 0 : i32
      %dma_wait3A_304 = tpu.memref_slice %arg13[%dma_wait3A_302, %dma_wait3A_303] : memref<10240x64xf32, #tpu.memory_space<vmem_shared>> -> memref<10240x64xf32, #tpu.memory_space<vmem_shared>>
      tpu.wait_indirect_dma semaphore(%arg21 : memref<!tpu.dma_semaphore, #tpu.memory_space<semaphore_mem>>) src(%arg12 : memref<128x64xf32, #tpu.memory_space<vmem>>) dst(%dma_wait3A_304 : memref<10240x64xf32, #tpu.memory_space<vmem_shared>>)
      %add3A_305 = arith.constant 4 : i32
      %add3A_306 = arith.addi %mul3A_186, %add3A_305 : i32
      %add3A_307 = arith.constant 3 : i32
      %add3A_308 = arith.addi %add3A_306, %add3A_307 : i32
      %dma_start3A_309 = arith.constant 0 : i32
      %dma_start3A_310 = tpu.memref_slice %arg7[%add3A_308, %dma_start3A_309] : memref<80x128xi32, #tpu.memory_space<vmem>> -> memref<1x128xi32, #tpu.memory_space<vmem>>
      %dma_start3A_311 = tpu.memref_squeeze %dma_start3A_310 : memref<1x128xi32, #tpu.memory_space<vmem>> -> memref<128xi32, #tpu.memory_space<vmem>>
      %dma_start3A_312 = arith.constant 0 : i32
      %dma_start3A_313 = arith.constant 0 : i32
      %dma_start3A_314 = tpu.memref_slice %arg2[%dma_start3A_312, %dma_start3A_313] : memref<10240x64xf32, #tpu.memory_space<hbm>> -> memref<10240x64xf32, #tpu.memory_space<hbm>>
      tpu.enqueue_indirect_dma source(%dma_start3A_314 : memref<10240x64xf32, #tpu.memory_space<hbm>>) target(%arg12 : memref<128x64xf32, #tpu.memory_space<vmem>>) offsets(%dma_start3A_311 : memref<128xi32, #tpu.memory_space<vmem>>) semaphore(%arg17 : memref<!tpu.dma_semaphore, #tpu.memory_space<semaphore_mem>>)
    }
    %while3A_93 = arith.constant 1 : i32
    scf.for %while3A_184 = %while3A_91 to %while3A_87 step %while3A_93  : i32 {
      %mul3A_185 = arith.constant 4 : i32
      %mul3A_186 = arith.muli %mul3A_185, %while3A_184 : i32
      %dma_wait3A_187 = arith.constant 0 : i32
      %dma_wait3A_188 = arith.constant 0 : i32
      %dma_wait3A_189 = tpu.memref_slice %arg7[%dma_wait3A_187, %dma_wait3A_188] : memref<80x128xi32, #tpu.memory_space<vmem>> -> memref<1x128xi32, #tpu.memory_space<vmem>>
      %dma_wait3A_190 = tpu.memref_squeeze %dma_wait3A_189 : memref<1x128xi32, #tpu.memory_space<vmem>> -> memref<128xi32, #tpu.memory_space<vmem>>
      %dma_wait3A_191 = arith.constant 0 : i32
      %dma_wait3A_192 = arith.constant 0 : i32
      %dma_wait3A_193 = tpu.memref_slice %arg2[%dma_wait3A_191, %dma_wait3A_192] : memref<10240x64xf32, #tpu.memory_space<hbm>> -> memref<10240x64xf32, #tpu.memory_space<hbm>>
      tpu.wait_indirect_dma semaphore(%arg14 : memref<!tpu.dma_semaphore, #tpu.memory_space<semaphore_mem>>) src(%dma_wait3A_193 : memref<10240x64xf32, #tpu.memory_space<hbm>>) dst(%arg9 : memref<128x64xf32, #tpu.memory_space<vmem>>)
      %add3A_194 = arith.constant 0 : i32
      %add3A_195 = arith.addi %mul3A_186, %add3A_194 : i32
      %dma_start3A_196 = arith.constant 0 : i32
      %dma_start3A_197 = tpu.memref_slice %arg8[%add3A_195, %dma_start3A_196] : memref<80x128xi32, #tpu.memory_space<vmem>> -> memref<1x128xi32, #tpu.memory_space<vmem>>
      %dma_start3A_198 = tpu.memref_squeeze %dma_start3A_197 : memref<1x128xi32, #tpu.memory_space<vmem>> -> memref<128xi32, #tpu.memory_space<vmem>>
      %dma_start3A_199 = arith.constant 0 : i32
      %dma_start3A_200 = arith.constant 0 : i32
      %dma_start3A_201 = tpu.memref_slice %arg13[%dma_start3A_199, %dma_start3A_200] : memref<10240x64xf32, #tpu.memory_space<vmem_shared>> -> memref<10240x64xf32, #tpu.memory_space<vmem_shared>>
      tpu.enqueue_indirect_dma source(%arg9 : memref<128x64xf32, #tpu.memory_space<vmem>>) target(%dma_start3A_201 : memref<10240x64xf32, #tpu.memory_space<vmem_shared>>) offsets(%dma_start3A_198 : memref<128xi32, #tpu.memory_space<vmem>>) semaphore(%arg18 : memref<!tpu.dma_semaphore, #tpu.memory_space<semaphore_mem>>) {add = true}
      %dma_wait3A_202 = arith.constant 0 : i32
      %dma_wait3A_203 = arith.constant 0 : i32
      %dma_wait3A_204 = tpu.memref_slice %arg7[%dma_wait3A_202, %dma_wait3A_203] : memref<80x128xi32, #tpu.memory_space<vmem>> -> memref<1x128xi32, #tpu.memory_space<vmem>>
      %dma_wait3A_205 = tpu.memref_squeeze %dma_wait3A_204 : memref<1x128xi32, #tpu.memory_space<vmem>> -> memref<128xi32, #tpu.memory_space<vmem>>
      %dma_wait3A_206 = arith.constant 0 : i32
      %dma_wait3A_207 = arith.constant 0 : i32
      %dma_wait3A_208 = tpu.memref_slice %arg2[%dma_wait3A_206, %dma_wait3A_207] : memref<10240x64xf32, #tpu.memory_space<hbm>> -> memref<10240x64xf32, #tpu.memory_space<hbm>>
      tpu.wait_indirect_dma semaphore(%arg15 : memref<!tpu.dma_semaphore, #tpu.memory_space<semaphore_mem>>) src(%dma_wait3A_208 : memref<10240x64xf32, #tpu.memory_space<hbm>>) dst(%arg10 : memref<128x64xf32, #tpu.memory_space<vmem>>)
      %add3A_209 = arith.constant 1 : i32
      %add3A_210 = arith.addi %mul3A_186, %add3A_209 : i32
      %dma_start3A_211 = arith.constant 0 : i32
      %dma_start3A_212 = tpu.memref_slice %arg8[%add3A_210, %dma_start3A_211] : memref<80x128xi32, #tpu.memory_space<vmem>> -> memref<1x128xi32, #tpu.memory_space<vmem>>
      %dma_start3A_213 = tpu.memref_squeeze %dma_start3A_212 : memref<1x128xi32, #tpu.memory_space<vmem>> -> memref<128xi32, #tpu.memory_space<vmem>>
      %dma_start3A_214 = arith.constant 0 : i32
      %dma_start3A_215 = arith.constant 0 : i32
      %dma_start3A_216 = tpu.memref_slice %arg13[%dma_start3A_214, %dma_start3A_215] : memref<10240x64xf32, #tpu.memory_space<vmem_shared>> -> memref<10240x64xf32, #tpu.memory_space<vmem_shared>>
      tpu.enqueue_indirect_dma source(%arg10 : memref<128x64xf32, #tpu.memory_space<vmem>>) target(%dma_start3A_216 : memref<10240x64xf32, #tpu.memory_space<vmem_shared>>) offsets(%dma_start3A_213 : memref<128xi32, #tpu.memory_space<vmem>>) semaphore(%arg19 : memref<!tpu.dma_semaphore, #tpu.memory_space<semaphore_mem>>) {add = true}
      %dma_wait3A_217 = arith.constant 0 : i32
      %dma_wait3A_218 = arith.constant 0 : i32
      %dma_wait3A_219 = tpu.memref_slice %arg7[%dma_wait3A_217, %dma_wait3A_218] : memref<80x128xi32, #tpu.memory_space<vmem>> -> memref<1x128xi32, #tpu.memory_space<vmem>>
      %dma_wait3A_220 = tpu.memref_squeeze %dma_wait3A_219 : memref<1x128xi32, #tpu.memory_space<vmem>> -> memref<128xi32, #tpu.memory_space<vmem>>
      %dma_wait3A_221 = arith.constant 0 : i32
      %dma_wait3A_222 = arith.constant 0 : i32
      %dma_wait3A_223 = tpu.memref_slice %arg2[%dma_wait3A_221, %dma_wait3A_222] : memref<10240x64xf32, #tpu.memory_space<hbm>> -> memref<10240x64xf32, #tpu.memory_space<hbm>>
      tpu.wait_indirect_dma semaphore(%arg16 : memref<!tpu.dma_semaphore, #tpu.memory_space<semaphore_mem>>) src(%dma_wait3A_223 : memref<10240x64xf32, #tpu.memory_space<hbm>>) dst(%arg11 : memref<128x64xf32, #tpu.memory_space<vmem>>)
      %add3A_224 = arith.constant 2 : i32
      %add3A_225 = arith.addi %mul3A_186, %add3A_224 : i32
      %dma_start3A_226 = arith.constant 0 : i32
      %dma_start3A_227 = tpu.memref_slice %arg8[%add3A_225, %dma_start3A_226] : memref<80x128xi32, #tpu.memory_space<vmem>> -> memref<1x128xi32, #tpu.memory_space<vmem>>
      %dma_start3A_228 = tpu.memref_squeeze %dma_start3A_227 : memref<1x128xi32, #tpu.memory_space<vmem>> -> memref<128xi32, #tpu.memory_space<vmem>>
      %dma_start3A_229 = arith.constant 0 : i32
      %dma_start3A_230 = arith.constant 0 : i32
      %dma_start3A_231 = tpu.memref_slice %arg13[%dma_start3A_229, %dma_start3A_230] : memref<10240x64xf32, #tpu.memory_space<vmem_shared>> -> memref<10240x64xf32, #tpu.memory_space<vmem_shared>>
      tpu.enqueue_indirect_dma source(%arg11 : memref<128x64xf32, #tpu.memory_space<vmem>>) target(%dma_start3A_231 : memref<10240x64xf32, #tpu.memory_space<vmem_shared>>) offsets(%dma_start3A_228 : memref<128xi32, #tpu.memory_space<vmem>>) semaphore(%arg20 : memref<!tpu.dma_semaphore, #tpu.memory_space<semaphore_mem>>) {add = true}
      %dma_wait3A_232 = arith.constant 0 : i32
      %dma_wait3A_233 = arith.constant 0 : i32
      %dma_wait3A_234 = tpu.memref_slice %arg7[%dma_wait3A_232, %dma_wait3A_233] : memref<80x128xi32, #tpu.memory_space<vmem>> -> memref<1x128xi32, #tpu.memory_space<vmem>>
      %dma_wait3A_235 = tpu.memref_squeeze %dma_wait3A_234 : memref<1x128xi32, #tpu.memory_space<vmem>> -> memref<128xi32, #tpu.memory_space<vmem>>
      %dma_wait3A_236 = arith.constant 0 : i32
      %dma_wait3A_237 = arith.constant 0 : i32
      %dma_wait3A_238 = tpu.memref_slice %arg2[%dma_wait3A_236, %dma_wait3A_237] : memref<10240x64xf32, #tpu.memory_space<hbm>> -> memref<10240x64xf32, #tpu.memory_space<hbm>>
      tpu.wait_indirect_dma semaphore(%arg17 : memref<!tpu.dma_semaphore, #tpu.memory_space<semaphore_mem>>) src(%dma_wait3A_238 : memref<10240x64xf32, #tpu.memory_space<hbm>>) dst(%arg12 : memref<128x64xf32, #tpu.memory_space<vmem>>)
      %add3A_239 = arith.constant 3 : i32
      %add3A_240 = arith.addi %mul3A_186, %add3A_239 : i32
      %dma_start3A_241 = arith.constant 0 : i32
      %dma_start3A_242 = tpu.memref_slice %arg8[%add3A_240, %dma_start3A_241] : memref<80x128xi32, #tpu.memory_space<vmem>> -> memref<1x128xi32, #tpu.memory_space<vmem>>
      %dma_start3A_243 = tpu.memref_squeeze %dma_start3A_242 : memref<1x128xi32, #tpu.memory_space<vmem>> -> memref<128xi32, #tpu.memory_space<vmem>>
      %dma_start3A_244 = arith.constant 0 : i32
      %dma_start3A_245 = arith.constant 0 : i32
      %dma_start3A_246 = tpu.memref_slice %arg13[%dma_start3A_244, %dma_start3A_245] : memref<10240x64xf32, #tpu.memory_space<vmem_shared>> -> memref<10240x64xf32, #tpu.memory_space<vmem_shared>>
      tpu.enqueue_indirect_dma source(%arg12 : memref<128x64xf32, #tpu.memory_space<vmem>>) target(%dma_start3A_246 : memref<10240x64xf32, #tpu.memory_space<vmem_shared>>) offsets(%dma_start3A_243 : memref<128xi32, #tpu.memory_space<vmem>>) semaphore(%arg21 : memref<!tpu.dma_semaphore, #tpu.memory_space<semaphore_mem>>) {add = true}
      %dma_wait3A_247 = arith.constant 0 : i32
      %dma_wait3A_248 = arith.constant 0 : i32
      %dma_wait3A_249 = tpu.memref_slice %arg8[%dma_wait3A_247, %dma_wait3A_248] : memref<80x128xi32, #tpu.memory_space<vmem>> -> memref<1x128xi32, #tpu.memory_space<vmem>>
      %dma_wait3A_250 = tpu.memref_squeeze %dma_wait3A_249 : memref<1x128xi32, #tpu.memory_space<vmem>> -> memref<128xi32, #tpu.memory_space<vmem>>
      %dma_wait3A_251 = arith.constant 0 : i32
      %dma_wait3A_252 = arith.constant 0 : i32
      %dma_wait3A_253 = tpu.memref_slice %arg13[%dma_wait3A_251, %dma_wait3A_252] : memref<10240x64xf32, #tpu.memory_space<vmem_shared>> -> memref<10240x64xf32, #tpu.memory_space<vmem_shared>>
      tpu.wait_indirect_dma semaphore(%arg18 : memref<!tpu.dma_semaphore, #tpu.memory_space<semaphore_mem>>) src(%arg9 : memref<128x64xf32, #tpu.memory_space<vmem>>) dst(%dma_wait3A_253 : memref<10240x64xf32, #tpu.memory_space<vmem_shared>>)
      %add3A_254 = arith.constant 4 : i32
      %add3A_255 = arith.addi %mul3A_186, %add3A_254 : i32
      %add3A_256 = arith.constant 0 : i32
      %add3A_257 = arith.addi %add3A_255, %add3A_256 : i32
      %dma_start3A_258 = arith.constant 0 : i32
      %dma_start3A_259 = tpu.memref_slice %arg7[%add3A_257, %dma_start3A_258] : memref<80x128xi32, #tpu.memory_space<vmem>> -> memref<1x128xi32, #tpu.memory_space<vmem>>
      %dma_start3A_260 = tpu.memref_squeeze %dma_start3A_259 : memref<1x128xi32, #tpu.memory_space<vmem>> -> memref<128xi32, #tpu.memory_space<vmem>>
      %dma_start3A_261 = arith.constant 0 : i32
      %dma_start3A_262 = arith.constant 0 : i32
      %dma_start3A_263 = tpu.memref_slice %arg2[%dma_start3A_261, %dma_start3A_262] : memref<10240x64xf32, #tpu.memory_space<hbm>> -> memref<10240x64xf32, #tpu.memory_space<hbm>>
      tpu.enqueue_indirect_dma source(%dma_start3A_263 : memref<10240x64xf32, #tpu.memory_space<hbm>>) target(%arg9 : memref<128x64xf32, #tpu.memory_space<vmem>>) offsets(%dma_start3A_260 : memref<128xi32, #tpu.memory_space<vmem>>) semaphore(%arg14 : memref<!tpu.dma_semaphore, #tpu.memory_space<semaphore_mem>>)
      %dma_wait3A_264 = arith.constant 0 : i32
      %dma_wait3A_265 = arith.constant 0 : i32
      %dma_wait3A_266 = tpu.memref_slice %arg8[%dma_wait3A_264, %dma_wait3A_265] : memref<80x128xi32, #tpu.memory_space<vmem>> -> memref<1x128xi32, #tpu.memory_space<vmem>>
      %dma_wait3A_267 = tpu.memref_squeeze %dma_wait3A_266 : memref<1x128xi32, #tpu.memory_space<vmem>> -> memref<128xi32, #tpu.memory_space<vmem>>
      %dma_wait3A_268 = arith.constant 0 : i32
      %dma_wait3A_269 = arith.constant 0 : i32
      %dma_wait3A_270 = tpu.memref_slice %arg13[%dma_wait3A_268, %dma_wait3A_269] : memref<10240x64xf32, #tpu.memory_space<vmem_shared>> -> memref<10240x64xf32, #tpu.memory_space<vmem_shared>>
      tpu.wait_indirect_dma semaphore(%arg19 : memref<!tpu.dma_semaphore, #tpu.memory_space<semaphore_mem>>) src(%arg10 : memref<128x64xf32, #tpu.memory_space<vmem>>) dst(%dma_wait3A_270 : memref<10240x64xf32, #tpu.memory_space<vmem_shared>>)
      %add3A_271 = arith.constant 4 : i32
      %add3A_272 = arith.addi %mul3A_186, %add3A_271 : i32
      %add3A_273 = arith.constant 1 : i32
      %add3A_274 = arith.addi %add3A_272, %add3A_273 : i32
      %dma_start3A_275 = arith.constant 0 : i32
      %dma_start3A_276 = tpu.memref_slice %arg7[%add3A_274, %dma_start3A_275] : memref<80x128xi32, #tpu.memory_space<vmem>> -> memref<1x128xi32, #tpu.memory_space<vmem>>
      %dma_start3A_277 = tpu.memref_squeeze %dma_start3A_276 : memref<1x128xi32, #tpu.memory_space<vmem>> -> memref<128xi32, #tpu.memory_space<vmem>>
      %dma_start3A_278 = arith.constant 0 : i32
      %dma_start3A_279 = arith.constant 0 : i32
      %dma_start3A_280 = tpu.memref_slice %arg2[%dma_start3A_278, %dma_start3A_279] : memref<10240x64xf32, #tpu.memory_space<hbm>> -> memref<10240x64xf32, #tpu.memory_space<hbm>>
      tpu.enqueue_indirect_dma source(%dma_start3A_280 : memref<10240x64xf32, #tpu.memory_space<hbm>>) target(%arg10 : memref<128x64xf32, #tpu.memory_space<vmem>>) offsets(%dma_start3A_277 : memref<128xi32, #tpu.memory_space<vmem>>) semaphore(%arg15 : memref<!tpu.dma_semaphore, #tpu.memory_space<semaphore_mem>>)
      %dma_wait3A_281 = arith.constant 0 : i32
      %dma_wait3A_282 = arith.constant 0 : i32
      %dma_wait3A_283 = tpu.memref_slice %arg8[%dma_wait3A_281, %dma_wait3A_282] : memref<80x128xi32, #tpu.memory_space<vmem>> -> memref<1x128xi32, #tpu.memory_space<vmem>>
      %dma_wait3A_284 = tpu.memref_squeeze %dma_wait3A_283 : memref<1x128xi32, #tpu.memory_space<vmem>> -> memref<128xi32, #tpu.memory_space<vmem>>
      %dma_wait3A_285 = arith.constant 0 : i32
      %dma_wait3A_286 = arith.constant 0 : i32
      %dma_wait3A_287 = tpu.memref_slice %arg13[%dma_wait3A_285, %dma_wait3A_286] : memref<10240x64xf32, #tpu.memory_space<vmem_shared>> -> memref<10240x64xf32, #tpu.memory_space<vmem_shared>>
      tpu.wait_indirect_dma semaphore(%arg20 : memref<!tpu.dma_semaphore, #tpu.memory_space<semaphore_mem>>) src(%arg11 : memref<128x64xf32, #tpu.memory_space<vmem>>) dst(%dma_wait3A_287 : memref<10240x64xf32, #tpu.memory_space<vmem_shared>>)
      %add3A_288 = arith.constant 4 : i32
      %add3A_289 = arith.addi %mul3A_186, %add3A_288 : i32
      %add3A_290 = arith.constant 2 : i32
      %add3A_291 = arith.addi %add3A_289, %add3A_290 : i32
      %dma_start3A_292 = arith.constant 0 : i32
      %dma_start3A_293 = tpu.memref_slice %arg7[%add3A_291, %dma_start3A_292] : memref<80x128xi32, #tpu.memory_space<vmem>> -> memref<1x128xi32, #tpu.memory_space<vmem>>
      %dma_start3A_294 = tpu.memref_squeeze %dma_start3A_293 : memref<1x128xi32, #tpu.memory_space<vmem>> -> memref<128xi32, #tpu.memory_space<vmem>>
      %dma_start3A_295 = arith.constant 0 : i32
      %dma_start3A_296 = arith.constant 0 : i32
      %dma_start3A_297 = tpu.memref_slice %arg2[%dma_start3A_295, %dma_start3A_296] : memref<10240x64xf32, #tpu.memory_space<hbm>> -> memref<10240x64xf32, #tpu.memory_space<hbm>>
      tpu.enqueue_indirect_dma source(%dma_start3A_297 : memref<10240x64xf32, #tpu.memory_space<hbm>>) target(%arg11 : memref<128x64xf32, #tpu.memory_space<vmem>>) offsets(%dma_start3A_294 : memref<128xi32, #tpu.memory_space<vmem>>) semaphore(%arg16 : memref<!tpu.dma_semaphore, #tpu.memory_space<semaphore_mem>>)
      %dma_wait3A_298 = arith.constant 0 : i32
      %dma_wait3A_299 = arith.constant 0 : i32
      %dma_wait3A_300 = tpu.memref_slice %arg8[%dma_wait3A_298, %dma_wait3A_299] : memref<80x128xi32, #tpu.memory_space<vmem>> -> memref<1x128xi32, #tpu.memory_space<vmem>>
      %dma_wait3A_301 = tpu.memref_squeeze %dma_wait3A_300 : memref<1x128xi32, #tpu.memory_space<vmem>> -> memref<128xi32, #tpu.memory_space<vmem>>
      %dma_wait3A_302 = arith.constant 0 : i32
      %dma_wait3A_303 = arith.constant 0 : i32
      %dma_wait3A_304 = tpu.memref_slice %arg13[%dma_wait3A_302, %dma_wait3A_303] : memref<10240x64xf32, #tpu.memory_space<vmem_shared>> -> memref<10240x64xf32, #tpu.memory_space<vmem_shared>>
      tpu.wait_indirect_dma semaphore(%arg21 : memref<!tpu.dma_semaphore, #tpu.memory_space<semaphore_mem>>) src(%arg12 : memref<128x64xf32, #tpu.memory_space<vmem>>) dst(%dma_wait3A_304 : memref<10240x64xf32, #tpu.memory_space<vmem_shared>>)
      %add3A_305 = arith.constant 4 : i32
      %add3A_306 = arith.addi %mul3A_186, %add3A_305 : i32
      %add3A_307 = arith.constant 3 : i32
      %add3A_308 = arith.addi %add3A_306, %add3A_307 : i32
      %dma_start3A_309 = arith.constant 0 : i32
      %dma_start3A_310 = tpu.memref_slice %arg7[%add3A_308, %dma_start3A_309] : memref<80x128xi32, #tpu.memory_space<vmem>> -> memref<1x128xi32, #tpu.memory_space<vmem>>
      %dma_start3A_311 = tpu.memref_squeeze %dma_start3A_310 : memref<1x128xi32, #tpu.memory_space<vmem>> -> memref<128xi32, #tpu.memory_space<vmem>>
      %dma_start3A_312 = arith.constant 0 : i32
      %dma_start3A_313 = arith.constant 0 : i32
      %dma_start3A_314 = tpu.memref_slice %arg2[%dma_start3A_312, %dma_start3A_313] : memref<10240x64xf32, #tpu.memory_space<hbm>> -> memref<10240x64xf32, #tpu.memory_space<hbm>>
      tpu.enqueue_indirect_dma source(%dma_start3A_314 : memref<10240x64xf32, #tpu.memory_space<hbm>>) target(%arg12 : memref<128x64xf32, #tpu.memory_space<vmem>>) offsets(%dma_start3A_311 : memref<128xi32, #tpu.memory_space<vmem>>) semaphore(%arg17 : memref<!tpu.dma_semaphore, #tpu.memory_space<semaphore_mem>>)
    }
    %sub3A_94 = arith.constant 4 : i32
    %sub3A_95 = arith.subi %select_n3A, %sub3A_94 : i32
    %dma_wait3A_96 = arith.constant 0 : i32
    %dma_wait3A_97 = arith.constant 0 : i32
    %dma_wait3A_98 = tpu.memref_slice %arg7[%dma_wait3A_96, %dma_wait3A_97] : memref<80x128xi32, #tpu.memory_space<vmem>> -> memref<1x128xi32, #tpu.memory_space<vmem>>
    %dma_wait3A_99 = tpu.memref_squeeze %dma_wait3A_98 : memref<1x128xi32, #tpu.memory_space<vmem>> -> memref<128xi32, #tpu.memory_space<vmem>>
    %dma_wait3A_100 = arith.constant 0 : i32
    %dma_wait3A_101 = arith.constant 0 : i32
    %dma_wait3A_102 = tpu.memref_slice %arg2[%dma_wait3A_100, %dma_wait3A_101] : memref<10240x64xf32, #tpu.memory_space<hbm>> -> memref<10240x64xf32, #tpu.memory_space<hbm>>
    tpu.wait_indirect_dma semaphore(%arg14 : memref<!tpu.dma_semaphore, #tpu.memory_space<semaphore_mem>>) src(%dma_wait3A_102 : memref<10240x64xf32, #tpu.memory_space<hbm>>) dst(%arg9 : memref<128x64xf32, #tpu.memory_space<vmem>>)
    %add3A = arith.constant 0 : i32
    %add3A_103 = arith.addi %sub3A_95, %add3A : i32
    %dma_start3A_104 = arith.constant 0 : i32
    %dma_start3A_105 = tpu.memref_slice %arg8[%add3A_103, %dma_start3A_104] : memref<80x128xi32, #tpu.memory_space<vmem>> -> memref<1x128xi32, #tpu.memory_space<vmem>>
    %dma_start3A_106 = tpu.memref_squeeze %dma_start3A_105 : memref<1x128xi32, #tpu.memory_space<vmem>> -> memref<128xi32, #tpu.memory_space<vmem>>
    %dma_start3A_107 = arith.constant 0 : i32
    %dma_start3A_108 = arith.constant 0 : i32
    %dma_start3A_109 = tpu.memref_slice %arg13[%dma_start3A_107, %dma_start3A_108] : memref<10240x64xf32, #tpu.memory_space<vmem_shared>> -> memref<10240x64xf32, #tpu.memory_space<vmem_shared>>
    tpu.enqueue_indirect_dma source(%arg9 : memref<128x64xf32, #tpu.memory_space<vmem>>) target(%dma_start3A_109 : memref<10240x64xf32, #tpu.memory_space<vmem_shared>>) offsets(%dma_start3A_106 : memref<128xi32, #tpu.memory_space<vmem>>) semaphore(%arg18 : memref<!tpu.dma_semaphore, #tpu.memory_space<semaphore_mem>>) {add = true}
    %dma_wait3A_110 = arith.constant 0 : i32
    %dma_wait3A_111 = arith.constant 0 : i32
    %dma_wait3A_112 = tpu.memref_slice %arg7[%dma_wait3A_110, %dma_wait3A_111] : memref<80x128xi32, #tpu.memory_space<vmem>> -> memref<1x128xi32, #tpu.memory_space<vmem>>
    %dma_wait3A_113 = tpu.memref_squeeze %dma_wait3A_112 : memref<1x128xi32, #tpu.memory_space<vmem>> -> memref<128xi32, #tpu.memory_space<vmem>>
    %dma_wait3A_114 = arith.constant 0 : i32
    %dma_wait3A_115 = arith.constant 0 : i32
    %dma_wait3A_116 = tpu.memref_slice %arg2[%dma_wait3A_114, %dma_wait3A_115] : memref<10240x64xf32, #tpu.memory_space<hbm>> -> memref<10240x64xf32, #tpu.memory_space<hbm>>
    tpu.wait_indirect_dma semaphore(%arg15 : memref<!tpu.dma_semaphore, #tpu.memory_space<semaphore_mem>>) src(%dma_wait3A_116 : memref<10240x64xf32, #tpu.memory_space<hbm>>) dst(%arg10 : memref<128x64xf32, #tpu.memory_space<vmem>>)
    %add3A_117 = arith.constant 1 : i32
    %add3A_118 = arith.addi %sub3A_95, %add3A_117 : i32
    %dma_start3A_119 = arith.constant 0 : i32
    %dma_start3A_120 = tpu.memref_slice %arg8[%add3A_118, %dma_start3A_119] : memref<80x128xi32, #tpu.memory_space<vmem>> -> memref<1x128xi32, #tpu.memory_space<vmem>>
    %dma_start3A_121 = tpu.memref_squeeze %dma_start3A_120 : memref<1x128xi32, #tpu.memory_space<vmem>> -> memref<128xi32, #tpu.memory_space<vmem>>
    %dma_start3A_122 = arith.constant 0 : i32
    %dma_start3A_123 = arith.constant 0 : i32
    %dma_start3A_124 = tpu.memref_slice %arg13[%dma_start3A_122, %dma_start3A_123] : memref<10240x64xf32, #tpu.memory_space<vmem_shared>> -> memref<10240x64xf32, #tpu.memory_space<vmem_shared>>
    tpu.enqueue_indirect_dma source(%arg10 : memref<128x64xf32, #tpu.memory_space<vmem>>) target(%dma_start3A_124 : memref<10240x64xf32, #tpu.memory_space<vmem_shared>>) offsets(%dma_start3A_121 : memref<128xi32, #tpu.memory_space<vmem>>) semaphore(%arg19 : memref<!tpu.dma_semaphore, #tpu.memory_space<semaphore_mem>>) {add = true}
    %dma_wait3A_125 = arith.constant 0 : i32
    %dma_wait3A_126 = arith.constant 0 : i32
    %dma_wait3A_127 = tpu.memref_slice %arg7[%dma_wait3A_125, %dma_wait3A_126] : memref<80x128xi32, #tpu.memory_space<vmem>> -> memref<1x128xi32, #tpu.memory_space<vmem>>
    %dma_wait3A_128 = tpu.memref_squeeze %dma_wait3A_127 : memref<1x128xi32, #tpu.memory_space<vmem>> -> memref<128xi32, #tpu.memory_space<vmem>>
    %dma_wait3A_129 = arith.constant 0 : i32
    %dma_wait3A_130 = arith.constant 0 : i32
    %dma_wait3A_131 = tpu.memref_slice %arg2[%dma_wait3A_129, %dma_wait3A_130] : memref<10240x64xf32, #tpu.memory_space<hbm>> -> memref<10240x64xf32, #tpu.memory_space<hbm>>
    tpu.wait_indirect_dma semaphore(%arg16 : memref<!tpu.dma_semaphore, #tpu.memory_space<semaphore_mem>>) src(%dma_wait3A_131 : memref<10240x64xf32, #tpu.memory_space<hbm>>) dst(%arg11 : memref<128x64xf32, #tpu.memory_space<vmem>>)
    %add3A_132 = arith.constant 2 : i32
    %add3A_133 = arith.addi %sub3A_95, %add3A_132 : i32
    %dma_start3A_134 = arith.constant 0 : i32
    %dma_start3A_135 = tpu.memref_slice %arg8[%add3A_133, %dma_start3A_134] : memref<80x128xi32, #tpu.memory_space<vmem>> -> memref<1x128xi32, #tpu.memory_space<vmem>>
    %dma_start3A_136 = tpu.memref_squeeze %dma_start3A_135 : memref<1x128xi32, #tpu.memory_space<vmem>> -> memref<128xi32, #tpu.memory_space<vmem>>
    %dma_start3A_137 = arith.constant 0 : i32
    %dma_start3A_138 = arith.constant 0 : i32
    %dma_start3A_139 = tpu.memref_slice %arg13[%dma_start3A_137, %dma_start3A_138] : memref<10240x64xf32, #tpu.memory_space<vmem_shared>> -> memref<10240x64xf32, #tpu.memory_space<vmem_shared>>
    tpu.enqueue_indirect_dma source(%arg11 : memref<128x64xf32, #tpu.memory_space<vmem>>) target(%dma_start3A_139 : memref<10240x64xf32, #tpu.memory_space<vmem_shared>>) offsets(%dma_start3A_136 : memref<128xi32, #tpu.memory_space<vmem>>) semaphore(%arg20 : memref<!tpu.dma_semaphore, #tpu.memory_space<semaphore_mem>>) {add = true}
    %dma_wait3A_140 = arith.constant 0 : i32
    %dma_wait3A_141 = arith.constant 0 : i32
    %dma_wait3A_142 = tpu.memref_slice %arg7[%dma_wait3A_140, %dma_wait3A_141] : memref<80x128xi32, #tpu.memory_space<vmem>> -> memref<1x128xi32, #tpu.memory_space<vmem>>
    %dma_wait3A_143 = tpu.memref_squeeze %dma_wait3A_142 : memref<1x128xi32, #tpu.memory_space<vmem>> -> memref<128xi32, #tpu.memory_space<vmem>>
    %dma_wait3A_144 = arith.constant 0 : i32
    %dma_wait3A_145 = arith.constant 0 : i32
    %dma_wait3A_146 = tpu.memref_slice %arg2[%dma_wait3A_144, %dma_wait3A_145] : memref<10240x64xf32, #tpu.memory_space<hbm>> -> memref<10240x64xf32, #tpu.memory_space<hbm>>
    tpu.wait_indirect_dma semaphore(%arg17 : memref<!tpu.dma_semaphore, #tpu.memory_space<semaphore_mem>>) src(%dma_wait3A_146 : memref<10240x64xf32, #tpu.memory_space<hbm>>) dst(%arg12 : memref<128x64xf32, #tpu.memory_space<vmem>>)
    %add3A_147 = arith.constant 3 : i32
    %add3A_148 = arith.addi %sub3A_95, %add3A_147 : i32
    %dma_start3A_149 = arith.constant 0 : i32
    %dma_start3A_150 = tpu.memref_slice %arg8[%add3A_148, %dma_start3A_149] : memref<80x128xi32, #tpu.memory_space<vmem>> -> memref<1x128xi32, #tpu.memory_space<vmem>>
    %dma_start3A_151 = tpu.memref_squeeze %dma_start3A_150 : memref<1x128xi32, #tpu.memory_space<vmem>> -> memref<128xi32, #tpu.memory_space<vmem>>
    %dma_start3A_152 = arith.constant 0 : i32
    %dma_start3A_153 = arith.constant 0 : i32
    %dma_start3A_154 = tpu.memref_slice %arg13[%dma_start3A_152, %dma_start3A_153] : memref<10240x64xf32, #tpu.memory_space<vmem_shared>> -> memref<10240x64xf32, #tpu.memory_space<vmem_shared>>
    tpu.enqueue_indirect_dma source(%arg12 : memref<128x64xf32, #tpu.memory_space<vmem>>) target(%dma_start3A_154 : memref<10240x64xf32, #tpu.memory_space<vmem_shared>>) offsets(%dma_start3A_151 : memref<128xi32, #tpu.memory_space<vmem>>) semaphore(%arg21 : memref<!tpu.dma_semaphore, #tpu.memory_space<semaphore_mem>>) {add = true}
    %dma_wait3A_155 = arith.constant 0 : i32
    %dma_wait3A_156 = arith.constant 0 : i32
    %dma_wait3A_157 = tpu.memref_slice %arg8[%dma_wait3A_155, %dma_wait3A_156] : memref<80x128xi32, #tpu.memory_space<vmem>> -> memref<1x128xi32, #tpu.memory_space<vmem>>
    %dma_wait3A_158 = tpu.memref_squeeze %dma_wait3A_157 : memref<1x128xi32, #tpu.memory_space<vmem>> -> memref<128xi32, #tpu.memory_space<vmem>>
    %dma_wait3A_159 = arith.constant 0 : i32
    %dma_wait3A_160 = arith.constant 0 : i32
    %dma_wait3A_161 = tpu.memref_slice %arg13[%dma_wait3A_159, %dma_wait3A_160] : memref<10240x64xf32, #tpu.memory_space<vmem_shared>> -> memref<10240x64xf32, #tpu.memory_space<vmem_shared>>
    tpu.wait_indirect_dma semaphore(%arg18 : memref<!tpu.dma_semaphore, #tpu.memory_space<semaphore_mem>>) src(%arg9 : memref<128x64xf32, #tpu.memory_space<vmem>>) dst(%dma_wait3A_161 : memref<10240x64xf32, #tpu.memory_space<vmem_shared>>)
    %dma_wait3A_162 = arith.constant 0 : i32
    %dma_wait3A_163 = arith.constant 0 : i32
    %dma_wait3A_164 = tpu.memref_slice %arg8[%dma_wait3A_162, %dma_wait3A_163] : memref<80x128xi32, #tpu.memory_space<vmem>> -> memref<1x128xi32, #tpu.memory_space<vmem>>
    %dma_wait3A_165 = tpu.memref_squeeze %dma_wait3A_164 : memref<1x128xi32, #tpu.memory_space<vmem>> -> memref<128xi32, #tpu.memory_space<vmem>>
    %dma_wait3A_166 = arith.constant 0 : i32
    %dma_wait3A_167 = arith.constant 0 : i32
    %dma_wait3A_168 = tpu.memref_slice %arg13[%dma_wait3A_166, %dma_wait3A_167] : memref<10240x64xf32, #tpu.memory_space<vmem_shared>> -> memref<10240x64xf32, #tpu.memory_space<vmem_shared>>
    tpu.wait_indirect_dma semaphore(%arg19 : memref<!tpu.dma_semaphore, #tpu.memory_space<semaphore_mem>>) src(%arg10 : memref<128x64xf32, #tpu.memory_space<vmem>>) dst(%dma_wait3A_168 : memref<10240x64xf32, #tpu.memory_space<vmem_shared>>)
    %dma_wait3A_169 = arith.constant 0 : i32
    %dma_wait3A_170 = arith.constant 0 : i32
    %dma_wait3A_171 = tpu.memref_slice %arg8[%dma_wait3A_169, %dma_wait3A_170] : memref<80x128xi32, #tpu.memory_space<vmem>> -> memref<1x128xi32, #tpu.memory_space<vmem>>
    %dma_wait3A_172 = tpu.memref_squeeze %dma_wait3A_171 : memref<1x128xi32, #tpu.memory_space<vmem>> -> memref<128xi32, #tpu.memory_space<vmem>>
    %dma_wait3A_173 = arith.constant 0 : i32
    %dma_wait3A_174 = arith.constant 0 : i32
    %dma_wait3A_175 = tpu.memref_slice %arg13[%dma_wait3A_173, %dma_wait3A_174] : memref<10240x64xf32, #tpu.memory_space<vmem_shared>> -> memref<10240x64xf32, #tpu.memory_space<vmem_shared>>
    tpu.wait_indirect_dma semaphore(%arg20 : memref<!tpu.dma_semaphore, #tpu.memory_space<semaphore_mem>>) src(%arg11 : memref<128x64xf32, #tpu.memory_space<vmem>>) dst(%dma_wait3A_175 : memref<10240x64xf32, #tpu.memory_space<vmem_shared>>)
    %dma_wait3A_176 = arith.constant 0 : i32
    %dma_wait3A_177 = arith.constant 0 : i32
    %dma_wait3A_178 = tpu.memref_slice %arg8[%dma_wait3A_176, %dma_wait3A_177] : memref<80x128xi32, #tpu.memory_space<vmem>> -> memref<1x128xi32, #tpu.memory_space<vmem>>
    %dma_wait3A_179 = tpu.memref_squeeze %dma_wait3A_178 : memref<1x128xi32, #tpu.memory_space<vmem>> -> memref<128xi32, #tpu.memory_space<vmem>>
    %dma_wait3A_180 = arith.constant 0 : i32
    %dma_wait3A_181 = arith.constant 0 : i32
    %dma_wait3A_182 = tpu.memref_slice %arg13[%dma_wait3A_180, %dma_wait3A_181] : memref<10240x64xf32, #tpu.memory_space<vmem_shared>> -> memref<10240x64xf32, #tpu.memory_space<vmem_shared>>
    tpu.wait_indirect_dma semaphore(%arg21 : memref<!tpu.dma_semaphore, #tpu.memory_space<semaphore_mem>>) src(%arg12 : memref<128x64xf32, #tpu.memory_space<vmem>>) dst(%dma_wait3A_182 : memref<10240x64xf32, #tpu.memory_space<vmem_shared>>)
    %barrier3A_183 = arith.constant 0 : index
    tpu.barrier barrier_id(%barrier3A_183)
    "tpu.region"() ({
      %run_scoped3A = tpu.sem_alloc : memref<!tpu.dma_semaphore, #tpu.memory_space<semaphore_mem>>
      %dma_start3A_184 = arith.constant 0 : i32
      %dma_start3A_185 = arith.constant 0 : i32
      %dma_start3A_186 = tpu.memref_slice %arg6[%arg0, %dma_start3A_184, %dma_start3A_185] : memref<2x10240x64xf32, #tpu.memory_space<hbm>> -> memref<1x10240x64xf32, #tpu.memory_space<hbm>>
      %dma_start3A_187 = tpu.memref_squeeze %dma_start3A_186 : memref<1x10240x64xf32, #tpu.memory_space<hbm>> -> memref<10240x64xf32, #tpu.memory_space<hbm>>
      %dma_start3A_188 = arith.constant 0 : i32
      %dma_start3A_189 = tpu.memref_slice %dma_start3A_187[%mul3A_0, %dma_start3A_188] : memref<10240x64xf32, #tpu.memory_space<hbm>> -> memref<640x64xf32, #tpu.memory_space<hbm>>
      %dma_start3A_190 = arith.constant 0 : i32
      %dma_start3A_191 = tpu.memref_slice %arg13[%mul3A_0, %dma_start3A_190] : memref<10240x64xf32, #tpu.memory_space<vmem_shared>> -> memref<640x64xf32, #tpu.memory_space<vmem_shared>>
      tpu.enqueue_dma source(%dma_start3A_191 : memref<640x64xf32, #tpu.memory_space<vmem_shared>>) target(%dma_start3A_189 : memref<640x64xf32, #tpu.memory_space<hbm>>) target_semaphore(%run_scoped3A : memref<!tpu.dma_semaphore, #tpu.memory_space<semaphore_mem>>)
      %dma_wait3A_192 = arith.constant 0 : i32
      %dma_wait3A_193 = arith.constant 0 : i32
      %dma_wait3A_194 = tpu.memref_slice %arg6[%arg0, %dma_wait3A_192, %dma_wait3A_193] : memref<2x10240x64xf32, #tpu.memory_space<hbm>> -> memref<1x10240x64xf32, #tpu.memory_space<hbm>>
      %dma_wait3A_195 = tpu.memref_squeeze %dma_wait3A_194 : memref<1x10240x64xf32, #tpu.memory_space<hbm>> -> memref<10240x64xf32, #tpu.memory_space<hbm>>
      %dma_wait3A_196 = arith.constant 0 : i32
      %dma_wait3A_197 = tpu.memref_slice %dma_wait3A_195[%mul3A_0, %dma_wait3A_196] : memref<10240x64xf32, #tpu.memory_space<hbm>> -> memref<640x64xf32, #tpu.memory_space<hbm>>
      %dma_wait3A_198 = arith.constant 0 : i32
      %dma_wait3A_199 = tpu.memref_slice %arg13[%mul3A_0, %dma_wait3A_198] : memref<10240x64xf32, #tpu.memory_space<vmem_shared>> -> memref<640x64xf32, #tpu.memory_space<vmem_shared>>
      tpu.wait_dma2 semaphore(%run_scoped3A : memref<!tpu.dma_semaphore, #tpu.memory_space<semaphore_mem>>) src(%dma_wait3A_199 : memref<640x64xf32, #tpu.memory_space<vmem_shared>>) dst(%dma_wait3A_197 : memref<640x64xf32, #tpu.memory_space<hbm>>)
      tpu.yield
    }) : () -> ()
    return
  }
}

#map = affine_map<(d0, d1) -> (0, 0)>
#map1 = affine_map<(d0, d1) -> (0, 0, 0)>
module attributes {stable_mosaic.version = 14 : i64} {
  func.func @_sc_gs_body(%arg0: i32, %arg1: i32, %arg2: memref<10240x64xf32, #tpu.memory_space<hbm>>, %arg3: memref<2560x128xi32, #tpu.memory_space<hbm>>, %arg4: memref<2560x128xi32, #tpu.memory_space<hbm>>, %arg5: memref<640x64xf32, #tpu.memory_space<hbm>>, %arg6: memref<2x10240x64xf32, #tpu.memory_space<hbm>>, %arg7: memref<80x128xi32, #tpu.memory_space<vmem>>, %arg8: memref<80x128xi32, #tpu.memory_space<vmem>>, %arg9: memref<128x64xf32, #tpu.memory_space<vmem>>, %arg10: memref<128x64xf32, #tpu.memory_space<vmem>>, %arg11: memref<128x64xf32, #tpu.memory_space<vmem>>, %arg12: memref<128x64xf32, #tpu.memory_space<vmem>>, %arg13: memref<10240x64xf32, #tpu.memory_space<vmem_shared>>, %arg14: memref<!tpu.dma_semaphore, #tpu.memory_space<semaphore_mem>>, %arg15: memref<!tpu.dma_semaphore, #tpu.memory_space<semaphore_mem>>, %arg16: memref<!tpu.dma_semaphore, #tpu.memory_space<semaphore_mem>>, %arg17: memref<!tpu.dma_semaphore, #tpu.memory_space<semaphore_mem>>, %arg18: memref<!tpu.dma_semaphore, #tpu.memory_space<semaphore_mem>>, %arg19: memref<!tpu.dma_semaphore, #tpu.memory_space<semaphore_mem>>, %arg20: memref<!tpu.dma_semaphore, #tpu.memory_space<semaphore_mem>>, %arg21: memref<!tpu.dma_semaphore, #tpu.memory_space<semaphore_mem>>) attributes {dimension_semantics = [#tpu.dimension_semantics<core_parallel>, #tpu.dimension_semantics<subcore_parallel>], iteration_bounds = array<i64: 2, 16>, scalar_prefetch = 0 : i64, scratch_operands = 15 : i64, tpu.core_type = #tpu.core_type<sc_vector_subcore>, window_params = [{transform_indices = #map}, {transform_indices = #map}, {transform_indices = #map}, {transform_indices = #map}, {transform_indices = #map1}]} {
    %mul3A = arith.constant 640 : i32
    %mul3A_0 = arith.muli %arg1, %mul3A : i32
    %eq3A = arith.constant 0 : i32
    %eq3A_1 = arith.cmpi eq, %arg0, %eq3A : i32
    %jit3A = arith.constant 80 : i32
    %jit3A_2 = arith.constant 80 : i32
    %select_n3A = arith.select %eq3A_1, %jit3A, %jit3A_2 : i32
    %dma_start3A = arith.constant 0 : i32
    %dma_start3A_3 = tpu.memref_slice %arg13[%mul3A_0, %dma_start3A] : memref<10240x64xf32, #tpu.memory_space<vmem_shared>> -> memref<640x64xf32, #tpu.memory_space<vmem_shared>>
    tpu.enqueue_dma source(%arg5 : memref<640x64xf32, #tpu.memory_space<hbm>>) target(%dma_start3A_3 : memref<640x64xf32, #tpu.memory_space<vmem_shared>>) target_semaphore(%arg18 : memref<!tpu.dma_semaphore, #tpu.memory_space<semaphore_mem>>)
    %eq3A_4 = arith.constant 0 : i32
    %eq3A_5 = arith.cmpi eq, %arg0, %eq3A_4 : i32
    %convert_element_type3A = arith.extui %eq3A_5 : i1 to i32
    %cond3A = arith.constant 0 : i32
    %cond3A_6 = arith.cmpi ne, %convert_element_type3A, %cond3A : i32
    scf.if %cond3A_6 {
      %mul3A_184 = arith.constant 80 : i32
      %mul3A_185 = arith.muli %arg1, %mul3A_184 : i32
      %dma_start3A_186 = arith.constant 0 : i32
      %dma_start3A_187 = arith.constant 0 : i32
      %dma_start3A_188 = tpu.memref_slice %arg7[%dma_start3A_186, %dma_start3A_187] : memref<80x128xi32, #tpu.memory_space<vmem>> -> memref<80x128xi32, #tpu.memory_space<vmem>>
      %dma_start3A_189 = arith.constant 0 : i32
      %dma_start3A_190 = tpu.memref_slice %arg3[%mul3A_185, %dma_start3A_189] : memref<2560x128xi32, #tpu.memory_space<hbm>> -> memref<80x128xi32, #tpu.memory_space<hbm>>
      %dma_start3A_191 = arith.constant 0 : i32
      %dma_start3A_192 = arith.constant 0 : i32
      %dma_start3A_193 = tpu.memref_slice %arg7[%dma_start3A_191, %dma_start3A_192] : memref<80x128xi32, #tpu.memory_space<vmem>> -> memref<80x128xi32, #tpu.memory_space<vmem>>
      %dma_start3A_194 = arith.constant 0 : i32
      %dma_start3A_195 = tpu.memref_slice %arg3[%mul3A_185, %dma_start3A_194] : memref<2560x128xi32, #tpu.memory_space<hbm>> -> memref<80x128xi32, #tpu.memory_space<hbm>>
      tpu.enqueue_dma source(%dma_start3A_195 : memref<80x128xi32, #tpu.memory_space<hbm>>) target(%dma_start3A_193 : memref<80x128xi32, #tpu.memory_space<vmem>>) target_semaphore(%arg19 : memref<!tpu.dma_semaphore, #tpu.memory_space<semaphore_mem>>)
      %mul3A_196 = arith.constant 80 : i32
      %mul3A_197 = arith.muli %arg1, %mul3A_196 : i32
      %dma_start3A_198 = arith.constant 0 : i32
      %dma_start3A_199 = arith.constant 0 : i32
      %dma_start3A_200 = tpu.memref_slice %arg8[%dma_start3A_198, %dma_start3A_199] : memref<80x128xi32, #tpu.memory_space<vmem>> -> memref<80x128xi32, #tpu.memory_space<vmem>>
      %dma_start3A_201 = arith.constant 0 : i32
      %dma_start3A_202 = tpu.memref_slice %arg4[%mul3A_197, %dma_start3A_201] : memref<2560x128xi32, #tpu.memory_space<hbm>> -> memref<80x128xi32, #tpu.memory_space<hbm>>
      %dma_start3A_203 = arith.constant 0 : i32
      %dma_start3A_204 = arith.constant 0 : i32
      %dma_start3A_205 = tpu.memref_slice %arg8[%dma_start3A_203, %dma_start3A_204] : memref<80x128xi32, #tpu.memory_space<vmem>> -> memref<80x128xi32, #tpu.memory_space<vmem>>
      %dma_start3A_206 = arith.constant 0 : i32
      %dma_start3A_207 = tpu.memref_slice %arg4[%mul3A_197, %dma_start3A_206] : memref<2560x128xi32, #tpu.memory_space<hbm>> -> memref<80x128xi32, #tpu.memory_space<hbm>>
      tpu.enqueue_dma source(%dma_start3A_207 : memref<80x128xi32, #tpu.memory_space<hbm>>) target(%dma_start3A_205 : memref<80x128xi32, #tpu.memory_space<vmem>>) target_semaphore(%arg20 : memref<!tpu.dma_semaphore, #tpu.memory_space<semaphore_mem>>)
    } else {
    }
    %ne3A = arith.constant 0 : i32
    %ne3A_7 = arith.cmpi ne, %arg0, %ne3A : i32
    %convert_element_type3A_8 = arith.extui %ne3A_7 : i1 to i32
    %cond3A_9 = arith.constant 0 : i32
    %cond3A_10 = arith.cmpi ne, %convert_element_type3A_8, %cond3A_9 : i32
    scf.if %cond3A_10 {
      %mul3A_184 = arith.constant 80 : i32
      %mul3A_185 = arith.muli %arg1, %mul3A_184 : i32
      %add3A_186 = arith.constant 1280 : i32
      %add3A_187 = arith.addi %add3A_186, %mul3A_185 : i32
      %dma_start3A_188 = arith.constant 0 : i32
      %dma_start3A_189 = arith.constant 0 : i32
      %dma_start3A_190 = tpu.memref_slice %arg7[%dma_start3A_188, %dma_start3A_189] : memref<80x128xi32, #tpu.memory_space<vmem>> -> memref<80x128xi32, #tpu.memory_space<vmem>>
      %dma_start3A_191 = arith.constant 0 : i32
      %dma_start3A_192 = tpu.memref_slice %arg3[%add3A_187, %dma_start3A_191] : memref<2560x128xi32, #tpu.memory_space<hbm>> -> memref<80x128xi32, #tpu.memory_space<hbm>>
      %dma_start3A_193 = arith.constant 0 : i32
      %dma_start3A_194 = arith.constant 0 : i32
      %dma_start3A_195 = tpu.memref_slice %arg7[%dma_start3A_193, %dma_start3A_194] : memref<80x128xi32, #tpu.memory_space<vmem>> -> memref<80x128xi32, #tpu.memory_space<vmem>>
      %dma_start3A_196 = arith.constant 0 : i32
      %dma_start3A_197 = tpu.memref_slice %arg3[%add3A_187, %dma_start3A_196] : memref<2560x128xi32, #tpu.memory_space<hbm>> -> memref<80x128xi32, #tpu.memory_space<hbm>>
      tpu.enqueue_dma source(%dma_start3A_197 : memref<80x128xi32, #tpu.memory_space<hbm>>) target(%dma_start3A_195 : memref<80x128xi32, #tpu.memory_space<vmem>>) target_semaphore(%arg19 : memref<!tpu.dma_semaphore, #tpu.memory_space<semaphore_mem>>)
      %dma_start3A_198 = arith.constant 0 : i32
      %dma_start3A_199 = arith.constant 0 : i32
      %dma_start3A_200 = tpu.memref_slice %arg8[%dma_start3A_198, %dma_start3A_199] : memref<80x128xi32, #tpu.memory_space<vmem>> -> memref<80x128xi32, #tpu.memory_space<vmem>>
      %dma_start3A_201 = arith.constant 0 : i32
      %dma_start3A_202 = tpu.memref_slice %arg4[%add3A_187, %dma_start3A_201] : memref<2560x128xi32, #tpu.memory_space<hbm>> -> memref<80x128xi32, #tpu.memory_space<hbm>>
      %dma_start3A_203 = arith.constant 0 : i32
      %dma_start3A_204 = arith.constant 0 : i32
      %dma_start3A_205 = tpu.memref_slice %arg8[%dma_start3A_203, %dma_start3A_204] : memref<80x128xi32, #tpu.memory_space<vmem>> -> memref<80x128xi32, #tpu.memory_space<vmem>>
      %dma_start3A_206 = arith.constant 0 : i32
      %dma_start3A_207 = tpu.memref_slice %arg4[%add3A_187, %dma_start3A_206] : memref<2560x128xi32, #tpu.memory_space<hbm>> -> memref<80x128xi32, #tpu.memory_space<hbm>>
      tpu.enqueue_dma source(%dma_start3A_207 : memref<80x128xi32, #tpu.memory_space<hbm>>) target(%dma_start3A_205 : memref<80x128xi32, #tpu.memory_space<vmem>>) target_semaphore(%arg20 : memref<!tpu.dma_semaphore, #tpu.memory_space<semaphore_mem>>)
    } else {
    }
    %dma_wait3A = arith.constant 0 : i32
    %dma_wait3A_11 = tpu.memref_slice %arg13[%mul3A_0, %dma_wait3A] : memref<10240x64xf32, #tpu.memory_space<vmem_shared>> -> memref<640x64xf32, #tpu.memory_space<vmem_shared>>
    tpu.wait_dma2 semaphore(%arg18 : memref<!tpu.dma_semaphore, #tpu.memory_space<semaphore_mem>>) src(%arg5 : memref<640x64xf32, #tpu.memory_space<hbm>>) dst(%dma_wait3A_11 : memref<640x64xf32, #tpu.memory_space<vmem_shared>>)
    %dma_wait3A_12 = arith.constant 0 : i32
    %dma_wait3A_13 = arith.constant 0 : i32
    %dma_wait3A_14 = tpu.memref_slice %arg7[%dma_wait3A_12, %dma_wait3A_13] : memref<80x128xi32, #tpu.memory_space<vmem>> -> memref<80x128xi32, #tpu.memory_space<vmem>>
    %dma_wait3A_15 = arith.constant 0 : i32
    %dma_wait3A_16 = arith.constant 0 : i32
    %dma_wait3A_17 = tpu.memref_slice %arg3[%dma_wait3A_15, %dma_wait3A_16] : memref<2560x128xi32, #tpu.memory_space<hbm>> -> memref<80x128xi32, #tpu.memory_space<hbm>>
    %dma_wait3A_18 = arith.constant 0 : i32
    %dma_wait3A_19 = arith.constant 0 : i32
    %dma_wait3A_20 = tpu.memref_slice %arg7[%dma_wait3A_18, %dma_wait3A_19] : memref<80x128xi32, #tpu.memory_space<vmem>> -> memref<80x128xi32, #tpu.memory_space<vmem>>
    %dma_wait3A_21 = arith.constant 0 : i32
    %dma_wait3A_22 = arith.constant 0 : i32
    %dma_wait3A_23 = tpu.memref_slice %arg3[%dma_wait3A_21, %dma_wait3A_22] : memref<2560x128xi32, #tpu.memory_space<hbm>> -> memref<80x128xi32, #tpu.memory_space<hbm>>
    tpu.wait_dma2 semaphore(%arg19 : memref<!tpu.dma_semaphore, #tpu.memory_space<semaphore_mem>>) src(%dma_wait3A_23 : memref<80x128xi32, #tpu.memory_space<hbm>>) dst(%dma_wait3A_20 : memref<80x128xi32, #tpu.memory_space<vmem>>)
    %dma_wait3A_24 = arith.constant 0 : i32
    %dma_wait3A_25 = arith.constant 0 : i32
    %dma_wait3A_26 = tpu.memref_slice %arg8[%dma_wait3A_24, %dma_wait3A_25] : memref<80x128xi32, #tpu.memory_space<vmem>> -> memref<80x128xi32, #tpu.memory_space<vmem>>
    %dma_wait3A_27 = arith.constant 0 : i32
    %dma_wait3A_28 = arith.constant 0 : i32
    %dma_wait3A_29 = tpu.memref_slice %arg4[%dma_wait3A_27, %dma_wait3A_28] : memref<2560x128xi32, #tpu.memory_space<hbm>> -> memref<80x128xi32, #tpu.memory_space<hbm>>
    %dma_wait3A_30 = arith.constant 0 : i32
    %dma_wait3A_31 = arith.constant 0 : i32
    %dma_wait3A_32 = tpu.memref_slice %arg8[%dma_wait3A_30, %dma_wait3A_31] : memref<80x128xi32, #tpu.memory_space<vmem>> -> memref<80x128xi32, #tpu.memory_space<vmem>>
    %dma_wait3A_33 = arith.constant 0 : i32
    %dma_wait3A_34 = arith.constant 0 : i32
    %dma_wait3A_35 = tpu.memref_slice %arg4[%dma_wait3A_33, %dma_wait3A_34] : memref<2560x128xi32, #tpu.memory_space<hbm>> -> memref<80x128xi32, #tpu.memory_space<hbm>>
    tpu.wait_dma2 semaphore(%arg20 : memref<!tpu.dma_semaphore, #tpu.memory_space<semaphore_mem>>) src(%dma_wait3A_35 : memref<80x128xi32, #tpu.memory_space<hbm>>) dst(%dma_wait3A_32 : memref<80x128xi32, #tpu.memory_space<vmem>>)
    %barrier3A = arith.constant 0 : index
    tpu.barrier barrier_id(%barrier3A)
    %dma_start3A_36 = arith.constant 0 : i32
    %dma_start3A_37 = arith.constant 0 : i32
    %dma_start3A_38 = tpu.memref_slice %arg7[%dma_start3A_36, %dma_start3A_37] : memref<80x128xi32, #tpu.memory_space<vmem>> -> memref<1x128xi32, #tpu.memory_space<vmem>>
    %dma_start3A_39 = tpu.memref_squeeze %dma_start3A_38 : memref<1x128xi32, #tpu.memory_space<vmem>> -> memref<128xi32, #tpu.memory_space<vmem>>
    %dma_start3A_40 = arith.constant 0 : i32
    %dma_start3A_41 = arith.constant 0 : i32
    %dma_start3A_42 = tpu.memref_slice %arg2[%dma_start3A_40, %dma_start3A_41] : memref<10240x64xf32, #tpu.memory_space<hbm>> -> memref<10240x64xf32, #tpu.memory_space<hbm>>
    tpu.enqueue_indirect_dma source(%dma_start3A_42 : memref<10240x64xf32, #tpu.memory_space<hbm>>) target(%arg9 : memref<128x64xf32, #tpu.memory_space<vmem>>) offsets(%dma_start3A_39 : memref<128xi32, #tpu.memory_space<vmem>>) semaphore(%arg14 : memref<!tpu.dma_semaphore, #tpu.memory_space<semaphore_mem>>)
    %dma_start3A_43 = arith.constant 1 : i32
    %dma_start3A_44 = arith.constant 0 : i32
    %dma_start3A_45 = tpu.memref_slice %arg7[%dma_start3A_43, %dma_start3A_44] : memref<80x128xi32, #tpu.memory_space<vmem>> -> memref<1x128xi32, #tpu.memory_space<vmem>>
    %dma_start3A_46 = tpu.memref_squeeze %dma_start3A_45 : memref<1x128xi32, #tpu.memory_space<vmem>> -> memref<128xi32, #tpu.memory_space<vmem>>
    %dma_start3A_47 = arith.constant 0 : i32
    %dma_start3A_48 = arith.constant 0 : i32
    %dma_start3A_49 = tpu.memref_slice %arg2[%dma_start3A_47, %dma_start3A_48] : memref<10240x64xf32, #tpu.memory_space<hbm>> -> memref<10240x64xf32, #tpu.memory_space<hbm>>
    tpu.enqueue_indirect_dma source(%dma_start3A_49 : memref<10240x64xf32, #tpu.memory_space<hbm>>) target(%arg10 : memref<128x64xf32, #tpu.memory_space<vmem>>) offsets(%dma_start3A_46 : memref<128xi32, #tpu.memory_space<vmem>>) semaphore(%arg15 : memref<!tpu.dma_semaphore, #tpu.memory_space<semaphore_mem>>)
    %dma_start3A_50 = arith.constant 2 : i32
    %dma_start3A_51 = arith.constant 0 : i32
    %dma_start3A_52 = tpu.memref_slice %arg7[%dma_start3A_50, %dma_start3A_51] : memref<80x128xi32, #tpu.memory_space<vmem>> -> memref<1x128xi32, #tpu.memory_space<vmem>>
    %dma_start3A_53 = tpu.memref_squeeze %dma_start3A_52 : memref<1x128xi32, #tpu.memory_space<vmem>> -> memref<128xi32, #tpu.memory_space<vmem>>
    %dma_start3A_54 = arith.constant 0 : i32
    %dma_start3A_55 = arith.constant 0 : i32
    %dma_start3A_56 = tpu.memref_slice %arg2[%dma_start3A_54, %dma_start3A_55] : memref<10240x64xf32, #tpu.memory_space<hbm>> -> memref<10240x64xf32, #tpu.memory_space<hbm>>
    tpu.enqueue_indirect_dma source(%dma_start3A_56 : memref<10240x64xf32, #tpu.memory_space<hbm>>) target(%arg11 : memref<128x64xf32, #tpu.memory_space<vmem>>) offsets(%dma_start3A_53 : memref<128xi32, #tpu.memory_space<vmem>>) semaphore(%arg16 : memref<!tpu.dma_semaphore, #tpu.memory_space<semaphore_mem>>)
    %dma_start3A_57 = arith.constant 3 : i32
    %dma_start3A_58 = arith.constant 0 : i32
    %dma_start3A_59 = tpu.memref_slice %arg7[%dma_start3A_57, %dma_start3A_58] : memref<80x128xi32, #tpu.memory_space<vmem>> -> memref<1x128xi32, #tpu.memory_space<vmem>>
    %dma_start3A_60 = tpu.memref_squeeze %dma_start3A_59 : memref<1x128xi32, #tpu.memory_space<vmem>> -> memref<128xi32, #tpu.memory_space<vmem>>
    %dma_start3A_61 = arith.constant 0 : i32
    %dma_start3A_62 = arith.constant 0 : i32
    %dma_start3A_63 = tpu.memref_slice %arg2[%dma_start3A_61, %dma_start3A_62] : memref<10240x64xf32, #tpu.memory_space<hbm>> -> memref<10240x64xf32, #tpu.memory_space<hbm>>
    tpu.enqueue_indirect_dma source(%dma_start3A_63 : memref<10240x64xf32, #tpu.memory_space<hbm>>) target(%arg12 : memref<128x64xf32, #tpu.memory_space<vmem>>) offsets(%dma_start3A_60 : memref<128xi32, #tpu.memory_space<vmem>>) semaphore(%arg17 : memref<!tpu.dma_semaphore, #tpu.memory_space<semaphore_mem>>)
    %jit3A_64 = arith.constant 4 : i32
    %div3A = arith.divsi %select_n3A, %jit3A_64 : i32
    %sign3A = arith.constant 0 : i32
    %sign3A_65 = arith.cmpi sgt, %select_n3A, %sign3A : i32
    %sign3A_66 = arith.extui %sign3A_65 : i1 to i32
    %sign3A_67 = arith.constant 0 : i32
    %sign3A_68 = arith.cmpi slt, %select_n3A, %sign3A_67 : i32
    %sign3A_69 = arith.extui %sign3A_68 : i1 to i32
    %sign3A_70 = arith.subi %sign3A_66, %sign3A_69 : i32
    %sign3A_71 = arith.constant 0 : i32
    %sign3A_72 = arith.cmpi sgt, %jit3A_64, %sign3A_71 : i32
    %sign3A_73 = arith.extui %sign3A_72 : i1 to i32
    %sign3A_74 = arith.constant 0 : i32
    %sign3A_75 = arith.cmpi slt, %jit3A_64, %sign3A_74 : i32
    %sign3A_76 = arith.extui %sign3A_75 : i1 to i32
    %sign3A_77 = arith.subi %sign3A_73, %sign3A_76 : i32
    %ne3A_78 = arith.cmpi ne, %sign3A_70, %sign3A_77 : i32
    %rem3A = arith.remsi %select_n3A, %jit3A_64 : i32
    %ne3A_79 = arith.constant 0 : i32
    %ne3A_80 = arith.cmpi ne, %rem3A, %ne3A_79 : i32
    %and3A = arith.andi %ne3A_78, %ne3A_80 : i1
    %sub3A = arith.constant 1 : i32
    %sub3A_81 = arith.subi %div3A, %sub3A : i32
    %select_n3A_82 = arith.select %and3A, %sub3A_81, %div3A : i32
    %sub3A_83 = arith.constant 1 : i32
    %sub3A_84 = arith.subi %select_n3A_82, %sub3A_83 : i32
    %while3A = arith.constant 0 : i32
    %while3A_85 = arith.constant 0 : i32
    %while3A_86 = arith.subi %sub3A_84, %while3A_85 : i32
    %while3A_87 = arith.addi %while3A_85, %while3A_86 : i32
    %while3A_88 = arith.constant 1 : i32
    %while3A_89 = arith.divsi %while3A_86, %while3A_88 : i32
    %while3A_90 = arith.muli %while3A_89, %while3A_88 : i32
    %while3A_91 = arith.addi %while3A_85, %while3A_90 : i32
    %while3A_92 = arith.constant 1 : i32
    scf.for %while3A_184 = %while3A_85 to %while3A_91 step %while3A_92  : i32 {
      %mul3A_185 = arith.constant 4 : i32
      %mul3A_186 = arith.muli %mul3A_185, %while3A_184 : i32
      %dma_wait3A_187 = arith.constant 0 : i32
      %dma_wait3A_188 = arith.constant 0 : i32
      %dma_wait3A_189 = tpu.memref_slice %arg7[%dma_wait3A_187, %dma_wait3A_188] : memref<80x128xi32, #tpu.memory_space<vmem>> -> memref<1x128xi32, #tpu.memory_space<vmem>>
      %dma_wait3A_190 = tpu.memref_squeeze %dma_wait3A_189 : memref<1x128xi32, #tpu.memory_space<vmem>> -> memref<128xi32, #tpu.memory_space<vmem>>
      %dma_wait3A_191 = arith.constant 0 : i32
      %dma_wait3A_192 = arith.constant 0 : i32
      %dma_wait3A_193 = tpu.memref_slice %arg2[%dma_wait3A_191, %dma_wait3A_192] : memref<10240x64xf32, #tpu.memory_space<hbm>> -> memref<10240x64xf32, #tpu.memory_space<hbm>>
      tpu.wait_indirect_dma semaphore(%arg14 : memref<!tpu.dma_semaphore, #tpu.memory_space<semaphore_mem>>) src(%dma_wait3A_193 : memref<10240x64xf32, #tpu.memory_space<hbm>>) dst(%arg9 : memref<128x64xf32, #tpu.memory_space<vmem>>)
      %add3A_194 = arith.constant 0 : i32
      %add3A_195 = arith.addi %mul3A_186, %add3A_194 : i32
      %dma_start3A_196 = arith.constant 0 : i32
      %dma_start3A_197 = tpu.memref_slice %arg8[%add3A_195, %dma_start3A_196] : memref<80x128xi32, #tpu.memory_space<vmem>> -> memref<1x128xi32, #tpu.memory_space<vmem>>
      %dma_start3A_198 = tpu.memref_squeeze %dma_start3A_197 : memref<1x128xi32, #tpu.memory_space<vmem>> -> memref<128xi32, #tpu.memory_space<vmem>>
      %dma_start3A_199 = arith.constant 0 : i32
      %dma_start3A_200 = arith.constant 0 : i32
      %dma_start3A_201 = tpu.memref_slice %arg13[%dma_start3A_199, %dma_start3A_200] : memref<10240x64xf32, #tpu.memory_space<vmem_shared>> -> memref<10240x64xf32, #tpu.memory_space<vmem_shared>>
      tpu.enqueue_indirect_dma source(%arg9 : memref<128x64xf32, #tpu.memory_space<vmem>>) target(%dma_start3A_201 : memref<10240x64xf32, #tpu.memory_space<vmem_shared>>) offsets(%dma_start3A_198 : memref<128xi32, #tpu.memory_space<vmem>>) semaphore(%arg18 : memref<!tpu.dma_semaphore, #tpu.memory_space<semaphore_mem>>) {add = true}
      %dma_wait3A_202 = arith.constant 0 : i32
      %dma_wait3A_203 = arith.constant 0 : i32
      %dma_wait3A_204 = tpu.memref_slice %arg7[%dma_wait3A_202, %dma_wait3A_203] : memref<80x128xi32, #tpu.memory_space<vmem>> -> memref<1x128xi32, #tpu.memory_space<vmem>>
      %dma_wait3A_205 = tpu.memref_squeeze %dma_wait3A_204 : memref<1x128xi32, #tpu.memory_space<vmem>> -> memref<128xi32, #tpu.memory_space<vmem>>
      %dma_wait3A_206 = arith.constant 0 : i32
      %dma_wait3A_207 = arith.constant 0 : i32
      %dma_wait3A_208 = tpu.memref_slice %arg2[%dma_wait3A_206, %dma_wait3A_207] : memref<10240x64xf32, #tpu.memory_space<hbm>> -> memref<10240x64xf32, #tpu.memory_space<hbm>>
      tpu.wait_indirect_dma semaphore(%arg15 : memref<!tpu.dma_semaphore, #tpu.memory_space<semaphore_mem>>) src(%dma_wait3A_208 : memref<10240x64xf32, #tpu.memory_space<hbm>>) dst(%arg10 : memref<128x64xf32, #tpu.memory_space<vmem>>)
      %add3A_209 = arith.constant 1 : i32
      %add3A_210 = arith.addi %mul3A_186, %add3A_209 : i32
      %dma_start3A_211 = arith.constant 0 : i32
      %dma_start3A_212 = tpu.memref_slice %arg8[%add3A_210, %dma_start3A_211] : memref<80x128xi32, #tpu.memory_space<vmem>> -> memref<1x128xi32, #tpu.memory_space<vmem>>
      %dma_start3A_213 = tpu.memref_squeeze %dma_start3A_212 : memref<1x128xi32, #tpu.memory_space<vmem>> -> memref<128xi32, #tpu.memory_space<vmem>>
      %dma_start3A_214 = arith.constant 0 : i32
      %dma_start3A_215 = arith.constant 0 : i32
      %dma_start3A_216 = tpu.memref_slice %arg13[%dma_start3A_214, %dma_start3A_215] : memref<10240x64xf32, #tpu.memory_space<vmem_shared>> -> memref<10240x64xf32, #tpu.memory_space<vmem_shared>>
      tpu.enqueue_indirect_dma source(%arg10 : memref<128x64xf32, #tpu.memory_space<vmem>>) target(%dma_start3A_216 : memref<10240x64xf32, #tpu.memory_space<vmem_shared>>) offsets(%dma_start3A_213 : memref<128xi32, #tpu.memory_space<vmem>>) semaphore(%arg19 : memref<!tpu.dma_semaphore, #tpu.memory_space<semaphore_mem>>) {add = true}
      %dma_wait3A_217 = arith.constant 0 : i32
      %dma_wait3A_218 = arith.constant 0 : i32
      %dma_wait3A_219 = tpu.memref_slice %arg7[%dma_wait3A_217, %dma_wait3A_218] : memref<80x128xi32, #tpu.memory_space<vmem>> -> memref<1x128xi32, #tpu.memory_space<vmem>>
      %dma_wait3A_220 = tpu.memref_squeeze %dma_wait3A_219 : memref<1x128xi32, #tpu.memory_space<vmem>> -> memref<128xi32, #tpu.memory_space<vmem>>
      %dma_wait3A_221 = arith.constant 0 : i32
      %dma_wait3A_222 = arith.constant 0 : i32
      %dma_wait3A_223 = tpu.memref_slice %arg2[%dma_wait3A_221, %dma_wait3A_222] : memref<10240x64xf32, #tpu.memory_space<hbm>> -> memref<10240x64xf32, #tpu.memory_space<hbm>>
      tpu.wait_indirect_dma semaphore(%arg16 : memref<!tpu.dma_semaphore, #tpu.memory_space<semaphore_mem>>) src(%dma_wait3A_223 : memref<10240x64xf32, #tpu.memory_space<hbm>>) dst(%arg11 : memref<128x64xf32, #tpu.memory_space<vmem>>)
      %add3A_224 = arith.constant 2 : i32
      %add3A_225 = arith.addi %mul3A_186, %add3A_224 : i32
      %dma_start3A_226 = arith.constant 0 : i32
      %dma_start3A_227 = tpu.memref_slice %arg8[%add3A_225, %dma_start3A_226] : memref<80x128xi32, #tpu.memory_space<vmem>> -> memref<1x128xi32, #tpu.memory_space<vmem>>
      %dma_start3A_228 = tpu.memref_squeeze %dma_start3A_227 : memref<1x128xi32, #tpu.memory_space<vmem>> -> memref<128xi32, #tpu.memory_space<vmem>>
      %dma_start3A_229 = arith.constant 0 : i32
      %dma_start3A_230 = arith.constant 0 : i32
      %dma_start3A_231 = tpu.memref_slice %arg13[%dma_start3A_229, %dma_start3A_230] : memref<10240x64xf32, #tpu.memory_space<vmem_shared>> -> memref<10240x64xf32, #tpu.memory_space<vmem_shared>>
      tpu.enqueue_indirect_dma source(%arg11 : memref<128x64xf32, #tpu.memory_space<vmem>>) target(%dma_start3A_231 : memref<10240x64xf32, #tpu.memory_space<vmem_shared>>) offsets(%dma_start3A_228 : memref<128xi32, #tpu.memory_space<vmem>>) semaphore(%arg20 : memref<!tpu.dma_semaphore, #tpu.memory_space<semaphore_mem>>) {add = true}
      %dma_wait3A_232 = arith.constant 0 : i32
      %dma_wait3A_233 = arith.constant 0 : i32
      %dma_wait3A_234 = tpu.memref_slice %arg7[%dma_wait3A_232, %dma_wait3A_233] : memref<80x128xi32, #tpu.memory_space<vmem>> -> memref<1x128xi32, #tpu.memory_space<vmem>>
      %dma_wait3A_235 = tpu.memref_squeeze %dma_wait3A_234 : memref<1x128xi32, #tpu.memory_space<vmem>> -> memref<128xi32, #tpu.memory_space<vmem>>
      %dma_wait3A_236 = arith.constant 0 : i32
      %dma_wait3A_237 = arith.constant 0 : i32
      %dma_wait3A_238 = tpu.memref_slice %arg2[%dma_wait3A_236, %dma_wait3A_237] : memref<10240x64xf32, #tpu.memory_space<hbm>> -> memref<10240x64xf32, #tpu.memory_space<hbm>>
      tpu.wait_indirect_dma semaphore(%arg17 : memref<!tpu.dma_semaphore, #tpu.memory_space<semaphore_mem>>) src(%dma_wait3A_238 : memref<10240x64xf32, #tpu.memory_space<hbm>>) dst(%arg12 : memref<128x64xf32, #tpu.memory_space<vmem>>)
      %add3A_239 = arith.constant 3 : i32
      %add3A_240 = arith.addi %mul3A_186, %add3A_239 : i32
      %dma_start3A_241 = arith.constant 0 : i32
      %dma_start3A_242 = tpu.memref_slice %arg8[%add3A_240, %dma_start3A_241] : memref<80x128xi32, #tpu.memory_space<vmem>> -> memref<1x128xi32, #tpu.memory_space<vmem>>
      %dma_start3A_243 = tpu.memref_squeeze %dma_start3A_242 : memref<1x128xi32, #tpu.memory_space<vmem>> -> memref<128xi32, #tpu.memory_space<vmem>>
      %dma_start3A_244 = arith.constant 0 : i32
      %dma_start3A_245 = arith.constant 0 : i32
      %dma_start3A_246 = tpu.memref_slice %arg13[%dma_start3A_244, %dma_start3A_245] : memref<10240x64xf32, #tpu.memory_space<vmem_shared>> -> memref<10240x64xf32, #tpu.memory_space<vmem_shared>>
      tpu.enqueue_indirect_dma source(%arg12 : memref<128x64xf32, #tpu.memory_space<vmem>>) target(%dma_start3A_246 : memref<10240x64xf32, #tpu.memory_space<vmem_shared>>) offsets(%dma_start3A_243 : memref<128xi32, #tpu.memory_space<vmem>>) semaphore(%arg21 : memref<!tpu.dma_semaphore, #tpu.memory_space<semaphore_mem>>) {add = true}
      %dma_wait3A_247 = arith.constant 0 : i32
      %dma_wait3A_248 = arith.constant 0 : i32
      %dma_wait3A_249 = tpu.memref_slice %arg8[%dma_wait3A_247, %dma_wait3A_248] : memref<80x128xi32, #tpu.memory_space<vmem>> -> memref<1x128xi32, #tpu.memory_space<vmem>>
      %dma_wait3A_250 = tpu.memref_squeeze %dma_wait3A_249 : memref<1x128xi32, #tpu.memory_space<vmem>> -> memref<128xi32, #tpu.memory_space<vmem>>
      %dma_wait3A_251 = arith.constant 0 : i32
      %dma_wait3A_252 = arith.constant 0 : i32
      %dma_wait3A_253 = tpu.memref_slice %arg13[%dma_wait3A_251, %dma_wait3A_252] : memref<10240x64xf32, #tpu.memory_space<vmem_shared>> -> memref<10240x64xf32, #tpu.memory_space<vmem_shared>>
      tpu.wait_indirect_dma semaphore(%arg18 : memref<!tpu.dma_semaphore, #tpu.memory_space<semaphore_mem>>) src(%arg9 : memref<128x64xf32, #tpu.memory_space<vmem>>) dst(%dma_wait3A_253 : memref<10240x64xf32, #tpu.memory_space<vmem_shared>>)
      %add3A_254 = arith.constant 4 : i32
      %add3A_255 = arith.addi %mul3A_186, %add3A_254 : i32
      %add3A_256 = arith.constant 0 : i32
      %add3A_257 = arith.addi %add3A_255, %add3A_256 : i32
      %dma_start3A_258 = arith.constant 0 : i32
      %dma_start3A_259 = tpu.memref_slice %arg7[%add3A_257, %dma_start3A_258] : memref<80x128xi32, #tpu.memory_space<vmem>> -> memref<1x128xi32, #tpu.memory_space<vmem>>
      %dma_start3A_260 = tpu.memref_squeeze %dma_start3A_259 : memref<1x128xi32, #tpu.memory_space<vmem>> -> memref<128xi32, #tpu.memory_space<vmem>>
      %dma_start3A_261 = arith.constant 0 : i32
      %dma_start3A_262 = arith.constant 0 : i32
      %dma_start3A_263 = tpu.memref_slice %arg2[%dma_start3A_261, %dma_start3A_262] : memref<10240x64xf32, #tpu.memory_space<hbm>> -> memref<10240x64xf32, #tpu.memory_space<hbm>>
      tpu.enqueue_indirect_dma source(%dma_start3A_263 : memref<10240x64xf32, #tpu.memory_space<hbm>>) target(%arg9 : memref<128x64xf32, #tpu.memory_space<vmem>>) offsets(%dma_start3A_260 : memref<128xi32, #tpu.memory_space<vmem>>) semaphore(%arg14 : memref<!tpu.dma_semaphore, #tpu.memory_space<semaphore_mem>>)
      %dma_wait3A_264 = arith.constant 0 : i32
      %dma_wait3A_265 = arith.constant 0 : i32
      %dma_wait3A_266 = tpu.memref_slice %arg8[%dma_wait3A_264, %dma_wait3A_265] : memref<80x128xi32, #tpu.memory_space<vmem>> -> memref<1x128xi32, #tpu.memory_space<vmem>>
      %dma_wait3A_267 = tpu.memref_squeeze %dma_wait3A_266 : memref<1x128xi32, #tpu.memory_space<vmem>> -> memref<128xi32, #tpu.memory_space<vmem>>
      %dma_wait3A_268 = arith.constant 0 : i32
      %dma_wait3A_269 = arith.constant 0 : i32
      %dma_wait3A_270 = tpu.memref_slice %arg13[%dma_wait3A_268, %dma_wait3A_269] : memref<10240x64xf32, #tpu.memory_space<vmem_shared>> -> memref<10240x64xf32, #tpu.memory_space<vmem_shared>>
      tpu.wait_indirect_dma semaphore(%arg19 : memref<!tpu.dma_semaphore, #tpu.memory_space<semaphore_mem>>) src(%arg10 : memref<128x64xf32, #tpu.memory_space<vmem>>) dst(%dma_wait3A_270 : memref<10240x64xf32, #tpu.memory_space<vmem_shared>>)
      %add3A_271 = arith.constant 4 : i32
      %add3A_272 = arith.addi %mul3A_186, %add3A_271 : i32
      %add3A_273 = arith.constant 1 : i32
      %add3A_274 = arith.addi %add3A_272, %add3A_273 : i32
      %dma_start3A_275 = arith.constant 0 : i32
      %dma_start3A_276 = tpu.memref_slice %arg7[%add3A_274, %dma_start3A_275] : memref<80x128xi32, #tpu.memory_space<vmem>> -> memref<1x128xi32, #tpu.memory_space<vmem>>
      %dma_start3A_277 = tpu.memref_squeeze %dma_start3A_276 : memref<1x128xi32, #tpu.memory_space<vmem>> -> memref<128xi32, #tpu.memory_space<vmem>>
      %dma_start3A_278 = arith.constant 0 : i32
      %dma_start3A_279 = arith.constant 0 : i32
      %dma_start3A_280 = tpu.memref_slice %arg2[%dma_start3A_278, %dma_start3A_279] : memref<10240x64xf32, #tpu.memory_space<hbm>> -> memref<10240x64xf32, #tpu.memory_space<hbm>>
      tpu.enqueue_indirect_dma source(%dma_start3A_280 : memref<10240x64xf32, #tpu.memory_space<hbm>>) target(%arg10 : memref<128x64xf32, #tpu.memory_space<vmem>>) offsets(%dma_start3A_277 : memref<128xi32, #tpu.memory_space<vmem>>) semaphore(%arg15 : memref<!tpu.dma_semaphore, #tpu.memory_space<semaphore_mem>>)
      %dma_wait3A_281 = arith.constant 0 : i32
      %dma_wait3A_282 = arith.constant 0 : i32
      %dma_wait3A_283 = tpu.memref_slice %arg8[%dma_wait3A_281, %dma_wait3A_282] : memref<80x128xi32, #tpu.memory_space<vmem>> -> memref<1x128xi32, #tpu.memory_space<vmem>>
      %dma_wait3A_284 = tpu.memref_squeeze %dma_wait3A_283 : memref<1x128xi32, #tpu.memory_space<vmem>> -> memref<128xi32, #tpu.memory_space<vmem>>
      %dma_wait3A_285 = arith.constant 0 : i32
      %dma_wait3A_286 = arith.constant 0 : i32
      %dma_wait3A_287 = tpu.memref_slice %arg13[%dma_wait3A_285, %dma_wait3A_286] : memref<10240x64xf32, #tpu.memory_space<vmem_shared>> -> memref<10240x64xf32, #tpu.memory_space<vmem_shared>>
      tpu.wait_indirect_dma semaphore(%arg20 : memref<!tpu.dma_semaphore, #tpu.memory_space<semaphore_mem>>) src(%arg11 : memref<128x64xf32, #tpu.memory_space<vmem>>) dst(%dma_wait3A_287 : memref<10240x64xf32, #tpu.memory_space<vmem_shared>>)
      %add3A_288 = arith.constant 4 : i32
      %add3A_289 = arith.addi %mul3A_186, %add3A_288 : i32
      %add3A_290 = arith.constant 2 : i32
      %add3A_291 = arith.addi %add3A_289, %add3A_290 : i32
      %dma_start3A_292 = arith.constant 0 : i32
      %dma_start3A_293 = tpu.memref_slice %arg7[%add3A_291, %dma_start3A_292] : memref<80x128xi32, #tpu.memory_space<vmem>> -> memref<1x128xi32, #tpu.memory_space<vmem>>
      %dma_start3A_294 = tpu.memref_squeeze %dma_start3A_293 : memref<1x128xi32, #tpu.memory_space<vmem>> -> memref<128xi32, #tpu.memory_space<vmem>>
      %dma_start3A_295 = arith.constant 0 : i32
      %dma_start3A_296 = arith.constant 0 : i32
      %dma_start3A_297 = tpu.memref_slice %arg2[%dma_start3A_295, %dma_start3A_296] : memref<10240x64xf32, #tpu.memory_space<hbm>> -> memref<10240x64xf32, #tpu.memory_space<hbm>>
      tpu.enqueue_indirect_dma source(%dma_start3A_297 : memref<10240x64xf32, #tpu.memory_space<hbm>>) target(%arg11 : memref<128x64xf32, #tpu.memory_space<vmem>>) offsets(%dma_start3A_294 : memref<128xi32, #tpu.memory_space<vmem>>) semaphore(%arg16 : memref<!tpu.dma_semaphore, #tpu.memory_space<semaphore_mem>>)
      %dma_wait3A_298 = arith.constant 0 : i32
      %dma_wait3A_299 = arith.constant 0 : i32
      %dma_wait3A_300 = tpu.memref_slice %arg8[%dma_wait3A_298, %dma_wait3A_299] : memref<80x128xi32, #tpu.memory_space<vmem>> -> memref<1x128xi32, #tpu.memory_space<vmem>>
      %dma_wait3A_301 = tpu.memref_squeeze %dma_wait3A_300 : memref<1x128xi32, #tpu.memory_space<vmem>> -> memref<128xi32, #tpu.memory_space<vmem>>
      %dma_wait3A_302 = arith.constant 0 : i32
      %dma_wait3A_303 = arith.constant 0 : i32
      %dma_wait3A_304 = tpu.memref_slice %arg13[%dma_wait3A_302, %dma_wait3A_303] : memref<10240x64xf32, #tpu.memory_space<vmem_shared>> -> memref<10240x64xf32, #tpu.memory_space<vmem_shared>>
      tpu.wait_indirect_dma semaphore(%arg21 : memref<!tpu.dma_semaphore, #tpu.memory_space<semaphore_mem>>) src(%arg12 : memref<128x64xf32, #tpu.memory_space<vmem>>) dst(%dma_wait3A_304 : memref<10240x64xf32, #tpu.memory_space<vmem_shared>>)
      %add3A_305 = arith.constant 4 : i32
      %add3A_306 = arith.addi %mul3A_186, %add3A_305 : i32
      %add3A_307 = arith.constant 3 : i32
      %add3A_308 = arith.addi %add3A_306, %add3A_307 : i32
      %dma_start3A_309 = arith.constant 0 : i32
      %dma_start3A_310 = tpu.memref_slice %arg7[%add3A_308, %dma_start3A_309] : memref<80x128xi32, #tpu.memory_space<vmem>> -> memref<1x128xi32, #tpu.memory_space<vmem>>
      %dma_start3A_311 = tpu.memref_squeeze %dma_start3A_310 : memref<1x128xi32, #tpu.memory_space<vmem>> -> memref<128xi32, #tpu.memory_space<vmem>>
      %dma_start3A_312 = arith.constant 0 : i32
      %dma_start3A_313 = arith.constant 0 : i32
      %dma_start3A_314 = tpu.memref_slice %arg2[%dma_start3A_312, %dma_start3A_313] : memref<10240x64xf32, #tpu.memory_space<hbm>> -> memref<10240x64xf32, #tpu.memory_space<hbm>>
      tpu.enqueue_indirect_dma source(%dma_start3A_314 : memref<10240x64xf32, #tpu.memory_space<hbm>>) target(%arg12 : memref<128x64xf32, #tpu.memory_space<vmem>>) offsets(%dma_start3A_311 : memref<128xi32, #tpu.memory_space<vmem>>) semaphore(%arg17 : memref<!tpu.dma_semaphore, #tpu.memory_space<semaphore_mem>>)
    }
    %while3A_93 = arith.constant 1 : i32
    scf.for %while3A_184 = %while3A_91 to %while3A_87 step %while3A_93  : i32 {
      %mul3A_185 = arith.constant 4 : i32
      %mul3A_186 = arith.muli %mul3A_185, %while3A_184 : i32
      %dma_wait3A_187 = arith.constant 0 : i32
      %dma_wait3A_188 = arith.constant 0 : i32
      %dma_wait3A_189 = tpu.memref_slice %arg7[%dma_wait3A_187, %dma_wait3A_188] : memref<80x128xi32, #tpu.memory_space<vmem>> -> memref<1x128xi32, #tpu.memory_space<vmem>>
      %dma_wait3A_190 = tpu.memref_squeeze %dma_wait3A_189 : memref<1x128xi32, #tpu.memory_space<vmem>> -> memref<128xi32, #tpu.memory_space<vmem>>
      %dma_wait3A_191 = arith.constant 0 : i32
      %dma_wait3A_192 = arith.constant 0 : i32
      %dma_wait3A_193 = tpu.memref_slice %arg2[%dma_wait3A_191, %dma_wait3A_192] : memref<10240x64xf32, #tpu.memory_space<hbm>> -> memref<10240x64xf32, #tpu.memory_space<hbm>>
      tpu.wait_indirect_dma semaphore(%arg14 : memref<!tpu.dma_semaphore, #tpu.memory_space<semaphore_mem>>) src(%dma_wait3A_193 : memref<10240x64xf32, #tpu.memory_space<hbm>>) dst(%arg9 : memref<128x64xf32, #tpu.memory_space<vmem>>)
      %add3A_194 = arith.constant 0 : i32
      %add3A_195 = arith.addi %mul3A_186, %add3A_194 : i32
      %dma_start3A_196 = arith.constant 0 : i32
      %dma_start3A_197 = tpu.memref_slice %arg8[%add3A_195, %dma_start3A_196] : memref<80x128xi32, #tpu.memory_space<vmem>> -> memref<1x128xi32, #tpu.memory_space<vmem>>
      %dma_start3A_198 = tpu.memref_squeeze %dma_start3A_197 : memref<1x128xi32, #tpu.memory_space<vmem>> -> memref<128xi32, #tpu.memory_space<vmem>>
      %dma_start3A_199 = arith.constant 0 : i32
      %dma_start3A_200 = arith.constant 0 : i32
      %dma_start3A_201 = tpu.memref_slice %arg13[%dma_start3A_199, %dma_start3A_200] : memref<10240x64xf32, #tpu.memory_space<vmem_shared>> -> memref<10240x64xf32, #tpu.memory_space<vmem_shared>>
      tpu.enqueue_indirect_dma source(%arg9 : memref<128x64xf32, #tpu.memory_space<vmem>>) target(%dma_start3A_201 : memref<10240x64xf32, #tpu.memory_space<vmem_shared>>) offsets(%dma_start3A_198 : memref<128xi32, #tpu.memory_space<vmem>>) semaphore(%arg18 : memref<!tpu.dma_semaphore, #tpu.memory_space<semaphore_mem>>) {add = true}
      %dma_wait3A_202 = arith.constant 0 : i32
      %dma_wait3A_203 = arith.constant 0 : i32
      %dma_wait3A_204 = tpu.memref_slice %arg7[%dma_wait3A_202, %dma_wait3A_203] : memref<80x128xi32, #tpu.memory_space<vmem>> -> memref<1x128xi32, #tpu.memory_space<vmem>>
      %dma_wait3A_205 = tpu.memref_squeeze %dma_wait3A_204 : memref<1x128xi32, #tpu.memory_space<vmem>> -> memref<128xi32, #tpu.memory_space<vmem>>
      %dma_wait3A_206 = arith.constant 0 : i32
      %dma_wait3A_207 = arith.constant 0 : i32
      %dma_wait3A_208 = tpu.memref_slice %arg2[%dma_wait3A_206, %dma_wait3A_207] : memref<10240x64xf32, #tpu.memory_space<hbm>> -> memref<10240x64xf32, #tpu.memory_space<hbm>>
      tpu.wait_indirect_dma semaphore(%arg15 : memref<!tpu.dma_semaphore, #tpu.memory_space<semaphore_mem>>) src(%dma_wait3A_208 : memref<10240x64xf32, #tpu.memory_space<hbm>>) dst(%arg10 : memref<128x64xf32, #tpu.memory_space<vmem>>)
      %add3A_209 = arith.constant 1 : i32
      %add3A_210 = arith.addi %mul3A_186, %add3A_209 : i32
      %dma_start3A_211 = arith.constant 0 : i32
      %dma_start3A_212 = tpu.memref_slice %arg8[%add3A_210, %dma_start3A_211] : memref<80x128xi32, #tpu.memory_space<vmem>> -> memref<1x128xi32, #tpu.memory_space<vmem>>
      %dma_start3A_213 = tpu.memref_squeeze %dma_start3A_212 : memref<1x128xi32, #tpu.memory_space<vmem>> -> memref<128xi32, #tpu.memory_space<vmem>>
      %dma_start3A_214 = arith.constant 0 : i32
      %dma_start3A_215 = arith.constant 0 : i32
      %dma_start3A_216 = tpu.memref_slice %arg13[%dma_start3A_214, %dma_start3A_215] : memref<10240x64xf32, #tpu.memory_space<vmem_shared>> -> memref<10240x64xf32, #tpu.memory_space<vmem_shared>>
      tpu.enqueue_indirect_dma source(%arg10 : memref<128x64xf32, #tpu.memory_space<vmem>>) target(%dma_start3A_216 : memref<10240x64xf32, #tpu.memory_space<vmem_shared>>) offsets(%dma_start3A_213 : memref<128xi32, #tpu.memory_space<vmem>>) semaphore(%arg19 : memref<!tpu.dma_semaphore, #tpu.memory_space<semaphore_mem>>) {add = true}
      %dma_wait3A_217 = arith.constant 0 : i32
      %dma_wait3A_218 = arith.constant 0 : i32
      %dma_wait3A_219 = tpu.memref_slice %arg7[%dma_wait3A_217, %dma_wait3A_218] : memref<80x128xi32, #tpu.memory_space<vmem>> -> memref<1x128xi32, #tpu.memory_space<vmem>>
      %dma_wait3A_220 = tpu.memref_squeeze %dma_wait3A_219 : memref<1x128xi32, #tpu.memory_space<vmem>> -> memref<128xi32, #tpu.memory_space<vmem>>
      %dma_wait3A_221 = arith.constant 0 : i32
      %dma_wait3A_222 = arith.constant 0 : i32
      %dma_wait3A_223 = tpu.memref_slice %arg2[%dma_wait3A_221, %dma_wait3A_222] : memref<10240x64xf32, #tpu.memory_space<hbm>> -> memref<10240x64xf32, #tpu.memory_space<hbm>>
      tpu.wait_indirect_dma semaphore(%arg16 : memref<!tpu.dma_semaphore, #tpu.memory_space<semaphore_mem>>) src(%dma_wait3A_223 : memref<10240x64xf32, #tpu.memory_space<hbm>>) dst(%arg11 : memref<128x64xf32, #tpu.memory_space<vmem>>)
      %add3A_224 = arith.constant 2 : i32
      %add3A_225 = arith.addi %mul3A_186, %add3A_224 : i32
      %dma_start3A_226 = arith.constant 0 : i32
      %dma_start3A_227 = tpu.memref_slice %arg8[%add3A_225, %dma_start3A_226] : memref<80x128xi32, #tpu.memory_space<vmem>> -> memref<1x128xi32, #tpu.memory_space<vmem>>
      %dma_start3A_228 = tpu.memref_squeeze %dma_start3A_227 : memref<1x128xi32, #tpu.memory_space<vmem>> -> memref<128xi32, #tpu.memory_space<vmem>>
      %dma_start3A_229 = arith.constant 0 : i32
      %dma_start3A_230 = arith.constant 0 : i32
      %dma_start3A_231 = tpu.memref_slice %arg13[%dma_start3A_229, %dma_start3A_230] : memref<10240x64xf32, #tpu.memory_space<vmem_shared>> -> memref<10240x64xf32, #tpu.memory_space<vmem_shared>>
      tpu.enqueue_indirect_dma source(%arg11 : memref<128x64xf32, #tpu.memory_space<vmem>>) target(%dma_start3A_231 : memref<10240x64xf32, #tpu.memory_space<vmem_shared>>) offsets(%dma_start3A_228 : memref<128xi32, #tpu.memory_space<vmem>>) semaphore(%arg20 : memref<!tpu.dma_semaphore, #tpu.memory_space<semaphore_mem>>) {add = true}
      %dma_wait3A_232 = arith.constant 0 : i32
      %dma_wait3A_233 = arith.constant 0 : i32
      %dma_wait3A_234 = tpu.memref_slice %arg7[%dma_wait3A_232, %dma_wait3A_233] : memref<80x128xi32, #tpu.memory_space<vmem>> -> memref<1x128xi32, #tpu.memory_space<vmem>>
      %dma_wait3A_235 = tpu.memref_squeeze %dma_wait3A_234 : memref<1x128xi32, #tpu.memory_space<vmem>> -> memref<128xi32, #tpu.memory_space<vmem>>
      %dma_wait3A_236 = arith.constant 0 : i32
      %dma_wait3A_237 = arith.constant 0 : i32
      %dma_wait3A_238 = tpu.memref_slice %arg2[%dma_wait3A_236, %dma_wait3A_237] : memref<10240x64xf32, #tpu.memory_space<hbm>> -> memref<10240x64xf32, #tpu.memory_space<hbm>>
      tpu.wait_indirect_dma semaphore(%arg17 : memref<!tpu.dma_semaphore, #tpu.memory_space<semaphore_mem>>) src(%dma_wait3A_238 : memref<10240x64xf32, #tpu.memory_space<hbm>>) dst(%arg12 : memref<128x64xf32, #tpu.memory_space<vmem>>)
      %add3A_239 = arith.constant 3 : i32
      %add3A_240 = arith.addi %mul3A_186, %add3A_239 : i32
      %dma_start3A_241 = arith.constant 0 : i32
      %dma_start3A_242 = tpu.memref_slice %arg8[%add3A_240, %dma_start3A_241] : memref<80x128xi32, #tpu.memory_space<vmem>> -> memref<1x128xi32, #tpu.memory_space<vmem>>
      %dma_start3A_243 = tpu.memref_squeeze %dma_start3A_242 : memref<1x128xi32, #tpu.memory_space<vmem>> -> memref<128xi32, #tpu.memory_space<vmem>>
      %dma_start3A_244 = arith.constant 0 : i32
      %dma_start3A_245 = arith.constant 0 : i32
      %dma_start3A_246 = tpu.memref_slice %arg13[%dma_start3A_244, %dma_start3A_245] : memref<10240x64xf32, #tpu.memory_space<vmem_shared>> -> memref<10240x64xf32, #tpu.memory_space<vmem_shared>>
      tpu.enqueue_indirect_dma source(%arg12 : memref<128x64xf32, #tpu.memory_space<vmem>>) target(%dma_start3A_246 : memref<10240x64xf32, #tpu.memory_space<vmem_shared>>) offsets(%dma_start3A_243 : memref<128xi32, #tpu.memory_space<vmem>>) semaphore(%arg21 : memref<!tpu.dma_semaphore, #tpu.memory_space<semaphore_mem>>) {add = true}
      %dma_wait3A_247 = arith.constant 0 : i32
      %dma_wait3A_248 = arith.constant 0 : i32
      %dma_wait3A_249 = tpu.memref_slice %arg8[%dma_wait3A_247, %dma_wait3A_248] : memref<80x128xi32, #tpu.memory_space<vmem>> -> memref<1x128xi32, #tpu.memory_space<vmem>>
      %dma_wait3A_250 = tpu.memref_squeeze %dma_wait3A_249 : memref<1x128xi32, #tpu.memory_space<vmem>> -> memref<128xi32, #tpu.memory_space<vmem>>
      %dma_wait3A_251 = arith.constant 0 : i32
      %dma_wait3A_252 = arith.constant 0 : i32
      %dma_wait3A_253 = tpu.memref_slice %arg13[%dma_wait3A_251, %dma_wait3A_252] : memref<10240x64xf32, #tpu.memory_space<vmem_shared>> -> memref<10240x64xf32, #tpu.memory_space<vmem_shared>>
      tpu.wait_indirect_dma semaphore(%arg18 : memref<!tpu.dma_semaphore, #tpu.memory_space<semaphore_mem>>) src(%arg9 : memref<128x64xf32, #tpu.memory_space<vmem>>) dst(%dma_wait3A_253 : memref<10240x64xf32, #tpu.memory_space<vmem_shared>>)
      %add3A_254 = arith.constant 4 : i32
      %add3A_255 = arith.addi %mul3A_186, %add3A_254 : i32
      %add3A_256 = arith.constant 0 : i32
      %add3A_257 = arith.addi %add3A_255, %add3A_256 : i32
      %dma_start3A_258 = arith.constant 0 : i32
      %dma_start3A_259 = tpu.memref_slice %arg7[%add3A_257, %dma_start3A_258] : memref<80x128xi32, #tpu.memory_space<vmem>> -> memref<1x128xi32, #tpu.memory_space<vmem>>
      %dma_start3A_260 = tpu.memref_squeeze %dma_start3A_259 : memref<1x128xi32, #tpu.memory_space<vmem>> -> memref<128xi32, #tpu.memory_space<vmem>>
      %dma_start3A_261 = arith.constant 0 : i32
      %dma_start3A_262 = arith.constant 0 : i32
      %dma_start3A_263 = tpu.memref_slice %arg2[%dma_start3A_261, %dma_start3A_262] : memref<10240x64xf32, #tpu.memory_space<hbm>> -> memref<10240x64xf32, #tpu.memory_space<hbm>>
      tpu.enqueue_indirect_dma source(%dma_start3A_263 : memref<10240x64xf32, #tpu.memory_space<hbm>>) target(%arg9 : memref<128x64xf32, #tpu.memory_space<vmem>>) offsets(%dma_start3A_260 : memref<128xi32, #tpu.memory_space<vmem>>) semaphore(%arg14 : memref<!tpu.dma_semaphore, #tpu.memory_space<semaphore_mem>>)
      %dma_wait3A_264 = arith.constant 0 : i32
      %dma_wait3A_265 = arith.constant 0 : i32
      %dma_wait3A_266 = tpu.memref_slice %arg8[%dma_wait3A_264, %dma_wait3A_265] : memref<80x128xi32, #tpu.memory_space<vmem>> -> memref<1x128xi32, #tpu.memory_space<vmem>>
      %dma_wait3A_267 = tpu.memref_squeeze %dma_wait3A_266 : memref<1x128xi32, #tpu.memory_space<vmem>> -> memref<128xi32, #tpu.memory_space<vmem>>
      %dma_wait3A_268 = arith.constant 0 : i32
      %dma_wait3A_269 = arith.constant 0 : i32
      %dma_wait3A_270 = tpu.memref_slice %arg13[%dma_wait3A_268, %dma_wait3A_269] : memref<10240x64xf32, #tpu.memory_space<vmem_shared>> -> memref<10240x64xf32, #tpu.memory_space<vmem_shared>>
      tpu.wait_indirect_dma semaphore(%arg19 : memref<!tpu.dma_semaphore, #tpu.memory_space<semaphore_mem>>) src(%arg10 : memref<128x64xf32, #tpu.memory_space<vmem>>) dst(%dma_wait3A_270 : memref<10240x64xf32, #tpu.memory_space<vmem_shared>>)
      %add3A_271 = arith.constant 4 : i32
      %add3A_272 = arith.addi %mul3A_186, %add3A_271 : i32
      %add3A_273 = arith.constant 1 : i32
      %add3A_274 = arith.addi %add3A_272, %add3A_273 : i32
      %dma_start3A_275 = arith.constant 0 : i32
      %dma_start3A_276 = tpu.memref_slice %arg7[%add3A_274, %dma_start3A_275] : memref<80x128xi32, #tpu.memory_space<vmem>> -> memref<1x128xi32, #tpu.memory_space<vmem>>
      %dma_start3A_277 = tpu.memref_squeeze %dma_start3A_276 : memref<1x128xi32, #tpu.memory_space<vmem>> -> memref<128xi32, #tpu.memory_space<vmem>>
      %dma_start3A_278 = arith.constant 0 : i32
      %dma_start3A_279 = arith.constant 0 : i32
      %dma_start3A_280 = tpu.memref_slice %arg2[%dma_start3A_278, %dma_start3A_279] : memref<10240x64xf32, #tpu.memory_space<hbm>> -> memref<10240x64xf32, #tpu.memory_space<hbm>>
      tpu.enqueue_indirect_dma source(%dma_start3A_280 : memref<10240x64xf32, #tpu.memory_space<hbm>>) target(%arg10 : memref<128x64xf32, #tpu.memory_space<vmem>>) offsets(%dma_start3A_277 : memref<128xi32, #tpu.memory_space<vmem>>) semaphore(%arg15 : memref<!tpu.dma_semaphore, #tpu.memory_space<semaphore_mem>>)
      %dma_wait3A_281 = arith.constant 0 : i32
      %dma_wait3A_282 = arith.constant 0 : i32
      %dma_wait3A_283 = tpu.memref_slice %arg8[%dma_wait3A_281, %dma_wait3A_282] : memref<80x128xi32, #tpu.memory_space<vmem>> -> memref<1x128xi32, #tpu.memory_space<vmem>>
      %dma_wait3A_284 = tpu.memref_squeeze %dma_wait3A_283 : memref<1x128xi32, #tpu.memory_space<vmem>> -> memref<128xi32, #tpu.memory_space<vmem>>
      %dma_wait3A_285 = arith.constant 0 : i32
      %dma_wait3A_286 = arith.constant 0 : i32
      %dma_wait3A_287 = tpu.memref_slice %arg13[%dma_wait3A_285, %dma_wait3A_286] : memref<10240x64xf32, #tpu.memory_space<vmem_shared>> -> memref<10240x64xf32, #tpu.memory_space<vmem_shared>>
      tpu.wait_indirect_dma semaphore(%arg20 : memref<!tpu.dma_semaphore, #tpu.memory_space<semaphore_mem>>) src(%arg11 : memref<128x64xf32, #tpu.memory_space<vmem>>) dst(%dma_wait3A_287 : memref<10240x64xf32, #tpu.memory_space<vmem_shared>>)
      %add3A_288 = arith.constant 4 : i32
      %add3A_289 = arith.addi %mul3A_186, %add3A_288 : i32
      %add3A_290 = arith.constant 2 : i32
      %add3A_291 = arith.addi %add3A_289, %add3A_290 : i32
      %dma_start3A_292 = arith.constant 0 : i32
      %dma_start3A_293 = tpu.memref_slice %arg7[%add3A_291, %dma_start3A_292] : memref<80x128xi32, #tpu.memory_space<vmem>> -> memref<1x128xi32, #tpu.memory_space<vmem>>
      %dma_start3A_294 = tpu.memref_squeeze %dma_start3A_293 : memref<1x128xi32, #tpu.memory_space<vmem>> -> memref<128xi32, #tpu.memory_space<vmem>>
      %dma_start3A_295 = arith.constant 0 : i32
      %dma_start3A_296 = arith.constant 0 : i32
      %dma_start3A_297 = tpu.memref_slice %arg2[%dma_start3A_295, %dma_start3A_296] : memref<10240x64xf32, #tpu.memory_space<hbm>> -> memref<10240x64xf32, #tpu.memory_space<hbm>>
      tpu.enqueue_indirect_dma source(%dma_start3A_297 : memref<10240x64xf32, #tpu.memory_space<hbm>>) target(%arg11 : memref<128x64xf32, #tpu.memory_space<vmem>>) offsets(%dma_start3A_294 : memref<128xi32, #tpu.memory_space<vmem>>) semaphore(%arg16 : memref<!tpu.dma_semaphore, #tpu.memory_space<semaphore_mem>>)
      %dma_wait3A_298 = arith.constant 0 : i32
      %dma_wait3A_299 = arith.constant 0 : i32
      %dma_wait3A_300 = tpu.memref_slice %arg8[%dma_wait3A_298, %dma_wait3A_299] : memref<80x128xi32, #tpu.memory_space<vmem>> -> memref<1x128xi32, #tpu.memory_space<vmem>>
      %dma_wait3A_301 = tpu.memref_squeeze %dma_wait3A_300 : memref<1x128xi32, #tpu.memory_space<vmem>> -> memref<128xi32, #tpu.memory_space<vmem>>
      %dma_wait3A_302 = arith.constant 0 : i32
      %dma_wait3A_303 = arith.constant 0 : i32
      %dma_wait3A_304 = tpu.memref_slice %arg13[%dma_wait3A_302, %dma_wait3A_303] : memref<10240x64xf32, #tpu.memory_space<vmem_shared>> -> memref<10240x64xf32, #tpu.memory_space<vmem_shared>>
      tpu.wait_indirect_dma semaphore(%arg21 : memref<!tpu.dma_semaphore, #tpu.memory_space<semaphore_mem>>) src(%arg12 : memref<128x64xf32, #tpu.memory_space<vmem>>) dst(%dma_wait3A_304 : memref<10240x64xf32, #tpu.memory_space<vmem_shared>>)
      %add3A_305 = arith.constant 4 : i32
      %add3A_306 = arith.addi %mul3A_186, %add3A_305 : i32
      %add3A_307 = arith.constant 3 : i32
      %add3A_308 = arith.addi %add3A_306, %add3A_307 : i32
      %dma_start3A_309 = arith.constant 0 : i32
      %dma_start3A_310 = tpu.memref_slice %arg7[%add3A_308, %dma_start3A_309] : memref<80x128xi32, #tpu.memory_space<vmem>> -> memref<1x128xi32, #tpu.memory_space<vmem>>
      %dma_start3A_311 = tpu.memref_squeeze %dma_start3A_310 : memref<1x128xi32, #tpu.memory_space<vmem>> -> memref<128xi32, #tpu.memory_space<vmem>>
      %dma_start3A_312 = arith.constant 0 : i32
      %dma_start3A_313 = arith.constant 0 : i32
      %dma_start3A_314 = tpu.memref_slice %arg2[%dma_start3A_312, %dma_start3A_313] : memref<10240x64xf32, #tpu.memory_space<hbm>> -> memref<10240x64xf32, #tpu.memory_space<hbm>>
      tpu.enqueue_indirect_dma source(%dma_start3A_314 : memref<10240x64xf32, #tpu.memory_space<hbm>>) target(%arg12 : memref<128x64xf32, #tpu.memory_space<vmem>>) offsets(%dma_start3A_311 : memref<128xi32, #tpu.memory_space<vmem>>) semaphore(%arg17 : memref<!tpu.dma_semaphore, #tpu.memory_space<semaphore_mem>>)
    }
    %sub3A_94 = arith.constant 4 : i32
    %sub3A_95 = arith.subi %select_n3A, %sub3A_94 : i32
    %dma_wait3A_96 = arith.constant 0 : i32
    %dma_wait3A_97 = arith.constant 0 : i32
    %dma_wait3A_98 = tpu.memref_slice %arg7[%dma_wait3A_96, %dma_wait3A_97] : memref<80x128xi32, #tpu.memory_space<vmem>> -> memref<1x128xi32, #tpu.memory_space<vmem>>
    %dma_wait3A_99 = tpu.memref_squeeze %dma_wait3A_98 : memref<1x128xi32, #tpu.memory_space<vmem>> -> memref<128xi32, #tpu.memory_space<vmem>>
    %dma_wait3A_100 = arith.constant 0 : i32
    %dma_wait3A_101 = arith.constant 0 : i32
    %dma_wait3A_102 = tpu.memref_slice %arg2[%dma_wait3A_100, %dma_wait3A_101] : memref<10240x64xf32, #tpu.memory_space<hbm>> -> memref<10240x64xf32, #tpu.memory_space<hbm>>
    tpu.wait_indirect_dma semaphore(%arg14 : memref<!tpu.dma_semaphore, #tpu.memory_space<semaphore_mem>>) src(%dma_wait3A_102 : memref<10240x64xf32, #tpu.memory_space<hbm>>) dst(%arg9 : memref<128x64xf32, #tpu.memory_space<vmem>>)
    %add3A = arith.constant 0 : i32
    %add3A_103 = arith.addi %sub3A_95, %add3A : i32
    %dma_start3A_104 = arith.constant 0 : i32
    %dma_start3A_105 = tpu.memref_slice %arg8[%add3A_103, %dma_start3A_104] : memref<80x128xi32, #tpu.memory_space<vmem>> -> memref<1x128xi32, #tpu.memory_space<vmem>>
    %dma_start3A_106 = tpu.memref_squeeze %dma_start3A_105 : memref<1x128xi32, #tpu.memory_space<vmem>> -> memref<128xi32, #tpu.memory_space<vmem>>
    %dma_start3A_107 = arith.constant 0 : i32
    %dma_start3A_108 = arith.constant 0 : i32
    %dma_start3A_109 = tpu.memref_slice %arg13[%dma_start3A_107, %dma_start3A_108] : memref<10240x64xf32, #tpu.memory_space<vmem_shared>> -> memref<10240x64xf32, #tpu.memory_space<vmem_shared>>
    tpu.enqueue_indirect_dma source(%arg9 : memref<128x64xf32, #tpu.memory_space<vmem>>) target(%dma_start3A_109 : memref<10240x64xf32, #tpu.memory_space<vmem_shared>>) offsets(%dma_start3A_106 : memref<128xi32, #tpu.memory_space<vmem>>) semaphore(%arg18 : memref<!tpu.dma_semaphore, #tpu.memory_space<semaphore_mem>>) {add = true}
    %dma_wait3A_110 = arith.constant 0 : i32
    %dma_wait3A_111 = arith.constant 0 : i32
    %dma_wait3A_112 = tpu.memref_slice %arg7[%dma_wait3A_110, %dma_wait3A_111] : memref<80x128xi32, #tpu.memory_space<vmem>> -> memref<1x128xi32, #tpu.memory_space<vmem>>
    %dma_wait3A_113 = tpu.memref_squeeze %dma_wait3A_112 : memref<1x128xi32, #tpu.memory_space<vmem>> -> memref<128xi32, #tpu.memory_space<vmem>>
    %dma_wait3A_114 = arith.constant 0 : i32
    %dma_wait3A_115 = arith.constant 0 : i32
    %dma_wait3A_116 = tpu.memref_slice %arg2[%dma_wait3A_114, %dma_wait3A_115] : memref<10240x64xf32, #tpu.memory_space<hbm>> -> memref<10240x64xf32, #tpu.memory_space<hbm>>
    tpu.wait_indirect_dma semaphore(%arg15 : memref<!tpu.dma_semaphore, #tpu.memory_space<semaphore_mem>>) src(%dma_wait3A_116 : memref<10240x64xf32, #tpu.memory_space<hbm>>) dst(%arg10 : memref<128x64xf32, #tpu.memory_space<vmem>>)
    %add3A_117 = arith.constant 1 : i32
    %add3A_118 = arith.addi %sub3A_95, %add3A_117 : i32
    %dma_start3A_119 = arith.constant 0 : i32
    %dma_start3A_120 = tpu.memref_slice %arg8[%add3A_118, %dma_start3A_119] : memref<80x128xi32, #tpu.memory_space<vmem>> -> memref<1x128xi32, #tpu.memory_space<vmem>>
    %dma_start3A_121 = tpu.memref_squeeze %dma_start3A_120 : memref<1x128xi32, #tpu.memory_space<vmem>> -> memref<128xi32, #tpu.memory_space<vmem>>
    %dma_start3A_122 = arith.constant 0 : i32
    %dma_start3A_123 = arith.constant 0 : i32
    %dma_start3A_124 = tpu.memref_slice %arg13[%dma_start3A_122, %dma_start3A_123] : memref<10240x64xf32, #tpu.memory_space<vmem_shared>> -> memref<10240x64xf32, #tpu.memory_space<vmem_shared>>
    tpu.enqueue_indirect_dma source(%arg10 : memref<128x64xf32, #tpu.memory_space<vmem>>) target(%dma_start3A_124 : memref<10240x64xf32, #tpu.memory_space<vmem_shared>>) offsets(%dma_start3A_121 : memref<128xi32, #tpu.memory_space<vmem>>) semaphore(%arg19 : memref<!tpu.dma_semaphore, #tpu.memory_space<semaphore_mem>>) {add = true}
    %dma_wait3A_125 = arith.constant 0 : i32
    %dma_wait3A_126 = arith.constant 0 : i32
    %dma_wait3A_127 = tpu.memref_slice %arg7[%dma_wait3A_125, %dma_wait3A_126] : memref<80x128xi32, #tpu.memory_space<vmem>> -> memref<1x128xi32, #tpu.memory_space<vmem>>
    %dma_wait3A_128 = tpu.memref_squeeze %dma_wait3A_127 : memref<1x128xi32, #tpu.memory_space<vmem>> -> memref<128xi32, #tpu.memory_space<vmem>>
    %dma_wait3A_129 = arith.constant 0 : i32
    %dma_wait3A_130 = arith.constant 0 : i32
    %dma_wait3A_131 = tpu.memref_slice %arg2[%dma_wait3A_129, %dma_wait3A_130] : memref<10240x64xf32, #tpu.memory_space<hbm>> -> memref<10240x64xf32, #tpu.memory_space<hbm>>
    tpu.wait_indirect_dma semaphore(%arg16 : memref<!tpu.dma_semaphore, #tpu.memory_space<semaphore_mem>>) src(%dma_wait3A_131 : memref<10240x64xf32, #tpu.memory_space<hbm>>) dst(%arg11 : memref<128x64xf32, #tpu.memory_space<vmem>>)
    %add3A_132 = arith.constant 2 : i32
    %add3A_133 = arith.addi %sub3A_95, %add3A_132 : i32
    %dma_start3A_134 = arith.constant 0 : i32
    %dma_start3A_135 = tpu.memref_slice %arg8[%add3A_133, %dma_start3A_134] : memref<80x128xi32, #tpu.memory_space<vmem>> -> memref<1x128xi32, #tpu.memory_space<vmem>>
    %dma_start3A_136 = tpu.memref_squeeze %dma_start3A_135 : memref<1x128xi32, #tpu.memory_space<vmem>> -> memref<128xi32, #tpu.memory_space<vmem>>
    %dma_start3A_137 = arith.constant 0 : i32
    %dma_start3A_138 = arith.constant 0 : i32
    %dma_start3A_139 = tpu.memref_slice %arg13[%dma_start3A_137, %dma_start3A_138] : memref<10240x64xf32, #tpu.memory_space<vmem_shared>> -> memref<10240x64xf32, #tpu.memory_space<vmem_shared>>
    tpu.enqueue_indirect_dma source(%arg11 : memref<128x64xf32, #tpu.memory_space<vmem>>) target(%dma_start3A_139 : memref<10240x64xf32, #tpu.memory_space<vmem_shared>>) offsets(%dma_start3A_136 : memref<128xi32, #tpu.memory_space<vmem>>) semaphore(%arg20 : memref<!tpu.dma_semaphore, #tpu.memory_space<semaphore_mem>>) {add = true}
    %dma_wait3A_140 = arith.constant 0 : i32
    %dma_wait3A_141 = arith.constant 0 : i32
    %dma_wait3A_142 = tpu.memref_slice %arg7[%dma_wait3A_140, %dma_wait3A_141] : memref<80x128xi32, #tpu.memory_space<vmem>> -> memref<1x128xi32, #tpu.memory_space<vmem>>
    %dma_wait3A_143 = tpu.memref_squeeze %dma_wait3A_142 : memref<1x128xi32, #tpu.memory_space<vmem>> -> memref<128xi32, #tpu.memory_space<vmem>>
    %dma_wait3A_144 = arith.constant 0 : i32
    %dma_wait3A_145 = arith.constant 0 : i32
    %dma_wait3A_146 = tpu.memref_slice %arg2[%dma_wait3A_144, %dma_wait3A_145] : memref<10240x64xf32, #tpu.memory_space<hbm>> -> memref<10240x64xf32, #tpu.memory_space<hbm>>
    tpu.wait_indirect_dma semaphore(%arg17 : memref<!tpu.dma_semaphore, #tpu.memory_space<semaphore_mem>>) src(%dma_wait3A_146 : memref<10240x64xf32, #tpu.memory_space<hbm>>) dst(%arg12 : memref<128x64xf32, #tpu.memory_space<vmem>>)
    %add3A_147 = arith.constant 3 : i32
    %add3A_148 = arith.addi %sub3A_95, %add3A_147 : i32
    %dma_start3A_149 = arith.constant 0 : i32
    %dma_start3A_150 = tpu.memref_slice %arg8[%add3A_148, %dma_start3A_149] : memref<80x128xi32, #tpu.memory_space<vmem>> -> memref<1x128xi32, #tpu.memory_space<vmem>>
    %dma_start3A_151 = tpu.memref_squeeze %dma_start3A_150 : memref<1x128xi32, #tpu.memory_space<vmem>> -> memref<128xi32, #tpu.memory_space<vmem>>
    %dma_start3A_152 = arith.constant 0 : i32
    %dma_start3A_153 = arith.constant 0 : i32
    %dma_start3A_154 = tpu.memref_slice %arg13[%dma_start3A_152, %dma_start3A_153] : memref<10240x64xf32, #tpu.memory_space<vmem_shared>> -> memref<10240x64xf32, #tpu.memory_space<vmem_shared>>
    tpu.enqueue_indirect_dma source(%arg12 : memref<128x64xf32, #tpu.memory_space<vmem>>) target(%dma_start3A_154 : memref<10240x64xf32, #tpu.memory_space<vmem_shared>>) offsets(%dma_start3A_151 : memref<128xi32, #tpu.memory_space<vmem>>) semaphore(%arg21 : memref<!tpu.dma_semaphore, #tpu.memory_space<semaphore_mem>>) {add = true}
    %dma_wait3A_155 = arith.constant 0 : i32
    %dma_wait3A_156 = arith.constant 0 : i32
    %dma_wait3A_157 = tpu.memref_slice %arg8[%dma_wait3A_155, %dma_wait3A_156] : memref<80x128xi32, #tpu.memory_space<vmem>> -> memref<1x128xi32, #tpu.memory_space<vmem>>
    %dma_wait3A_158 = tpu.memref_squeeze %dma_wait3A_157 : memref<1x128xi32, #tpu.memory_space<vmem>> -> memref<128xi32, #tpu.memory_space<vmem>>
    %dma_wait3A_159 = arith.constant 0 : i32
    %dma_wait3A_160 = arith.constant 0 : i32
    %dma_wait3A_161 = tpu.memref_slice %arg13[%dma_wait3A_159, %dma_wait3A_160] : memref<10240x64xf32, #tpu.memory_space<vmem_shared>> -> memref<10240x64xf32, #tpu.memory_space<vmem_shared>>
    tpu.wait_indirect_dma semaphore(%arg18 : memref<!tpu.dma_semaphore, #tpu.memory_space<semaphore_mem>>) src(%arg9 : memref<128x64xf32, #tpu.memory_space<vmem>>) dst(%dma_wait3A_161 : memref<10240x64xf32, #tpu.memory_space<vmem_shared>>)
    %dma_wait3A_162 = arith.constant 0 : i32
    %dma_wait3A_163 = arith.constant 0 : i32
    %dma_wait3A_164 = tpu.memref_slice %arg8[%dma_wait3A_162, %dma_wait3A_163] : memref<80x128xi32, #tpu.memory_space<vmem>> -> memref<1x128xi32, #tpu.memory_space<vmem>>
    %dma_wait3A_165 = tpu.memref_squeeze %dma_wait3A_164 : memref<1x128xi32, #tpu.memory_space<vmem>> -> memref<128xi32, #tpu.memory_space<vmem>>
    %dma_wait3A_166 = arith.constant 0 : i32
    %dma_wait3A_167 = arith.constant 0 : i32
    %dma_wait3A_168 = tpu.memref_slice %arg13[%dma_wait3A_166, %dma_wait3A_167] : memref<10240x64xf32, #tpu.memory_space<vmem_shared>> -> memref<10240x64xf32, #tpu.memory_space<vmem_shared>>
    tpu.wait_indirect_dma semaphore(%arg19 : memref<!tpu.dma_semaphore, #tpu.memory_space<semaphore_mem>>) src(%arg10 : memref<128x64xf32, #tpu.memory_space<vmem>>) dst(%dma_wait3A_168 : memref<10240x64xf32, #tpu.memory_space<vmem_shared>>)
    %dma_wait3A_169 = arith.constant 0 : i32
    %dma_wait3A_170 = arith.constant 0 : i32
    %dma_wait3A_171 = tpu.memref_slice %arg8[%dma_wait3A_169, %dma_wait3A_170] : memref<80x128xi32, #tpu.memory_space<vmem>> -> memref<1x128xi32, #tpu.memory_space<vmem>>
    %dma_wait3A_172 = tpu.memref_squeeze %dma_wait3A_171 : memref<1x128xi32, #tpu.memory_space<vmem>> -> memref<128xi32, #tpu.memory_space<vmem>>
    %dma_wait3A_173 = arith.constant 0 : i32
    %dma_wait3A_174 = arith.constant 0 : i32
    %dma_wait3A_175 = tpu.memref_slice %arg13[%dma_wait3A_173, %dma_wait3A_174] : memref<10240x64xf32, #tpu.memory_space<vmem_shared>> -> memref<10240x64xf32, #tpu.memory_space<vmem_shared>>
    tpu.wait_indirect_dma semaphore(%arg20 : memref<!tpu.dma_semaphore, #tpu.memory_space<semaphore_mem>>) src(%arg11 : memref<128x64xf32, #tpu.memory_space<vmem>>) dst(%dma_wait3A_175 : memref<10240x64xf32, #tpu.memory_space<vmem_shared>>)
    %dma_wait3A_176 = arith.constant 0 : i32
    %dma_wait3A_177 = arith.constant 0 : i32
    %dma_wait3A_178 = tpu.memref_slice %arg8[%dma_wait3A_176, %dma_wait3A_177] : memref<80x128xi32, #tpu.memory_space<vmem>> -> memref<1x128xi32, #tpu.memory_space<vmem>>
    %dma_wait3A_179 = tpu.memref_squeeze %dma_wait3A_178 : memref<1x128xi32, #tpu.memory_space<vmem>> -> memref<128xi32, #tpu.memory_space<vmem>>
    %dma_wait3A_180 = arith.constant 0 : i32
    %dma_wait3A_181 = arith.constant 0 : i32
    %dma_wait3A_182 = tpu.memref_slice %arg13[%dma_wait3A_180, %dma_wait3A_181] : memref<10240x64xf32, #tpu.memory_space<vmem_shared>> -> memref<10240x64xf32, #tpu.memory_space<vmem_shared>>
    tpu.wait_indirect_dma semaphore(%arg21 : memref<!tpu.dma_semaphore, #tpu.memory_space<semaphore_mem>>) src(%arg12 : memref<128x64xf32, #tpu.memory_space<vmem>>) dst(%dma_wait3A_182 : memref<10240x64xf32, #tpu.memory_space<vmem_shared>>)
    %barrier3A_183 = arith.constant 0 : index
    tpu.barrier barrier_id(%barrier3A_183)
    "tpu.region"() ({
      %run_scoped3A = tpu.sem_alloc : memref<!tpu.dma_semaphore, #tpu.memory_space<semaphore_mem>>
      %dma_start3A_184 = arith.constant 0 : i32
      %dma_start3A_185 = arith.constant 0 : i32
      %dma_start3A_186 = tpu.memref_slice %arg6[%arg0, %dma_start3A_184, %dma_start3A_185] : memref<2x10240x64xf32, #tpu.memory_space<hbm>> -> memref<1x10240x64xf32, #tpu.memory_space<hbm>>
      %dma_start3A_187 = tpu.memref_squeeze %dma_start3A_186 : memref<1x10240x64xf32, #tpu.memory_space<hbm>> -> memref<10240x64xf32, #tpu.memory_space<hbm>>
      %dma_start3A_188 = arith.constant 0 : i32
      %dma_start3A_189 = tpu.memref_slice %dma_start3A_187[%mul3A_0, %dma_start3A_188] : memref<10240x64xf32, #tpu.memory_space<hbm>> -> memref<640x64xf32, #tpu.memory_space<hbm>>
      %dma_start3A_190 = arith.constant 0 : i32
      %dma_start3A_191 = tpu.memref_slice %arg13[%mul3A_0, %dma_start3A_190] : memref<10240x64xf32, #tpu.memory_space<vmem_shared>> -> memref<640x64xf32, #tpu.memory_space<vmem_shared>>
      tpu.enqueue_dma source(%dma_start3A_191 : memref<640x64xf32, #tpu.memory_space<vmem_shared>>) target(%dma_start3A_189 : memref<640x64xf32, #tpu.memory_space<hbm>>) target_semaphore(%run_scoped3A : memref<!tpu.dma_semaphore, #tpu.memory_space<semaphore_mem>>)
      %dma_wait3A_192 = arith.constant 0 : i32
      %dma_wait3A_193 = arith.constant 0 : i32
      %dma_wait3A_194 = tpu.memref_slice %arg6[%arg0, %dma_wait3A_192, %dma_wait3A_193] : memref<2x10240x64xf32, #tpu.memory_space<hbm>> -> memref<1x10240x64xf32, #tpu.memory_space<hbm>>
      %dma_wait3A_195 = tpu.memref_squeeze %dma_wait3A_194 : memref<1x10240x64xf32, #tpu.memory_space<hbm>> -> memref<10240x64xf32, #tpu.memory_space<hbm>>
      %dma_wait3A_196 = arith.constant 0 : i32
      %dma_wait3A_197 = tpu.memref_slice %dma_wait3A_195[%mul3A_0, %dma_wait3A_196] : memref<10240x64xf32, #tpu.memory_space<hbm>> -> memref<640x64xf32, #tpu.memory_space<hbm>>
      %dma_wait3A_198 = arith.constant 0 : i32
      %dma_wait3A_199 = tpu.memref_slice %arg13[%mul3A_0, %dma_wait3A_198] : memref<10240x64xf32, #tpu.memory_space<vmem_shared>> -> memref<640x64xf32, #tpu.memory_space<vmem_shared>>
      tpu.wait_dma2 semaphore(%run_scoped3A : memref<!tpu.dma_semaphore, #tpu.memory_space<semaphore_mem>>) src(%dma_wait3A_199 : memref<640x64xf32, #tpu.memory_space<vmem_shared>>) dst(%dma_wait3A_197 : memref<640x64xf32, #tpu.memory_space<hbm>>)
      tpu.yield
    }) : () -> ()
    return
  }
}

module attributes {stable_mosaic.version = 14 : i64} {
  func.func @_tc_mm_body(%arg0: memref<5120x256xf32, #tpu.memory_space<vmem>>, %arg1: memref<128x64xf32, #tpu.memory_space<vmem>>, %arg2: memref<5120x128xf32, #tpu.memory_space<vmem>>) attributes {dimension_semantics = [], scalar_prefetch = 0 : i64, scratch_operands = 0 : i64, tpu.core_type = #tpu.core_type<tc>} {
    %get3A = arith.constant 0 : index
    %get3A_0 = arith.constant 0 : index
    %get3A_1 = vector.load %arg1[%get3A, %get3A_0] : memref<128x64xf32, #tpu.memory_space<vmem>>, vector<128x64xf32>
    %broadcast_in_dim3A = arith.constant 0.000000e+00 : f32
    %broadcast_in_dim3A_2 = vector.broadcast %broadcast_in_dim3A : f32 to vector<128x64xf32>
    %concatenate3A = tpu.concatenate %get3A_1, %broadcast_in_dim3A_2 in 1 : vector<128x64xf32>, vector<128x64xf32> -> vector<128x128xf32>
    %concatenate3A_3 = tpu.concatenate %broadcast_in_dim3A_2, %get3A_1 in 1 : vector<128x64xf32>, vector<128x64xf32> -> vector<128x128xf32>
    %concatenate3A_4 = tpu.concatenate %concatenate3A, %concatenate3A_3 in 0 : vector<128x128xf32>, vector<128x128xf32> -> vector<256x128xf32>
    %get3A_5 = arith.constant 0 : index
    %get3A_6 = arith.constant 0 : index
    %get3A_7 = vector.load %arg0[%get3A_5, %get3A_6] : memref<5120x256xf32, #tpu.memory_space<vmem>>, vector<5120x256xf32>
    %dot_general3A = arith.constant dense<0.000000e+00> : vector<5120x128xf32>
    %dot_general3A_8 = tpu.matmul %get3A_7, %concatenate3A_4, %dot_general3A {dimension_numbers = #tpu.dot_dimension_numbers<[1], [0], [0], [1], [0, 0, 1, 1], [], []>, transpose_lhs_hint = false} : vector<5120x256xf32>, vector<256x128xf32>, vector<5120x128xf32> -> vector<5120x128xf32>
    %swap3A = arith.constant 0 : index
    %swap3A_9 = arith.constant 0 : index
    %swap3A_10 = vector.load %arg2[%swap3A, %swap3A_9] : memref<5120x128xf32, #tpu.memory_space<vmem>>, vector<5120x128xf32>
    tpu.vector_store %arg2[%swap3A, %swap3A_9], %dot_general3A_8 {strides = array<i32>} : memref<5120x128xf32, #tpu.memory_space<vmem>>, vector<5120x128xf32>,
    return
  }
}

module attributes {stable_mosaic.version = 14 : i64} {
  func.func @_tc_prep_body(%arg0: memref<2x5120x32xf32, #tpu.memory_space<vmem>>, %arg1: memref<5120x128xf32, #tpu.memory_space<vmem>>, %arg2: memref<5120x1xf32, #tpu.memory_space<vmem>>, %arg3: memref<5120x1xf32, #tpu.memory_space<vmem>>, %arg4: memref<5120x128xf32, #tpu.memory_space<vmem>>) attributes {dimension_semantics = [], scalar_prefetch = 0 : i64, scratch_operands = 0 : i64, tpu.core_type = #tpu.core_type<tc>} {
    %get3A = arith.constant 0 : index
    %get3A_0 = arith.constant 0 : index
    %get3A_1 = arith.constant 0 : index
    %get3A_2 = vector.load %arg0[%get3A, %get3A_0, %get3A_1] : memref<2x5120x32xf32, #tpu.memory_space<vmem>>, vector<2x5120x32xf32>
    %slice3A = vector.extract_strided_slice %get3A_2 {offsets = [0, 0, 0], sizes = [1, 5120, 1], strides = [1, 1, 1]} : vector<2x5120x32xf32> to vector<1x5120x1xf32>
    %squeeze3A = vector.shape_cast %slice3A : vector<1x5120x1xf32> to vector<5120x1xf32>
    %slice3A_3 = vector.extract_strided_slice %get3A_2 {offsets = [1, 0, 0], sizes = [1, 5120, 1], strides = [1, 1, 1]} : vector<2x5120x32xf32> to vector<1x5120x1xf32>
    %squeeze3A_4 = vector.shape_cast %slice3A_3 : vector<1x5120x1xf32> to vector<5120x1xf32>
    %add3A = arith.addf %squeeze3A, %squeeze3A_4 : vector<5120x1xf32>
    %add3A_5 = arith.constant 1.000000e+00 : f32
    %add3A_6 = vector.broadcast %add3A_5 : f32 to vector<5120x1xf32>
    %add3A_7 = arith.addf %add3A, %add3A_6 : vector<5120x1xf32>
    %rsqrt3A = math.rsqrt %add3A_7 : vector<5120x1xf32>
    %slice3A_8 = vector.extract_strided_slice %get3A_2 {offsets = [0, 0, 16], sizes = [1, 5120, 1], strides = [1, 1, 1]} : vector<2x5120x32xf32> to vector<1x5120x1xf32>
    %squeeze3A_9 = vector.shape_cast %slice3A_8 : vector<1x5120x1xf32> to vector<5120x1xf32>
    %slice3A_10 = vector.extract_strided_slice %get3A_2 {offsets = [1, 0, 16], sizes = [1, 5120, 1], strides = [1, 1, 1]} : vector<2x5120x32xf32> to vector<1x5120x1xf32>
    %squeeze3A_11 = vector.shape_cast %slice3A_10 : vector<1x5120x1xf32> to vector<5120x1xf32>
    %add3A_12 = arith.addf %squeeze3A_9, %squeeze3A_11 : vector<5120x1xf32>
    %add3A_13 = arith.constant 1.000000e+00 : f32
    %add3A_14 = vector.broadcast %add3A_13 : f32 to vector<5120x1xf32>
    %add3A_15 = arith.addf %add3A_12, %add3A_14 : vector<5120x1xf32>
    %rsqrt3A_16 = math.rsqrt %add3A_15 : vector<5120x1xf32>
    %broadcast_in_dim3A = vector.shape_cast %rsqrt3A : vector<5120x1xf32> to vector<5120x1xf32>
    %broadcast_in_dim3A_17 = vector.broadcast %broadcast_in_dim3A : vector<5120x1xf32> to vector<5120x64xf32>
    %broadcast_in_dim3A_18 = vector.shape_cast %rsqrt3A_16 : vector<5120x1xf32> to vector<5120x1xf32>
    %broadcast_in_dim3A_19 = vector.broadcast %broadcast_in_dim3A_18 : vector<5120x1xf32> to vector<5120x64xf32>
    %concatenate3A = tpu.concatenate %broadcast_in_dim3A_17, %broadcast_in_dim3A_19 in 1 : vector<5120x64xf32>, vector<5120x64xf32> -> vector<5120x128xf32>
    %get3A_20 = arith.constant 0 : index
    %get3A_21 = arith.constant 0 : index
    %get3A_22 = vector.load %arg1[%get3A_20, %get3A_21] : memref<5120x128xf32, #tpu.memory_space<vmem>>, vector<5120x128xf32>
    %mul3A = arith.mulf %get3A_22, %concatenate3A : vector<5120x128xf32>
    %swap3A = arith.constant 0 : index
    %swap3A_23 = arith.constant 0 : index
    %swap3A_24 = vector.load %arg4[%swap3A, %swap3A_23] : memref<5120x128xf32, #tpu.memory_space<vmem>>, vector<5120x128xf32>
    tpu.vector_store %arg4[%swap3A, %swap3A_23], %mul3A {strides = array<i32>} : memref<5120x128xf32, #tpu.memory_space<vmem>>, vector<5120x128xf32>,
    %swap3A_25 = arith.constant 0 : index
    %swap3A_26 = arith.constant 0 : index
    %swap3A_27 = vector.load %arg2[%swap3A_25, %swap3A_26] : memref<5120x1xf32, #tpu.memory_space<vmem>>, vector<5120x1xf32>
    tpu.vector_store %arg2[%swap3A_25, %swap3A_26], %rsqrt3A {strides = array<i32>} : memref<5120x1xf32, #tpu.memory_space<vmem>>, vector<5120x1xf32>,
    %swap3A_28 = arith.constant 0 : index
    %swap3A_29 = arith.constant 0 : index
    %swap3A_30 = vector.load %arg3[%swap3A_28, %swap3A_29] : memref<5120x1xf32, #tpu.memory_space<vmem>>, vector<5120x1xf32>
    tpu.vector_store %arg3[%swap3A_28, %swap3A_29], %rsqrt3A_16 {strides = array<i32>} : memref<5120x1xf32, #tpu.memory_space<vmem>>, vector<5120x1xf32>,
    return
  }
}

module attributes {stable_mosaic.version = 14 : i64} {
  func.func @_tc_mid_body(%arg0: memref<2x5120x128xf32, #tpu.memory_space<vmem>>, %arg1: memref<5120x128xf32, #tpu.memory_space<vmem>>, %arg2: memref<5120x1xf32, #tpu.memory_space<vmem>>, %arg3: memref<5120x1xf32, #tpu.memory_space<vmem>>, %arg4: memref<1x128xf32, #tpu.memory_space<vmem>>, %arg5: memref<64x64xf32, #tpu.memory_space<vmem>>, %arg6: memref<5120x128xf32, #tpu.memory_space<vmem>>) attributes {dimension_semantics = [], scalar_prefetch = 0 : i64, scratch_operands = 0 : i64, tpu.core_type = #tpu.core_type<tc>} {
    %get3A = arith.constant 0 : index
    %get3A_0 = arith.constant 0 : index
    %get3A_1 = arith.constant 0 : index
    %get3A_2 = vector.load %arg0[%get3A, %get3A_0, %get3A_1] : memref<2x5120x128xf32, #tpu.memory_space<vmem>>, vector<2x5120x128xf32>
    %slice3A = vector.extract_strided_slice %get3A_2 {offsets = [0, 0, 0], sizes = [1, 5120, 128], strides = [1, 1, 1]} : vector<2x5120x128xf32> to vector<1x5120x128xf32>
    %squeeze3A = vector.shape_cast %slice3A : vector<1x5120x128xf32> to vector<5120x128xf32>
    %slice3A_3 = vector.extract_strided_slice %get3A_2 {offsets = [1, 0, 0], sizes = [1, 5120, 128], strides = [1, 1, 1]} : vector<2x5120x128xf32> to vector<1x5120x128xf32>
    %squeeze3A_4 = vector.shape_cast %slice3A_3 : vector<1x5120x128xf32> to vector<5120x128xf32>
    %add3A = arith.addf %squeeze3A, %squeeze3A_4 : vector<5120x128xf32>
    %get3A_5 = arith.constant 0 : index
    %get3A_6 = arith.constant 0 : index
    %get3A_7 = vector.load %arg1[%get3A_5, %get3A_6] : memref<5120x128xf32, #tpu.memory_space<vmem>>, vector<5120x128xf32>
    %add3A_8 = arith.addf %add3A, %get3A_7 : vector<5120x128xf32>
    %get3A_9 = arith.constant 0 : index
    %get3A_10 = arith.constant 0 : index
    %get3A_11 = vector.load %arg2[%get3A_9, %get3A_10] : memref<5120x1xf32, #tpu.memory_space<vmem>>, vector<5120x1xf32>
    %get3A_12 = arith.constant 0 : index
    %get3A_13 = arith.constant 0 : index
    %get3A_14 = vector.load %arg3[%get3A_12, %get3A_13] : memref<5120x1xf32, #tpu.memory_space<vmem>>, vector<5120x1xf32>
    %broadcast_in_dim3A = vector.shape_cast %get3A_11 : vector<5120x1xf32> to vector<5120x1xf32>
    %broadcast_in_dim3A_15 = vector.broadcast %broadcast_in_dim3A : vector<5120x1xf32> to vector<5120x64xf32>
    %broadcast_in_dim3A_16 = vector.shape_cast %get3A_14 : vector<5120x1xf32> to vector<5120x1xf32>
    %broadcast_in_dim3A_17 = vector.broadcast %broadcast_in_dim3A_16 : vector<5120x1xf32> to vector<5120x64xf32>
    %concatenate3A = tpu.concatenate %broadcast_in_dim3A_15, %broadcast_in_dim3A_17 in 1 : vector<5120x64xf32>, vector<5120x64xf32> -> vector<5120x128xf32>
    %mul3A = arith.mulf %add3A_8, %concatenate3A : vector<5120x128xf32>
    %get3A_18 = arith.constant 0 : index
    %get3A_19 = arith.constant 0 : index
    %get3A_20 = vector.load %arg4[%get3A_18, %get3A_19] : memref<1x128xf32, #tpu.memory_space<vmem>>, vector<1x128xf32>
    %add3A_21 = vector.broadcast %get3A_20 : vector<1x128xf32> to vector<5120x128xf32>
    %add3A_22 = arith.addf %mul3A, %add3A_21 : vector<5120x128xf32>
    %max3A = arith.constant 0.000000e+00 : f32
    %max3A_23 = vector.broadcast %max3A : f32 to vector<5120x128xf32>
    %max3A_24 = arith.maximumf %add3A_22, %max3A_23 : vector<5120x128xf32>
    %get3A_25 = arith.constant 0 : index
    %get3A_26 = arith.constant 0 : index
    %get3A_27 = vector.load %arg5[%get3A_25, %get3A_26] : memref<64x64xf32, #tpu.memory_space<vmem>>, vector<64x64xf32>
    %broadcast_in_dim3A_28 = arith.constant 0.000000e+00 : f32
    %broadcast_in_dim3A_29 = vector.broadcast %broadcast_in_dim3A_28 : f32 to vector<64x64xf32>
    %concatenate3A_30 = tpu.concatenate %get3A_27, %broadcast_in_dim3A_29 in 1 : vector<64x64xf32>, vector<64x64xf32> -> vector<64x128xf32>
    %concatenate3A_31 = tpu.concatenate %broadcast_in_dim3A_29, %get3A_27 in 1 : vector<64x64xf32>, vector<64x64xf32> -> vector<64x128xf32>
    %concatenate3A_32 = tpu.concatenate %concatenate3A_30, %concatenate3A_31 in 0 : vector<64x128xf32>, vector<64x128xf32> -> vector<128x128xf32>
    %dot_general3A = arith.constant dense<0.000000e+00> : vector<5120x128xf32>
    %dot_general3A_33 = tpu.matmul %max3A_24, %concatenate3A_32, %dot_general3A {dimension_numbers = #tpu.dot_dimension_numbers<[1], [0], [0], [1], [0, 0, 1, 1], [], []>, transpose_lhs_hint = false} : vector<5120x128xf32>, vector<128x128xf32>, vector<5120x128xf32> -> vector<5120x128xf32>
    %mul3A_34 = arith.mulf %dot_general3A_33, %concatenate3A : vector<5120x128xf32>
    %swap3A = arith.constant 0 : index
    %swap3A_35 = arith.constant 0 : index
    %swap3A_36 = vector.load %arg6[%swap3A, %swap3A_35] : memref<5120x128xf32, #tpu.memory_space<vmem>>, vector<5120x128xf32>
    tpu.vector_store %arg6[%swap3A, %swap3A_35], %mul3A_34 {strides = array<i32>} : memref<5120x128xf32, #tpu.memory_space<vmem>>, vector<5120x128xf32>,
    return
  }
}

module attributes {stable_mosaic.version = 14 : i64} {
  func.func @_tc_final_body(%arg0: memref<2x5120x128xf32, #tpu.memory_space<vmem>>, %arg1: memref<5120x128xf32, #tpu.memory_space<vmem>>, %arg2: memref<5120x1xf32, #tpu.memory_space<vmem>>, %arg3: memref<5120x1xf32, #tpu.memory_space<vmem>>, %arg4: memref<1x128xf32, #tpu.memory_space<vmem>>, %arg5: memref<1x5120xi32, #tpu.memory_space<vmem>>, %arg6: memref<1x5120xi32, #tpu.memory_space<vmem>>, %arg7: memref<64x64xf32, #tpu.memory_space<vmem>>) attributes {dimension_semantics = [], scalar_prefetch = 0 : i64, scratch_operands = 0 : i64, tpu.core_type = #tpu.core_type<tc>} {
    %get3A = arith.constant 0 : index
    %get3A_0 = arith.constant 0 : index
    %get3A_1 = arith.constant 0 : index
    %get3A_2 = vector.load %arg0[%get3A, %get3A_0, %get3A_1] : memref<2x5120x128xf32, #tpu.memory_space<vmem>>, vector<2x5120x128xf32>
    %slice3A = vector.extract_strided_slice %get3A_2 {offsets = [0, 0, 0], sizes = [1, 5120, 128], strides = [1, 1, 1]} : vector<2x5120x128xf32> to vector<1x5120x128xf32>
    %squeeze3A = vector.shape_cast %slice3A : vector<1x5120x128xf32> to vector<5120x128xf32>
    %slice3A_3 = vector.extract_strided_slice %get3A_2 {offsets = [1, 0, 0], sizes = [1, 5120, 128], strides = [1, 1, 1]} : vector<2x5120x128xf32> to vector<1x5120x128xf32>
    %squeeze3A_4 = vector.shape_cast %slice3A_3 : vector<1x5120x128xf32> to vector<5120x128xf32>
    %add3A = arith.addf %squeeze3A, %squeeze3A_4 : vector<5120x128xf32>
    %get3A_5 = arith.constant 0 : index
    %get3A_6 = arith.constant 0 : index
    %get3A_7 = vector.load %arg1[%get3A_5, %get3A_6] : memref<5120x128xf32, #tpu.memory_space<vmem>>, vector<5120x128xf32>
    %add3A_8 = arith.addf %add3A, %get3A_7 : vector<5120x128xf32>
    %get3A_9 = arith.constant 0 : index
    %get3A_10 = arith.constant 0 : index
    %get3A_11 = vector.load %arg2[%get3A_9, %get3A_10] : memref<5120x1xf32, #tpu.memory_space<vmem>>, vector<5120x1xf32>
    %get3A_12 = arith.constant 0 : index
    %get3A_13 = arith.constant 0 : index
    %get3A_14 = vector.load %arg3[%get3A_12, %get3A_13] : memref<5120x1xf32, #tpu.memory_space<vmem>>, vector<5120x1xf32>
    %broadcast_in_dim3A = vector.shape_cast %get3A_11 : vector<5120x1xf32> to vector<5120x1xf32>
    %broadcast_in_dim3A_15 = vector.broadcast %broadcast_in_dim3A : vector<5120x1xf32> to vector<5120x64xf32>
    %broadcast_in_dim3A_16 = vector.shape_cast %get3A_14 : vector<5120x1xf32> to vector<5120x1xf32>
    %broadcast_in_dim3A_17 = vector.broadcast %broadcast_in_dim3A_16 : vector<5120x1xf32> to vector<5120x64xf32>
    %concatenate3A = tpu.concatenate %broadcast_in_dim3A_15, %broadcast_in_dim3A_17 in 1 : vector<5120x64xf32>, vector<5120x64xf32> -> vector<5120x128xf32>
    %mul3A = arith.mulf %add3A_8, %concatenate3A : vector<5120x128xf32>
    %get3A_18 = arith.constant 0 : index
    %get3A_19 = arith.constant 0 : index
    %get3A_20 = vector.load %arg4[%get3A_18, %get3A_19] : memref<1x128xf32, #tpu.memory_space<vmem>>, vector<1x128xf32>
    %add3A_21 = vector.broadcast %get3A_20 : vector<1x128xf32> to vector<5120x128xf32>
    %add3A_22 = arith.addf %mul3A, %add3A_21 : vector<5120x128xf32>
    %max3A = arith.constant 0.000000e+00 : f32
    %max3A_23 = vector.broadcast %max3A : f32 to vector<5120x128xf32>
    %max3A_24 = arith.maximumf %add3A_22, %max3A_23 : vector<5120x128xf32>
    %iota3A = tpu.iota {dimensions = array<i32: 0>} : vector<64x5120xi32>
    %get3A_25 = arith.constant 0 : index
    %get3A_26 = arith.constant 0 : index
    %get3A_27 = vector.load %arg5[%get3A_25, %get3A_26] : memref<1x5120xi32, #tpu.memory_space<vmem>>, vector<1x5120xi32>
    %eq3A = vector.broadcast %get3A_27 : vector<1x5120xi32> to vector<64x5120xi32>
    %eq3A_28 = arith.cmpi eq, %iota3A, %eq3A : vector<64x5120xi32>
    %convert_element_type3A = arith.extui %eq3A_28 : vector<64x5120xi1> to vector<64x5120xi32>
    %convert_element_type3A_29 = arith.sitofp %convert_element_type3A : vector<64x5120xi32> to vector<64x5120xf32>
    %get3A_30 = arith.constant 0 : index
    %get3A_31 = arith.constant 0 : index
    %get3A_32 = vector.load %arg6[%get3A_30, %get3A_31] : memref<1x5120xi32, #tpu.memory_space<vmem>>, vector<1x5120xi32>
    %eq3A_33 = vector.broadcast %get3A_32 : vector<1x5120xi32> to vector<64x5120xi32>
    %eq3A_34 = arith.cmpi eq, %iota3A, %eq3A_33 : vector<64x5120xi32>
    %convert_element_type3A_35 = arith.extui %eq3A_34 : vector<64x5120xi1> to vector<64x5120xi32>
    %convert_element_type3A_36 = arith.sitofp %convert_element_type3A_35 : vector<64x5120xi32> to vector<64x5120xf32>
    %slice3A_37 = vector.extract_strided_slice %max3A_24 {offsets = [0, 0], sizes = [5120, 64], strides = [1, 1]} : vector<5120x128xf32> to vector<5120x64xf32>
    %dot_general3A = arith.constant dense<0.000000e+00> : vector<64x64xf32>
    %dot_general3A_38 = tpu.matmul %convert_element_type3A_29, %slice3A_37, %dot_general3A {dimension_numbers = #tpu.dot_dimension_numbers<[1], [0], [0], [1], [0, 0, 1, 1], [], []>, transpose_lhs_hint = false} : vector<64x5120xf32>, vector<5120x64xf32>, vector<64x64xf32> -> vector<64x64xf32>
    %slice3A_39 = vector.extract_strided_slice %max3A_24 {offsets = [0, 64], sizes = [5120, 64], strides = [1, 1]} : vector<5120x128xf32> to vector<5120x64xf32>
    %dot_general3A_40 = arith.constant dense<0.000000e+00> : vector<64x64xf32>
    %dot_general3A_41 = tpu.matmul %convert_element_type3A_36, %slice3A_39, %dot_general3A_40 {dimension_numbers = #tpu.dot_dimension_numbers<[1], [0], [0], [1], [0, 0, 1, 1], [], []>, transpose_lhs_hint = false} : vector<64x5120xf32>, vector<5120x64xf32>, vector<64x64xf32> -> vector<64x64xf32>
    %add3A_42 = arith.addf %dot_general3A_38, %dot_general3A_41 : vector<64x64xf32>
    %reduce_sum3A = arith.constant dense<0.000000e+00> : vector<64xf32>
    %reduce_sum3A_43 = vector.multi_reduction <add>, %convert_element_type3A_29, %reduce_sum3A [1] : vector<64x5120xf32> to vector<64xf32>
    %broadcast_in_dim3A_44 = vector.shape_cast %reduce_sum3A_43 : vector<64xf32> to vector<64x1xf32>
    %reduce_sum3A_45 = arith.constant dense<0.000000e+00> : vector<64xf32>
    %reduce_sum3A_46 = vector.multi_reduction <add>, %convert_element_type3A_36, %reduce_sum3A_45 [1] : vector<64x5120xf32> to vector<64xf32>
    %broadcast_in_dim3A_47 = vector.shape_cast %reduce_sum3A_46 : vector<64xf32> to vector<64x1xf32>
    %add3A_48 = arith.addf %broadcast_in_dim3A_44, %broadcast_in_dim3A_47 : vector<64x1xf32>
    %max3A_49 = arith.constant 1.000000e+00 : f32
    %max3A_50 = vector.broadcast %max3A_49 : f32 to vector<64x1xf32>
    %max3A_51 = arith.maximumf %add3A_48, %max3A_50 : vector<64x1xf32>
    %div3A = vector.broadcast %max3A_51 : vector<64x1xf32> to vector<64x64xf32>
    %div3A_52 = arith.divf %add3A_42, %div3A : vector<64x64xf32>
    %swap3A = arith.constant 0 : index
    %swap3A_53 = arith.constant 0 : index
    %swap3A_54 = vector.load %arg7[%swap3A, %swap3A_53] : memref<64x64xf32, #tpu.memory_space<vmem>>, vector<64x64xf32>
    tpu.vector_store %arg7[%swap3A, %swap3A_53], %div3A_52 {strides = array<i32>} : memref<64x64xf32, #tpu.memory_space<vmem>>, vector<64x64xf32>,
    return
  }
}

</mosaic_0001>

<sc_bundles>
// kernel: kernel.13.cloned.1.call-start
scs
__scs_entry_jumppad:
0x0: {  	(pc) =	sbr.rel $0x88, $3  }
0x1: {  	(tag) =	ssettag $0x0;
	lr =	simm.s32 $0x1  }
0x2: {  	[smem:$0x3F96] =	sst lr;
	_ =	strace $0xD0000000  }
0x3: {  	_ = 	snop  }
0x4: {  	_ = 	snop  }
0x5: {  	_ = 	snop  }
0x6: {  	_ = 	snop  }
0x7: {  	_ = 	snop  }
__scs_overlays_trampoline_lowered:
0x8: {  	[smem:$0x3FA5] =	sst s0  }
0x9: {  	[smem:$0x3FA6] =	sst s1  }
0xa: {  	[smem:$0x3FA7] =	sst s2  }
0xb: {  	[smem:$0x3FA8] =	sst s3  }
0xc: {  	[smem:$0x3FA9] =	sst s4  }
0xd: {  	[smem:$0x3FAA] =	sst s5  }
0xe: {  	[smem:$0x3FAB] =	sst s6  }
0xf: {  	[smem:$0x3FAC] =	sst s7  }
0x10: {  	[smem:$0x3FAD] =	sst s8  }
0x11: {  	[smem:$0x3FAE] =	sst s9;
	s0 =	simm.s32 @!p0 $0x0  }
0x12: {  	s1 =	sld [smem:$0x3F94];
	s0 =	simm.s32 @p0 $0x1  }
0x13: {  	[smem:$0x3FAF] =	sst s0;
	s0 =	simm.s32 @!p1 $0x0  }
0x14: {  	s2 =	sld [smem:$0x3F93];
	s0 =	simm.s32 @p1 $0x1  }
0x15: {  	[smem:$0x3FB0] =	sst s0;
	s0 =	simm.s32 @!p2 $0x0  }
0x16: {  	s3 =	sld [smem:$0x3FDB];
	s0 =	simm.s32 @p2 $0x1  }
0x17: {  	s4 =	simm.s32 $0x1BF5;
	[smem:$0x3FB2] =	sst s0  }
0x18: {  	s0 =	sld [smem:$0x3F95];
	_ =	swait.ge [sflag:s4], $0x0  }
0x19: {  	s7 =	sld [smem:$0x3F96]  }
0x1a: {  	s8 =	sadd.s32 $0xFFFFE003, lr  }
0x1b: {  	s9 =	sadd.s32 $0xFFFFFEF7, lr;
	s5 =	simm.s32 $0xFFFFFFFF;
	p2 =	slt.u32 s8, $0xFFFFF086  }
0x1c: {  	p1 =	slt.u32 s9, $0xF7A;
	s5 =	simm.s32 @!p2 $0x0  }
0x1d: {  	s5 =	simm.s32 @p1 $0x1;
	p0 =	seq.s32 s7, s2  }
0x1e: {  	s7 =	smul.u32 @!p0 $0xF7A, s2;
	p2 =	seq.s32 @!p0 s5, $0x0  }
0x1f: {  	s9 =	smul.u32 $0xF7A, s1;
	s8 =	simm.s32 @!p0 $0x1BF5;
	p2 =	por !p2, p0  }
0x20: {  	[sflag:s8] =	ssyncset.s32 @!p0 $0xFFFFF086;
	s6 =	sadd.s32 @!p0 s3, s7;
	s7 =	simm.s32 @!p0 $0x108  }
0x21: {  	s3 =	sadd.s32 s3, s9;
	s6 =	sadd.s32 @!p0 $0x88, s6;
	s7 =	simm.s32 @p2 $0x1082  }
0x22: {  	[simem:s7], [sflag:s8] =	dma.local @!p0 [hbm:s6], $0xF7A  }
0x23: {  	s9 =	sor.u32 $0xD0000000, s2;
	s6 =	simm.s32 $0x108;
	_ =	swait.ge @!p0 [sflag:s8], $0x0  }
0x24: {  	s3 =	sadd.s32 $0x88, s3;
	s6 =	simm.s32 @!p1 $0x1082;
	[sflag:s4] =	ssyncset.s32 $0xFFFFF086  }
0x25: {  	[simem:s6], [sflag:s4] =	dma.local [hbm:s3], $0xF7A  }
0x26: {  	[smem:$0x3F96] =	sst s1;
	(tag) =	ssettag s2;
	_ =	strace s9  }
0x27: {  	s1 =	sld [smem:$0x3FA6]  }
0x28: {  	s2 =	sld [smem:$0x3FA7]  }
0x29: {  	s4 =	sld [smem:$0x3FA9]  }
0x2a: {  	p0 =	seq.s32 s5, $0x0;
	s5 =	sld [smem:$0x3FAA]  }
0x2b: {  	s6 =	sld [smem:$0x3FAB]  }
0x2c: {  	s7 =	sld [smem:$0x3FAC]  }
0x2d: {  	s3 =	simm.s32 $0x108;
	s8 =	sld [smem:$0x3FAD]  }
0x2e: {  	s3 =	simm.s32 @!p0 $0x1082;
	s9 =	sld [smem:$0x3FAE]  }
0x2f: {  	lr =	sadd.s32 s0, s3;
	s0 =	sld [smem:$0x3FA5]  }
0x30: {  	s3 =	sld [smem:$0x3FA8]  }
0x31: {  	[smem:$0x3FB1] =	sst s10  }
0x32: {  	s10 =	sld [smem:$0x3FAF];
	_ =	sdelay $0x3  }
0x33: {  	p0 =	seq.s32 s10, $0x1;
	s10 =	sld [smem:$0x3FB1];
	_ =	sdelay $0x3  }
0x34: {  	[smem:$0x3FB1] =	sst s10  }
0x35: {  	s10 =	sld [smem:$0x3FB0];
	_ =	sdelay $0x3  }
0x36: {  	p1 =	seq.s32 s10, $0x1;
	s10 =	sld [smem:$0x3FB1];
	_ =	sdelay $0x3  }
0x37: {  	[smem:$0x3FB1] =	sst s10  }
0x38: {  	s10 =	sld [smem:$0x3FB2]  }
0x39: {  	_ = 	snop;
	(pc) =	sbr.ind lr, $3  }
0x3a: {  	_ = 	snop  }
0x3b: {  	_ = 	snop  }
0x3c: {  	p2 =	seq.s32 s10, $0x1;
	s10 =	sld [smem:$0x3FB1]  }
0x3d: {  	_ =	shalt  }
0x3e: {  	_ =	shalt  }
0x3f: {  	_ =	shalt  }
0x40: {  	_ =	shalt  }
0x41: {  	_ =	shalt  }
0x42: {  	_ =	shalt  }
0x43: {  	_ =	shalt  }
0x44: {  	_ =	shalt  }
0x45: {  	_ =	shalt  }
0x46: {  	_ =	shalt  }
0x47: {  	_ =	shalt  }
0x48: {  	_ =	shalt  }
0x49: {  	_ =	shalt  }
0x4a: {  	_ =	shalt  }
0x4b: {  	_ =	shalt  }
0x4c: {  	_ =	shalt  }
0x4d: {  	_ =	shalt  }
0x4e: {  	_ =	shalt  }
0x4f: {  	_ =	shalt  }
0x50: {  	_ =	shalt  }
0x51: {  	_ =	shalt  }
0x52: {  	_ =	shalt  }
0x53: {  	_ =	shalt  }
0x54: {  	_ =	shalt  }
0x55: {  	_ =	shalt  }
0x56: {  	_ =	shalt  }
0x57: {  	_ =	shalt  }
0x58: {  	_ =	shalt  }
0x59: {  	_ =	shalt  }
0x5a: {  	_ =	shalt  }
0x5b: {  	_ =	shalt  }
0x5c: {  	_ =	shalt  }
0x5d: {  	_ =	shalt  }
0x5e: {  	_ =	shalt  }
0x5f: {  	_ =	shalt  }
0x60: {  	_ =	shalt  }
0x61: {  	_ =	shalt  }
0x62: {  	_ =	shalt  }
0x63: {  	_ =	shalt  }
0x64: {  	_ =	shalt  }
0x65: {  	_ =	shalt  }
0x66: {  	_ =	shalt  }
0x67: {  	_ =	shalt  }
0x68: {  	_ =	shalt  }
0x69: {  	_ =	shalt  }
0x6a: {  	_ =	shalt  }
0x6b: {  	_ =	shalt  }
0x6c: {  	_ =	shalt  }
0x6d: {  	_ =	shalt  }
0x6e: {  	_ =	shalt  }
0x6f: {  	_ =	shalt  }
0x70: {  	_ =	shalt  }
0x71: {  	_ =	shalt  }
0x72: {  	_ =	shalt  }
0x73: {  	_ =	shalt  }
0x74: {  	_ =	shalt  }
0x75: {  	_ =	shalt  }
0x76: {  	_ =	shalt  }
0x77: {  	_ =	shalt  }
0x78: {  	_ =	shalt  }
0x79: {  	_ =	shalt  }
0x7a: {  	_ =	shalt  }
0x7b: {  	_ =	shalt  }
0x7c: {  	_ =	shalt  }
0x7d: {  	_ =	shalt  }
0x7e: {  	_ =	shalt  }
0x7f: {  	_ =	shalt  }
0x80: {  	_ =	shalt  }
0x81: {  	_ =	shalt  }
0x82: {  	_ =	shalt  }
0x83: {  	_ =	shalt  }
0x84: {  	_ =	shalt  }
0x85: {  	_ =	shalt  }
0x86: {  	_ =	shalt  }
0x87: {  	_ =	shalt  }
.Lfunc_end0:
.L_simem_size_0:
called_computation_lowered:
.L_overlay_start_0:
0x88: {  	s2 =	sld [smem:$0x3FD9]  }
0x89: {  	s3 =	sld [smem:$0x3FFE];
	_ =	sdelay $0x1  }
0x8a: {  	s1 =	srdreg.scid  }
0x8b: {  	s0 =	sand.u32 $0x1, s1  }
0x8c: {  	s17 =	sshll.u32 s0, $0xA;
	s2 =	sadd.s32 s3, s2  }
0x8d: {  	s2 =	sadd.s32 s2, s17  }
0x8e: {  	[smem:$0x3FBD] =	sst s2  }
0x8f: {  	_ = 	snop  }
0x90: {  	s2 =	sld [smem:$0x3FD0];
	(tm) =	ssettm $0x1  }
0x91: {  	s18 =	sld [smem:$0x3FFB];
	_ =	sdelay $0x3  }
0x92: {  	_ =	strace s18  }
0x93: {  	s3 =	sld [smem:$0x3FFC];
	_ =	sdelay $0x3  }
0x94: {  	_ =	strace s3  }
0x95: {  	s3 =	sld [smem:$0x3FFD];
	_ =	sdelay $0x3  }
0x96: {  	_ =	strace s3  }
0x97: {  	_ =	strace $0x8FFFFFFF  }
0x98: {  	s19 =	sld [smem:$0x3FDB];
	_ =	sdelay $0x1  }
0x99: {  	s4 =	simm.s32 $_scs_section_size  }
0x9a: {  	s5 =	simm.s32 $_size__tile_overlayer_lowered;
	s6 =	simm.s32 $_tile_overlayer_lowered  }
0x9b: {  	s22 =	simm.s32 $0x1BFF;
	s21 =	sshll.u32 s6, $0x1;
	s3 =	sadd.s32 s4, s19  }
0x9c: {  	s7 =	simm.s32 $0x0;
	s20 =	sshll.u32 s5, $0x1;
	s5 =	sadd.s32 s21, s3  }
0x9d: {  	[timem:s7], [sflag:s22] =	dma.local [hbm:s5], s20  }
0x9e: {  	_ =	swait.ge [sflag:s22], s20  }
0x9f: {  	s4 =	ssub.s32 $0x0, s20;
	[sflag:s22] =	ssyncset.done $0x0  }
0xa0: {  	[sflag:s22] =	ssyncadd.s32 s4;
	_ =	sdelay $0x1  }
0xa1: {  	s23 =	simm.s32 $0x1B8B  }
0xa2: {  	_ =	swait.ge [sflag:s23], $0x1  }
0xa3: {  	[sflag:s23] =	ssyncset.done $0x0  }
0xa4: {  	s25 =	simm.s32 $0x1B8E;
	s24 =	sld [smem:$0x3FFE];
	[sflag:s23] =	ssyncadd.s32 $0xFFFFFFFF  }
0xa5: {  	s26 =	simm.s32 $execute0_lowered;
	[smem:$0x3FD2] =	sst s25  }
0xa6: {  	s5 =	sshll.u32 s26, $0x1;
	_ =	strace $0x80000046;
	[dreg:$0x1] =	wrdreg $0xFFFFFFFF  }
0xa7: {  	s28 =	simm.s32 $_size_execute0_lowered;
	s3 =	sadd.s32 s3, s5;
	[dreg:$0x0] =	wrdreg $0x0  }
0xa8: {  	s5 =	sshll.u32 s28, $0x1;
	[dreg:$0x2] =	wrdreg s3  }
0xa9: {  	[dreg:$0x3] =	wrdreg s5  }
0xaa: {  	[dreg:$0x4] =	wrdreg $0xC0  }
0xab: {  	_ =	task [dreg:s7], $0x5FFFF  }
0xac: {  	[dreg:$0x1] =	wrdreg $0xFFFFFFFF  }
0xad: {  	[dreg:$0x0] =	wrdreg $0x60  }
0xae: {  	[dreg:$0x2] =	wrdreg s24  }
0xaf: {  	[dreg:$0x3] =	wrdreg s2  }
0xb0: {  	[dreg:$0x4] =	wrdreg $0x30000  }
0xb1: {  	[dreg:$0x5] =	wrdreg $0x9  }
0xb2: {  	_ =	task.clear_ibuf [dreg:s7], $0x6FFFF;
	_ =	strace $0x90000046  }
0xb3: {  	s29 =	simm.s32 $0x9;
	_ =	strace $0x80000048  }
0xb4: {  	_ =	swait.ge [sflag:s29], $0x1  }
0xb5: {  	[sflag:s29] =	ssyncadd.s32 $0xFFFFFFFF  }
0xb6: {  	_ =	strace $0x90000048  }
0xb7: {  	_ =	sfence  }
0xb8: {  	s30 =	sld [smem:$0x0];
	_ =	sdelay $0x2  }
0xb9: {  	s31 =	sshll.u32 s1, $0xD;
	s1 =	sshrl.u32 s1, $0x2  }
0xba: {  	s3 =	sand.u32 $0x4000, s31;
	s1 =	sadd.s32 s1, s30  }
0xbb: {  	s0 =	sor.u32 s3, s0;
	s1 =	sshll.u32 s1, $0x11  }
0xbc: {  	s0 =	sor.u32 s1, s0  }
0xbd: {  	s0 =	sadd.s32 $0x8F2B, s0  }
0xbe: {  	[sflag:s0] =	ssyncadd.remote.s32 $0x1  }
0xbf: {  	_ =	sfence.sel $0xFFFF  }
0xc0: {  	[dreg:$0x0] =	wrdreg $0xFFFFFFFF;
	(pc) =	sbr.abs _section_cstart, $3  }
0xc1: {  	[dreg:$0x1] =	wrdreg $0xFFFFFFFF  }
0xc2: {  	_ =	task.clear_ibuf [dreg:s7], $0x2FFFF;
	_ =	strace $0x9FFFFFFF  }
0xc3: {  	(tm) =	ssettm $0x7FFFFFFF  }
tec
execute0_lowered:
.L_overlay_start_1:
0x0: {  	(tag) =	ssettag $0x1  }
0x1: {  	s6 =	rddreg [dreg:$0x0]  }
0x2: {  	s0 =	srdreg.scid;
	s2 =	rddreg [dreg:$0x1]  }
0x3: {  	s3 =	rddreg [dreg:$0x2];
	s1 =	stileid.u32  }
0x4: {  	s4 =	simm.s32 $0x0;
	s5 =	sand.u32 $0x1, s0;
	s0 =	rddreg [dreg:$0x3]  }
0x5: {  	s12 =	simm.s32 $0x80;
	s13 =	simm.s32 $0x1;
	[smem:$0x7FF] =	sst s4  }
0x6: {  	s10 =	smul.u32 $0x2800, s1;
	s31 =	sshll.u32 s1, $0x6;
	s7 =	sshll.u32 s5, $0x4  }
0x7: {  	_ =	strace $0x80000047;
	s8 =	smul.u32 $0x5000, s5;
	s9 =	ssub.s32 $0x2, s5  }
0x8: {  	s5 =	sadd.s32 $0xE000, s6;
	s7 =	sor.u32 s1, s7;
	s30 =	sshrl.u32 s9, $0x1  }
0x9: {  	s11 =	sadd.s32 s10, s3;
	s15 =	sshrl.u32 s10, $0x3;
	s10 =	simm.s32 $0x2  }
0xa: {  	s7 =	smul.u32 $0x500, s7;
	s8 =	sadd.s32 s8, s6;
	s9 =	ssub.s32 s9, s30  }
0xb: {  	s14 =	sadd.s32 $0xE600, s8;
	s8 =	smax.u32 s9, $0x1;
	s9 =	sshrl.u32 s11, $0x3  }
0xc: {  	s11 =	simm.s32 $0x2800;
	s7 =	sadd.s32 s7, s6;
	s6 =	sor.u32 $0x1C02, s31  }
0xd: {  	s14 =	sadd.s32 s15, s14;
	s15 =	simm.s32 $0x0;
	s7 =	sadd.s32 $0x4000, s7  }
.LBB2_1:
0xe: {  	[spmem:s9], [sflag:s6] =	dma.local [hbm:s5], $0x500  }
0xf: {  	_ =	swait.ge [sflag:s10], $0x500  }
0x10: {  	[sflag:s10] =	ssyncset.done $0x0  }
0x11: {  	[sflag:s10] =	ssyncadd.s32 $0xFFFFFB00  }
0x12: {  	[tilespmem:s11], [sflag:$0x2] =	stream.linear.gather [hbm4b:s2+s4], $0x800, $0x38;
	[tilespmem:$0x5800] =	vst v63  }
0x13: {  	_ =	swait.ge [sflag:s10], $0x800  }
0x14: {  	[sflag:s10] =	ssyncset.done $0x0  }
0x15: {  	[sflag:s10] =	ssyncadd.s32 $0xFFFFF800  }
0x16: {  	[tilespmem:s4], [sflag:$0x2] =	stream.linear.gather [hbm4b:s7+s4], $0x2800, $0x38;
	[tilespmem:$0x5800] =	vst v63  }
0x17: {  	_ =	swait.ge [sflag:s10], $0x2800  }
0x18: {  	[sflag:s10] =	ssyncset.done $0x0  }
0x19: {  	[sflag:s10] =	ssyncadd.s32 $0xFFFFD800  }
0x1a: {  	s16 =	simm.s32 $0x0;
	[bflag:$0x0] =	sbarrier.arrive $0xFFFF  }
0x1b: {  	[spmem:s3] =	stream.indirect.scatter.add.f32 [tilespmem:s11], [sflag:$0x1], $0x10, s16, s12, $0xb8;
	[tilespmem:$0x5800] =	vst v63  }
0x1c: {  	s24 =	simm.s32 $0x80  }
0x1d: {  	[spmem:s3] =	stream.indirect.scatter.add.f32 [tilespmem:s11], [sflag:$0x1], $0x10, s24, s12, $0xb8;
	[tilespmem:$0x5800] =	vst v63  }
0x1e: {  	s25 =	simm.s32 $0x100  }
0x1f: {  	[spmem:s3] =	stream.indirect.scatter.add.f32 [tilespmem:s11], [sflag:$0x1], $0x10, s25, s12, $0xb8;
	[tilespmem:$0x5800] =	vst v63  }
0x20: {  	s26 =	simm.s32 $0x180  }
0x21: {  	[spmem:s3] =	stream.indirect.scatter.add.f32 [tilespmem:s11], [sflag:$0x1], $0x10, s26, s12, $0xb8;
	[tilespmem:$0x5800] =	vst v63  }
0x22: {  	s28 =	simm.s32 $0x200  }
0x23: {  	[spmem:s3] =	stream.indirect.scatter.add.f32 [tilespmem:s11], [sflag:$0x1], $0x10, s28, s12, $0xb8;
	[tilespmem:$0x5800] =	vst v63  }
0x24: {  	s29 =	simm.s32 $0x280  }
0x25: {  	[spmem:s3] =	stream.indirect.scatter.add.f32 [tilespmem:s11], [sflag:$0x1], $0x10, s29, s12, $0xb8;
	[tilespmem:$0x5800] =	vst v63  }
0x26: {  	s30 =	simm.s32 $0x300  }
0x27: {  	[spmem:s3] =	stream.indirect.scatter.add.f32 [tilespmem:s11], [sflag:$0x1], $0x10, s30, s12, $0xb8;
	[tilespmem:$0x5800] =	vst v63  }
0x28: {  	s31 =	simm.s32 $0x380  }
0x29: {  	[spmem:s3] =	stream.indirect.scatter.add.f32 [tilespmem:s11], [sflag:$0x1], $0x10, s31, s12, $0xb8;
	[tilespmem:$0x5800] =	vst v63  }
0x2a: {  	_ =	swait.ge [sflag:s13], $0x800  }
0x2b: {  	[sflag:s13] =	ssyncset.done $0x0  }
0x2c: {  	[sflag:s13] =	ssyncadd.s32 $0xFFFFF800  }
0x2d: {  	_ =	swait.ge [sflag:s13], $0x800  }
0x2e: {  	[sflag:s13] =	ssyncset.done $0x0  }
0x2f: {  	[sflag:s13] =	ssyncadd.s32 $0xFFFFF800  }
0x30: {  	_ =	swait.ge [sflag:s13], $0x800  }
0x31: {  	[sflag:s13] =	ssyncset.done $0x0  }
0x32: {  	[sflag:s13] =	ssyncadd.s32 $0xFFFFF800  }
0x33: {  	_ =	swait.ge [sflag:s13], $0x800  }
0x34: {  	[sflag:s13] =	ssyncset.done $0x0  }
0x35: {  	[sflag:s13] =	ssyncadd.s32 $0xFFFFF800  }
0x36: {  	_ =	swait.ge [sflag:s13], $0x800  }
0x37: {  	[sflag:s13] =	ssyncset.done $0x0  }
0x38: {  	[sflag:s13] =	ssyncadd.s32 $0xFFFFF800  }
0x39: {  	_ =	swait.ge [sflag:s13], $0x800  }
0x3a: {  	[sflag:s13] =	ssyncset.done $0x0  }
0x3b: {  	[sflag:s13] =	ssyncadd.s32 $0xFFFFF800  }
0x3c: {  	_ =	swait.ge [sflag:s13], $0x800  }
0x3d: {  	[sflag:s13] =	ssyncset.done $0x0  }
0x3e: {  	[sflag:s13] =	ssyncadd.s32 $0xFFFFF800  }
0x3f: {  	_ =	swait.ge [sflag:s13], $0x800  }
0x40: {  	s18 =	simm.s32 $0x2000;
	s16 =	simm.s32 $0x1000;
	[sflag:s13] =	ssyncset.done $0x0  }
.LBB2_2:
0x41: {  	s19 =	sshra.s32 s16, $0x2  }
0x42: {  	[sflag:s13] =	ssyncadd.s32 $0xFFFFF800;
	s16 =	smov.u32 s18;
	s17 =	sadd.s32 $0x1000, s18  }
0x43: {  	[spmem:s3] =	stream.indirect.scatter.add.f32 [tilespmem:s11], [sflag:$0x1], $0x10, s19, s12, $0xb8;
	[tilespmem:$0x5800] =	vst v63  }
0x44: {  	p0 =	sne.s32 s18, $0x9000;
	s18 =	sadd.s32 $0x80, s19  }
0x45: {  	[spmem:s3] =	stream.indirect.scatter.add.f32 [tilespmem:s11], [sflag:$0x1], $0x10, s18, s12, $0xb8;
	[tilespmem:$0x5800] =	vst v63  }
0x46: {  	s18 =	sadd.s32 $0x100, s19  }
0x47: {  	[spmem:s3] =	stream.indirect.scatter.add.f32 [tilespmem:s11], [sflag:$0x1], $0x10, s18, s12, $0xb8;
	[tilespmem:$0x5800] =	vst v63  }
0x48: {  	s18 =	sadd.s32 $0x180, s19  }
0x49: {  	[spmem:s3] =	stream.indirect.scatter.add.f32 [tilespmem:s11], [sflag:$0x1], $0x10, s18, s12, $0xb8;
	[tilespmem:$0x5800] =	vst v63  }
0x4a: {  	s18 =	sadd.s32 $0x200, s19  }
0x4b: {  	[spmem:s3] =	stream.indirect.scatter.add.f32 [tilespmem:s11], [sflag:$0x1], $0x10, s18, s12, $0xb8;
	[tilespmem:$0x5800] =	vst v63  }
0x4c: {  	s18 =	sadd.s32 $0x280, s19  }
0x4d: {  	[spmem:s3] =	stream.indirect.scatter.add.f32 [tilespmem:s11], [sflag:$0x1], $0x10, s18, s12, $0xb8;
	[tilespmem:$0x5800] =	vst v63  }
0x4e: {  	s18 =	sadd.s32 $0x300, s19  }
0x4f: {  	[spmem:s3] =	stream.indirect.scatter.add.f32 [tilespmem:s11], [sflag:$0x1], $0x10, s18, s12, $0xb8;
	[tilespmem:$0x5800] =	vst v63  }
0x50: {  	s18 =	sadd.s32 $0x380, s19  }
0x51: {  	[spmem:s3] =	stream.indirect.scatter.add.f32 [tilespmem:s11], [sflag:$0x1], $0x10, s18, s12, $0xb8;
	[tilespmem:$0x5800] =	vst v63  }
0x52: {  	_ =	swait.ge [sflag:s13], $0x800  }
0x53: {  	[sflag:s13] =	ssyncset.done $0x0  }
0x54: {  	[sflag:s13] =	ssyncadd.s32 $0xFFFFF800  }
0x55: {  	_ =	swait.ge [sflag:s13], $0x800  }
0x56: {  	[sflag:s13] =	ssyncset.done $0x0  }
0x57: {  	[sflag:s13] =	ssyncadd.s32 $0xFFFFF800  }
0x58: {  	_ =	swait.ge [sflag:s13], $0x800  }
0x59: {  	[sflag:s13] =	ssyncset.done $0x0  }
0x5a: {  	[sflag:s13] =	ssyncadd.s32 $0xFFFFF800  }
0x5b: {  	_ =	swait.ge [sflag:s13], $0x800  }
0x5c: {  	[sflag:s13] =	ssyncset.done $0x0  }
0x5d: {  	[sflag:s13] =	ssyncadd.s32 $0xFFFFF800  }
0x5e: {  	_ =	swait.ge [sflag:s13], $0x800  }
0x5f: {  	[sflag:s13] =	ssyncset.done $0x0  }
0x60: {  	[sflag:s13] =	ssyncadd.s32 $0xFFFFF800  }
0x61: {  	_ =	swait.ge [sflag:s13], $0x800  }
0x62: {  	[sflag:s13] =	ssyncset.done $0x0  }
0x63: {  	[sflag:s13] =	ssyncadd.s32 $0xFFFFF800  }
.Ltmp0:
0x64: {  	_ =	swait.ge [sflag:s13], $0x800;
	(pc) =	sbr.rel @p0 .LBB2_2-.Ltmp0, $4  }
0x65: {  	[sflag:s13] =	ssyncset.done $0x0  }
0x66: {  	[sflag:s13] =	ssyncadd.s32 $0xFFFFF800  }
0x67: {  	_ =	swait.ge [sflag:s13], $0x800  }
0x68: {  	s18 =	smov.u32 s17;
	[sflag:s13] =	ssyncset.done $0x0  }
0x69: {  	s16 =	sshra.s32 s16, $0x2;
	[sflag:s13] =	ssyncadd.s32 $0xFFFFF800  }
0x6a: {  	[spmem:s3] =	stream.indirect.scatter.add.f32 [tilespmem:s11], [sflag:$0x1], $0x10, s16, s12, $0xb8;
	[tilespmem:$0x5800] =	vst v63  }
0x6b: {  	s17 =	sadd.s32 $0x80, s16  }
0x6c: {  	[spmem:s3] =	stream.indirect.scatter.add.f32 [tilespmem:s11], [sflag:$0x1], $0x10, s17, s12, $0xb8;
	[tilespmem:$0x5800] =	vst v63  }
0x6d: {  	s26 =	sadd.s32 $0x100, s16  }
0x6e: {  	[spmem:s3] =	stream.indirect.scatter.add.f32 [tilespmem:s11], [sflag:$0x1], $0x10, s26, s12, $0xb8;
	[tilespmem:$0x5800] =	vst v63  }
0x6f: {  	s28 =	sadd.s32 $0x180, s16  }
0x70: {  	[spmem:s3] =	stream.indirect.scatter.add.f32 [tilespmem:s11], [sflag:$0x1], $0x10, s28, s12, $0xb8;
	[tilespmem:$0x5800] =	vst v63  }
0x71: {  	s29 =	sadd.s32 $0x200, s16  }
0x72: {  	[spmem:s3] =	stream.indirect.scatter.add.f32 [tilespmem:s11], [sflag:$0x1], $0x10, s29, s12, $0xb8;
	[tilespmem:$0x5800] =	vst v63  }
0x73: {  	s30 =	sadd.s32 $0x280, s16  }
0x74: {  	[spmem:s3] =	stream.indirect.scatter.add.f32 [tilespmem:s11], [sflag:$0x1], $0x10, s30, s12, $0xb8;
	[tilespmem:$0x5800] =	vst v63  }
0x75: {  	s31 =	sadd.s32 $0x300, s16  }
0x76: {  	[spmem:s3] =	stream.indirect.scatter.add.f32 [tilespmem:s11], [sflag:$0x1], $0x10, s31, s12, $0xb8;
	[tilespmem:$0x5800] =	vst v63  }
0x77: {  	s16 =	sadd.s32 $0x380, s16  }
0x78: {  	[spmem:s3] =	stream.indirect.scatter.add.f32 [tilespmem:s11], [sflag:$0x1], $0x10, s16, s12, $0xb8;
	[tilespmem:$0x5800] =	vst v63  }
0x79: {  	_ =	swait.ge [sflag:s13], $0x800  }
0x7a: {  	[sflag:s13] =	ssyncset.done $0x0  }
0x7b: {  	[sflag:s13] =	ssyncadd.s32 $0xFFFFF800  }
0x7c: {  	_ =	swait.ge [sflag:s13], $0x800  }
0x7d: {  	[sflag:s13] =	ssyncset.done $0x0  }
0x7e: {  	[sflag:s13] =	ssyncadd.s32 $0xFFFFF800  }
0x7f: {  	_ =	swait.ge [sflag:s13], $0x800  }
0x80: {  	[sflag:s13] =	ssyncset.done $0x0  }
0x81: {  	[sflag:s13] =	ssyncadd.s32 $0xFFFFF800  }
0x82: {  	_ =	swait.ge [sflag:s13], $0x800  }
0x83: {  	[sflag:s13] =	ssyncset.done $0x0  }
0x84: {  	[sflag:s13] =	ssyncadd.s32 $0xFFFFF800  }
0x85: {  	_ =	swait.ge [sflag:s13], $0x800  }
0x86: {  	[sflag:s13] =	ssyncset.done $0x0  }
0x87: {  	[sflag:s13] =	ssyncadd.s32 $0xFFFFF800  }
0x88: {  	_ =	swait.ge [sflag:s13], $0x800  }
0x89: {  	[sflag:s13] =	ssyncset.done $0x0  }
0x8a: {  	[sflag:s13] =	ssyncadd.s32 $0xFFFFF800  }
0x8b: {  	_ =	swait.ge [sflag:s13], $0x800  }
0x8c: {  	[sflag:s13] =	ssyncset.done $0x0  }
0x8d: {  	[sflag:s13] =	ssyncadd.s32 $0xFFFFF800  }
0x8e: {  	_ =	swait.ge [sflag:s13], $0x800  }
0x8f: {  	s15 =	sadd.s32 $0x1, s15;
	[sflag:s13] =	ssyncset.done $0x0  }
0x90: {  	p0 =	sne.s32 s15, s8;
	[sflag:s13] =	ssyncadd.s32 $0xFFFFF800  }
.Ltmp1:
0x91: {  	[bflag:$0x0] =	sbarrier.arrive $0xFFFF;
	(pc) =	sbr.rel @p0 .LBB2_1-.Ltmp1, $4  }
0x92: {  	[hbm:s14], [sflag:s6] =	dma.local [spmem:s9], $0x500  }
0x93: {  	_ =	swait.ge [sflag:s10], $0x500  }
0x94: {  	[sflag:s10] =	ssyncset.done $0x0  }
0x95: {  	[sflag:s10] =	ssyncadd.s32 $0xFFFFFB00  }
0x96: {  	_ =	sfence.sel $0x180000  }
0x97: {  	[bflag:$0x0] =	sbarrier.arrive $0xFFFF  }
0x98: {  	p0 =	sne.s32 s1, $0x0;
	_ =	strace $0x90000047  }
0x99: {  	s0 =	sadd.s32 @!p0 $0x100000, s0;
	[bflag:$0x2] =	sbarrier.arrive $0xFFFF  }
0x9a: {  	[sflag:s0] =	ssyncadd.tile.s32 @!p0 $0x1;
	_ =	shalt  }
.Lfunc_end2:
_tile_overlayer_lowered:
.L_overlay_start_2:
0x9b: {  	(tag) =	ssettag $0x2  }
0x9c: {  	s0 =	rddreg [dreg:$0x0];
	s2 =	stileid.u32  }
0x9d: {  	s1 =	rddreg [dreg:$0x1];
	p0 =	sne.s32 s2, $0x0  }
0x9e: {  	s3 =	rddreg [dreg:$0x2];
	[bflag:$0x3] =	sbarrier.arrive $0xFFFF;
	s2 =	simm.s32 @!p0 $0x1C02  }
0x9f: {  	[timem:s3], [sflag:s2] =	dma.local @!p0 [hbm:s0], s1  }
0xa0: {  	s0 =	simm.s32 @!p0 $0x2  }
0xa1: {  	_ =	swait.ge @!p0 [sflag:s0], s1  }
0xa2: {  	s1 =	ssub.s32 @!p0 $0x0, s1;
	[sflag:s0] =	ssyncset.done @!p0 $0x0  }
0xa3: {  	[sflag:s0] =	ssyncadd.s32 @!p0 s1  }
0xa4: {  	[bflag:$0x3] =	sbarrier.arrive $0xFFFF  }
0xa5: {  	_ =	shalt  }

// kernel: kernel.16.cloned.1.call-start
scs
__scs_entry_jumppad:
0x0: {  	(pc) =	sbr.rel $0x88, $3  }
0x1: {  	(tag) =	ssettag $0x0;
	lr =	simm.s32 $0x1  }
0x2: {  	[smem:$0x3F96] =	sst lr;
	_ =	strace $0xD0000000  }
0x3: {  	_ = 	snop  }
0x4: {  	_ = 	snop  }
0x5: {  	_ = 	snop  }
0x6: {  	_ = 	snop  }
0x7: {  	_ = 	snop  }
__scs_overlays_trampoline_lowered:
0x8: {  	[smem:$0x3FA5] =	sst s0  }
0x9: {  	[smem:$0x3FA6] =	sst s1  }
0xa: {  	[smem:$0x3FA7] =	sst s2  }
0xb: {  	[smem:$0x3FA8] =	sst s3  }
0xc: {  	[smem:$0x3FA9] =	sst s4  }
0xd: {  	[smem:$0x3FAA] =	sst s5  }
0xe: {  	[smem:$0x3FAB] =	sst s6  }
0xf: {  	[smem:$0x3FAC] =	sst s7  }
0x10: {  	[smem:$0x3FAD] =	sst s8  }
0x11: {  	[smem:$0x3FAE] =	sst s9;
	s0 =	simm.s32 @!p0 $0x0  }
0x12: {  	s1 =	sld [smem:$0x3F94];
	s0 =	simm.s32 @p0 $0x1  }
0x13: {  	[smem:$0x3FAF] =	sst s0;
	s0 =	simm.s32 @!p1 $0x0  }
0x14: {  	s2 =	sld [smem:$0x3F93];
	s0 =	simm.s32 @p1 $0x1  }
0x15: {  	[smem:$0x3FB0] =	sst s0;
	s0 =	simm.s32 @!p2 $0x0  }
0x16: {  	s3 =	sld [smem:$0x3FDB];
	s0 =	simm.s32 @p2 $0x1  }
0x17: {  	s4 =	simm.s32 $0x1BF5;
	[smem:$0x3FB2] =	sst s0  }
0x18: {  	s0 =	sld [smem:$0x3F95];
	_ =	swait.ge [sflag:s4], $0x0  }
0x19: {  	s7 =	sld [smem:$0x3F96]  }
0x1a: {  	s8 =	sadd.s32 $0xFFFFE003, lr  }
0x1b: {  	s9 =	sadd.s32 $0xFFFFFEF7, lr;
	s5 =	simm.s32 $0xFFFFFFFF;
	p2 =	slt.u32 s8, $0xFFFFF086  }
0x1c: {  	p1 =	slt.u32 s9, $0xF7A;
	s5 =	simm.s32 @!p2 $0x0  }
0x1d: {  	s5 =	simm.s32 @p1 $0x1;
	p0 =	seq.s32 s7, s2  }
0x1e: {  	s7 =	smul.u32 @!p0 $0xF7A, s2;
	p2 =	seq.s32 @!p0 s5, $0x0  }
0x1f: {  	s9 =	smul.u32 $0xF7A, s1;
	s8 =	simm.s32 @!p0 $0x1BF5;
	p2 =	por !p2, p0  }
0x20: {  	[sflag:s8] =	ssyncset.s32 @!p0 $0xFFFFF086;
	s6 =	sadd.s32 @!p0 s3, s7;
	s7 =	simm.s32 @!p0 $0x108  }
0x21: {  	s3 =	sadd.s32 s3, s9;
	s6 =	sadd.s32 @!p0 $0x88, s6;
	s7 =	simm.s32 @p2 $0x1082  }
0x22: {  	[simem:s7], [sflag:s8] =	dma.local @!p0 [hbm:s6], $0xF7A  }
0x23: {  	s9 =	sor.u32 $0xD0000000, s2;
	s6 =	simm.s32 $0x108;
	_ =	swait.ge @!p0 [sflag:s8], $0x0  }
0x24: {  	s3 =	sadd.s32 $0x88, s3;
	s6 =	simm.s32 @!p1 $0x1082;
	[sflag:s4] =	ssyncset.s32 $0xFFFFF086  }
0x25: {  	[simem:s6], [sflag:s4] =	dma.local [hbm:s3], $0xF7A  }
0x26: {  	[smem:$0x3F96] =	sst s1;
	(tag) =	ssettag s2;
	_ =	strace s9  }
0x27: {  	s1 =	sld [smem:$0x3FA6]  }
0x28: {  	s2 =	sld [smem:$0x3FA7]  }
0x29: {  	s4 =	sld [smem:$0x3FA9]  }
0x2a: {  	p0 =	seq.s32 s5, $0x0;
	s5 =	sld [smem:$0x3FAA]  }
0x2b: {  	s6 =	sld [smem:$0x3FAB]  }
0x2c: {  	s7 =	sld [smem:$0x3FAC]  }
0x2d: {  	s3 =	simm.s32 $0x108;
	s8 =	sld [smem:$0x3FAD]  }
0x2e: {  	s3 =	simm.s32 @!p0 $0x1082;
	s9 =	sld [smem:$0x3FAE]  }
0x2f: {  	lr =	sadd.s32 s0, s3;
	s0 =	sld [smem:$0x3FA5]  }
0x30: {  	s3 =	sld [smem:$0x3FA8]  }
0x31: {  	[smem:$0x3FB1] =	sst s10  }
0x32: {  	s10 =	sld [smem:$0x3FAF];
	_ =	sdelay $0x3  }
0x33: {  	p0 =	seq.s32 s10, $0x1;
	s10 =	sld [smem:$0x3FB1];
	_ =	sdelay $0x3  }
0x34: {  	[smem:$0x3FB1] =	sst s10  }
0x35: {  	s10 =	sld [smem:$0x3FB0];
	_ =	sdelay $0x3  }
0x36: {  	p1 =	seq.s32 s10, $0x1;
	s10 =	sld [smem:$0x3FB1];
	_ =	sdelay $0x3  }
0x37: {  	[smem:$0x3FB1] =	sst s10  }
0x38: {  	s10 =	sld [smem:$0x3FB2]  }
0x39: {  	_ = 	snop;
	(pc) =	sbr.ind lr, $3  }
0x3a: {  	_ = 	snop  }
0x3b: {  	_ = 	snop  }
0x3c: {  	p2 =	seq.s32 s10, $0x1;
	s10 =	sld [smem:$0x3FB1]  }
0x3d: {  	_ =	shalt  }
0x3e: {  	_ =	shalt  }
0x3f: {  	_ =	shalt  }
0x40: {  	_ =	shalt  }
0x41: {  	_ =	shalt  }
0x42: {  	_ =	shalt  }
0x43: {  	_ =	shalt  }
0x44: {  	_ =	shalt  }
0x45: {  	_ =	shalt  }
0x46: {  	_ =	shalt  }
0x47: {  	_ =	shalt  }
0x48: {  	_ =	shalt  }
0x49: {  	_ =	shalt  }
0x4a: {  	_ =	shalt  }
0x4b: {  	_ =	shalt  }
0x4c: {  	_ =	shalt  }
0x4d: {  	_ =	shalt  }
0x4e: {  	_ =	shalt  }
0x4f: {  	_ =	shalt  }
0x50: {  	_ =	shalt  }
0x51: {  	_ =	shalt  }
0x52: {  	_ =	shalt  }
0x53: {  	_ =	shalt  }
0x54: {  	_ =	shalt  }
0x55: {  	_ =	shalt  }
0x56: {  	_ =	shalt  }
0x57: {  	_ =	shalt  }
0x58: {  	_ =	shalt  }
0x59: {  	_ =	shalt  }
0x5a: {  	_ =	shalt  }
0x5b: {  	_ =	shalt  }
0x5c: {  	_ =	shalt  }
0x5d: {  	_ =	shalt  }
0x5e: {  	_ =	shalt  }
0x5f: {  	_ =	shalt  }
0x60: {  	_ =	shalt  }
0x61: {  	_ =	shalt  }
0x62: {  	_ =	shalt  }
0x63: {  	_ =	shalt  }
0x64: {  	_ =	shalt  }
0x65: {  	_ =	shalt  }
0x66: {  	_ =	shalt  }
0x67: {  	_ =	shalt  }
0x68: {  	_ =	shalt  }
0x69: {  	_ =	shalt  }
0x6a: {  	_ =	shalt  }
0x6b: {  	_ =	shalt  }
0x6c: {  	_ =	shalt  }
0x6d: {  	_ =	shalt  }
0x6e: {  	_ =	shalt  }
0x6f: {  	_ =	shalt  }
0x70: {  	_ =	shalt  }
0x71: {  	_ =	shalt  }
0x72: {  	_ =	shalt  }
0x73: {  	_ =	shalt  }
0x74: {  	_ =	shalt  }
0x75: {  	_ =	shalt  }
0x76: {  	_ =	shalt  }
0x77: {  	_ =	shalt  }
0x78: {  	_ =	shalt  }
0x79: {  	_ =	shalt  }
0x7a: {  	_ =	shalt  }
0x7b: {  	_ =	shalt  }
0x7c: {  	_ =	shalt  }
0x7d: {  	_ =	shalt  }
0x7e: {  	_ =	shalt  }
0x7f: {  	_ =	shalt  }
0x80: {  	_ =	shalt  }
0x81: {  	_ =	shalt  }
0x82: {  	_ =	shalt  }
0x83: {  	_ =	shalt  }
0x84: {  	_ =	shalt  }
0x85: {  	_ =	shalt  }
0x86: {  	_ =	shalt  }
0x87: {  	_ =	shalt  }
.Lfunc_end0:
.L_simem_size_0:
called_computation.1_lowered:
.L_overlay_start_0:
0x88: {  	s2 =	sld [smem:$0x3FD9]  }
0x89: {  	s3 =	sld [smem:$0x3FFE];
	_ =	sdelay $0x1  }
0x8a: {  	s1 =	srdreg.scid  }
0x8b: {  	s0 =	sand.u32 $0x1, s1  }
0x8c: {  	s16 =	sshll.u32 s0, $0xA;
	s2 =	sadd.s32 s3, s2  }
0x8d: {  	s2 =	sadd.s32 s2, s16  }
0x8e: {  	[smem:$0x3FBD] =	sst s2  }
0x8f: {  	_ = 	snop  }
0x90: {  	(tm) =	ssettm $0x1  }
0x91: {  	s17 =	sld [smem:$0x3FFB];
	_ =	sdelay $0x3  }
0x92: {  	_ =	strace s17  }
0x93: {  	s2 =	sld [smem:$0x3FFC];
	_ =	sdelay $0x3  }
0x94: {  	_ =	strace s2  }
0x95: {  	s2 =	sld [smem:$0x3FFD];
	_ =	sdelay $0x3  }
0x96: {  	_ =	strace s2  }
0x97: {  	_ =	strace $0x8FFFFFFF  }
0x98: {  	s18 =	sld [smem:$0x3FDB];
	_ =	sdelay $0x1  }
0x99: {  	s19 =	simm.s32 $_scs_section_size  }
0x9a: {  	s4 =	simm.s32 $_size__tile_overlayer_lowered;
	s5 =	simm.s32 $_tile_overlayer_lowered  }
0x9b: {  	s22 =	simm.s32 $0x1BFF;
	s21 =	sshll.u32 s5, $0x1;
	s2 =	sadd.s32 s19, s18  }
0x9c: {  	s6 =	simm.s32 $0x0;
	s20 =	sshll.u32 s4, $0x1;
	s4 =	sadd.s32 s21, s2  }
0x9d: {  	[timem:s6], [sflag:s22] =	dma.local [hbm:s4], s20  }
0x9e: {  	_ =	swait.ge [sflag:s22], s20  }
0x9f: {  	s3 =	ssub.s32 $0x0, s20;
	[sflag:s22] =	ssyncset.done $0x0  }
0xa0: {  	[sflag:s22] =	ssyncadd.s32 s3;
	_ =	sdelay $0x1  }
0xa1: {  	s23 =	simm.s32 $0x1B8B  }
0xa2: {  	_ =	swait.ge [sflag:s23], $0x1  }
0xa3: {  	[sflag:s23] =	ssyncset.done $0x0  }
0xa4: {  	s25 =	simm.s32 $0x1B8E;
	s24 =	sld [smem:$0x3FFE];
	[sflag:s23] =	ssyncadd.s32 $0xFFFFFFFF  }
0xa5: {  	s26 =	simm.s32 $execute0_lowered;
	[smem:$0x3FD2] =	sst s25  }
0xa6: {  	s4 =	sshll.u32 s26, $0x1;
	_ =	strace $0x80000049;
	[dreg:$0x1] =	wrdreg $0xFFFFFFFF  }
0xa7: {  	s28 =	simm.s32 $_size_execute0_lowered;
	s2 =	sadd.s32 s2, s4;
	[dreg:$0x0] =	wrdreg $0x0  }
0xa8: {  	s4 =	sshll.u32 s28, $0x1;
	[dreg:$0x2] =	wrdreg s2  }
0xa9: {  	[dreg:$0x3] =	wrdreg s4  }
0xaa: {  	[dreg:$0x4] =	wrdreg $0xC0  }
0xab: {  	_ =	task [dreg:s6], $0x5FFFF  }
0xac: {  	[dreg:$0x1] =	wrdreg $0xFFFFFFFF  }
0xad: {  	[dreg:$0x0] =	wrdreg $0x60  }
0xae: {  	[dreg:$0x2] =	wrdreg s24  }
0xaf: {  	[dreg:$0x3] =	wrdreg $0xD0000  }
0xb0: {  	[dreg:$0x4] =	wrdreg $0x9  }
0xb1: {  	_ =	task.clear_ibuf [dreg:s6], $0x5FFFF;
	_ =	strace $0x90000049  }
0xb2: {  	s29 =	simm.s32 $0x9;
	_ =	strace $0x8000004B  }
0xb3: {  	_ =	swait.ge [sflag:s29], $0x1  }
0xb4: {  	[sflag:s29] =	ssyncadd.s32 $0xFFFFFFFF  }
0xb5: {  	_ =	strace $0x9000004B  }
0xb6: {  	_ =	sfence  }
0xb7: {  	s30 =	sld [smem:$0x0];
	_ =	sdelay $0x2  }
0xb8: {  	s31 =	sshll.u32 s1, $0xD;
	s1 =	sshrl.u32 s1, $0x2  }
0xb9: {  	s3 =	sand.u32 $0x4000, s31;
	s1 =	sadd.s32 s1, s30  }
0xba: {  	s0 =	sor.u32 s3, s0;
	s1 =	sshll.u32 s1, $0x11  }
0xbb: {  	s0 =	sor.u32 s1, s0  }
0xbc: {  	s0 =	sadd.s32 $0x8F2B, s0  }
0xbd: {  	[sflag:s0] =	ssyncadd.remote.s32 $0x1  }
0xbe: {  	_ =	sfence.sel $0xFFFF  }
0xbf: {  	[dreg:$0x0] =	wrdreg $0xFFFFFFFF;
	(pc) =	sbr.abs _section_cstart, $3  }
0xc0: {  	[dreg:$0x1] =	wrdreg $0xFFFFFFFF  }
0xc1: {  	_ =	task.clear_ibuf [dreg:s6], $0x2FFFF;
	_ =	strace $0x9FFFFFFF  }
0xc2: {  	(tm) =	ssettm $0x7FFFFFFF  }
0xc3: {  	_ =	shalt  }
tec
execute0_lowered:
.L_overlay_start_1:
0x0: {  	(tag) =	ssettag $0x1  }
0x1: {  	s0 =	rddreg [dreg:$0x0]  }
0x2: {  	s2 =	rddreg [dreg:$0x1]  }
0x3: {  	s10 =	stileid.u32;
	s3 =	simm.s32 $0x0;
	s4 =	srdreg.scid  }
0x4: {  	s13 =	simm.s32 $0x5;
	s14 =	simm.s32 $0x6;
	s15 =	simm.s32 $0x7  }
0x5: {  	s16 =	simm.s32 $0x80;
	s17 =	simm.s32 $0x5000;
	s18 =	simm.s32 $0x7000  }
0x6: {  	s20 =	simm.s32 $0x9000;
	s22 =	simm.s32 $0xB000;
	s23 =	simm.s32 $0x1  }
0x7: {  	s25 =	simm.s32 $0x2;
	s26 =	simm.s32 $0x3;
	s28 =	simm.s32 $0x4  }
0x8: {  	s29 =	simm.s32 $0x8;
	s19 =	simm.s32 $0x0;
	s1 =	smul.u32 $0x2800, s10  }
0x9: {  	[smem:$0x7FF] =	sst s3;
	s5 =	sand.u32 $0x1, s4;
	s6 =	smul.u32 $0x500, s10  }
0xa: {  	s4 =	sadd.s32 $0x22600, s0;
	s8 =	smul.u32 $0xA000, s10;
	_ =	strace $0x8000004A  }
0xb: {  	p0 =	seq.s32 s5, $0x0;
	s30 =	smul.u32 $0x14000, s5;
	s7 =	ssub.s32 $0x2, s5  }
0xc: {  	s5 =	sadd.s32 $0xE000, s0;
	s1 =	sshrl.u32 s1, $0x3;
	s31 =	sshrl.u32 s7, $0x1  }
0xd: {  	s11 =	sadd.s32 s8, s2;
	s12 =	sshrl.u32 s8, $0x3;
	s1 =	sadd.s32 $0x5000, s1  }
0xe: {  	s9 =	ssub.s32 s7, s31;
	s11 =	sshrl.u32 s11, $0x3;
	s1 =	smov.u32 @p0 s6  }
0xf: {  	s6 =	sshll.u32 s10, $0x6;
	s1 =	sadd.s32 s1, s0;
	s0 =	sadd.s32 s30, s0  }
0x10: {  	s8 =	smax.u32 s9, $0x1;
	s7 =	sor.u32 $0x1C05, s6;
	s0 =	sadd.s32 $0x36600, s0  }
0x11: {  	s9 =	sadd.s32 $0x18600, s1;
	s10 =	sadd.s32 $0x4000, s1;
	s1 =	simm.s32 $0x4F80  }
0x12: {  	s24 =	sadd.s32 s12, s0;
	s0 =	simm.s32 $0x4F00;
	s12 =	simm.s32 $0x9  }
.LBB2_1:
0x13: {  	[spmem:s11], [sflag:s7] =	dma.local [hbm:s5], $0x1400  }
0x14: {  	[tilespmem:s3], [sflag:$0x6] =	stream.linear.gather [hbm4b:s9+s3], $0x2800, $0x38;
	[tilespmem:$0x17000] =	vst v63  }
0x15: {  	s21 =	simm.s32 $0x2800  }
0x16: {  	[tilespmem:s21], [sflag:$0x7] =	stream.linear.gather [hbm4b:s10+s3], $0x2800, $0x38;
	[tilespmem:$0x17000] =	vst v63  }
0x17: {  	_ =	swait.ge [sflag:s13], $0x1400  }
0x18: {  	[sflag:s13] =	ssyncset.done $0x0  }
0x19: {  	[sflag:s13] =	ssyncadd.s32 $0xFFFFEC00  }
0x1a: {  	_ =	swait.ge [sflag:s14], $0x2800  }
0x1b: {  	[sflag:s14] =	ssyncset.done $0x0  }
0x1c: {  	[sflag:s14] =	ssyncadd.s32 $0xFFFFD800  }
0x1d: {  	_ =	swait.ge [sflag:s15], $0x2800  }
0x1e: {  	[sflag:s15] =	ssyncset.done $0x0  }
0x1f: {  	[sflag:s15] =	ssyncadd.s32 $0xFFFFD800  }
0x20: {  	[bflag:$0x0] =	sbarrier.arrive $0xFFFF  }
0x21: {  	[tilespmem:s17], [sflag:$0x1] =	stream.indirect.gather [hbm4b:s4+s16], $0x40, s3, s16, $0xb8;
	[tilespmem:$0x17000] =	vst v63  }
0x22: {  	_ = 	snop  }
0x23: {  	[tilespmem:s18], [sflag:$0x2] =	stream.indirect.gather [hbm4b:s4+s16], $0x40, s16, s16, $0xb8;
	[tilespmem:$0x17000] =	vst v63  }
0x24: {  	s31 =	simm.s32 $0x100  }
0x25: {  	[tilespmem:s20], [sflag:$0x3] =	stream.indirect.gather [hbm4b:s4+s16], $0x40, s31, s16, $0xb8;
	[tilespmem:$0x17000] =	vst v63  }
0x26: {  	s31 =	simm.s32 $0x180  }
0x27: {  	[tilespmem:s22], [sflag:$0x4] =	stream.indirect.gather [hbm4b:s4+s16], $0x40, s31, s16, $0xb8;
	[tilespmem:$0x17000] =	vst v63  }
0x28: {  	_ =	swait.ge [sflag:s23], $0x2000  }
0x29: {  	[sflag:s23] =	ssyncset.done $0x0  }
0x2a: {  	s31 =	simm.s32 $0x2800;
	[sflag:s23] =	ssyncadd.s32 $0xFFFFE000  }
0x2b: {  	[spmem:s2] =	stream.indirect.scatter.add.f32 [tilespmem:s17], [sflag:$0x5], $0x40, s31, s16, $0xb8;
	[tilespmem:$0x17000] =	vst v63  }
0x2c: {  	_ =	swait.ge [sflag:s25], $0x2000  }
0x2d: {  	[sflag:s25] =	ssyncset.done $0x0  }
0x2e: {  	s31 =	simm.s32 $0x2880;
	[sflag:s25] =	ssyncadd.s32 $0xFFFFE000  }
0x2f: {  	[spmem:s2] =	stream.indirect.scatter.add.f32 [tilespmem:s18], [sflag:$0x6], $0x40, s31, s16, $0xb8;
	[tilespmem:$0x17000] =	vst v63  }
0x30: {  	_ =	swait.ge [sflag:s26], $0x2000  }
0x31: {  	[sflag:s26] =	ssyncset.done $0x0  }
0x32: {  	s31 =	simm.s32 $0x2900;
	[sflag:s26] =	ssyncadd.s32 $0xFFFFE000  }
0x33: {  	[spmem:s2] =	stream.indirect.scatter.add.f32 [tilespmem:s20], [sflag:$0x7], $0x40, s31, s16, $0xb8;
	[tilespmem:$0x17000] =	vst v63  }
0x34: {  	_ =	swait.ge [sflag:s28], $0x2000  }
0x35: {  	[sflag:s28] =	ssyncset.done $0x0  }
0x36: {  	s31 =	simm.s32 $0x2980;
	[sflag:s28] =	ssyncadd.s32 $0xFFFFE000  }
0x37: {  	[spmem:s2] =	stream.indirect.scatter.add.f32 [tilespmem:s22], [sflag:$0x8], $0x40, s31, s16, $0xb8;
	[tilespmem:$0x17000] =	vst v63  }
0x38: {  	_ =	swait.ge [sflag:s13], $0x2000  }
0x39: {  	[sflag:s13] =	ssyncset.done $0x0  }
0x3a: {  	s31 =	simm.s32 $0x200;
	[sflag:s13] =	ssyncadd.s32 $0xFFFFE000  }
0x3b: {  	[tilespmem:s17], [sflag:$0x1] =	stream.indirect.gather [hbm4b:s4+s16], $0x40, s31, s16, $0xb8;
	[tilespmem:$0x17000] =	vst v63  }
0x3c: {  	_ =	swait.ge [sflag:s14], $0x2000  }
0x3d: {  	[sflag:s14] =	ssyncset.done $0x0  }
0x3e: {  	s31 =	simm.s32 $0x280;
	[sflag:s14] =	ssyncadd.s32 $0xFFFFE000  }
0x3f: {  	[tilespmem:s18], [sflag:$0x2] =	stream.indirect.gather [hbm4b:s4+s16], $0x40, s31, s16, $0xb8;
	[tilespmem:$0x17000] =	vst v63  }
0x40: {  	_ =	swait.ge [sflag:s15], $0x2000  }
0x41: {  	[sflag:s15] =	ssyncset.done $0x0  }
0x42: {  	s31 =	simm.s32 $0x300;
	[sflag:s15] =	ssyncadd.s32 $0xFFFFE000  }
0x43: {  	[tilespmem:s20], [sflag:$0x3] =	stream.indirect.gather [hbm4b:s4+s16], $0x40, s31, s16, $0xb8;
	[tilespmem:$0x17000] =	vst v63  }
0x44: {  	_ =	swait.ge [sflag:s29], $0x2000  }
0x45: {  	[sflag:s29] =	ssyncset.done $0x0  }
0x46: {  	s30 =	simm.s32 $0x380;
	s21 =	simm.s32 $0x800;
	[sflag:s29] =	ssyncadd.s32 $0xFFFFE000  }
.LBB2_2:
0x47: {  	[tilespmem:s22], [sflag:$0x4] =	stream.indirect.gather [hbm4b:s4+s16], $0x40, s30, s16, $0xb8;
	[tilespmem:$0x17000] =	vst v63  }
0x48: {  	s30 =	smov.u32 s21  }
0x49: {  	p0 =	sne.s32 s21, $0x9000;
	s21 =	sadd.s32 $0x800, s21;
	_ =	swait.ge [sflag:s23], $0x2000  }
0x4a: {  	s30 =	sshra.s32 s30, $0x2;
	[sflag:s23] =	ssyncset.done $0x0  }
0x4b: {  	s31 =	sadd.s32 $0x2800, s30;
	[sflag:s23] =	ssyncadd.s32 $0xFFFFE000  }
0x4c: {  	[spmem:s2] =	stream.indirect.scatter.add.f32 [tilespmem:s17], [sflag:$0x5], $0x40, s31, s16, $0xb8;
	[tilespmem:$0x17000] =	vst v63  }
0x4d: {  	_ =	swait.ge [sflag:s25], $0x2000  }
0x4e: {  	[sflag:s25] =	ssyncset.done $0x0  }
0x4f: {  	s31 =	sadd.s32 $0x2880, s30;
	[sflag:s25] =	ssyncadd.s32 $0xFFFFE000  }
0x50: {  	[spmem:s2] =	stream.indirect.scatter.add.f32 [tilespmem:s18], [sflag:$0x6], $0x40, s31, s16, $0xb8;
	[tilespmem:$0x17000] =	vst v63  }
0x51: {  	_ =	swait.ge [sflag:s26], $0x2000  }
0x52: {  	[sflag:s26] =	ssyncset.done $0x0  }
0x53: {  	s31 =	sadd.s32 $0x2900, s30;
	[sflag:s26] =	ssyncadd.s32 $0xFFFFE000  }
0x54: {  	[spmem:s2] =	stream.indirect.scatter.add.f32 [tilespmem:s20], [sflag:$0x7], $0x40, s31, s16, $0xb8;
	[tilespmem:$0x17000] =	vst v63  }
0x55: {  	_ =	swait.ge [sflag:s28], $0x2000  }
0x56: {  	[sflag:s28] =	ssyncset.done $0x0  }
0x57: {  	s31 =	sadd.s32 $0x2980, s30;
	[sflag:s28] =	ssyncadd.s32 $0xFFFFE000  }
0x58: {  	[spmem:s2] =	stream.indirect.scatter.add.f32 [tilespmem:s22], [sflag:$0x8], $0x40, s31, s16, $0xb8;
	[tilespmem:$0x17000] =	vst v63  }
0x59: {  	_ =	swait.ge [sflag:s13], $0x2000  }
0x5a: {  	[sflag:s13] =	ssyncset.done $0x0  }
0x5b: {  	s31 =	sadd.s32 $0x200, s30;
	[sflag:s13] =	ssyncadd.s32 $0xFFFFE000  }
0x5c: {  	[tilespmem:s17], [sflag:$0x1] =	stream.indirect.gather [hbm4b:s4+s16], $0x40, s31, s16, $0xb8;
	[tilespmem:$0x17000] =	vst v63  }
0x5d: {  	_ =	swait.ge [sflag:s14], $0x2000  }
0x5e: {  	[sflag:s14] =	ssyncset.done $0x0  }
0x5f: {  	s31 =	sadd.s32 $0x280, s30;
	[sflag:s14] =	ssyncadd.s32 $0xFFFFE000  }
0x60: {  	[tilespmem:s18], [sflag:$0x2] =	stream.indirect.gather [hbm4b:s4+s16], $0x40, s31, s16, $0xb8;
	[tilespmem:$0x17000] =	vst v63  }
0x61: {  	_ =	swait.ge [sflag:s15], $0x2000  }
0x62: {  	[sflag:s15] =	ssyncset.done $0x0  }
.Ltmp0:
0x63: {  	s31 =	sadd.s32 $0x300, s30;
	[sflag:s15] =	ssyncadd.s32 $0xFFFFE000;
	(pc) =	sbr.rel @p0 .LBB2_2-.Ltmp0, $4  }
0x64: {  	[tilespmem:s20], [sflag:$0x3] =	stream.indirect.gather [hbm4b:s4+s16], $0x40, s31, s16, $0xb8;
	[tilespmem:$0x17000] =	vst v63  }
0x65: {  	_ =	swait.ge [sflag:s29], $0x2000  }
0x66: {  	[sflag:s29] =	ssyncset.done $0x0  }
0x67: {  	s30 =	sadd.s32 $0x380, s30;
	[sflag:s29] =	ssyncadd.s32 $0xFFFFE000  }
0x68: {  	[tilespmem:s22], [sflag:$0x4] =	stream.indirect.gather [hbm4b:s4+s16], $0x40, s30, s16, $0xb8;
	[tilespmem:$0x17000] =	vst v63  }
0x69: {  	_ =	swait.ge [sflag:s23], $0x2000  }
0x6a: {  	[sflag:s23] =	ssyncset.done $0x0  }
0x6b: {  	s21 =	simm.s32 $0x4E00;
	[sflag:s23] =	ssyncadd.s32 $0xFFFFE000  }
0x6c: {  	[spmem:s2] =	stream.indirect.scatter.add.f32 [tilespmem:s17], [sflag:$0x5], $0x40, s21, s16, $0xb8;
	[tilespmem:$0x17000] =	vst v63  }
0x6d: {  	_ =	swait.ge [sflag:s25], $0x2000  }
0x6e: {  	[sflag:s25] =	ssyncset.done $0x0  }
0x6f: {  	s30 =	simm.s32 $0x4E80;
	[sflag:s25] =	ssyncadd.s32 $0xFFFFE000  }
0x70: {  	[spmem:s2] =	stream.indirect.scatter.add.f32 [tilespmem:s18], [sflag:$0x6], $0x40, s30, s16, $0xb8;
	[tilespmem:$0x17000] =	vst v63  }
0x71: {  	_ =	swait.ge [sflag:s26], $0x2000  }
0x72: {  	[sflag:s26] =	ssyncset.done $0x0  }
0x73: {  	[sflag:s26] =	ssyncadd.s32 $0xFFFFE000  }
0x74: {  	[spmem:s2] =	stream.indirect.scatter.add.f32 [tilespmem:s20], [sflag:$0x7], $0x40, s0, s16, $0xb8;
	[tilespmem:$0x17000] =	vst v63  }
0x75: {  	_ =	swait.ge [sflag:s28], $0x2000  }
0x76: {  	[sflag:s28] =	ssyncset.done $0x0  }
0x77: {  	[sflag:s28] =	ssyncadd.s32 $0xFFFFE000  }
0x78: {  	[spmem:s2] =	stream.indirect.scatter.add.f32 [tilespmem:s22], [sflag:$0x8], $0x40, s1, s16, $0xb8;
	[tilespmem:$0x17000] =	vst v63  }
0x79: {  	_ =	swait.ge [sflag:s13], $0x2000  }
0x7a: {  	[sflag:s13] =	ssyncset.done $0x0  }
0x7b: {  	[sflag:s13] =	ssyncadd.s32 $0xFFFFE000  }
0x7c: {  	_ =	swait.ge [sflag:s14], $0x2000  }
0x7d: {  	[sflag:s14] =	ssyncset.done $0x0  }
0x7e: {  	[sflag:s14] =	ssyncadd.s32 $0xFFFFE000  }
0x7f: {  	_ =	swait.ge [sflag:s15], $0x2000  }
0x80: {  	[sflag:s15] =	ssyncset.done $0x0  }
0x81: {  	[sflag:s15] =	ssyncadd.s32 $0xFFFFE000  }
0x82: {  	_ =	swait.ge [sflag:s29], $0x2000  }
0x83: {  	s19 =	sadd.s32 $0x1, s19;
	[sflag:s29] =	ssyncset.done $0x0  }
0x84: {  	p0 =	sne.s32 s19, s8;
	[sflag:s29] =	ssyncadd.s32 $0xFFFFE000  }
.Ltmp1:
0x85: {  	s31 =	sor.u32 $0x1C09, s6;
	[bflag:$0x0] =	sbarrier.arrive $0xFFFF;
	(pc) =	sbr.rel @p0 .LBB2_1-.Ltmp1, $4  }
0x86: {  	[hbm:s24], [sflag:s31] =	dma.local [spmem:s11], $0x1400  }
0x87: {  	_ =	swait.ge [sflag:s12], $0x1400  }
0x88: {  	[sflag:s12] =	ssyncset.done $0x0  }
0x89: {  	[sflag:s12] =	ssyncadd.s32 $0xFFFFEC00  }
0x8a: {  	_ =	sfence.sel $0x180000  }
0x8b: {  	[bflag:$0x0] =	sbarrier.arrive $0xFFFF  }
0x8c: {  	_ =	strace $0x9000004A  }
0x8d: {  	s0 =	stileid.u32;
	[bflag:$0x2] =	sbarrier.arrive $0xFFFF  }
0x8e: {  	p0 =	sne.s32 s0, $0x0;
	s0 =	rddreg [dreg:$0x2]  }
0x8f: {  	s0 =	sadd.s32 @!p0 $0x100000, s0  }
0x90: {  	[sflag:s0] =	ssyncadd.tile.s32 @!p0 $0x1;
	_ =	shalt  }
.Lfunc_end2:
_tile_overlayer_lowered:
.L_overlay_start_2:
0x91: {  	(tag) =	ssettag $0x2  }
0x92: {  	s0 =	rddreg [dreg:$0x0];
	s2 =	stileid.u32  }
0x93: {  	s1 =	rddreg [dreg:$0x1];
	p0 =	sne.s32 s2, $0x0  }
0x94: {  	s3 =	rddreg [dreg:$0x2];
	[bflag:$0x3] =	sbarrier.arrive $0xFFFF;
	s2 =	simm.s32 @!p0 $0x1C09  }
0x95: {  	[timem:s3], [sflag:s2] =	dma.local @!p0 [hbm:s0], s1  }
0x96: {  	s0 =	simm.s32 @!p0 $0x9  }
0x97: {  	_ =	swait.ge @!p0 [sflag:s0], s1  }
0x98: {  	s1 =	ssub.s32 @!p0 $0x0, s1;
	[sflag:s0] =	ssyncset.done @!p0 $0x0  }
0x99: {  	[sflag:s0] =	ssyncadd.s32 @!p0 s1  }
0x9a: {  	[bflag:$0x3] =	sbarrier.arrive $0xFFFF  }
0x9b: {  	_ =	shalt  }

// kernel: kernel.19.cloned.1.call-start
scs
__scs_entry_jumppad:
0x0: {  	(pc) =	sbr.rel $0x88, $3  }
0x1: {  	(tag) =	ssettag $0x0;
	lr =	simm.s32 $0x1  }
0x2: {  	[smem:$0x3F96] =	sst lr;
	_ =	strace $0xD0000000  }
0x3: {  	_ = 	snop  }
0x4: {  	_ = 	snop  }
0x5: {  	_ = 	snop  }
0x6: {  	_ = 	snop  }
0x7: {  	_ = 	snop  }
__scs_overlays_trampoline_lowered:
0x8: {  	[smem:$0x3FA5] =	sst s0  }
0x9: {  	[smem:$0x3FA6] =	sst s1  }
0xa: {  	[smem:$0x3FA7] =	sst s2  }
0xb: {  	[smem:$0x3FA8] =	sst s3  }
0xc: {  	[smem:$0x3FA9] =	sst s4  }
0xd: {  	[smem:$0x3FAA] =	sst s5  }
0xe: {  	[smem:$0x3FAB] =	sst s6  }
0xf: {  	[smem:$0x3FAC] =	sst s7  }
0x10: {  	[smem:$0x3FAD] =	sst s8  }
0x11: {  	[smem:$0x3FAE] =	sst s9;
	s0 =	simm.s32 @!p0 $0x0  }
0x12: {  	s1 =	sld [smem:$0x3F94];
	s0 =	simm.s32 @p0 $0x1  }
0x13: {  	[smem:$0x3FAF] =	sst s0;
	s0 =	simm.s32 @!p1 $0x0  }
0x14: {  	s2 =	sld [smem:$0x3F93];
	s0 =	simm.s32 @p1 $0x1  }
0x15: {  	[smem:$0x3FB0] =	sst s0;
	s0 =	simm.s32 @!p2 $0x0  }
0x16: {  	s3 =	sld [smem:$0x3FDB];
	s0 =	simm.s32 @p2 $0x1  }
0x17: {  	s4 =	simm.s32 $0x1BF5;
	[smem:$0x3FB2] =	sst s0  }
0x18: {  	s0 =	sld [smem:$0x3F95];
	_ =	swait.ge [sflag:s4], $0x0  }
0x19: {  	s7 =	sld [smem:$0x3F96]  }
0x1a: {  	s8 =	sadd.s32 $0xFFFFE003, lr  }
0x1b: {  	s9 =	sadd.s32 $0xFFFFFEF7, lr;
	s5 =	simm.s32 $0xFFFFFFFF;
	p2 =	slt.u32 s8, $0xFFFFF086  }
0x1c: {  	p1 =	slt.u32 s9, $0xF7A;
	s5 =	simm.s32 @!p2 $0x0  }
0x1d: {  	s5 =	simm.s32 @p1 $0x1;
	p0 =	seq.s32 s7, s2  }
0x1e: {  	s7 =	smul.u32 @!p0 $0xF7A, s2;
	p2 =	seq.s32 @!p0 s5, $0x0  }
0x1f: {  	s9 =	smul.u32 $0xF7A, s1;
	s8 =	simm.s32 @!p0 $0x1BF5;
	p2 =	por !p2, p0  }
0x20: {  	[sflag:s8] =	ssyncset.s32 @!p0 $0xFFFFF086;
	s6 =	sadd.s32 @!p0 s3, s7;
	s7 =	simm.s32 @!p0 $0x108  }
0x21: {  	s3 =	sadd.s32 s3, s9;
	s6 =	sadd.s32 @!p0 $0x88, s6;
	s7 =	simm.s32 @p2 $0x1082  }
0x22: {  	[simem:s7], [sflag:s8] =	dma.local @!p0 [hbm:s6], $0xF7A  }
0x23: {  	s9 =	sor.u32 $0xD0000000, s2;
	s6 =	simm.s32 $0x108;
	_ =	swait.ge @!p0 [sflag:s8], $0x0  }
0x24: {  	s3 =	sadd.s32 $0x88, s3;
	s6 =	simm.s32 @!p1 $0x1082;
	[sflag:s4] =	ssyncset.s32 $0xFFFFF086  }
0x25: {  	[simem:s6], [sflag:s4] =	dma.local [hbm:s3], $0xF7A  }
0x26: {  	[smem:$0x3F96] =	sst s1;
	(tag) =	ssettag s2;
	_ =	strace s9  }
0x27: {  	s1 =	sld [smem:$0x3FA6]  }
0x28: {  	s2 =	sld [smem:$0x3FA7]  }
0x29: {  	s4 =	sld [smem:$0x3FA9]  }
0x2a: {  	p0 =	seq.s32 s5, $0x0;
	s5 =	sld [smem:$0x3FAA]  }
0x2b: {  	s6 =	sld [smem:$0x3FAB]  }
0x2c: {  	s7 =	sld [smem:$0x3FAC]  }
0x2d: {  	s3 =	simm.s32 $0x108;
	s8 =	sld [smem:$0x3FAD]  }
0x2e: {  	s3 =	simm.s32 @!p0 $0x1082;
	s9 =	sld [smem:$0x3FAE]  }
0x2f: {  	lr =	sadd.s32 s0, s3;
	s0 =	sld [smem:$0x3FA5]  }
0x30: {  	s3 =	sld [smem:$0x3FA8]  }
0x31: {  	[smem:$0x3FB1] =	sst s10  }
0x32: {  	s10 =	sld [smem:$0x3FAF];
	_ =	sdelay $0x3  }
0x33: {  	p0 =	seq.s32 s10, $0x1;
	s10 =	sld [smem:$0x3FB1];
	_ =	sdelay $0x3  }
0x34: {  	[smem:$0x3FB1] =	sst s10  }
0x35: {  	s10 =	sld [smem:$0x3FB0];
	_ =	sdelay $0x3  }
0x36: {  	p1 =	seq.s32 s10, $0x1;
	s10 =	sld [smem:$0x3FB1];
	_ =	sdelay $0x3  }
0x37: {  	[smem:$0x3FB1] =	sst s10  }
0x38: {  	s10 =	sld [smem:$0x3FB2]  }
0x39: {  	_ = 	snop;
	(pc) =	sbr.ind lr, $3  }
0x3a: {  	_ = 	snop  }
0x3b: {  	_ = 	snop  }
0x3c: {  	p2 =	seq.s32 s10, $0x1;
	s10 =	sld [smem:$0x3FB1]  }
0x3d: {  	_ =	shalt  }
0x3e: {  	_ =	shalt  }
0x3f: {  	_ =	shalt  }
0x40: {  	_ =	shalt  }
0x41: {  	_ =	shalt  }
0x42: {  	_ =	shalt  }
0x43: {  	_ =	shalt  }
0x44: {  	_ =	shalt  }
0x45: {  	_ =	shalt  }
0x46: {  	_ =	shalt  }
0x47: {  	_ =	shalt  }
0x48: {  	_ =	shalt  }
0x49: {  	_ =	shalt  }
0x4a: {  	_ =	shalt  }
0x4b: {  	_ =	shalt  }
0x4c: {  	_ =	shalt  }
0x4d: {  	_ =	shalt  }
0x4e: {  	_ =	shalt  }
0x4f: {  	_ =	shalt  }
0x50: {  	_ =	shalt  }
0x51: {  	_ =	shalt  }
0x52: {  	_ =	shalt  }
0x53: {  	_ =	shalt  }
0x54: {  	_ =	shalt  }
0x55: {  	_ =	shalt  }
0x56: {  	_ =	shalt  }
0x57: {  	_ =	shalt  }
0x58: {  	_ =	shalt  }
0x59: {  	_ =	shalt  }
0x5a: {  	_ =	shalt  }
0x5b: {  	_ =	shalt  }
0x5c: {  	_ =	shalt  }
0x5d: {  	_ =	shalt  }
0x5e: {  	_ =	shalt  }
0x5f: {  	_ =	shalt  }
0x60: {  	_ =	shalt  }
0x61: {  	_ =	shalt  }
0x62: {  	_ =	shalt  }
0x63: {  	_ =	shalt  }
0x64: {  	_ =	shalt  }
0x65: {  	_ =	shalt  }
0x66: {  	_ =	shalt  }
0x67: {  	_ =	shalt  }
0x68: {  	_ =	shalt  }
0x69: {  	_ =	shalt  }
0x6a: {  	_ =	shalt  }
0x6b: {  	_ =	shalt  }
0x6c: {  	_ =	shalt  }
0x6d: {  	_ =	shalt  }
0x6e: {  	_ =	shalt  }
0x6f: {  	_ =	shalt  }
0x70: {  	_ =	shalt  }
0x71: {  	_ =	shalt  }
0x72: {  	_ =	shalt  }
0x73: {  	_ =	shalt  }
0x74: {  	_ =	shalt  }
0x75: {  	_ =	shalt  }
0x76: {  	_ =	shalt  }
0x77: {  	_ =	shalt  }
0x78: {  	_ =	shalt  }
0x79: {  	_ =	shalt  }
0x7a: {  	_ =	shalt  }
0x7b: {  	_ =	shalt  }
0x7c: {  	_ =	shalt  }
0x7d: {  	_ =	shalt  }
0x7e: {  	_ =	shalt  }
0x7f: {  	_ =	shalt  }
0x80: {  	_ =	shalt  }
0x81: {  	_ =	shalt  }
0x82: {  	_ =	shalt  }
0x83: {  	_ =	shalt  }
0x84: {  	_ =	shalt  }
0x85: {  	_ =	shalt  }
0x86: {  	_ =	shalt  }
0x87: {  	_ =	shalt  }
.Lfunc_end0:
.L_simem_size_0:
called_computation.2_lowered:
.L_overlay_start_0:
0x88: {  	s2 =	sld [smem:$0x3FD9]  }
0x89: {  	s3 =	sld [smem:$0x3FFE];
	_ =	sdelay $0x1  }
0x8a: {  	s1 =	srdreg.scid  }
0x8b: {  	s0 =	sand.u32 $0x1, s1  }
0x8c: {  	s16 =	sshll.u32 s0, $0xA;
	s2 =	sadd.s32 s3, s2  }
0x8d: {  	s2 =	sadd.s32 s2, s16  }
0x8e: {  	[smem:$0x3FBD] =	sst s2  }
0x8f: {  	_ = 	snop  }
0x90: {  	(tm) =	ssettm $0x1  }
0x91: {  	s17 =	sld [smem:$0x3FFB];
	_ =	sdelay $0x3  }
0x92: {  	_ =	strace s17  }
0x93: {  	s2 =	sld [smem:$0x3FFC];
	_ =	sdelay $0x3  }
0x94: {  	_ =	strace s2  }
0x95: {  	s2 =	sld [smem:$0x3FFD];
	_ =	sdelay $0x3  }
0x96: {  	_ =	strace s2  }
0x97: {  	_ =	strace $0x8FFFFFFF  }
0x98: {  	s18 =	sld [smem:$0x3FDB];
	_ =	sdelay $0x1  }
0x99: {  	s19 =	simm.s32 $_scs_section_size  }
0x9a: {  	s4 =	simm.s32 $_size__tile_overlayer_lowered;
	s5 =	simm.s32 $_tile_overlayer_lowered  }
0x9b: {  	s22 =	simm.s32 $0x1BFF;
	s21 =	sshll.u32 s5, $0x1;
	s2 =	sadd.s32 s19, s18  }
0x9c: {  	s6 =	simm.s32 $0x0;
	s20 =	sshll.u32 s4, $0x1;
	s4 =	sadd.s32 s21, s2  }
0x9d: {  	[timem:s6], [sflag:s22] =	dma.local [hbm:s4], s20  }
0x9e: {  	_ =	swait.ge [sflag:s22], s20  }
0x9f: {  	s3 =	ssub.s32 $0x0, s20;
	[sflag:s22] =	ssyncset.done $0x0  }
0xa0: {  	[sflag:s22] =	ssyncadd.s32 s3;
	_ =	sdelay $0x1  }
0xa1: {  	s23 =	simm.s32 $0x1B8B  }
0xa2: {  	_ =	swait.ge [sflag:s23], $0x1  }
0xa3: {  	[sflag:s23] =	ssyncset.done $0x0  }
0xa4: {  	s25 =	simm.s32 $0x1B8E;
	s24 =	sld [smem:$0x3FFE];
	[sflag:s23] =	ssyncadd.s32 $0xFFFFFFFF  }
0xa5: {  	s26 =	simm.s32 $execute0_lowered;
	[smem:$0x3FD2] =	sst s25  }
0xa6: {  	s4 =	sshll.u32 s26, $0x1;
	_ =	strace $0x8000004C;
	[dreg:$0x1] =	wrdreg $0xFFFFFFFF  }
0xa7: {  	s28 =	simm.s32 $_size_execute0_lowered;
	s2 =	sadd.s32 s2, s4;
	[dreg:$0x0] =	wrdreg $0x0  }
0xa8: {  	s4 =	sshll.u32 s28, $0x1;
	[dreg:$0x2] =	wrdreg s2  }
0xa9: {  	[dreg:$0x3] =	wrdreg s4  }
0xaa: {  	[dreg:$0x4] =	wrdreg $0xC0  }
0xab: {  	_ =	task [dreg:s6], $0x5FFFF  }
0xac: {  	[dreg:$0x1] =	wrdreg $0xFFFFFFFF  }
0xad: {  	[dreg:$0x0] =	wrdreg $0x60  }
0xae: {  	[dreg:$0x2] =	wrdreg s24  }
0xaf: {  	[dreg:$0x3] =	wrdreg $0xD0000  }
0xb0: {  	[dreg:$0x4] =	wrdreg $0x9  }
0xb1: {  	_ =	task.clear_ibuf [dreg:s6], $0x5FFFF;
	_ =	strace $0x9000004C  }
0xb2: {  	s29 =	simm.s32 $0x9;
	_ =	strace $0x8000004E  }
0xb3: {  	_ =	swait.ge [sflag:s29], $0x1  }
0xb4: {  	[sflag:s29] =	ssyncadd.s32 $0xFFFFFFFF  }
0xb5: {  	_ =	strace $0x9000004E  }
0xb6: {  	_ =	sfence  }
0xb7: {  	s30 =	sld [smem:$0x0];
	_ =	sdelay $0x2  }
0xb8: {  	s31 =	sshll.u32 s1, $0xD;
	s1 =	sshrl.u32 s1, $0x2  }
0xb9: {  	s3 =	sand.u32 $0x4000, s31;
	s1 =	sadd.s32 s1, s30  }
0xba: {  	s0 =	sor.u32 s3, s0;
	s1 =	sshll.u32 s1, $0x11  }
0xbb: {  	s0 =	sor.u32 s1, s0  }
0xbc: {  	s0 =	sadd.s32 $0x8F2B, s0  }
0xbd: {  	[sflag:s0] =	ssyncadd.remote.s32 $0x1  }
0xbe: {  	_ =	sfence.sel $0xFFFF  }
0xbf: {  	[dreg:$0x0] =	wrdreg $0xFFFFFFFF;
	(pc) =	sbr.abs _section_cstart, $3  }
0xc0: {  	[dreg:$0x1] =	wrdreg $0xFFFFFFFF  }
0xc1: {  	_ =	task.clear_ibuf [dreg:s6], $0x2FFFF;
	_ =	strace $0x9FFFFFFF  }
0xc2: {  	(tm) =	ssettm $0x7FFFFFFF  }
0xc3: {  	_ =	shalt  }
tec
execute0_lowered:
.L_overlay_start_1:
0x0: {  	(tag) =	ssettag $0x1  }
0x1: {  	s0 =	rddreg [dreg:$0x0]  }
0x2: {  	s2 =	rddreg [dreg:$0x1]  }
0x3: {  	s10 =	stileid.u32;
	s3 =	simm.s32 $0x0;
	s4 =	srdreg.scid  }
0x4: {  	s13 =	simm.s32 $0x5;
	s14 =	simm.s32 $0x6;
	s15 =	simm.s32 $0x7  }
0x5: {  	s16 =	simm.s32 $0x80;
	s17 =	simm.s32 $0x5000;
	s18 =	simm.s32 $0x7000  }
0x6: {  	s20 =	simm.s32 $0x9000;
	s22 =	simm.s32 $0xB000;
	s23 =	simm.s32 $0x1  }
0x7: {  	s25 =	simm.s32 $0x2;
	s26 =	simm.s32 $0x3;
	s28 =	simm.s32 $0x4  }
0x8: {  	s29 =	simm.s32 $0x8;
	s19 =	simm.s32 $0x0;
	s1 =	smul.u32 $0x2800, s10  }
0x9: {  	[smem:$0x7FF] =	sst s3;
	s5 =	sand.u32 $0x1, s4;
	s6 =	smul.u32 $0x500, s10  }
0xa: {  	s4 =	sadd.s32 $0x22600, s0;
	s8 =	smul.u32 $0xA000, s10;
	_ =	strace $0x8000004D  }
0xb: {  	p0 =	seq.s32 s5, $0x0;
	s30 =	smul.u32 $0x14000, s5;
	s7 =	ssub.s32 $0x2, s5  }
0xc: {  	s5 =	sadd.s32 $0xE000, s0;
	s1 =	sshrl.u32 s1, $0x3;
	s31 =	sshrl.u32 s7, $0x1  }
0xd: {  	s11 =	sadd.s32 s8, s2;
	s12 =	sshrl.u32 s8, $0x3;
	s1 =	sadd.s32 $0x5000, s1  }
0xe: {  	s9 =	ssub.s32 s7, s31;
	s11 =	sshrl.u32 s11, $0x3;
	s1 =	smov.u32 @p0 s6  }
0xf: {  	s6 =	sshll.u32 s10, $0x6;
	s1 =	sadd.s32 s1, s0;
	s0 =	sadd.s32 s30, s0  }
0x10: {  	s8 =	smax.u32 s9, $0x1;
	s7 =	sor.u32 $0x1C05, s6;
	s0 =	sadd.s32 $0x36600, s0  }
0x11: {  	s9 =	sadd.s32 $0x18600, s1;
	s10 =	sadd.s32 $0x4000, s1;
	s1 =	simm.s32 $0x4F80  }
0x12: {  	s24 =	sadd.s32 s12, s0;
	s0 =	simm.s32 $0x4F00;
	s12 =	simm.s32 $0x9  }
.LBB2_1:
0x13: {  	[spmem:s11], [sflag:s7] =	dma.local [hbm:s5], $0x1400  }
0x14: {  	[tilespmem:s3], [sflag:$0x6] =	stream.linear.gather [hbm4b:s9+s3], $0x2800, $0x38;
	[tilespmem:$0x17000] =	vst v63  }
0x15: {  	s21 =	simm.s32 $0x2800  }
0x16: {  	[tilespmem:s21], [sflag:$0x7] =	stream.linear.gather [hbm4b:s10+s3], $0x2800, $0x38;
	[tilespmem:$0x17000] =	vst v63  }
0x17: {  	_ =	swait.ge [sflag:s13], $0x1400  }
0x18: {  	[sflag:s13] =	ssyncset.done $0x0  }
0x19: {  	[sflag:s13] =	ssyncadd.s32 $0xFFFFEC00  }
0x1a: {  	_ =	swait.ge [sflag:s14], $0x2800  }
0x1b: {  	[sflag:s14] =	ssyncset.done $0x0  }
0x1c: {  	[sflag:s14] =	ssyncadd.s32 $0xFFFFD800  }
0x1d: {  	_ =	swait.ge [sflag:s15], $0x2800  }
0x1e: {  	[sflag:s15] =	ssyncset.done $0x0  }
0x1f: {  	[sflag:s15] =	ssyncadd.s32 $0xFFFFD800  }
0x20: {  	[bflag:$0x0] =	sbarrier.arrive $0xFFFF  }
0x21: {  	[tilespmem:s17], [sflag:$0x1] =	stream.indirect.gather [hbm4b:s4+s16], $0x40, s3, s16, $0xb8;
	[tilespmem:$0x17000] =	vst v63  }
0x22: {  	_ = 	snop  }
0x23: {  	[tilespmem:s18], [sflag:$0x2] =	stream.indirect.gather [hbm4b:s4+s16], $0x40, s16, s16, $0xb8;
	[tilespmem:$0x17000] =	vst v63  }
0x24: {  	s31 =	simm.s32 $0x100  }
0x25: {  	[tilespmem:s20], [sflag:$0x3] =	stream.indirect.gather [hbm4b:s4+s16], $0x40, s31, s16, $0xb8;
	[tilespmem:$0x17000] =	vst v63  }
0x26: {  	s31 =	simm.s32 $0x180  }
0x27: {  	[tilespmem:s22], [sflag:$0x4] =	stream.indirect.gather [hbm4b:s4+s16], $0x40, s31, s16, $0xb8;
	[tilespmem:$0x17000] =	vst v63  }
0x28: {  	_ =	swait.ge [sflag:s23], $0x2000  }
0x29: {  	[sflag:s23] =	ssyncset.done $0x0  }
0x2a: {  	s31 =	simm.s32 $0x2800;
	[sflag:s23] =	ssyncadd.s32 $0xFFFFE000  }
0x2b: {  	[spmem:s2] =	stream.indirect.scatter.add.f32 [tilespmem:s17], [sflag:$0x5], $0x40, s31, s16, $0xb8;
	[tilespmem:$0x17000] =	vst v63  }
0x2c: {  	_ =	swait.ge [sflag:s25], $0x2000  }
0x2d: {  	[sflag:s25] =	ssyncset.done $0x0  }
0x2e: {  	s31 =	simm.s32 $0x2880;
	[sflag:s25] =	ssyncadd.s32 $0xFFFFE000  }
0x2f: {  	[spmem:s2] =	stream.indirect.scatter.add.f32 [tilespmem:s18], [sflag:$0x6], $0x40, s31, s16, $0xb8;
	[tilespmem:$0x17000] =	vst v63  }
0x30: {  	_ =	swait.ge [sflag:s26], $0x2000  }
0x31: {  	[sflag:s26] =	ssyncset.done $0x0  }
0x32: {  	s31 =	simm.s32 $0x2900;
	[sflag:s26] =	ssyncadd.s32 $0xFFFFE000  }
0x33: {  	[spmem:s2] =	stream.indirect.scatter.add.f32 [tilespmem:s20], [sflag:$0x7], $0x40, s31, s16, $0xb8;
	[tilespmem:$0x17000] =	vst v63  }
0x34: {  	_ =	swait.ge [sflag:s28], $0x2000  }
0x35: {  	[sflag:s28] =	ssyncset.done $0x0  }
0x36: {  	s31 =	simm.s32 $0x2980;
	[sflag:s28] =	ssyncadd.s32 $0xFFFFE000  }
0x37: {  	[spmem:s2] =	stream.indirect.scatter.add.f32 [tilespmem:s22], [sflag:$0x8], $0x40, s31, s16, $0xb8;
	[tilespmem:$0x17000] =	vst v63  }
0x38: {  	_ =	swait.ge [sflag:s13], $0x2000  }
0x39: {  	[sflag:s13] =	ssyncset.done $0x0  }
0x3a: {  	s31 =	simm.s32 $0x200;
	[sflag:s13] =	ssyncadd.s32 $0xFFFFE000  }
0x3b: {  	[tilespmem:s17], [sflag:$0x1] =	stream.indirect.gather [hbm4b:s4+s16], $0x40, s31, s16, $0xb8;
	[tilespmem:$0x17000] =	vst v63  }
0x3c: {  	_ =	swait.ge [sflag:s14], $0x2000  }
0x3d: {  	[sflag:s14] =	ssyncset.done $0x0  }
0x3e: {  	s31 =	simm.s32 $0x280;
	[sflag:s14] =	ssyncadd.s32 $0xFFFFE000  }
0x3f: {  	[tilespmem:s18], [sflag:$0x2] =	stream.indirect.gather [hbm4b:s4+s16], $0x40, s31, s16, $0xb8;
	[tilespmem:$0x17000] =	vst v63  }
0x40: {  	_ =	swait.ge [sflag:s15], $0x2000  }
0x41: {  	[sflag:s15] =	ssyncset.done $0x0  }
0x42: {  	s31 =	simm.s32 $0x300;
	[sflag:s15] =	ssyncadd.s32 $0xFFFFE000  }
0x43: {  	[tilespmem:s20], [sflag:$0x3] =	stream.indirect.gather [hbm4b:s4+s16], $0x40, s31, s16, $0xb8;
	[tilespmem:$0x17000] =	vst v63  }
0x44: {  	_ =	swait.ge [sflag:s29], $0x2000  }
0x45: {  	[sflag:s29] =	ssyncset.done $0x0  }
0x46: {  	s30 =	simm.s32 $0x380;
	s21 =	simm.s32 $0x800;
	[sflag:s29] =	ssyncadd.s32 $0xFFFFE000  }
.LBB2_2:
0x47: {  	[tilespmem:s22], [sflag:$0x4] =	stream.indirect.gather [hbm4b:s4+s16], $0x40, s30, s16, $0xb8;
	[tilespmem:$0x17000] =	vst v63  }
0x48: {  	s30 =	smov.u32 s21  }
0x49: {  	p0 =	sne.s32 s21, $0x9000;
	s21 =	sadd.s32 $0x800, s21;
	_ =	swait.ge [sflag:s23], $0x2000  }
0x4a: {  	s30 =	sshra.s32 s30, $0x2;
	[sflag:s23] =	ssyncset.done $0x0  }
0x4b: {  	s31 =	sadd.s32 $0x2800, s30;
	[sflag:s23] =	ssyncadd.s32 $0xFFFFE000  }
0x4c: {  	[spmem:s2] =	stream.indirect.scatter.add.f32 [tilespmem:s17], [sflag:$0x5], $0x40, s31, s16, $0xb8;
	[tilespmem:$0x17000] =	vst v63  }
0x4d: {  	_ =	swait.ge [sflag:s25], $0x2000  }
0x4e: {  	[sflag:s25] =	ssyncset.done $0x0  }
0x4f: {  	s31 =	sadd.s32 $0x2880, s30;
	[sflag:s25] =	ssyncadd.s32 $0xFFFFE000  }
0x50: {  	[spmem:s2] =	stream.indirect.scatter.add.f32 [tilespmem:s18], [sflag:$0x6], $0x40, s31, s16, $0xb8;
	[tilespmem:$0x17000] =	vst v63  }
0x51: {  	_ =	swait.ge [sflag:s26], $0x2000  }
0x52: {  	[sflag:s26] =	ssyncset.done $0x0  }
0x53: {  	s31 =	sadd.s32 $0x2900, s30;
	[sflag:s26] =	ssyncadd.s32 $0xFFFFE000  }
0x54: {  	[spmem:s2] =	stream.indirect.scatter.add.f32 [tilespmem:s20], [sflag:$0x7], $0x40, s31, s16, $0xb8;
	[tilespmem:$0x17000] =	vst v63  }
0x55: {  	_ =	swait.ge [sflag:s28], $0x2000  }
0x56: {  	[sflag:s28] =	ssyncset.done $0x0  }
0x57: {  	s31 =	sadd.s32 $0x2980, s30;
	[sflag:s28] =	ssyncadd.s32 $0xFFFFE000  }
0x58: {  	[spmem:s2] =	stream.indirect.scatter.add.f32 [tilespmem:s22], [sflag:$0x8], $0x40, s31, s16, $0xb8;
	[tilespmem:$0x17000] =	vst v63  }
0x59: {  	_ =	swait.ge [sflag:s13], $0x2000  }
0x5a: {  	[sflag:s13] =	ssyncset.done $0x0  }
0x5b: {  	s31 =	sadd.s32 $0x200, s30;
	[sflag:s13] =	ssyncadd.s32 $0xFFFFE000  }
0x5c: {  	[tilespmem:s17], [sflag:$0x1] =	stream.indirect.gather [hbm4b:s4+s16], $0x40, s31, s16, $0xb8;
	[tilespmem:$0x17000] =	vst v63  }
0x5d: {  	_ =	swait.ge [sflag:s14], $0x2000  }
0x5e: {  	[sflag:s14] =	ssyncset.done $0x0  }
0x5f: {  	s31 =	sadd.s32 $0x280, s30;
	[sflag:s14] =	ssyncadd.s32 $0xFFFFE000  }
0x60: {  	[tilespmem:s18], [sflag:$0x2] =	stream.indirect.gather [hbm4b:s4+s16], $0x40, s31, s16, $0xb8;
	[tilespmem:$0x17000] =	vst v63  }
0x61: {  	_ =	swait.ge [sflag:s15], $0x2000  }
0x62: {  	[sflag:s15] =	ssyncset.done $0x0  }
.Ltmp0:
0x63: {  	s31 =	sadd.s32 $0x300, s30;
	[sflag:s15] =	ssyncadd.s32 $0xFFFFE000;
	(pc) =	sbr.rel @p0 .LBB2_2-.Ltmp0, $4  }
0x64: {  	[tilespmem:s20], [sflag:$0x3] =	stream.indirect.gather [hbm4b:s4+s16], $0x40, s31, s16, $0xb8;
	[tilespmem:$0x17000] =	vst v63  }
0x65: {  	_ =	swait.ge [sflag:s29], $0x2000  }
0x66: {  	[sflag:s29] =	ssyncset.done $0x0  }
0x67: {  	s30 =	sadd.s32 $0x380, s30;
	[sflag:s29] =	ssyncadd.s32 $0xFFFFE000  }
0x68: {  	[tilespmem:s22], [sflag:$0x4] =	stream.indirect.gather [hbm4b:s4+s16], $0x40, s30, s16, $0xb8;
	[tilespmem:$0x17000] =	vst v63  }
0x69: {  	_ =	swait.ge [sflag:s23], $0x2000  }
0x6a: {  	[sflag:s23] =	ssyncset.done $0x0  }
0x6b: {  	s21 =	simm.s32 $0x4E00;
	[sflag:s23] =	ssyncadd.s32 $0xFFFFE000  }
0x6c: {  	[spmem:s2] =	stream.indirect.scatter.add.f32 [tilespmem:s17], [sflag:$0x5], $0x40, s21, s16, $0xb8;
	[tilespmem:$0x17000] =	vst v63  }
0x6d: {  	_ =	swait.ge [sflag:s25], $0x2000  }
0x6e: {  	[sflag:s25] =	ssyncset.done $0x0  }
0x6f: {  	s30 =	simm.s32 $0x4E80;
	[sflag:s25] =	ssyncadd.s32 $0xFFFFE000  }
0x70: {  	[spmem:s2] =	stream.indirect.scatter.add.f32 [tilespmem:s18], [sflag:$0x6], $0x40, s30, s16, $0xb8;
	[tilespmem:$0x17000] =	vst v63  }
0x71: {  	_ =	swait.ge [sflag:s26], $0x2000  }
0x72: {  	[sflag:s26] =	ssyncset.done $0x0  }
0x73: {  	[sflag:s26] =	ssyncadd.s32 $0xFFFFE000  }
0x74: {  	[spmem:s2] =	stream.indirect.scatter.add.f32 [tilespmem:s20], [sflag:$0x7], $0x40, s0, s16, $0xb8;
	[tilespmem:$0x17000] =	vst v63  }
0x75: {  	_ =	swait.ge [sflag:s28], $0x2000  }
0x76: {  	[sflag:s28] =	ssyncset.done $0x0  }
0x77: {  	[sflag:s28] =	ssyncadd.s32 $0xFFFFE000  }
0x78: {  	[spmem:s2] =	stream.indirect.scatter.add.f32 [tilespmem:s22], [sflag:$0x8], $0x40, s1, s16, $0xb8;
	[tilespmem:$0x17000] =	vst v63  }
0x79: {  	_ =	swait.ge [sflag:s13], $0x2000  }
0x7a: {  	[sflag:s13] =	ssyncset.done $0x0  }
0x7b: {  	[sflag:s13] =	ssyncadd.s32 $0xFFFFE000  }
0x7c: {  	_ =	swait.ge [sflag:s14], $0x2000  }
0x7d: {  	[sflag:s14] =	ssyncset.done $0x0  }
0x7e: {  	[sflag:s14] =	ssyncadd.s32 $0xFFFFE000  }
0x7f: {  	_ =	swait.ge [sflag:s15], $0x2000  }
0x80: {  	[sflag:s15] =	ssyncset.done $0x0  }
0x81: {  	[sflag:s15] =	ssyncadd.s32 $0xFFFFE000  }
0x82: {  	_ =	swait.ge [sflag:s29], $0x2000  }
0x83: {  	s19 =	sadd.s32 $0x1, s19;
	[sflag:s29] =	ssyncset.done $0x0  }
0x84: {  	p0 =	sne.s32 s19, s8;
	[sflag:s29] =	ssyncadd.s32 $0xFFFFE000  }
.Ltmp1:
0x85: {  	s31 =	sor.u32 $0x1C09, s6;
	[bflag:$0x0] =	sbarrier.arrive $0xFFFF;
	(pc) =	sbr.rel @p0 .LBB2_1-.Ltmp1, $4  }
0x86: {  	[hbm:s24], [sflag:s31] =	dma.local [spmem:s11], $0x1400  }
0x87: {  	_ =	swait.ge [sflag:s12], $0x1400  }
0x88: {  	[sflag:s12] =	ssyncset.done $0x0  }
0x89: {  	[sflag:s12] =	ssyncadd.s32 $0xFFFFEC00  }
0x8a: {  	_ =	sfence.sel $0x180000  }
0x8b: {  	[bflag:$0x0] =	sbarrier.arrive $0xFFFF  }
0x8c: {  	_ =	strace $0x9000004D  }
0x8d: {  	s0 =	stileid.u32;
	[bflag:$0x2] =	sbarrier.arrive $0xFFFF  }
0x8e: {  	p0 =	sne.s32 s0, $0x0;
	s0 =	rddreg [dreg:$0x2]  }
0x8f: {  	s0 =	sadd.s32 @!p0 $0x100000, s0  }
0x90: {  	[sflag:s0] =	ssyncadd.tile.s32 @!p0 $0x1;
	_ =	shalt  }
.Lfunc_end2:
_tile_overlayer_lowered:
.L_overlay_start_2:
0x91: {  	(tag) =	ssettag $0x2  }
0x92: {  	s0 =	rddreg [dreg:$0x0];
	s2 =	stileid.u32  }
0x93: {  	s1 =	rddreg [dreg:$0x1];
	p0 =	sne.s32 s2, $0x0  }
0x94: {  	s3 =	rddreg [dreg:$0x2];
	[bflag:$0x3] =	sbarrier.arrive $0xFFFF;
	s2 =	simm.s32 @!p0 $0x1C09  }
0x95: {  	[timem:s3], [sflag:s2] =	dma.local @!p0 [hbm:s0], s1  }
0x96: {  	s0 =	simm.s32 @!p0 $0x9  }
0x97: {  	_ =	swait.ge @!p0 [sflag:s0], s1  }
0x98: {  	s1 =	ssub.s32 @!p0 $0x0, s1;
	[sflag:s0] =	ssyncset.done @!p0 $0x0  }
0x99: {  	[sflag:s0] =	ssyncadd.s32 @!p0 s1  }
0x9a: {  	[bflag:$0x3] =	sbarrier.arrive $0xFFFF  }
0x9b: {  	_ =	shalt  }

// kernel: kernel.22.cloned.1.call-start
scs
__scs_entry_jumppad:
0x0: {  	(pc) =	sbr.rel $0x88, $3  }
0x1: {  	(tag) =	ssettag $0x0;
	lr =	simm.s32 $0x1  }
0x2: {  	[smem:$0x3F96] =	sst lr;
	_ =	strace $0xD0000000  }
0x3: {  	_ = 	snop  }
0x4: {  	_ = 	snop  }
0x5: {  	_ = 	snop  }
0x6: {  	_ = 	snop  }
0x7: {  	_ = 	snop  }
__scs_overlays_trampoline_lowered:
0x8: {  	[smem:$0x3FA5] =	sst s0  }
0x9: {  	[smem:$0x3FA6] =	sst s1  }
0xa: {  	[smem:$0x3FA7] =	sst s2  }
0xb: {  	[smem:$0x3FA8] =	sst s3  }
0xc: {  	[smem:$0x3FA9] =	sst s4  }
0xd: {  	[smem:$0x3FAA] =	sst s5  }
0xe: {  	[smem:$0x3FAB] =	sst s6  }
0xf: {  	[smem:$0x3FAC] =	sst s7  }
0x10: {  	[smem:$0x3FAD] =	sst s8  }
0x11: {  	[smem:$0x3FAE] =	sst s9;
	s0 =	simm.s32 @!p0 $0x0  }
0x12: {  	s1 =	sld [smem:$0x3F94];
	s0 =	simm.s32 @p0 $0x1  }
0x13: {  	[smem:$0x3FAF] =	sst s0;
	s0 =	simm.s32 @!p1 $0x0  }
0x14: {  	s2 =	sld [smem:$0x3F93];
	s0 =	simm.s32 @p1 $0x1  }
0x15: {  	[smem:$0x3FB0] =	sst s0;
	s0 =	simm.s32 @!p2 $0x0  }
0x16: {  	s3 =	sld [smem:$0x3FDB];
	s0 =	simm.s32 @p2 $0x1  }
0x17: {  	s4 =	simm.s32 $0x1BF5;
	[smem:$0x3FB2] =	sst s0  }
0x18: {  	s0 =	sld [smem:$0x3F95];
	_ =	swait.ge [sflag:s4], $0x0  }
0x19: {  	s7 =	sld [smem:$0x3F96]  }
0x1a: {  	s8 =	sadd.s32 $0xFFFFE003, lr  }
0x1b: {  	s9 =	sadd.s32 $0xFFFFFEF7, lr;
	s5 =	simm.s32 $0xFFFFFFFF;
	p2 =	slt.u32 s8, $0xFFFFF086  }
0x1c: {  	p1 =	slt.u32 s9, $0xF7A;
	s5 =	simm.s32 @!p2 $0x0  }
0x1d: {  	s5 =	simm.s32 @p1 $0x1;
	p0 =	seq.s32 s7, s2  }
0x1e: {  	s7 =	smul.u32 @!p0 $0xF7A, s2;
	p2 =	seq.s32 @!p0 s5, $0x0  }
0x1f: {  	s9 =	smul.u32 $0xF7A, s1;
	s8 =	simm.s32 @!p0 $0x1BF5;
	p2 =	por !p2, p0  }
0x20: {  	[sflag:s8] =	ssyncset.s32 @!p0 $0xFFFFF086;
	s6 =	sadd.s32 @!p0 s3, s7;
	s7 =	simm.s32 @!p0 $0x108  }
0x21: {  	s3 =	sadd.s32 s3, s9;
	s6 =	sadd.s32 @!p0 $0x88, s6;
	s7 =	simm.s32 @p2 $0x1082  }
0x22: {  	[simem:s7], [sflag:s8] =	dma.local @!p0 [hbm:s6], $0xF7A  }
0x23: {  	s9 =	sor.u32 $0xD0000000, s2;
	s6 =	simm.s32 $0x108;
	_ =	swait.ge @!p0 [sflag:s8], $0x0  }
0x24: {  	s3 =	sadd.s32 $0x88, s3;
	s6 =	simm.s32 @!p1 $0x1082;
	[sflag:s4] =	ssyncset.s32 $0xFFFFF086  }
0x25: {  	[simem:s6], [sflag:s4] =	dma.local [hbm:s3], $0xF7A  }
0x26: {  	[smem:$0x3F96] =	sst s1;
	(tag) =	ssettag s2;
	_ =	strace s9  }
0x27: {  	s1 =	sld [smem:$0x3FA6]  }
0x28: {  	s2 =	sld [smem:$0x3FA7]  }
0x29: {  	s4 =	sld [smem:$0x3FA9]  }
0x2a: {  	p0 =	seq.s32 s5, $0x0;
	s5 =	sld [smem:$0x3FAA]  }
0x2b: {  	s6 =	sld [smem:$0x3FAB]  }
0x2c: {  	s7 =	sld [smem:$0x3FAC]  }
0x2d: {  	s3 =	simm.s32 $0x108;
	s8 =	sld [smem:$0x3FAD]  }
0x2e: {  	s3 =	simm.s32 @!p0 $0x1082;
	s9 =	sld [smem:$0x3FAE]  }
0x2f: {  	lr =	sadd.s32 s0, s3;
	s0 =	sld [smem:$0x3FA5]  }
0x30: {  	s3 =	sld [smem:$0x3FA8]  }
0x31: {  	[smem:$0x3FB1] =	sst s10  }
0x32: {  	s10 =	sld [smem:$0x3FAF];
	_ =	sdelay $0x3  }
0x33: {  	p0 =	seq.s32 s10, $0x1;
	s10 =	sld [smem:$0x3FB1];
	_ =	sdelay $0x3  }
0x34: {  	[smem:$0x3FB1] =	sst s10  }
0x35: {  	s10 =	sld [smem:$0x3FB0];
	_ =	sdelay $0x3  }
0x36: {  	p1 =	seq.s32 s10, $0x1;
	s10 =	sld [smem:$0x3FB1];
	_ =	sdelay $0x3  }
0x37: {  	[smem:$0x3FB1] =	sst s10  }
0x38: {  	s10 =	sld [smem:$0x3FB2]  }
0x39: {  	_ = 	snop;
	(pc) =	sbr.ind lr, $3  }
0x3a: {  	_ = 	snop  }
0x3b: {  	_ = 	snop  }
0x3c: {  	p2 =	seq.s32 s10, $0x1;
	s10 =	sld [smem:$0x3FB1]  }
0x3d: {  	_ =	shalt  }
0x3e: {  	_ =	shalt  }
0x3f: {  	_ =	shalt  }
0x40: {  	_ =	shalt  }
0x41: {  	_ =	shalt  }
0x42: {  	_ =	shalt  }
0x43: {  	_ =	shalt  }
0x44: {  	_ =	shalt  }
0x45: {  	_ =	shalt  }
0x46: {  	_ =	shalt  }
0x47: {  	_ =	shalt  }
0x48: {  	_ =	shalt  }
0x49: {  	_ =	shalt  }
0x4a: {  	_ =	shalt  }
0x4b: {  	_ =	shalt  }
0x4c: {  	_ =	shalt  }
0x4d: {  	_ =	shalt  }
0x4e: {  	_ =	shalt  }
0x4f: {  	_ =	shalt  }
0x50: {  	_ =	shalt  }
0x51: {  	_ =	shalt  }
0x52: {  	_ =	shalt  }
0x53: {  	_ =	shalt  }
0x54: {  	_ =	shalt  }
0x55: {  	_ =	shalt  }
0x56: {  	_ =	shalt  }
0x57: {  	_ =	shalt  }
0x58: {  	_ =	shalt  }
0x59: {  	_ =	shalt  }
0x5a: {  	_ =	shalt  }
0x5b: {  	_ =	shalt  }
0x5c: {  	_ =	shalt  }
0x5d: {  	_ =	shalt  }
0x5e: {  	_ =	shalt  }
0x5f: {  	_ =	shalt  }
0x60: {  	_ =	shalt  }
0x61: {  	_ =	shalt  }
0x62: {  	_ =	shalt  }
0x63: {  	_ =	shalt  }
0x64: {  	_ =	shalt  }
0x65: {  	_ =	shalt  }
0x66: {  	_ =	shalt  }
0x67: {  	_ =	shalt  }
0x68: {  	_ =	shalt  }
0x69: {  	_ =	shalt  }
0x6a: {  	_ =	shalt  }
0x6b: {  	_ =	shalt  }
0x6c: {  	_ =	shalt  }
0x6d: {  	_ =	shalt  }
0x6e: {  	_ =	shalt  }
0x6f: {  	_ =	shalt  }
0x70: {  	_ =	shalt  }
0x71: {  	_ =	shalt  }
0x72: {  	_ =	shalt  }
0x73: {  	_ =	shalt  }
0x74: {  	_ =	shalt  }
0x75: {  	_ =	shalt  }
0x76: {  	_ =	shalt  }
0x77: {  	_ =	shalt  }
0x78: {  	_ =	shalt  }
0x79: {  	_ =	shalt  }
0x7a: {  	_ =	shalt  }
0x7b: {  	_ =	shalt  }
0x7c: {  	_ =	shalt  }
0x7d: {  	_ =	shalt  }
0x7e: {  	_ =	shalt  }
0x7f: {  	_ =	shalt  }
0x80: {  	_ =	shalt  }
0x81: {  	_ =	shalt  }
0x82: {  	_ =	shalt  }
0x83: {  	_ =	shalt  }
0x84: {  	_ =	shalt  }
0x85: {  	_ =	shalt  }
0x86: {  	_ =	shalt  }
0x87: {  	_ =	shalt  }
.Lfunc_end0:
.L_simem_size_0:
called_computation.3_lowered:
.L_overlay_start_0:
0x88: {  	s2 =	sld [smem:$0x3FD9]  }
0x89: {  	s3 =	sld [smem:$0x3FFE];
	_ =	sdelay $0x1  }
0x8a: {  	s1 =	srdreg.scid  }
0x8b: {  	s0 =	sand.u32 $0x1, s1  }
0x8c: {  	s16 =	sshll.u32 s0, $0xA;
	s2 =	sadd.s32 s3, s2  }
0x8d: {  	s2 =	sadd.s32 s2, s16  }
0x8e: {  	[smem:$0x3FBD] =	sst s2  }
0x8f: {  	_ = 	snop  }
0x90: {  	(tm) =	ssettm $0x1  }
0x91: {  	s17 =	sld [smem:$0x3FFB];
	_ =	sdelay $0x3  }
0x92: {  	_ =	strace s17  }
0x93: {  	s2 =	sld [smem:$0x3FFC];
	_ =	sdelay $0x3  }
0x94: {  	_ =	strace s2  }
0x95: {  	s2 =	sld [smem:$0x3FFD];
	_ =	sdelay $0x3  }
0x96: {  	_ =	strace s2  }
0x97: {  	_ =	strace $0x8FFFFFFF  }
0x98: {  	s18 =	sld [smem:$0x3FDB];
	_ =	sdelay $0x1  }
0x99: {  	s19 =	simm.s32 $_scs_section_size  }
0x9a: {  	s4 =	simm.s32 $_size__tile_overlayer_lowered;
	s5 =	simm.s32 $_tile_overlayer_lowered  }
0x9b: {  	s22 =	simm.s32 $0x1BFF;
	s21 =	sshll.u32 s5, $0x1;
	s2 =	sadd.s32 s19, s18  }
0x9c: {  	s6 =	simm.s32 $0x0;
	s20 =	sshll.u32 s4, $0x1;
	s4 =	sadd.s32 s21, s2  }
0x9d: {  	[timem:s6], [sflag:s22] =	dma.local [hbm:s4], s20  }
0x9e: {  	_ =	swait.ge [sflag:s22], s20  }
0x9f: {  	s3 =	ssub.s32 $0x0, s20;
	[sflag:s22] =	ssyncset.done $0x0  }
0xa0: {  	[sflag:s22] =	ssyncadd.s32 s3;
	_ =	sdelay $0x1  }
0xa1: {  	s23 =	simm.s32 $0x1B8B  }
0xa2: {  	_ =	swait.ge [sflag:s23], $0x1  }
0xa3: {  	[sflag:s23] =	ssyncset.done $0x0  }
0xa4: {  	s25 =	simm.s32 $0x1B8E;
	s24 =	sld [smem:$0x3FFE];
	[sflag:s23] =	ssyncadd.s32 $0xFFFFFFFF  }
0xa5: {  	s26 =	simm.s32 $execute0_lowered;
	[smem:$0x3FD2] =	sst s25  }
0xa6: {  	s4 =	sshll.u32 s26, $0x1;
	_ =	strace $0x8000004F;
	[dreg:$0x1] =	wrdreg $0xFFFFFFFF  }
0xa7: {  	s28 =	simm.s32 $_size_execute0_lowered;
	s2 =	sadd.s32 s2, s4;
	[dreg:$0x0] =	wrdreg $0x0  }
0xa8: {  	s4 =	sshll.u32 s28, $0x1;
	[dreg:$0x2] =	wrdreg s2  }
0xa9: {  	[dreg:$0x3] =	wrdreg s4  }
0xaa: {  	[dreg:$0x4] =	wrdreg $0xC0  }
0xab: {  	_ =	task [dreg:s6], $0x5FFFF  }
0xac: {  	[dreg:$0x1] =	wrdreg $0xFFFFFFFF  }
0xad: {  	[dreg:$0x0] =	wrdreg $0x60  }
0xae: {  	[dreg:$0x2] =	wrdreg s24  }
0xaf: {  	[dreg:$0x3] =	wrdreg $0xD0000  }
0xb0: {  	[dreg:$0x4] =	wrdreg $0x9  }
0xb1: {  	_ =	task.clear_ibuf [dreg:s6], $0x5FFFF;
	_ =	strace $0x9000004F  }
0xb2: {  	s29 =	simm.s32 $0x9;
	_ =	strace $0x80000051  }
0xb3: {  	_ =	swait.ge [sflag:s29], $0x1  }
0xb4: {  	[sflag:s29] =	ssyncadd.s32 $0xFFFFFFFF  }
0xb5: {  	_ =	strace $0x90000051  }
0xb6: {  	_ =	sfence  }
0xb7: {  	s30 =	sld [smem:$0x0];
	_ =	sdelay $0x2  }
0xb8: {  	s31 =	sshll.u32 s1, $0xD;
	s1 =	sshrl.u32 s1, $0x2  }
0xb9: {  	s3 =	sand.u32 $0x4000, s31;
	s1 =	sadd.s32 s1, s30  }
0xba: {  	s0 =	sor.u32 s3, s0;
	s1 =	sshll.u32 s1, $0x11  }
0xbb: {  	s0 =	sor.u32 s1, s0  }
0xbc: {  	s0 =	sadd.s32 $0x8F2B, s0  }
0xbd: {  	[sflag:s0] =	ssyncadd.remote.s32 $0x1  }
0xbe: {  	_ =	sfence.sel $0xFFFF  }
0xbf: {  	[dreg:$0x0] =	wrdreg $0xFFFFFFFF;
	(pc) =	sbr.abs _section_cstart, $3  }
0xc0: {  	[dreg:$0x1] =	wrdreg $0xFFFFFFFF  }
0xc1: {  	_ =	task.clear_ibuf [dreg:s6], $0x2FFFF;
	_ =	strace $0x9FFFFFFF  }
0xc2: {  	(tm) =	ssettm $0x7FFFFFFF  }
0xc3: {  	_ =	shalt  }
tec
execute0_lowered:
.L_overlay_start_1:
0x0: {  	(tag) =	ssettag $0x1  }
0x1: {  	s0 =	rddreg [dreg:$0x0]  }
0x2: {  	s2 =	rddreg [dreg:$0x1]  }
0x3: {  	s10 =	stileid.u32;
	s3 =	simm.s32 $0x0;
	s4 =	srdreg.scid  }
0x4: {  	s13 =	simm.s32 $0x5;
	s14 =	simm.s32 $0x6;
	s15 =	simm.s32 $0x7  }
0x5: {  	s16 =	simm.s32 $0x80;
	s17 =	simm.s32 $0x5000;
	s18 =	simm.s32 $0x7000  }
0x6: {  	s20 =	simm.s32 $0x9000;
	s22 =	simm.s32 $0xB000;
	s23 =	simm.s32 $0x1  }
0x7: {  	s25 =	simm.s32 $0x2;
	s26 =	simm.s32 $0x3;
	s28 =	simm.s32 $0x4  }
0x8: {  	s29 =	simm.s32 $0x8;
	s19 =	simm.s32 $0x0;
	s1 =	smul.u32 $0x2800, s10  }
0x9: {  	[smem:$0x7FF] =	sst s3;
	s5 =	sand.u32 $0x1, s4;
	s6 =	smul.u32 $0x500, s10  }
0xa: {  	s4 =	sadd.s32 $0x22600, s0;
	s8 =	smul.u32 $0xA000, s10;
	_ =	strace $0x80000050  }
0xb: {  	p0 =	seq.s32 s5, $0x0;
	s30 =	smul.u32 $0x14000, s5;
	s7 =	ssub.s32 $0x2, s5  }
0xc: {  	s5 =	sadd.s32 $0xE000, s0;
	s1 =	sshrl.u32 s1, $0x3;
	s31 =	sshrl.u32 s7, $0x1  }
0xd: {  	s11 =	sadd.s32 s8, s2;
	s12 =	sshrl.u32 s8, $0x3;
	s1 =	sadd.s32 $0x5000, s1  }
0xe: {  	s9 =	ssub.s32 s7, s31;
	s11 =	sshrl.u32 s11, $0x3;
	s1 =	smov.u32 @p0 s6  }
0xf: {  	s6 =	sshll.u32 s10, $0x6;
	s1 =	sadd.s32 s1, s0;
	s0 =	sadd.s32 s30, s0  }
0x10: {  	s8 =	smax.u32 s9, $0x1;
	s7 =	sor.u32 $0x1C05, s6;
	s0 =	sadd.s32 $0x36600, s0  }
0x11: {  	s9 =	sadd.s32 $0x18600, s1;
	s10 =	sadd.s32 $0x4000, s1;
	s1 =	simm.s32 $0x4F80  }
0x12: {  	s24 =	sadd.s32 s12, s0;
	s0 =	simm.s32 $0x4F00;
	s12 =	simm.s32 $0x9  }
.LBB2_1:
0x13: {  	[spmem:s11], [sflag:s7] =	dma.local [hbm:s5], $0x1400  }
0x14: {  	[tilespmem:s3], [sflag:$0x6] =	stream.linear.gather [hbm4b:s9+s3], $0x2800, $0x38;
	[tilespmem:$0x17000] =	vst v63  }
0x15: {  	s21 =	simm.s32 $0x2800  }
0x16: {  	[tilespmem:s21], [sflag:$0x7] =	stream.linear.gather [hbm4b:s10+s3], $0x2800, $0x38;
	[tilespmem:$0x17000] =	vst v63  }
0x17: {  	_ =	swait.ge [sflag:s13], $0x1400  }
0x18: {  	[sflag:s13] =	ssyncset.done $0x0  }
0x19: {  	[sflag:s13] =	ssyncadd.s32 $0xFFFFEC00  }
0x1a: {  	_ =	swait.ge [sflag:s14], $0x2800  }
0x1b: {  	[sflag:s14] =	ssyncset.done $0x0  }
0x1c: {  	[sflag:s14] =	ssyncadd.s32 $0xFFFFD800  }
0x1d: {  	_ =	swait.ge [sflag:s15], $0x2800  }
0x1e: {  	[sflag:s15] =	ssyncset.done $0x0  }
0x1f: {  	[sflag:s15] =	ssyncadd.s32 $0xFFFFD800  }
0x20: {  	[bflag:$0x0] =	sbarrier.arrive $0xFFFF  }
0x21: {  	[tilespmem:s17], [sflag:$0x1] =	stream.indirect.gather [hbm4b:s4+s16], $0x40, s3, s16, $0xb8;
	[tilespmem:$0x17000] =	vst v63  }
0x22: {  	_ = 	snop  }
0x23: {  	[tilespmem:s18], [sflag:$0x2] =	stream.indirect.gather [hbm4b:s4+s16], $0x40, s16, s16, $0xb8;
	[tilespmem:$0x17000] =	vst v63  }
0x24: {  	s31 =	simm.s32 $0x100  }
0x25: {  	[tilespmem:s20], [sflag:$0x3] =	stream.indirect.gather [hbm4b:s4+s16], $0x40, s31, s16, $0xb8;
	[tilespmem:$0x17000] =	vst v63  }
0x26: {  	s31 =	simm.s32 $0x180  }
0x27: {  	[tilespmem:s22], [sflag:$0x4] =	stream.indirect.gather [hbm4b:s4+s16], $0x40, s31, s16, $0xb8;
	[tilespmem:$0x17000] =	vst v63  }
0x28: {  	_ =	swait.ge [sflag:s23], $0x2000  }
0x29: {  	[sflag:s23] =	ssyncset.done $0x0  }
0x2a: {  	s31 =	simm.s32 $0x2800;
	[sflag:s23] =	ssyncadd.s32 $0xFFFFE000  }
0x2b: {  	[spmem:s2] =	stream.indirect.scatter.add.f32 [tilespmem:s17], [sflag:$0x5], $0x40, s31, s16, $0xb8;
	[tilespmem:$0x17000] =	vst v63  }
0x2c: {  	_ =	swait.ge [sflag:s25], $0x2000  }
0x2d: {  	[sflag:s25] =	ssyncset.done $0x0  }
0x2e: {  	s31 =	simm.s32 $0x2880;
	[sflag:s25] =	ssyncadd.s32 $0xFFFFE000  }
0x2f: {  	[spmem:s2] =	stream.indirect.scatter.add.f32 [tilespmem:s18], [sflag:$0x6], $0x40, s31, s16, $0xb8;
	[tilespmem:$0x17000] =	vst v63  }
0x30: {  	_ =	swait.ge [sflag:s26], $0x2000  }
0x31: {  	[sflag:s26] =	ssyncset.done $0x0  }
0x32: {  	s31 =	simm.s32 $0x2900;
	[sflag:s26] =	ssyncadd.s32 $0xFFFFE000  }
0x33: {  	[spmem:s2] =	stream.indirect.scatter.add.f32 [tilespmem:s20], [sflag:$0x7], $0x40, s31, s16, $0xb8;
	[tilespmem:$0x17000] =	vst v63  }
0x34: {  	_ =	swait.ge [sflag:s28], $0x2000  }
0x35: {  	[sflag:s28] =	ssyncset.done $0x0  }
0x36: {  	s31 =	simm.s32 $0x2980;
	[sflag:s28] =	ssyncadd.s32 $0xFFFFE000  }
0x37: {  	[spmem:s2] =	stream.indirect.scatter.add.f32 [tilespmem:s22], [sflag:$0x8], $0x40, s31, s16, $0xb8;
	[tilespmem:$0x17000] =	vst v63  }
0x38: {  	_ =	swait.ge [sflag:s13], $0x2000  }
0x39: {  	[sflag:s13] =	ssyncset.done $0x0  }
0x3a: {  	s31 =	simm.s32 $0x200;
	[sflag:s13] =	ssyncadd.s32 $0xFFFFE000  }
0x3b: {  	[tilespmem:s17], [sflag:$0x1] =	stream.indirect.gather [hbm4b:s4+s16], $0x40, s31, s16, $0xb8;
	[tilespmem:$0x17000] =	vst v63  }
0x3c: {  	_ =	swait.ge [sflag:s14], $0x2000  }
0x3d: {  	[sflag:s14] =	ssyncset.done $0x0  }
0x3e: {  	s31 =	simm.s32 $0x280;
	[sflag:s14] =	ssyncadd.s32 $0xFFFFE000  }
0x3f: {  	[tilespmem:s18], [sflag:$0x2] =	stream.indirect.gather [hbm4b:s4+s16], $0x40, s31, s16, $0xb8;
	[tilespmem:$0x17000] =	vst v63  }
0x40: {  	_ =	swait.ge [sflag:s15], $0x2000  }
0x41: {  	[sflag:s15] =	ssyncset.done $0x0  }
0x42: {  	s31 =	simm.s32 $0x300;
	[sflag:s15] =	ssyncadd.s32 $0xFFFFE000  }
0x43: {  	[tilespmem:s20], [sflag:$0x3] =	stream.indirect.gather [hbm4b:s4+s16], $0x40, s31, s16, $0xb8;
	[tilespmem:$0x17000] =	vst v63  }
0x44: {  	_ =	swait.ge [sflag:s29], $0x2000  }
0x45: {  	[sflag:s29] =	ssyncset.done $0x0  }
0x46: {  	s30 =	simm.s32 $0x380;
	s21 =	simm.s32 $0x800;
	[sflag:s29] =	ssyncadd.s32 $0xFFFFE000  }
.LBB2_2:
0x47: {  	[tilespmem:s22], [sflag:$0x4] =	stream.indirect.gather [hbm4b:s4+s16], $0x40, s30, s16, $0xb8;
	[tilespmem:$0x17000] =	vst v63  }
0x48: {  	s30 =	smov.u32 s21  }
0x49: {  	p0 =	sne.s32 s21, $0x9000;
	s21 =	sadd.s32 $0x800, s21;
	_ =	swait.ge [sflag:s23], $0x2000  }
0x4a: {  	s30 =	sshra.s32 s30, $0x2;
	[sflag:s23] =	ssyncset.done $0x0  }
0x4b: {  	s31 =	sadd.s32 $0x2800, s30;
	[sflag:s23] =	ssyncadd.s32 $0xFFFFE000  }
0x4c: {  	[spmem:s2] =	stream.indirect.scatter.add.f32 [tilespmem:s17], [sflag:$0x5], $0x40, s31, s16, $0xb8;
	[tilespmem:$0x17000] =	vst v63  }
0x4d: {  	_ =	swait.ge [sflag:s25], $0x2000  }
0x4e: {  	[sflag:s25] =	ssyncset.done $0x0  }
0x4f: {  	s31 =	sadd.s32 $0x2880, s30;
	[sflag:s25] =	ssyncadd.s32 $0xFFFFE000  }
0x50: {  	[spmem:s2] =	stream.indirect.scatter.add.f32 [tilespmem:s18], [sflag:$0x6], $0x40, s31, s16, $0xb8;
	[tilespmem:$0x17000] =	vst v63  }
0x51: {  	_ =	swait.ge [sflag:s26], $0x2000  }
0x52: {  	[sflag:s26] =	ssyncset.done $0x0  }
0x53: {  	s31 =	sadd.s32 $0x2900, s30;
	[sflag:s26] =	ssyncadd.s32 $0xFFFFE000  }
0x54: {  	[spmem:s2] =	stream.indirect.scatter.add.f32 [tilespmem:s20], [sflag:$0x7], $0x40, s31, s16, $0xb8;
	[tilespmem:$0x17000] =	vst v63  }
0x55: {  	_ =	swait.ge [sflag:s28], $0x2000  }
0x56: {  	[sflag:s28] =	ssyncset.done $0x0  }
0x57: {  	s31 =	sadd.s32 $0x2980, s30;
	[sflag:s28] =	ssyncadd.s32 $0xFFFFE000  }
0x58: {  	[spmem:s2] =	stream.indirect.scatter.add.f32 [tilespmem:s22], [sflag:$0x8], $0x40, s31, s16, $0xb8;
	[tilespmem:$0x17000] =	vst v63  }
0x59: {  	_ =	swait.ge [sflag:s13], $0x2000  }
0x5a: {  	[sflag:s13] =	ssyncset.done $0x0  }
0x5b: {  	s31 =	sadd.s32 $0x200, s30;
	[sflag:s13] =	ssyncadd.s32 $0xFFFFE000  }
0x5c: {  	[tilespmem:s17], [sflag:$0x1] =	stream.indirect.gather [hbm4b:s4+s16], $0x40, s31, s16, $0xb8;
	[tilespmem:$0x17000] =	vst v63  }
0x5d: {  	_ =	swait.ge [sflag:s14], $0x2000  }
0x5e: {  	[sflag:s14] =	ssyncset.done $0x0  }
0x5f: {  	s31 =	sadd.s32 $0x280, s30;
	[sflag:s14] =	ssyncadd.s32 $0xFFFFE000  }
0x60: {  	[tilespmem:s18], [sflag:$0x2] =	stream.indirect.gather [hbm4b:s4+s16], $0x40, s31, s16, $0xb8;
	[tilespmem:$0x17000] =	vst v63  }
0x61: {  	_ =	swait.ge [sflag:s15], $0x2000  }
0x62: {  	[sflag:s15] =	ssyncset.done $0x0  }
.Ltmp0:
0x63: {  	s31 =	sadd.s32 $0x300, s30;
	[sflag:s15] =	ssyncadd.s32 $0xFFFFE000;
	(pc) =	sbr.rel @p0 .LBB2_2-.Ltmp0, $4  }
0x64: {  	[tilespmem:s20], [sflag:$0x3] =	stream.indirect.gather [hbm4b:s4+s16], $0x40, s31, s16, $0xb8;
	[tilespmem:$0x17000] =	vst v63  }
0x65: {  	_ =	swait.ge [sflag:s29], $0x2000  }
0x66: {  	[sflag:s29] =	ssyncset.done $0x0  }
0x67: {  	s30 =	sadd.s32 $0x380, s30;
	[sflag:s29] =	ssyncadd.s32 $0xFFFFE000  }
0x68: {  	[tilespmem:s22], [sflag:$0x4] =	stream.indirect.gather [hbm4b:s4+s16], $0x40, s30, s16, $0xb8;
	[tilespmem:$0x17000] =	vst v63  }
0x69: {  	_ =	swait.ge [sflag:s23], $0x2000  }
0x6a: {  	[sflag:s23] =	ssyncset.done $0x0  }
0x6b: {  	s21 =	simm.s32 $0x4E00;
	[sflag:s23] =	ssyncadd.s32 $0xFFFFE000  }
0x6c: {  	[spmem:s2] =	stream.indirect.scatter.add.f32 [tilespmem:s17], [sflag:$0x5], $0x40, s21, s16, $0xb8;
	[tilespmem:$0x17000] =	vst v63  }
0x6d: {  	_ =	swait.ge [sflag:s25], $0x2000  }
0x6e: {  	[sflag:s25] =	ssyncset.done $0x0  }
0x6f: {  	s30 =	simm.s32 $0x4E80;
	[sflag:s25] =	ssyncadd.s32 $0xFFFFE000  }
0x70: {  	[spmem:s2] =	stream.indirect.scatter.add.f32 [tilespmem:s18], [sflag:$0x6], $0x40, s30, s16, $0xb8;
	[tilespmem:$0x17000] =	vst v63  }
0x71: {  	_ =	swait.ge [sflag:s26], $0x2000  }
0x72: {  	[sflag:s26] =	ssyncset.done $0x0  }
0x73: {  	[sflag:s26] =	ssyncadd.s32 $0xFFFFE000  }
0x74: {  	[spmem:s2] =	stream.indirect.scatter.add.f32 [tilespmem:s20], [sflag:$0x7], $0x40, s0, s16, $0xb8;
	[tilespmem:$0x17000] =	vst v63  }
0x75: {  	_ =	swait.ge [sflag:s28], $0x2000  }
0x76: {  	[sflag:s28] =	ssyncset.done $0x0  }
0x77: {  	[sflag:s28] =	ssyncadd.s32 $0xFFFFE000  }
0x78: {  	[spmem:s2] =	stream.indirect.scatter.add.f32 [tilespmem:s22], [sflag:$0x8], $0x40, s1, s16, $0xb8;
	[tilespmem:$0x17000] =	vst v63  }
0x79: {  	_ =	swait.ge [sflag:s13], $0x2000  }
0x7a: {  	[sflag:s13] =	ssyncset.done $0x0  }
0x7b: {  	[sflag:s13] =	ssyncadd.s32 $0xFFFFE000  }
0x7c: {  	_ =	swait.ge [sflag:s14], $0x2000  }
0x7d: {  	[sflag:s14] =	ssyncset.done $0x0  }
0x7e: {  	[sflag:s14] =	ssyncadd.s32 $0xFFFFE000  }
0x7f: {  	_ =	swait.ge [sflag:s15], $0x2000  }
0x80: {  	[sflag:s15] =	ssyncset.done $0x0  }
0x81: {  	[sflag:s15] =	ssyncadd.s32 $0xFFFFE000  }
0x82: {  	_ =	swait.ge [sflag:s29], $0x2000  }
0x83: {  	s19 =	sadd.s32 $0x1, s19;
	[sflag:s29] =	ssyncset.done $0x0  }
0x84: {  	p0 =	sne.s32 s19, s8;
	[sflag:s29] =	ssyncadd.s32 $0xFFFFE000  }
.Ltmp1:
0x85: {  	s31 =	sor.u32 $0x1C09, s6;
	[bflag:$0x0] =	sbarrier.arrive $0xFFFF;
	(pc) =	sbr.rel @p0 .LBB2_1-.Ltmp1, $4  }
0x86: {  	[hbm:s24], [sflag:s31] =	dma.local [spmem:s11], $0x1400  }
0x87: {  	_ =	swait.ge [sflag:s12], $0x1400  }
0x88: {  	[sflag:s12] =	ssyncset.done $0x0  }
0x89: {  	[sflag:s12] =	ssyncadd.s32 $0xFFFFEC00  }
0x8a: {  	_ =	sfence.sel $0x180000  }
0x8b: {  	[bflag:$0x0] =	sbarrier.arrive $0xFFFF  }
0x8c: {  	_ =	strace $0x90000050  }
0x8d: {  	s0 =	stileid.u32;
	[bflag:$0x2] =	sbarrier.arrive $0xFFFF  }
0x8e: {  	p0 =	sne.s32 s0, $0x0;
	s0 =	rddreg [dreg:$0x2]  }
0x8f: {  	s0 =	sadd.s32 @!p0 $0x100000, s0  }
0x90: {  	[sflag:s0] =	ssyncadd.tile.s32 @!p0 $0x1;
	_ =	shalt  }
.Lfunc_end2:
_tile_overlayer_lowered:
.L_overlay_start_2:
0x91: {  	(tag) =	ssettag $0x2  }
0x92: {  	s0 =	rddreg [dreg:$0x0];
	s2 =	stileid.u32  }
0x93: {  	s1 =	rddreg [dreg:$0x1];
	p0 =	sne.s32 s2, $0x0  }
0x94: {  	s3 =	rddreg [dreg:$0x2];
	[bflag:$0x3] =	sbarrier.arrive $0xFFFF;
	s2 =	simm.s32 @!p0 $0x1C09  }
0x95: {  	[timem:s3], [sflag:s2] =	dma.local @!p0 [hbm:s0], s1  }
0x96: {  	s0 =	simm.s32 @!p0 $0x9  }
0x97: {  	_ =	swait.ge @!p0 [sflag:s0], s1  }
0x98: {  	s1 =	ssub.s32 @!p0 $0x0, s1;
	[sflag:s0] =	ssyncset.done @!p0 $0x0  }
0x99: {  	[sflag:s0] =	ssyncadd.s32 @!p0 s1  }
0x9a: {  	[bflag:$0x3] =	sbarrier.arrive $0xFFFF  }
0x9b: {  	_ =	shalt  }

// kernel: kernel.25.cloned.1.call-start
scs
__scs_entry_jumppad:
0x0: {  	(pc) =	sbr.rel $0x88, $3  }
0x1: {  	(tag) =	ssettag $0x0;
	lr =	simm.s32 $0x1  }
0x2: {  	[smem:$0x3F96] =	sst lr;
	_ =	strace $0xD0000000  }
0x3: {  	_ = 	snop  }
0x4: {  	_ = 	snop  }
0x5: {  	_ = 	snop  }
0x6: {  	_ = 	snop  }
0x7: {  	_ = 	snop  }
__scs_overlays_trampoline_lowered:
0x8: {  	[smem:$0x3FA5] =	sst s0  }
0x9: {  	[smem:$0x3FA6] =	sst s1  }
0xa: {  	[smem:$0x3FA7] =	sst s2  }
0xb: {  	[smem:$0x3FA8] =	sst s3  }
0xc: {  	[smem:$0x3FA9] =	sst s4  }
0xd: {  	[smem:$0x3FAA] =	sst s5  }
0xe: {  	[smem:$0x3FAB] =	sst s6  }
0xf: {  	[smem:$0x3FAC] =	sst s7  }
0x10: {  	[smem:$0x3FAD] =	sst s8  }
0x11: {  	[smem:$0x3FAE] =	sst s9;
	s0 =	simm.s32 @!p0 $0x0  }
0x12: {  	s1 =	sld [smem:$0x3F94];
	s0 =	simm.s32 @p0 $0x1  }
0x13: {  	[smem:$0x3FAF] =	sst s0;
	s0 =	simm.s32 @!p1 $0x0  }
0x14: {  	s2 =	sld [smem:$0x3F93];
	s0 =	simm.s32 @p1 $0x1  }
0x15: {  	[smem:$0x3FB0] =	sst s0;
	s0 =	simm.s32 @!p2 $0x0  }
0x16: {  	s3 =	sld [smem:$0x3FDB];
	s0 =	simm.s32 @p2 $0x1  }
0x17: {  	s4 =	simm.s32 $0x1BF5;
	[smem:$0x3FB2] =	sst s0  }
0x18: {  	s0 =	sld [smem:$0x3F95];
	_ =	swait.ge [sflag:s4], $0x0  }
0x19: {  	s7 =	sld [smem:$0x3F96]  }
0x1a: {  	s8 =	sadd.s32 $0xFFFFE003, lr  }
0x1b: {  	s9 =	sadd.s32 $0xFFFFFEF7, lr;
	s5 =	simm.s32 $0xFFFFFFFF;
	p2 =	slt.u32 s8, $0xFFFFF086  }
0x1c: {  	p1 =	slt.u32 s9, $0xF7A;
	s5 =	simm.s32 @!p2 $0x0  }
0x1d: {  	s5 =	simm.s32 @p1 $0x1;
	p0 =	seq.s32 s7, s2  }
0x1e: {  	s7 =	smul.u32 @!p0 $0xF7A, s2;
	p2 =	seq.s32 @!p0 s5, $0x0  }
0x1f: {  	s9 =	smul.u32 $0xF7A, s1;
	s8 =	simm.s32 @!p0 $0x1BF5;
	p2 =	por !p2, p0  }
0x20: {  	[sflag:s8] =	ssyncset.s32 @!p0 $0xFFFFF086;
	s6 =	sadd.s32 @!p0 s3, s7;
	s7 =	simm.s32 @!p0 $0x108  }
0x21: {  	s3 =	sadd.s32 s3, s9;
	s6 =	sadd.s32 @!p0 $0x88, s6;
	s7 =	simm.s32 @p2 $0x1082  }
0x22: {  	[simem:s7], [sflag:s8] =	dma.local @!p0 [hbm:s6], $0xF7A  }
0x23: {  	s9 =	sor.u32 $0xD0000000, s2;
	s6 =	simm.s32 $0x108;
	_ =	swait.ge @!p0 [sflag:s8], $0x0  }
0x24: {  	s3 =	sadd.s32 $0x88, s3;
	s6 =	simm.s32 @!p1 $0x1082;
	[sflag:s4] =	ssyncset.s32 $0xFFFFF086  }
0x25: {  	[simem:s6], [sflag:s4] =	dma.local [hbm:s3], $0xF7A  }
0x26: {  	[smem:$0x3F96] =	sst s1;
	(tag) =	ssettag s2;
	_ =	strace s9  }
0x27: {  	s1 =	sld [smem:$0x3FA6]  }
0x28: {  	s2 =	sld [smem:$0x3FA7]  }
0x29: {  	s4 =	sld [smem:$0x3FA9]  }
0x2a: {  	p0 =	seq.s32 s5, $0x0;
	s5 =	sld [smem:$0x3FAA]  }
0x2b: {  	s6 =	sld [smem:$0x3FAB]  }
0x2c: {  	s7 =	sld [smem:$0x3FAC]  }
0x2d: {  	s3 =	simm.s32 $0x108;
	s8 =	sld [smem:$0x3FAD]  }
0x2e: {  	s3 =	simm.s32 @!p0 $0x1082;
	s9 =	sld [smem:$0x3FAE]  }
0x2f: {  	lr =	sadd.s32 s0, s3;
	s0 =	sld [smem:$0x3FA5]  }
0x30: {  	s3 =	sld [smem:$0x3FA8]  }
0x31: {  	[smem:$0x3FB1] =	sst s10  }
0x32: {  	s10 =	sld [smem:$0x3FAF];
	_ =	sdelay $0x3  }
0x33: {  	p0 =	seq.s32 s10, $0x1;
	s10 =	sld [smem:$0x3FB1];
	_ =	sdelay $0x3  }
0x34: {  	[smem:$0x3FB1] =	sst s10  }
0x35: {  	s10 =	sld [smem:$0x3FB0];
	_ =	sdelay $0x3  }
0x36: {  	p1 =	seq.s32 s10, $0x1;
	s10 =	sld [smem:$0x3FB1];
	_ =	sdelay $0x3  }
0x37: {  	[smem:$0x3FB1] =	sst s10  }
0x38: {  	s10 =	sld [smem:$0x3FB2]  }
0x39: {  	_ = 	snop;
	(pc) =	sbr.ind lr, $3  }
0x3a: {  	_ = 	snop  }
0x3b: {  	_ = 	snop  }
0x3c: {  	p2 =	seq.s32 s10, $0x1;
	s10 =	sld [smem:$0x3FB1]  }
0x3d: {  	_ =	shalt  }
0x3e: {  	_ =	shalt  }
0x3f: {  	_ =	shalt  }
0x40: {  	_ =	shalt  }
0x41: {  	_ =	shalt  }
0x42: {  	_ =	shalt  }
0x43: {  	_ =	shalt  }
0x44: {  	_ =	shalt  }
0x45: {  	_ =	shalt  }
0x46: {  	_ =	shalt  }
0x47: {  	_ =	shalt  }
0x48: {  	_ =	shalt  }
0x49: {  	_ =	shalt  }
0x4a: {  	_ =	shalt  }
0x4b: {  	_ =	shalt  }
0x4c: {  	_ =	shalt  }
0x4d: {  	_ =	shalt  }
0x4e: {  	_ =	shalt  }
0x4f: {  	_ =	shalt  }
0x50: {  	_ =	shalt  }
0x51: {  	_ =	shalt  }
0x52: {  	_ =	shalt  }
0x53: {  	_ =	shalt  }
0x54: {  	_ =	shalt  }
0x55: {  	_ =	shalt  }
0x56: {  	_ =	shalt  }
0x57: {  	_ =	shalt  }
0x58: {  	_ =	shalt  }
0x59: {  	_ =	shalt  }
0x5a: {  	_ =	shalt  }
0x5b: {  	_ =	shalt  }
0x5c: {  	_ =	shalt  }
0x5d: {  	_ =	shalt  }
0x5e: {  	_ =	shalt  }
0x5f: {  	_ =	shalt  }
0x60: {  	_ =	shalt  }
0x61: {  	_ =	shalt  }
0x62: {  	_ =	shalt  }
0x63: {  	_ =	shalt  }
0x64: {  	_ =	shalt  }
0x65: {  	_ =	shalt  }
0x66: {  	_ =	shalt  }
0x67: {  	_ =	shalt  }
0x68: {  	_ =	shalt  }
0x69: {  	_ =	shalt  }
0x6a: {  	_ =	shalt  }
0x6b: {  	_ =	shalt  }
0x6c: {  	_ =	shalt  }
0x6d: {  	_ =	shalt  }
0x6e: {  	_ =	shalt  }
0x6f: {  	_ =	shalt  }
0x70: {  	_ =	shalt  }
0x71: {  	_ =	shalt  }
0x72: {  	_ =	shalt  }
0x73: {  	_ =	shalt  }
0x74: {  	_ =	shalt  }
0x75: {  	_ =	shalt  }
0x76: {  	_ =	shalt  }
0x77: {  	_ =	shalt  }
0x78: {  	_ =	shalt  }
0x79: {  	_ =	shalt  }
0x7a: {  	_ =	shalt  }
0x7b: {  	_ =	shalt  }
0x7c: {  	_ =	shalt  }
0x7d: {  	_ =	shalt  }
0x7e: {  	_ =	shalt  }
0x7f: {  	_ =	shalt  }
0x80: {  	_ =	shalt  }
0x81: {  	_ =	shalt  }
0x82: {  	_ =	shalt  }
0x83: {  	_ =	shalt  }
0x84: {  	_ =	shalt  }
0x85: {  	_ =	shalt  }
0x86: {  	_ =	shalt  }
0x87: {  	_ =	shalt  }
.Lfunc_end0:
.L_simem_size_0:
called_computation.4_lowered:
.L_overlay_start_0:
0x88: {  	s2 =	sld [smem:$0x3FD9]  }
0x89: {  	s3 =	sld [smem:$0x3FFE];
	_ =	sdelay $0x1  }
0x8a: {  	s1 =	srdreg.scid  }
0x8b: {  	s0 =	sand.u32 $0x1, s1  }
0x8c: {  	s16 =	sshll.u32 s0, $0xA;
	s2 =	sadd.s32 s3, s2  }
0x8d: {  	s2 =	sadd.s32 s2, s16  }
0x8e: {  	[smem:$0x3FBD] =	sst s2  }
0x8f: {  	_ = 	snop  }
0x90: {  	(tm) =	ssettm $0x1  }
0x91: {  	s17 =	sld [smem:$0x3FFB];
	_ =	sdelay $0x3  }
0x92: {  	_ =	strace s17  }
0x93: {  	s2 =	sld [smem:$0x3FFC];
	_ =	sdelay $0x3  }
0x94: {  	_ =	strace s2  }
0x95: {  	s2 =	sld [smem:$0x3FFD];
	_ =	sdelay $0x3  }
0x96: {  	_ =	strace s2  }
0x97: {  	_ =	strace $0x8FFFFFFF  }
0x98: {  	s18 =	sld [smem:$0x3FDB];
	_ =	sdelay $0x1  }
0x99: {  	s19 =	simm.s32 $_scs_section_size  }
0x9a: {  	s4 =	simm.s32 $_size__tile_overlayer_lowered;
	s5 =	simm.s32 $_tile_overlayer_lowered  }
0x9b: {  	s22 =	simm.s32 $0x1BFF;
	s21 =	sshll.u32 s5, $0x1;
	s2 =	sadd.s32 s19, s18  }
0x9c: {  	s6 =	simm.s32 $0x0;
	s20 =	sshll.u32 s4, $0x1;
	s4 =	sadd.s32 s21, s2  }
0x9d: {  	[timem:s6], [sflag:s22] =	dma.local [hbm:s4], s20  }
0x9e: {  	_ =	swait.ge [sflag:s22], s20  }
0x9f: {  	s3 =	ssub.s32 $0x0, s20;
	[sflag:s22] =	ssyncset.done $0x0  }
0xa0: {  	[sflag:s22] =	ssyncadd.s32 s3;
	_ =	sdelay $0x1  }
0xa1: {  	s23 =	simm.s32 $0x1B8B  }
0xa2: {  	_ =	swait.ge [sflag:s23], $0x1  }
0xa3: {  	[sflag:s23] =	ssyncset.done $0x0  }
0xa4: {  	s25 =	simm.s32 $0x1B8E;
	s24 =	sld [smem:$0x3FFE];
	[sflag:s23] =	ssyncadd.s32 $0xFFFFFFFF  }
0xa5: {  	s26 =	simm.s32 $execute0_lowered;
	[smem:$0x3FD2] =	sst s25  }
0xa6: {  	s4 =	sshll.u32 s26, $0x1;
	_ =	strace $0x80000052;
	[dreg:$0x1] =	wrdreg $0xFFFFFFFF  }
0xa7: {  	s28 =	simm.s32 $_size_execute0_lowered;
	s2 =	sadd.s32 s2, s4;
	[dreg:$0x0] =	wrdreg $0x0  }
0xa8: {  	s4 =	sshll.u32 s28, $0x1;
	[dreg:$0x2] =	wrdreg s2  }
0xa9: {  	[dreg:$0x3] =	wrdreg s4  }
0xaa: {  	[dreg:$0x4] =	wrdreg $0xC0  }
0xab: {  	_ =	task [dreg:s6], $0x5FFFF  }
0xac: {  	[dreg:$0x1] =	wrdreg $0xFFFFFFFF  }
0xad: {  	[dreg:$0x0] =	wrdreg $0x60  }
0xae: {  	[dreg:$0x2] =	wrdreg s24  }
0xaf: {  	[dreg:$0x3] =	wrdreg $0xD0000  }
0xb0: {  	[dreg:$0x4] =	wrdreg $0x9  }
0xb1: {  	_ =	task.clear_ibuf [dreg:s6], $0x5FFFF;
	_ =	strace $0x90000052  }
0xb2: {  	s29 =	simm.s32 $0x9;
	_ =	strace $0x80000054  }
0xb3: {  	_ =	swait.ge [sflag:s29], $0x1  }
0xb4: {  	[sflag:s29] =	ssyncadd.s32 $0xFFFFFFFF  }
0xb5: {  	_ =	strace $0x90000054  }
0xb6: {  	_ =	sfence  }
0xb7: {  	s30 =	sld [smem:$0x0];
	_ =	sdelay $0x2  }
0xb8: {  	s31 =	sshll.u32 s1, $0xD;
	s1 =	sshrl.u32 s1, $0x2  }
0xb9: {  	s3 =	sand.u32 $0x4000, s31;
	s1 =	sadd.s32 s1, s30  }
0xba: {  	s0 =	sor.u32 s3, s0;
	s1 =	sshll.u32 s1, $0x11  }
0xbb: {  	s0 =	sor.u32 s1, s0  }
0xbc: {  	s0 =	sadd.s32 $0x8F2B, s0  }
0xbd: {  	[sflag:s0] =	ssyncadd.remote.s32 $0x1  }
0xbe: {  	_ =	sfence.sel $0xFFFF  }
0xbf: {  	[dreg:$0x0] =	wrdreg $0xFFFFFFFF;
	(pc) =	sbr.abs _section_cstart, $3  }
0xc0: {  	[dreg:$0x1] =	wrdreg $0xFFFFFFFF  }
0xc1: {  	_ =	task.clear_ibuf [dreg:s6], $0x2FFFF;
	_ =	strace $0x9FFFFFFF  }
0xc2: {  	(tm) =	ssettm $0x7FFFFFFF  }
0xc3: {  	_ =	shalt  }
tec
execute0_lowered:
.L_overlay_start_1:
0x0: {  	(tag) =	ssettag $0x1  }
0x1: {  	s0 =	rddreg [dreg:$0x0]  }
0x2: {  	s2 =	rddreg [dreg:$0x1]  }
0x3: {  	s10 =	stileid.u32;
	s3 =	simm.s32 $0x0;
	s4 =	srdreg.scid  }
0x4: {  	s13 =	simm.s32 $0x5;
	s14 =	simm.s32 $0x6;
	s15 =	simm.s32 $0x7  }
0x5: {  	s16 =	simm.s32 $0x80;
	s17 =	simm.s32 $0x5000;
	s18 =	simm.s32 $0x7000  }
0x6: {  	s20 =	simm.s32 $0x9000;
	s22 =	simm.s32 $0xB000;
	s23 =	simm.s32 $0x1  }
0x7: {  	s25 =	simm.s32 $0x2;
	s26 =	simm.s32 $0x3;
	s28 =	simm.s32 $0x4  }
0x8: {  	s29 =	simm.s32 $0x8;
	s19 =	simm.s32 $0x0;
	s1 =	smul.u32 $0x2800, s10  }
0x9: {  	[smem:$0x7FF] =	sst s3;
	s5 =	sand.u32 $0x1, s4;
	s6 =	smul.u32 $0x500, s10  }
0xa: {  	s4 =	sadd.s32 $0x22600, s0;
	s8 =	smul.u32 $0xA000, s10;
	_ =	strace $0x80000053  }
0xb: {  	p0 =	seq.s32 s5, $0x0;
	s30 =	smul.u32 $0x14000, s5;
	s7 =	ssub.s32 $0x2, s5  }
0xc: {  	s5 =	sadd.s32 $0xE000, s0;
	s1 =	sshrl.u32 s1, $0x3;
	s31 =	sshrl.u32 s7, $0x1  }
0xd: {  	s11 =	sadd.s32 s8, s2;
	s12 =	sshrl.u32 s8, $0x3;
	s1 =	sadd.s32 $0x5000, s1  }
0xe: {  	s9 =	ssub.s32 s7, s31;
	s11 =	sshrl.u32 s11, $0x3;
	s1 =	smov.u32 @p0 s6  }
0xf: {  	s6 =	sshll.u32 s10, $0x6;
	s1 =	sadd.s32 s1, s0;
	s0 =	sadd.s32 s30, s0  }
0x10: {  	s8 =	smax.u32 s9, $0x1;
	s7 =	sor.u32 $0x1C05, s6;
	s0 =	sadd.s32 $0x36600, s0  }
0x11: {  	s9 =	sadd.s32 $0x18600, s1;
	s10 =	sadd.s32 $0x4000, s1;
	s1 =	simm.s32 $0x4F80  }
0x12: {  	s24 =	sadd.s32 s12, s0;
	s0 =	simm.s32 $0x4F00;
	s12 =	simm.s32 $0x9  }
.LBB2_1:
0x13: {  	[spmem:s11], [sflag:s7] =	dma.local [hbm:s5], $0x1400  }
0x14: {  	[tilespmem:s3], [sflag:$0x6] =	stream.linear.gather [hbm4b:s9+s3], $0x2800, $0x38;
	[tilespmem:$0x17000] =	vst v63  }
0x15: {  	s21 =	simm.s32 $0x2800  }
0x16: {  	[tilespmem:s21], [sflag:$0x7] =	stream.linear.gather [hbm4b:s10+s3], $0x2800, $0x38;
	[tilespmem:$0x17000] =	vst v63  }
0x17: {  	_ =	swait.ge [sflag:s13], $0x1400  }
0x18: {  	[sflag:s13] =	ssyncset.done $0x0  }
0x19: {  	[sflag:s13] =	ssyncadd.s32 $0xFFFFEC00  }
0x1a: {  	_ =	swait.ge [sflag:s14], $0x2800  }
0x1b: {  	[sflag:s14] =	ssyncset.done $0x0  }
0x1c: {  	[sflag:s14] =	ssyncadd.s32 $0xFFFFD800  }
0x1d: {  	_ =	swait.ge [sflag:s15], $0x2800  }
0x1e: {  	[sflag:s15] =	ssyncset.done $0x0  }
0x1f: {  	[sflag:s15] =	ssyncadd.s32 $0xFFFFD800  }
0x20: {  	[bflag:$0x0] =	sbarrier.arrive $0xFFFF  }
0x21: {  	[tilespmem:s17], [sflag:$0x1] =	stream.indirect.gather [hbm4b:s4+s16], $0x40, s3, s16, $0xb8;
	[tilespmem:$0x17000] =	vst v63  }
0x22: {  	_ = 	snop  }
0x23: {  	[tilespmem:s18], [sflag:$0x2] =	stream.indirect.gather [hbm4b:s4+s16], $0x40, s16, s16, $0xb8;
	[tilespmem:$0x17000] =	vst v63  }
0x24: {  	s31 =	simm.s32 $0x100  }
0x25: {  	[tilespmem:s20], [sflag:$0x3] =	stream.indirect.gather [hbm4b:s4+s16], $0x40, s31, s16, $0xb8;
	[tilespmem:$0x17000] =	vst v63  }
0x26: {  	s31 =	simm.s32 $0x180  }
0x27: {  	[tilespmem:s22], [sflag:$0x4] =	stream.indirect.gather [hbm4b:s4+s16], $0x40, s31, s16, $0xb8;
	[tilespmem:$0x17000] =	vst v63  }
0x28: {  	_ =	swait.ge [sflag:s23], $0x2000  }
0x29: {  	[sflag:s23] =	ssyncset.done $0x0  }
0x2a: {  	s31 =	simm.s32 $0x2800;
	[sflag:s23] =	ssyncadd.s32 $0xFFFFE000  }
0x2b: {  	[spmem:s2] =	stream.indirect.scatter.add.f32 [tilespmem:s17], [sflag:$0x5], $0x40, s31, s16, $0xb8;
	[tilespmem:$0x17000] =	vst v63  }
0x2c: {  	_ =	swait.ge [sflag:s25], $0x2000  }
0x2d: {  	[sflag:s25] =	ssyncset.done $0x0  }
0x2e: {  	s31 =	simm.s32 $0x2880;
	[sflag:s25] =	ssyncadd.s32 $0xFFFFE000  }
0x2f: {  	[spmem:s2] =	stream.indirect.scatter.add.f32 [tilespmem:s18], [sflag:$0x6], $0x40, s31, s16, $0xb8;
	[tilespmem:$0x17000] =	vst v63  }
0x30: {  	_ =	swait.ge [sflag:s26], $0x2000  }
0x31: {  	[sflag:s26] =	ssyncset.done $0x0  }
0x32: {  	s31 =	simm.s32 $0x2900;
	[sflag:s26] =	ssyncadd.s32 $0xFFFFE000  }
0x33: {  	[spmem:s2] =	stream.indirect.scatter.add.f32 [tilespmem:s20], [sflag:$0x7], $0x40, s31, s16, $0xb8;
	[tilespmem:$0x17000] =	vst v63  }
0x34: {  	_ =	swait.ge [sflag:s28], $0x2000  }
0x35: {  	[sflag:s28] =	ssyncset.done $0x0  }
0x36: {  	s31 =	simm.s32 $0x2980;
	[sflag:s28] =	ssyncadd.s32 $0xFFFFE000  }
0x37: {  	[spmem:s2] =	stream.indirect.scatter.add.f32 [tilespmem:s22], [sflag:$0x8], $0x40, s31, s16, $0xb8;
	[tilespmem:$0x17000] =	vst v63  }
0x38: {  	_ =	swait.ge [sflag:s13], $0x2000  }
0x39: {  	[sflag:s13] =	ssyncset.done $0x0  }
0x3a: {  	s31 =	simm.s32 $0x200;
	[sflag:s13] =	ssyncadd.s32 $0xFFFFE000  }
0x3b: {  	[tilespmem:s17], [sflag:$0x1] =	stream.indirect.gather [hbm4b:s4+s16], $0x40, s31, s16, $0xb8;
	[tilespmem:$0x17000] =	vst v63  }
0x3c: {  	_ =	swait.ge [sflag:s14], $0x2000  }
0x3d: {  	[sflag:s14] =	ssyncset.done $0x0  }
0x3e: {  	s31 =	simm.s32 $0x280;
	[sflag:s14] =	ssyncadd.s32 $0xFFFFE000  }
0x3f: {  	[tilespmem:s18], [sflag:$0x2] =	stream.indirect.gather [hbm4b:s4+s16], $0x40, s31, s16, $0xb8;
	[tilespmem:$0x17000] =	vst v63  }
0x40: {  	_ =	swait.ge [sflag:s15], $0x2000  }
0x41: {  	[sflag:s15] =	ssyncset.done $0x0  }
0x42: {  	s31 =	simm.s32 $0x300;
	[sflag:s15] =	ssyncadd.s32 $0xFFFFE000  }
0x43: {  	[tilespmem:s20], [sflag:$0x3] =	stream.indirect.gather [hbm4b:s4+s16], $0x40, s31, s16, $0xb8;
	[tilespmem:$0x17000] =	vst v63  }
0x44: {  	_ =	swait.ge [sflag:s29], $0x2000  }
0x45: {  	[sflag:s29] =	ssyncset.done $0x0  }
0x46: {  	s30 =	simm.s32 $0x380;
	s21 =	simm.s32 $0x800;
	[sflag:s29] =	ssyncadd.s32 $0xFFFFE000  }
.LBB2_2:
0x47: {  	[tilespmem:s22], [sflag:$0x4] =	stream.indirect.gather [hbm4b:s4+s16], $0x40, s30, s16, $0xb8;
	[tilespmem:$0x17000] =	vst v63  }
0x48: {  	s30 =	smov.u32 s21  }
0x49: {  	p0 =	sne.s32 s21, $0x9000;
	s21 =	sadd.s32 $0x800, s21;
	_ =	swait.ge [sflag:s23], $0x2000  }
0x4a: {  	s30 =	sshra.s32 s30, $0x2;
	[sflag:s23] =	ssyncset.done $0x0  }
0x4b: {  	s31 =	sadd.s32 $0x2800, s30;
	[sflag:s23] =	ssyncadd.s32 $0xFFFFE000  }
0x4c: {  	[spmem:s2] =	stream.indirect.scatter.add.f32 [tilespmem:s17], [sflag:$0x5], $0x40, s31, s16, $0xb8;
	[tilespmem:$0x17000] =	vst v63  }
0x4d: {  	_ =	swait.ge [sflag:s25], $0x2000  }
0x4e: {  	[sflag:s25] =	ssyncset.done $0x0  }
0x4f: {  	s31 =	sadd.s32 $0x2880, s30;
	[sflag:s25] =	ssyncadd.s32 $0xFFFFE000  }
0x50: {  	[spmem:s2] =	stream.indirect.scatter.add.f32 [tilespmem:s18], [sflag:$0x6], $0x40, s31, s16, $0xb8;
	[tilespmem:$0x17000] =	vst v63  }
0x51: {  	_ =	swait.ge [sflag:s26], $0x2000  }
0x52: {  	[sflag:s26] =	ssyncset.done $0x0  }
0x53: {  	s31 =	sadd.s32 $0x2900, s30;
	[sflag:s26] =	ssyncadd.s32 $0xFFFFE000  }
0x54: {  	[spmem:s2] =	stream.indirect.scatter.add.f32 [tilespmem:s20], [sflag:$0x7], $0x40, s31, s16, $0xb8;
	[tilespmem:$0x17000] =	vst v63  }
0x55: {  	_ =	swait.ge [sflag:s28], $0x2000  }
0x56: {  	[sflag:s28] =	ssyncset.done $0x0  }
0x57: {  	s31 =	sadd.s32 $0x2980, s30;
	[sflag:s28] =	ssyncadd.s32 $0xFFFFE000  }
0x58: {  	[spmem:s2] =	stream.indirect.scatter.add.f32 [tilespmem:s22], [sflag:$0x8], $0x40, s31, s16, $0xb8;
	[tilespmem:$0x17000] =	vst v63  }
0x59: {  	_ =	swait.ge [sflag:s13], $0x2000  }
0x5a: {  	[sflag:s13] =	ssyncset.done $0x0  }
0x5b: {  	s31 =	sadd.s32 $0x200, s30;
	[sflag:s13] =	ssyncadd.s32 $0xFFFFE000  }
0x5c: {  	[tilespmem:s17], [sflag:$0x1] =	stream.indirect.gather [hbm4b:s4+s16], $0x40, s31, s16, $0xb8;
	[tilespmem:$0x17000] =	vst v63  }
0x5d: {  	_ =	swait.ge [sflag:s14], $0x2000  }
0x5e: {  	[sflag:s14] =	ssyncset.done $0x0  }
0x5f: {  	s31 =	sadd.s32 $0x280, s30;
	[sflag:s14] =	ssyncadd.s32 $0xFFFFE000  }
0x60: {  	[tilespmem:s18], [sflag:$0x2] =	stream.indirect.gather [hbm4b:s4+s16], $0x40, s31, s16, $0xb8;
	[tilespmem:$0x17000] =	vst v63  }
0x61: {  	_ =	swait.ge [sflag:s15], $0x2000  }
0x62: {  	[sflag:s15] =	ssyncset.done $0x0  }
.Ltmp0:
0x63: {  	s31 =	sadd.s32 $0x300, s30;
	[sflag:s15] =	ssyncadd.s32 $0xFFFFE000;
	(pc) =	sbr.rel @p0 .LBB2_2-.Ltmp0, $4  }
0x64: {  	[tilespmem:s20], [sflag:$0x3] =	stream.indirect.gather [hbm4b:s4+s16], $0x40, s31, s16, $0xb8;
	[tilespmem:$0x17000] =	vst v63  }
0x65: {  	_ =	swait.ge [sflag:s29], $0x2000  }
0x66: {  	[sflag:s29] =	ssyncset.done $0x0  }
0x67: {  	s30 =	sadd.s32 $0x380, s30;
	[sflag:s29] =	ssyncadd.s32 $0xFFFFE000  }
0x68: {  	[tilespmem:s22], [sflag:$0x4] =	stream.indirect.gather [hbm4b:s4+s16], $0x40, s30, s16, $0xb8;
	[tilespmem:$0x17000] =	vst v63  }
0x69: {  	_ =	swait.ge [sflag:s23], $0x2000  }
0x6a: {  	[sflag:s23] =	ssyncset.done $0x0  }
0x6b: {  	s21 =	simm.s32 $0x4E00;
	[sflag:s23] =	ssyncadd.s32 $0xFFFFE000  }
0x6c: {  	[spmem:s2] =	stream.indirect.scatter.add.f32 [tilespmem:s17], [sflag:$0x5], $0x40, s21, s16, $0xb8;
	[tilespmem:$0x17000] =	vst v63  }
0x6d: {  	_ =	swait.ge [sflag:s25], $0x2000  }
0x6e: {  	[sflag:s25] =	ssyncset.done $0x0  }
0x6f: {  	s30 =	simm.s32 $0x4E80;
	[sflag:s25] =	ssyncadd.s32 $0xFFFFE000  }
0x70: {  	[spmem:s2] =	stream.indirect.scatter.add.f32 [tilespmem:s18], [sflag:$0x6], $0x40, s30, s16, $0xb8;
	[tilespmem:$0x17000] =	vst v63  }
0x71: {  	_ =	swait.ge [sflag:s26], $0x2000  }
0x72: {  	[sflag:s26] =	ssyncset.done $0x0  }
0x73: {  	[sflag:s26] =	ssyncadd.s32 $0xFFFFE000  }
0x74: {  	[spmem:s2] =	stream.indirect.scatter.add.f32 [tilespmem:s20], [sflag:$0x7], $0x40, s0, s16, $0xb8;
	[tilespmem:$0x17000] =	vst v63  }
0x75: {  	_ =	swait.ge [sflag:s28], $0x2000  }
0x76: {  	[sflag:s28] =	ssyncset.done $0x0  }
0x77: {  	[sflag:s28] =	ssyncadd.s32 $0xFFFFE000  }
0x78: {  	[spmem:s2] =	stream.indirect.scatter.add.f32 [tilespmem:s22], [sflag:$0x8], $0x40, s1, s16, $0xb8;
	[tilespmem:$0x17000] =	vst v63  }
0x79: {  	_ =	swait.ge [sflag:s13], $0x2000  }
0x7a: {  	[sflag:s13] =	ssyncset.done $0x0  }
0x7b: {  	[sflag:s13] =	ssyncadd.s32 $0xFFFFE000  }
0x7c: {  	_ =	swait.ge [sflag:s14], $0x2000  }
0x7d: {  	[sflag:s14] =	ssyncset.done $0x0  }
0x7e: {  	[sflag:s14] =	ssyncadd.s32 $0xFFFFE000  }
0x7f: {  	_ =	swait.ge [sflag:s15], $0x2000  }
0x80: {  	[sflag:s15] =	ssyncset.done $0x0  }
0x81: {  	[sflag:s15] =	ssyncadd.s32 $0xFFFFE000  }
0x82: {  	_ =	swait.ge [sflag:s29], $0x2000  }
0x83: {  	s19 =	sadd.s32 $0x1, s19;
	[sflag:s29] =	ssyncset.done $0x0  }
0x84: {  	p0 =	sne.s32 s19, s8;
	[sflag:s29] =	ssyncadd.s32 $0xFFFFE000  }
.Ltmp1:
0x85: {  	s31 =	sor.u32 $0x1C09, s6;
	[bflag:$0x0] =	sbarrier.arrive $0xFFFF;
	(pc) =	sbr.rel @p0 .LBB2_1-.Ltmp1, $4  }
0x86: {  	[hbm:s24], [sflag:s31] =	dma.local [spmem:s11], $0x1400  }
0x87: {  	_ =	swait.ge [sflag:s12], $0x1400  }
0x88: {  	[sflag:s12] =	ssyncset.done $0x0  }
0x89: {  	[sflag:s12] =	ssyncadd.s32 $0xFFFFEC00  }
0x8a: {  	_ =	sfence.sel $0x180000  }
0x8b: {  	[bflag:$0x0] =	sbarrier.arrive $0xFFFF  }
0x8c: {  	_ =	strace $0x90000053  }
0x8d: {  	s0 =	stileid.u32;
	[bflag:$0x2] =	sbarrier.arrive $0xFFFF  }
0x8e: {  	p0 =	sne.s32 s0, $0x0;
	s0 =	rddreg [dreg:$0x2]  }
0x8f: {  	s0 =	sadd.s32 @!p0 $0x100000, s0  }
0x90: {  	[sflag:s0] =	ssyncadd.tile.s32 @!p0 $0x1;
	_ =	shalt  }
.Lfunc_end2:
_tile_overlayer_lowered:
.L_overlay_start_2:
0x91: {  	(tag) =	ssettag $0x2  }
0x92: {  	s0 =	rddreg [dreg:$0x0];
	s2 =	stileid.u32  }
0x93: {  	s1 =	rddreg [dreg:$0x1];
	p0 =	sne.s32 s2, $0x0  }
0x94: {  	s3 =	rddreg [dreg:$0x2];
	[bflag:$0x3] =	sbarrier.arrive $0xFFFF;
	s2 =	simm.s32 @!p0 $0x1C09  }
0x95: {  	[timem:s3], [sflag:s2] =	dma.local @!p0 [hbm:s0], s1  }
0x96: {  	s0 =	simm.s32 @!p0 $0x9  }
0x97: {  	_ =	swait.ge @!p0 [sflag:s0], s1  }
0x98: {  	s1 =	ssub.s32 @!p0 $0x0, s1;
	[sflag:s0] =	ssyncset.done @!p0 $0x0  }
0x99: {  	[sflag:s0] =	ssyncadd.s32 @!p0 s1  }
0x9a: {  	[bflag:$0x3] =	sbarrier.arrive $0xFFFF  }
0x9b: {  	_ =	shalt  }

</sc_bundles>
